<compile_context>
chip_gen: v7x
topology: tpu7x:2x2x1
jax: 0.10.2.dev20260603
libtpu: 0.0.44.dev20260713+nightly
codegen_flags: <defaults>
</compile_context>

<pallas_src>
import dataclasses
import functools

import jax
import jax.numpy as jnp
from jax import lax
from jax.experimental import pallas as pl
from jax.experimental.pallas import tpu as pltpu
from jax.experimental.pallas import tpu_sc as plsc

N_NODES = 10000
E_EDGES = 320000
D = 128
R = 8

NC = 2
NS = 16
NW = NC * NS
LANES = 16

EROWS = E_EDGES // 128
EROWS_PAD = 2560
ROWS_PER_TILE_E = EROWS_PAD // NW
BLK_EROWS = 16
NBLOCK = ROWS_PER_TILE_E // BLK_EROWS
CHUNK = 128
N_PAD = 10240
ROWS_PER_TILE = N_PAD // NS


def _prep_body(ei_ref, type_ref, norm_ref, gidx_ref, dstp_ref, normp_ref):
    npad = EROWS_PAD - EROWS
    src = ei_ref[0:EROWS]
    dst = ei_ref[EROWS:2 * EROWS]
    zf = jnp.zeros((npad, 128), jnp.float32)
    pad_id = (lax.broadcasted_iota(jnp.int32, (npad, 128), 0) * 128 +
              lax.broadcasted_iota(jnp.int32, (npad, 128), 1))
    pad_dst = N_NODES + pad_id % (N_PAD - N_NODES)
    pad_gidx = pad_id % (R * N_NODES)
    gidx_ref[...] = jnp.concatenate(
        [type_ref[...] * N_NODES + src, pad_gidx], axis=0)
    dstp_ref[...] = jnp.concatenate([dst, pad_dst], axis=0)
    normp_ref[...] = jnp.concatenate([norm_ref[...], zf], axis=0)


_prep = pl.pallas_call(
    _prep_body,
    out_shape=[
        jax.ShapeDtypeStruct((EROWS_PAD, 128), jnp.int32),
        jax.ShapeDtypeStruct((EROWS_PAD, 128), jnp.int32),
        jax.ShapeDtypeStruct((EROWS_PAD, 128), jnp.float32),
    ],
)


_BN = 2000


def _mm_body(x_ref, w_ref, y_ref):
    for r in range(R):
        y_ref[r] = lax.dot_general(
            x_ref[...], w_ref[r], (((1,), (0,)), ((), ())),
            preferred_element_type=jnp.float32,
            precision=lax.Precision.DEFAULT,
        )


_mm = pl.pallas_call(
    _mm_body,
    grid=(N_NODES // _BN,),
    in_specs=[
        pl.BlockSpec((_BN, D), lambda nb: (nb, 0)),
        pl.BlockSpec((R, D, D), lambda nb: (0, 0, 0)),
    ],
    out_specs=pl.BlockSpec((R, _BN, D), lambda nb: (0, nb, 0)),
    out_shape=jax.ShapeDtypeStruct((R, N_NODES, D), jnp.float32),
)


_mesh = plsc.VectorSubcoreMesh(core_axis_name="c", subcore_axis_name="s")

_sc_params = pltpu.CompilerParams()
if "needs_layout_passes" in pltpu.CompilerParams.__dataclass_fields__:
    _sc_params = dataclasses.replace(_sc_params, needs_layout_passes=False)

NBUF = 2


@functools.partial(
    pl.kernel,
    out_type=jax.ShapeDtypeStruct((NC, N_PAD, D), jnp.float32),
    mesh=_mesh,
    compiler_params=_sc_params,
    scratch_types=[
        *[pltpu.VMEM((BLK_EROWS, 128), jnp.int32) for _ in range(2)],
        *[pltpu.VMEM((BLK_EROWS, 128), jnp.int32) for _ in range(2)],
        *[pltpu.VMEM((BLK_EROWS, 128), jnp.float32) for _ in range(2)],
        *[pltpu.VMEM((CHUNK, D), jnp.float32) for _ in range(NBUF)],
        pltpu.VMEM_SHARED((N_PAD, D), jnp.float32),
        *[pltpu.SemaphoreType.DMA for _ in range(2 * NBUF + 2)],
    ],
)
def _sc_edges(y_hbm, gidx_hbm, dst_hbm, norm_hbm, out_hbm,
              g0, g1, d0, d1, n0, n1, *bufs_and_sems):
    gidx_vs, dst_vs, norm_vs = (g0, g1), (d0, d1), (n0, n1)
    rows = bufs_and_sems[:NBUF]
    acc_sh = bufs_and_sems[NBUF]
    g_sems = bufs_and_sems[NBUF + 1:NBUF + 1 + NBUF]
    s_sems = bufs_and_sems[NBUF + 1 + NBUF:NBUF + 1 + 2 * NBUF]
    t_sems = bufs_and_sems[NBUF + 1 + 2 * NBUF:]
    c = lax.axis_index("c")
    s = lax.axis_index("s")
    wid = c * NS + s

    zero16 = jnp.zeros((LANES,), jnp.float32)

    @pl.loop(0, CHUNK)
    def _zero_rows(i):
        for j in range(D // LANES):
            rows[0][i, pl.ds(j * LANES, LANES)] = zero16

    row0 = s * ROWS_PER_TILE
    for i in range(ROWS_PER_TILE // CHUNK):
        pltpu.sync_copy(rows[0].at[pl.ds(0, CHUNK)],
                        acc_sh.at[pl.ds(row0 + i * CHUNK, CHUNK)])
    plsc.subcore_barrier()

    erow0 = wid * ROWS_PER_TILE_E

    def _stage(blk, sb, sem):
        rb = erow0 + blk * BLK_EROWS
        pltpu.async_copy(gidx_hbm.at[pl.ds(rb, BLK_EROWS)], gidx_vs[sb], sem)
        pltpu.async_copy(dst_hbm.at[pl.ds(rb, BLK_EROWS)], dst_vs[sb], sem)
        pltpu.async_copy(norm_hbm.at[pl.ds(rb, BLK_EROWS)], norm_vs[sb], sem)

    def _stage_wait(sb, sem):
        pltpu.make_async_copy(gidx_hbm.at[pl.ds(0, BLK_EROWS)], gidx_vs[sb],
                              sem).wait()
        pltpu.make_async_copy(dst_hbm.at[pl.ds(0, BLK_EROWS)], dst_vs[sb],
                              sem).wait()
        pltpu.make_async_copy(norm_hbm.at[pl.ds(0, BLK_EROWS)], norm_vs[sb],
                              sem).wait()

    _stage(0, 0, t_sems[0])
    for blk in range(NBLOCK):
        sb = blk % 2
        gidx_v, dst_v, norm_v = gidx_vs[sb], dst_vs[sb], norm_vs[sb]
        _stage_wait(sb, t_sems[sb])
        if blk + 1 < NBLOCK:
            _stage(blk + 1, 1 - sb, t_sems[1 - sb])

        def _gather(k, b):
            pltpu.async_copy(y_hbm.at[gidx_v.at[k, pl.ds(0, 64)]],
                             rows[b].at[pl.ds(0, 64)], g_sems[b])
            pltpu.async_copy(y_hbm.at[gidx_v.at[k, pl.ds(64, 64)]],
                             rows[b].at[pl.ds(64, 64)], g_sems[b])

        def _gather_wait(b):
            pltpu.make_async_copy(y_hbm.at[gidx_v.at[0, pl.ds(0, 64)]],
                                  rows[b].at[pl.ds(0, 64)], g_sems[b]).wait()
            pltpu.make_async_copy(y_hbm.at[gidx_v.at[0, pl.ds(64, 64)]],
                                  rows[b].at[pl.ds(64, 64)], g_sems[b]).wait()

        for b in range(NBUF):
            _gather(b, b)

        @pl.loop(0, BLK_EROWS, step=NBUF)
        def _group(k0):
            for b in range(NBUF):
                k = k0 + b
                _gather_wait(b)

                @plsc.parallel_loop(0, CHUNK, unroll=4)
                def _scale(e):
                    zi16 = jnp.zeros((LANES,), jnp.int32)
                    nvec = plsc.load_gather(norm_v, [zi16 + k, zi16 + e])
                    for j in range(D // LANES):
                        sl = pl.ds(j * LANES, LANES)
                        rows[b][e, sl] = rows[b][e, sl] * nvec

                pltpu.async_copy(rows[b], acc_sh.at[dst_v.at[k]], s_sems[b],
                                 add=True)
            for b in range(NBUF):
                pltpu.make_async_copy(rows[b], acc_sh.at[dst_v.at[0]],
                                      s_sems[b]).wait()
                nk = k0 + NBUF + b

                @pl.when(nk < BLK_EROWS)
                def _prefetch():
                    _gather(nk, b)

    plsc.subcore_barrier()
    pltpu.sync_copy(acc_sh.at[pl.ds(row0, ROWS_PER_TILE)],
                    out_hbm.at[c, pl.ds(row0, ROWS_PER_TILE)])


_BA = 2000


def _add_body(a_ref, b_ref, o_ref):
    o_ref[...] = a_ref[0] + b_ref[0]


_add = pl.pallas_call(
    _add_body,
    grid=(N_NODES // _BA,),
    in_specs=[
        pl.BlockSpec((1, _BA, D), lambda i: (0, i, 0)),
        pl.BlockSpec((1, _BA, D), lambda i: (1, i, 0)),
    ],
    out_specs=pl.BlockSpec((_BA, D), lambda i: (i, 0)),
    out_shape=jax.ShapeDtypeStruct((N_NODES, D), jnp.float32),
)


def kernel(x, edge_index, edge_type, edge_norm, weights):
    ei2 = edge_index.reshape(2 * EROWS, 128)
    type2 = edge_type.reshape(EROWS, 128)
    norm2 = edge_norm.reshape(EROWS, 128)
    gidx, dstp, normp = _prep(ei2, type2, norm2)
    y = _mm(x, weights).reshape(R * N_NODES, D)
    partial = _sc_edges(y, gidx, dstp, normp)
    return _add(partial, partial)

# --- scband reference (transcript-rebuilt; emitter-appended) ---
"""Pipeline reference for scband-rgcnbasis-layer-14714557956589 (READ-ONLY COPY).

The authoritative reference and input builder live on the scoring server;
editing this copy changes nothing except your own understanding.
"""

import jax, jax.numpy as jnp
import numpy as np

N = 10000
E = 320000
D_IN = 128
D_OUT = 128
R = 8


def setup_inputs(seed: int = 0) -> dict:
    key = jax.random.key(seed)
    k1, k2, k3, k4, k5 = jax.random.split(key, 5)
    x = jax.random.normal(k1, (N, D_IN), dtype=jnp.float32)
    edge_index = jax.random.randint(k2, (2, E), 0, N, dtype=jnp.int32)
    edge_type = jax.random.randint(k3, (E,), 0, R, dtype=jnp.int32)
    edge_norm = jax.random.uniform(k4, (E,), dtype=jnp.float32)
    # num_bases == num_rels (num_bases=-1), so there are R independent [D_IN, D_OUT]
    # basis weights, xavier_uniform init with relu gain.
    gain = float(np.sqrt(2.0))
    limit = gain * float(np.sqrt(6.0 / (D_IN + D_OUT)))
    weights = jax.random.uniform(k5, (R, D_IN, D_OUT), dtype=jnp.float32,
                                 minval=-limit, maxval=limit)
    return {"x": x, "edge_index": edge_index, "edge_type": edge_type,
            "edge_norm": edge_norm, "weights": weights}


def reference(x, edge_index, edge_type, edge_norm, weights):
    # Faithful RGCNBasisLayer.propagate with num_bases == num_rels and
    # featureless=False. Each relation subgraph g (children[idx]):
    #   1. g.copy_from(parent): nodes carry parent features x.
    #   2. update_all('src_mul_edge', 'sum'): message = x[src] * edge_norm,
    #      summed into dst node, restricted to edges of that relation.
    #   3. apply node func: accum @ weights[idx].
    # parent.merge(children, node_reduce_func='sum'): sum node reprs over
    # all relation subgraphs. bias=None, activation=None in RGCNLayer.forward.
    src = edge_index[0]
    dst = edge_index[1]
    msg = x[src] * edge_norm[:, None]                     # src_mul_edge
    seg = dst * R + edge_type                             # (node, relation) bucket
    agg = jax.ops.segment_sum(msg, seg, num_segments=N * R)
    agg = agg.reshape(N, R, D_IN)                         # per-relation accumulators
    out = jnp.einsum('nrd,rdo->no', agg, weights)         # mm(accum, W_r) then merge-sum
    return out

if __name__ == "__main__":
    import jax
    _d = setup_inputs()
    print(jax.jit(kernel)(*tuple(_d.values())))

</pallas_src>

<mosaic_0001>
#map = affine_map<(d0, d1) -> (0, 0)>
#map1 = affine_map<(d0, d1) -> (0, 0, 0)>
module attributes {stable_mosaic.version = 14 : i64} {
  func.func @_sc_edges(%arg0: i32, %arg1: i32, %arg2: memref<80000x128xf32, #tpu.memory_space<hbm>>, %arg3: memref<2560x128xi32, #tpu.memory_space<hbm>>, %arg4: memref<2560x128xi32, #tpu.memory_space<hbm>>, %arg5: memref<2560x128xf32, #tpu.memory_space<hbm>>, %arg6: memref<2x10240x128xf32, #tpu.memory_space<hbm>>, %arg7: memref<16x128xi32, #tpu.memory_space<vmem>>, %arg8: memref<16x128xi32, #tpu.memory_space<vmem>>, %arg9: memref<16x128xi32, #tpu.memory_space<vmem>>, %arg10: memref<16x128xi32, #tpu.memory_space<vmem>>, %arg11: memref<16x128xf32, #tpu.memory_space<vmem>>, %arg12: memref<16x128xf32, #tpu.memory_space<vmem>>, %arg13: memref<128x128xf32, #tpu.memory_space<vmem>>, %arg14: memref<128x128xf32, #tpu.memory_space<vmem>>, %arg15: memref<10240x128xf32, #tpu.memory_space<vmem_shared>>, %arg16: memref<!tpu.dma_semaphore, #tpu.memory_space<semaphore_mem>>, %arg17: memref<!tpu.dma_semaphore, #tpu.memory_space<semaphore_mem>>, %arg18: memref<!tpu.dma_semaphore, #tpu.memory_space<semaphore_mem>>, %arg19: memref<!tpu.dma_semaphore, #tpu.memory_space<semaphore_mem>>, %arg20: memref<!tpu.dma_semaphore, #tpu.memory_space<semaphore_mem>>, %arg21: memref<!tpu.dma_semaphore, #tpu.memory_space<semaphore_mem>>) attributes {dimension_semantics = [#tpu.dimension_semantics<core_parallel>, #tpu.dimension_semantics<subcore_parallel>], iteration_bounds = array<i64: 2, 16>, scalar_prefetch = 0 : i64, scratch_operands = 15 : i64, tpu.core_type = #tpu.core_type<sc_vector_subcore>, window_params = [{transform_indices = #map}, {transform_indices = #map}, {transform_indices = #map}, {transform_indices = #map}, {transform_indices = #map1}]} {
    %mul3A = arith.constant 16 : i32
    %mul3A_0 = arith.muli %arg0, %mul3A : i32
    %add3A = arith.addi %mul3A_0, %arg1 : i32
    %broadcast_in_dim3A = arith.constant 0.000000e+00 : f32
    %broadcast_in_dim3A_1 = vector.broadcast %broadcast_in_dim3A : f32 to vector<16xf32>
    %scan3A = arith.constant 0 : i32
    %scan3A_2 = arith.constant 128 : i32
    %scan3A_3 = arith.addi %scan3A, %scan3A_2 : i32
    %scan3A_4 = arith.constant 1 : i32
    scf.for %scan3A_404 = %scan3A to %scan3A_3 step %scan3A_4  : i32 {
      %mul3A_405 = arith.constant 1 : i32
      %mul3A_406 = arith.muli %scan3A_404, %mul3A_405 : i32
      %add3A_407 = arith.constant 0 : i32
      %add3A_408 = arith.addi %add3A_407, %mul3A_406 : i32
      %swap3A = arith.index_cast %add3A_408 : i32 to index
      %swap3A_409 = arith.constant 0 : index
      %swap3A_410 = tpu.vector_load %arg13[%swap3A, %swap3A_409] {strides = array<i32>} : memref<128x128xf32, #tpu.memory_space<vmem>>, vector<16xf32>,
      tpu.vector_store %arg13[%swap3A, %swap3A_409], %broadcast_in_dim3A_1 {strides = array<i32>} : memref<128x128xf32, #tpu.memory_space<vmem>>, vector<16xf32>,
      %swap3A_411 = arith.index_cast %add3A_408 : i32 to index
      %swap3A_412 = arith.constant 16 : index
      %swap3A_413 = tpu.vector_load %arg13[%swap3A_411, %swap3A_412] {strides = array<i32>} : memref<128x128xf32, #tpu.memory_space<vmem>>, vector<16xf32>,
      tpu.vector_store %arg13[%swap3A_411, %swap3A_412], %broadcast_in_dim3A_1 {strides = array<i32>} : memref<128x128xf32, #tpu.memory_space<vmem>>, vector<16xf32>,
      %swap3A_414 = arith.index_cast %add3A_408 : i32 to index
      %swap3A_415 = arith.constant 32 : index
      %swap3A_416 = tpu.vector_load %arg13[%swap3A_414, %swap3A_415] {strides = array<i32>} : memref<128x128xf32, #tpu.memory_space<vmem>>, vector<16xf32>,
      tpu.vector_store %arg13[%swap3A_414, %swap3A_415], %broadcast_in_dim3A_1 {strides = array<i32>} : memref<128x128xf32, #tpu.memory_space<vmem>>, vector<16xf32>,
      %swap3A_417 = arith.index_cast %add3A_408 : i32 to index
      %swap3A_418 = arith.constant 48 : index
      %swap3A_419 = tpu.vector_load %arg13[%swap3A_417, %swap3A_418] {strides = array<i32>} : memref<128x128xf32, #tpu.memory_space<vmem>>, vector<16xf32>,
      tpu.vector_store %arg13[%swap3A_417, %swap3A_418], %broadcast_in_dim3A_1 {strides = array<i32>} : memref<128x128xf32, #tpu.memory_space<vmem>>, vector<16xf32>,
      %swap3A_420 = arith.index_cast %add3A_408 : i32 to index
      %swap3A_421 = arith.constant 64 : index
      %swap3A_422 = tpu.vector_load %arg13[%swap3A_420, %swap3A_421] {strides = array<i32>} : memref<128x128xf32, #tpu.memory_space<vmem>>, vector<16xf32>,
      tpu.vector_store %arg13[%swap3A_420, %swap3A_421], %broadcast_in_dim3A_1 {strides = array<i32>} : memref<128x128xf32, #tpu.memory_space<vmem>>, vector<16xf32>,
      %swap3A_423 = arith.index_cast %add3A_408 : i32 to index
      %swap3A_424 = arith.constant 80 : index
      %swap3A_425 = tpu.vector_load %arg13[%swap3A_423, %swap3A_424] {strides = array<i32>} : memref<128x128xf32, #tpu.memory_space<vmem>>, vector<16xf32>,
      tpu.vector_store %arg13[%swap3A_423, %swap3A_424], %broadcast_in_dim3A_1 {strides = array<i32>} : memref<128x128xf32, #tpu.memory_space<vmem>>, vector<16xf32>,
      %swap3A_426 = arith.index_cast %add3A_408 : i32 to index
      %swap3A_427 = arith.constant 96 : index
      %swap3A_428 = tpu.vector_load %arg13[%swap3A_426, %swap3A_427] {strides = array<i32>} : memref<128x128xf32, #tpu.memory_space<vmem>>, vector<16xf32>,
      tpu.vector_store %arg13[%swap3A_426, %swap3A_427], %broadcast_in_dim3A_1 {strides = array<i32>} : memref<128x128xf32, #tpu.memory_space<vmem>>, vector<16xf32>,
      %swap3A_429 = arith.index_cast %add3A_408 : i32 to index
      %swap3A_430 = arith.constant 112 : index
      %swap3A_431 = tpu.vector_load %arg13[%swap3A_429, %swap3A_430] {strides = array<i32>} : memref<128x128xf32, #tpu.memory_space<vmem>>, vector<16xf32>,
      tpu.vector_store %arg13[%swap3A_429, %swap3A_430], %broadcast_in_dim3A_1 {strides = array<i32>} : memref<128x128xf32, #tpu.memory_space<vmem>>, vector<16xf32>,
    }
    %scan3A_5 = arith.constant 128 : i32
    %mul3A_6 = arith.constant 640 : i32
    %mul3A_7 = arith.muli %arg1, %mul3A_6 : i32
    %add3A_8 = arith.constant 0 : i32
    %add3A_9 = arith.addi %mul3A_7, %add3A_8 : i32
    "tpu.region"() ({
      %run_scoped3A = tpu.sem_alloc : memref<!tpu.dma_semaphore, #tpu.memory_space<semaphore_mem>>
      %dma_start3A_404 = arith.constant 0 : i32
      %dma_start3A_405 = arith.constant 0 : i32
      %dma_start3A_406 = tpu.memref_slice %arg13[%dma_start3A_404, %dma_start3A_405] : memref<128x128xf32, #tpu.memory_space<vmem>> -> memref<128x128xf32, #tpu.memory_space<vmem>>
      %dma_start3A_407 = arith.constant 0 : i32
      %dma_start3A_408 = tpu.memref_slice %arg15[%add3A_9, %dma_start3A_407] : memref<10240x128xf32, #tpu.memory_space<vmem_shared>> -> memref<128x128xf32, #tpu.memory_space<vmem_shared>>
      %dma_start3A_409 = arith.constant 0 : i32
      %dma_start3A_410 = tpu.memref_slice %arg15[%add3A_9, %dma_start3A_409] : memref<10240x128xf32, #tpu.memory_space<vmem_shared>> -> memref<128x128xf32, #tpu.memory_space<vmem_shared>>
      %dma_start3A_411 = arith.constant 0 : i32
      %dma_start3A_412 = arith.constant 0 : i32
      %dma_start3A_413 = tpu.memref_slice %arg13[%dma_start3A_411, %dma_start3A_412] : memref<128x128xf32, #tpu.memory_space<vmem>> -> memref<128x128xf32, #tpu.memory_space<vmem>>
      tpu.enqueue_dma source(%dma_start3A_413 : memref<128x128xf32, #tpu.memory_space<vmem>>) target(%dma_start3A_410 : memref<128x128xf32, #tpu.memory_space<vmem_shared>>) target_semaphore(%run_scoped3A : memref<!tpu.dma_semaphore, #tpu.memory_space<semaphore_mem>>)
      %dma_wait3A_414 = arith.constant 0 : i32
      %dma_wait3A_415 = arith.constant 0 : i32
      %dma_wait3A_416 = tpu.memref_slice %arg13[%dma_wait3A_414, %dma_wait3A_415] : memref<128x128xf32, #tpu.memory_space<vmem>> -> memref<128x128xf32, #tpu.memory_space<vmem>>
      %dma_wait3A_417 = arith.constant 0 : i32
      %dma_wait3A_418 = tpu.memref_slice %arg15[%add3A_9, %dma_wait3A_417] : memref<10240x128xf32, #tpu.memory_space<vmem_shared>> -> memref<128x128xf32, #tpu.memory_space<vmem_shared>>
      %dma_wait3A_419 = arith.constant 0 : i32
      %dma_wait3A_420 = tpu.memref_slice %arg15[%add3A_9, %dma_wait3A_419] : memref<10240x128xf32, #tpu.memory_space<vmem_shared>> -> memref<128x128xf32, #tpu.memory_space<vmem_shared>>
      %dma_wait3A_421 = arith.constant 0 : i32
      %dma_wait3A_422 = arith.constant 0 : i32
      %dma_wait3A_423 = tpu.memref_slice %arg13[%dma_wait3A_421, %dma_wait3A_422] : memref<128x128xf32, #tpu.memory_space<vmem>> -> memref<128x128xf32, #tpu.memory_space<vmem>>
      tpu.wait_dma2 semaphore(%run_scoped3A : memref<!tpu.dma_semaphore, #tpu.memory_space<semaphore_mem>>) src(%dma_wait3A_423 : memref<128x128xf32, #tpu.memory_space<vmem>>) dst(%dma_wait3A_420 : memref<128x128xf32, #tpu.memory_space<vmem_shared>>)
      tpu.yield
    }) : () -> ()
    %add3A_10 = arith.constant 128 : i32
    %add3A_11 = arith.addi %mul3A_7, %add3A_10 : i32
    "tpu.region"() ({
      %run_scoped3A = tpu.sem_alloc : memref<!tpu.dma_semaphore, #tpu.memory_space<semaphore_mem>>
      %dma_start3A_404 = arith.constant 0 : i32
      %dma_start3A_405 = arith.constant 0 : i32
      %dma_start3A_406 = tpu.memref_slice %arg13[%dma_start3A_404, %dma_start3A_405] : memref<128x128xf32, #tpu.memory_space<vmem>> -> memref<128x128xf32, #tpu.memory_space<vmem>>
      %dma_start3A_407 = arith.constant 0 : i32
      %dma_start3A_408 = tpu.memref_slice %arg15[%add3A_11, %dma_start3A_407] : memref<10240x128xf32, #tpu.memory_space<vmem_shared>> -> memref<128x128xf32, #tpu.memory_space<vmem_shared>>
      %dma_start3A_409 = arith.constant 0 : i32
      %dma_start3A_410 = tpu.memref_slice %arg15[%add3A_11, %dma_start3A_409] : memref<10240x128xf32, #tpu.memory_space<vmem_shared>> -> memref<128x128xf32, #tpu.memory_space<vmem_shared>>
      %dma_start3A_411 = arith.constant 0 : i32
      %dma_start3A_412 = arith.constant 0 : i32
      %dma_start3A_413 = tpu.memref_slice %arg13[%dma_start3A_411, %dma_start3A_412] : memref<128x128xf32, #tpu.memory_space<vmem>> -> memref<128x128xf32, #tpu.memory_space<vmem>>
      tpu.enqueue_dma source(%dma_start3A_413 : memref<128x128xf32, #tpu.memory_space<vmem>>) target(%dma_start3A_410 : memref<128x128xf32, #tpu.memory_space<vmem_shared>>) target_semaphore(%run_scoped3A : memref<!tpu.dma_semaphore, #tpu.memory_space<semaphore_mem>>)
      %dma_wait3A_414 = arith.constant 0 : i32
      %dma_wait3A_415 = arith.constant 0 : i32
      %dma_wait3A_416 = tpu.memref_slice %arg13[%dma_wait3A_414, %dma_wait3A_415] : memref<128x128xf32, #tpu.memory_space<vmem>> -> memref<128x128xf32, #tpu.memory_space<vmem>>
      %dma_wait3A_417 = arith.constant 0 : i32
      %dma_wait3A_418 = tpu.memref_slice %arg15[%add3A_11, %dma_wait3A_417] : memref<10240x128xf32, #tpu.memory_space<vmem_shared>> -> memref<128x128xf32, #tpu.memory_space<vmem_shared>>
      %dma_wait3A_419 = arith.constant 0 : i32
      %dma_wait3A_420 = tpu.memref_slice %arg15[%add3A_11, %dma_wait3A_419] : memref<10240x128xf32, #tpu.memory_space<vmem_shared>> -> memref<128x128xf32, #tpu.memory_space<vmem_shared>>
      %dma_wait3A_421 = arith.constant 0 : i32
      %dma_wait3A_422 = arith.constant 0 : i32
      %dma_wait3A_423 = tpu.memref_slice %arg13[%dma_wait3A_421, %dma_wait3A_422] : memref<128x128xf32, #tpu.memory_space<vmem>> -> memref<128x128xf32, #tpu.memory_space<vmem>>
      tpu.wait_dma2 semaphore(%run_scoped3A : memref<!tpu.dma_semaphore, #tpu.memory_space<semaphore_mem>>) src(%dma_wait3A_423 : memref<128x128xf32, #tpu.memory_space<vmem>>) dst(%dma_wait3A_420 : memref<128x128xf32, #tpu.memory_space<vmem_shared>>)
      tpu.yield
    }) : () -> ()
    %add3A_12 = arith.constant 256 : i32
    %add3A_13 = arith.addi %mul3A_7, %add3A_12 : i32
    "tpu.region"() ({
      %run_scoped3A = tpu.sem_alloc : memref<!tpu.dma_semaphore, #tpu.memory_space<semaphore_mem>>
      %dma_start3A_404 = arith.constant 0 : i32
      %dma_start3A_405 = arith.constant 0 : i32
      %dma_start3A_406 = tpu.memref_slice %arg13[%dma_start3A_404, %dma_start3A_405] : memref<128x128xf32, #tpu.memory_space<vmem>> -> memref<128x128xf32, #tpu.memory_space<vmem>>
      %dma_start3A_407 = arith.constant 0 : i32
      %dma_start3A_408 = tpu.memref_slice %arg15[%add3A_13, %dma_start3A_407] : memref<10240x128xf32, #tpu.memory_space<vmem_shared>> -> memref<128x128xf32, #tpu.memory_space<vmem_shared>>
      %dma_start3A_409 = arith.constant 0 : i32
      %dma_start3A_410 = tpu.memref_slice %arg15[%add3A_13, %dma_start3A_409] : memref<10240x128xf32, #tpu.memory_space<vmem_shared>> -> memref<128x128xf32, #tpu.memory_space<vmem_shared>>
      %dma_start3A_411 = arith.constant 0 : i32
      %dma_start3A_412 = arith.constant 0 : i32
      %dma_start3A_413 = tpu.memref_slice %arg13[%dma_start3A_411, %dma_start3A_412] : memref<128x128xf32, #tpu.memory_space<vmem>> -> memref<128x128xf32, #tpu.memory_space<vmem>>
      tpu.enqueue_dma source(%dma_start3A_413 : memref<128x128xf32, #tpu.memory_space<vmem>>) target(%dma_start3A_410 : memref<128x128xf32, #tpu.memory_space<vmem_shared>>) target_semaphore(%run_scoped3A : memref<!tpu.dma_semaphore, #tpu.memory_space<semaphore_mem>>)
      %dma_wait3A_414 = arith.constant 0 : i32
      %dma_wait3A_415 = arith.constant 0 : i32
      %dma_wait3A_416 = tpu.memref_slice %arg13[%dma_wait3A_414, %dma_wait3A_415] : memref<128x128xf32, #tpu.memory_space<vmem>> -> memref<128x128xf32, #tpu.memory_space<vmem>>
      %dma_wait3A_417 = arith.constant 0 : i32
      %dma_wait3A_418 = tpu.memref_slice %arg15[%add3A_13, %dma_wait3A_417] : memref<10240x128xf32, #tpu.memory_space<vmem_shared>> -> memref<128x128xf32, #tpu.memory_space<vmem_shared>>
      %dma_wait3A_419 = arith.constant 0 : i32
      %dma_wait3A_420 = tpu.memref_slice %arg15[%add3A_13, %dma_wait3A_419] : memref<10240x128xf32, #tpu.memory_space<vmem_shared>> -> memref<128x128xf32, #tpu.memory_space<vmem_shared>>
      %dma_wait3A_421 = arith.constant 0 : i32
      %dma_wait3A_422 = arith.constant 0 : i32
      %dma_wait3A_423 = tpu.memref_slice %arg13[%dma_wait3A_421, %dma_wait3A_422] : memref<128x128xf32, #tpu.memory_space<vmem>> -> memref<128x128xf32, #tpu.memory_space<vmem>>
      tpu.wait_dma2 semaphore(%run_scoped3A : memref<!tpu.dma_semaphore, #tpu.memory_space<semaphore_mem>>) src(%dma_wait3A_423 : memref<128x128xf32, #tpu.memory_space<vmem>>) dst(%dma_wait3A_420 : memref<128x128xf32, #tpu.memory_space<vmem_shared>>)
      tpu.yield
    }) : () -> ()
    %add3A_14 = arith.constant 384 : i32
    %add3A_15 = arith.addi %mul3A_7, %add3A_14 : i32
    "tpu.region"() ({
      %run_scoped3A = tpu.sem_alloc : memref<!tpu.dma_semaphore, #tpu.memory_space<semaphore_mem>>
      %dma_start3A_404 = arith.constant 0 : i32
      %dma_start3A_405 = arith.constant 0 : i32
      %dma_start3A_406 = tpu.memref_slice %arg13[%dma_start3A_404, %dma_start3A_405] : memref<128x128xf32, #tpu.memory_space<vmem>> -> memref<128x128xf32, #tpu.memory_space<vmem>>
      %dma_start3A_407 = arith.constant 0 : i32
      %dma_start3A_408 = tpu.memref_slice %arg15[%add3A_15, %dma_start3A_407] : memref<10240x128xf32, #tpu.memory_space<vmem_shared>> -> memref<128x128xf32, #tpu.memory_space<vmem_shared>>
      %dma_start3A_409 = arith.constant 0 : i32
      %dma_start3A_410 = tpu.memref_slice %arg15[%add3A_15, %dma_start3A_409] : memref<10240x128xf32, #tpu.memory_space<vmem_shared>> -> memref<128x128xf32, #tpu.memory_space<vmem_shared>>
      %dma_start3A_411 = arith.constant 0 : i32
      %dma_start3A_412 = arith.constant 0 : i32
      %dma_start3A_413 = tpu.memref_slice %arg13[%dma_start3A_411, %dma_start3A_412] : memref<128x128xf32, #tpu.memory_space<vmem>> -> memref<128x128xf32, #tpu.memory_space<vmem>>
      tpu.enqueue_dma source(%dma_start3A_413 : memref<128x128xf32, #tpu.memory_space<vmem>>) target(%dma_start3A_410 : memref<128x128xf32, #tpu.memory_space<vmem_shared>>) target_semaphore(%run_scoped3A : memref<!tpu.dma_semaphore, #tpu.memory_space<semaphore_mem>>)
      %dma_wait3A_414 = arith.constant 0 : i32
      %dma_wait3A_415 = arith.constant 0 : i32
      %dma_wait3A_416 = tpu.memref_slice %arg13[%dma_wait3A_414, %dma_wait3A_415] : memref<128x128xf32, #tpu.memory_space<vmem>> -> memref<128x128xf32, #tpu.memory_space<vmem>>
      %dma_wait3A_417 = arith.constant 0 : i32
      %dma_wait3A_418 = tpu.memref_slice %arg15[%add3A_15, %dma_wait3A_417] : memref<10240x128xf32, #tpu.memory_space<vmem_shared>> -> memref<128x128xf32, #tpu.memory_space<vmem_shared>>
      %dma_wait3A_419 = arith.constant 0 : i32
      %dma_wait3A_420 = tpu.memref_slice %arg15[%add3A_15, %dma_wait3A_419] : memref<10240x128xf32, #tpu.memory_space<vmem_shared>> -> memref<128x128xf32, #tpu.memory_space<vmem_shared>>
      %dma_wait3A_421 = arith.constant 0 : i32
      %dma_wait3A_422 = arith.constant 0 : i32
      %dma_wait3A_423 = tpu.memref_slice %arg13[%dma_wait3A_421, %dma_wait3A_422] : memref<128x128xf32, #tpu.memory_space<vmem>> -> memref<128x128xf32, #tpu.memory_space<vmem>>
      tpu.wait_dma2 semaphore(%run_scoped3A : memref<!tpu.dma_semaphore, #tpu.memory_space<semaphore_mem>>) src(%dma_wait3A_423 : memref<128x128xf32, #tpu.memory_space<vmem>>) dst(%dma_wait3A_420 : memref<128x128xf32, #tpu.memory_space<vmem_shared>>)
      tpu.yield
    }) : () -> ()
    %add3A_16 = arith.constant 512 : i32
    %add3A_17 = arith.addi %mul3A_7, %add3A_16 : i32
    "tpu.region"() ({
      %run_scoped3A = tpu.sem_alloc : memref<!tpu.dma_semaphore, #tpu.memory_space<semaphore_mem>>
      %dma_start3A_404 = arith.constant 0 : i32
      %dma_start3A_405 = arith.constant 0 : i32
      %dma_start3A_406 = tpu.memref_slice %arg13[%dma_start3A_404, %dma_start3A_405] : memref<128x128xf32, #tpu.memory_space<vmem>> -> memref<128x128xf32, #tpu.memory_space<vmem>>
      %dma_start3A_407 = arith.constant 0 : i32
      %dma_start3A_408 = tpu.memref_slice %arg15[%add3A_17, %dma_start3A_407] : memref<10240x128xf32, #tpu.memory_space<vmem_shared>> -> memref<128x128xf32, #tpu.memory_space<vmem_shared>>
      %dma_start3A_409 = arith.constant 0 : i32
      %dma_start3A_410 = tpu.memref_slice %arg15[%add3A_17, %dma_start3A_409] : memref<10240x128xf32, #tpu.memory_space<vmem_shared>> -> memref<128x128xf32, #tpu.memory_space<vmem_shared>>
      %dma_start3A_411 = arith.constant 0 : i32
      %dma_start3A_412 = arith.constant 0 : i32
      %dma_start3A_413 = tpu.memref_slice %arg13[%dma_start3A_411, %dma_start3A_412] : memref<128x128xf32, #tpu.memory_space<vmem>> -> memref<128x128xf32, #tpu.memory_space<vmem>>
      tpu.enqueue_dma source(%dma_start3A_413 : memref<128x128xf32, #tpu.memory_space<vmem>>) target(%dma_start3A_410 : memref<128x128xf32, #tpu.memory_space<vmem_shared>>) target_semaphore(%run_scoped3A : memref<!tpu.dma_semaphore, #tpu.memory_space<semaphore_mem>>)
      %dma_wait3A_414 = arith.constant 0 : i32
      %dma_wait3A_415 = arith.constant 0 : i32
      %dma_wait3A_416 = tpu.memref_slice %arg13[%dma_wait3A_414, %dma_wait3A_415] : memref<128x128xf32, #tpu.memory_space<vmem>> -> memref<128x128xf32, #tpu.memory_space<vmem>>
      %dma_wait3A_417 = arith.constant 0 : i32
      %dma_wait3A_418 = tpu.memref_slice %arg15[%add3A_17, %dma_wait3A_417] : memref<10240x128xf32, #tpu.memory_space<vmem_shared>> -> memref<128x128xf32, #tpu.memory_space<vmem_shared>>
      %dma_wait3A_419 = arith.constant 0 : i32
      %dma_wait3A_420 = tpu.memref_slice %arg15[%add3A_17, %dma_wait3A_419] : memref<10240x128xf32, #tpu.memory_space<vmem_shared>> -> memref<128x128xf32, #tpu.memory_space<vmem_shared>>
      %dma_wait3A_421 = arith.constant 0 : i32
      %dma_wait3A_422 = arith.constant 0 : i32
      %dma_wait3A_423 = tpu.memref_slice %arg13[%dma_wait3A_421, %dma_wait3A_422] : memref<128x128xf32, #tpu.memory_space<vmem>> -> memref<128x128xf32, #tpu.memory_space<vmem>>
      tpu.wait_dma2 semaphore(%run_scoped3A : memref<!tpu.dma_semaphore, #tpu.memory_space<semaphore_mem>>) src(%dma_wait3A_423 : memref<128x128xf32, #tpu.memory_space<vmem>>) dst(%dma_wait3A_420 : memref<128x128xf32, #tpu.memory_space<vmem_shared>>)
      tpu.yield
    }) : () -> ()
    %barrier3A = arith.constant 0 : index
    tpu.barrier barrier_id(%barrier3A)
    %mul3A_18 = arith.constant 80 : i32
    %mul3A_19 = arith.muli %add3A, %mul3A_18 : i32
    %add3A_20 = arith.constant 0 : i32
    %add3A_21 = arith.addi %mul3A_19, %add3A_20 : i32
    %dma_start3A = arith.constant 0 : i32
    %dma_start3A_22 = tpu.memref_slice %arg3[%add3A_21, %dma_start3A] : memref<2560x128xi32, #tpu.memory_space<hbm>> -> memref<16x128xi32, #tpu.memory_space<hbm>>
    %dma_start3A_23 = arith.constant 0 : i32
    %dma_start3A_24 = tpu.memref_slice %arg3[%add3A_21, %dma_start3A_23] : memref<2560x128xi32, #tpu.memory_space<hbm>> -> memref<16x128xi32, #tpu.memory_space<hbm>>
    tpu.enqueue_dma source(%dma_start3A_24 : memref<16x128xi32, #tpu.memory_space<hbm>>) target(%arg7 : memref<16x128xi32, #tpu.memory_space<vmem>>) target_semaphore(%arg20 : memref<!tpu.dma_semaphore, #tpu.memory_space<semaphore_mem>>)
    %dma_start3A_25 = arith.constant 0 : i32
    %dma_start3A_26 = tpu.memref_slice %arg4[%add3A_21, %dma_start3A_25] : memref<2560x128xi32, #tpu.memory_space<hbm>> -> memref<16x128xi32, #tpu.memory_space<hbm>>
    %dma_start3A_27 = arith.constant 0 : i32
    %dma_start3A_28 = tpu.memref_slice %arg4[%add3A_21, %dma_start3A_27] : memref<2560x128xi32, #tpu.memory_space<hbm>> -> memref<16x128xi32, #tpu.memory_space<hbm>>
    tpu.enqueue_dma source(%dma_start3A_28 : memref<16x128xi32, #tpu.memory_space<hbm>>) target(%arg9 : memref<16x128xi32, #tpu.memory_space<vmem>>) target_semaphore(%arg20 : memref<!tpu.dma_semaphore, #tpu.memory_space<semaphore_mem>>)
    %dma_start3A_29 = arith.constant 0 : i32
    %dma_start3A_30 = tpu.memref_slice %arg5[%add3A_21, %dma_start3A_29] : memref<2560x128xf32, #tpu.memory_space<hbm>> -> memref<16x128xf32, #tpu.memory_space<hbm>>
    %dma_start3A_31 = arith.constant 0 : i32
    %dma_start3A_32 = tpu.memref_slice %arg5[%add3A_21, %dma_start3A_31] : memref<2560x128xf32, #tpu.memory_space<hbm>> -> memref<16x128xf32, #tpu.memory_space<hbm>>
    tpu.enqueue_dma source(%dma_start3A_32 : memref<16x128xf32, #tpu.memory_space<hbm>>) target(%arg11 : memref<16x128xf32, #tpu.memory_space<vmem>>) target_semaphore(%arg20 : memref<!tpu.dma_semaphore, #tpu.memory_space<semaphore_mem>>)
    %dma_wait3A = arith.constant 0 : i32
    %dma_wait3A_33 = arith.constant 0 : i32
    %dma_wait3A_34 = tpu.memref_slice %arg3[%dma_wait3A, %dma_wait3A_33] : memref<2560x128xi32, #tpu.memory_space<hbm>> -> memref<16x128xi32, #tpu.memory_space<hbm>>
    %dma_wait3A_35 = arith.constant 0 : i32
    %dma_wait3A_36 = arith.constant 0 : i32
    %dma_wait3A_37 = tpu.memref_slice %arg3[%dma_wait3A_35, %dma_wait3A_36] : memref<2560x128xi32, #tpu.memory_space<hbm>> -> memref<16x128xi32, #tpu.memory_space<hbm>>
    tpu.wait_dma2 semaphore(%arg20 : memref<!tpu.dma_semaphore, #tpu.memory_space<semaphore_mem>>) src(%dma_wait3A_37 : memref<16x128xi32, #tpu.memory_space<hbm>>) dst(%arg7 : memref<16x128xi32, #tpu.memory_space<vmem>>)
    %dma_wait3A_38 = arith.constant 0 : i32
    %dma_wait3A_39 = arith.constant 0 : i32
    %dma_wait3A_40 = tpu.memref_slice %arg4[%dma_wait3A_38, %dma_wait3A_39] : memref<2560x128xi32, #tpu.memory_space<hbm>> -> memref<16x128xi32, #tpu.memory_space<hbm>>
    %dma_wait3A_41 = arith.constant 0 : i32
    %dma_wait3A_42 = arith.constant 0 : i32
    %dma_wait3A_43 = tpu.memref_slice %arg4[%dma_wait3A_41, %dma_wait3A_42] : memref<2560x128xi32, #tpu.memory_space<hbm>> -> memref<16x128xi32, #tpu.memory_space<hbm>>
    tpu.wait_dma2 semaphore(%arg20 : memref<!tpu.dma_semaphore, #tpu.memory_space<semaphore_mem>>) src(%dma_wait3A_43 : memref<16x128xi32, #tpu.memory_space<hbm>>) dst(%arg9 : memref<16x128xi32, #tpu.memory_space<vmem>>)
    %dma_wait3A_44 = arith.constant 0 : i32
    %dma_wait3A_45 = arith.constant 0 : i32
    %dma_wait3A_46 = tpu.memref_slice %arg5[%dma_wait3A_44, %dma_wait3A_45] : memref<2560x128xf32, #tpu.memory_space<hbm>> -> memref<16x128xf32, #tpu.memory_space<hbm>>
    %dma_wait3A_47 = arith.constant 0 : i32
    %dma_wait3A_48 = arith.constant 0 : i32
    %dma_wait3A_49 = tpu.memref_slice %arg5[%dma_wait3A_47, %dma_wait3A_48] : memref<2560x128xf32, #tpu.memory_space<hbm>> -> memref<16x128xf32, #tpu.memory_space<hbm>>
    tpu.wait_dma2 semaphore(%arg20 : memref<!tpu.dma_semaphore, #tpu.memory_space<semaphore_mem>>) src(%dma_wait3A_49 : memref<16x128xf32, #tpu.memory_space<hbm>>) dst(%arg11 : memref<16x128xf32, #tpu.memory_space<vmem>>)
    %add3A_50 = arith.constant 16 : i32
    %add3A_51 = arith.addi %mul3A_19, %add3A_50 : i32
    %dma_start3A_52 = arith.constant 0 : i32
    %dma_start3A_53 = tpu.memref_slice %arg3[%add3A_51, %dma_start3A_52] : memref<2560x128xi32, #tpu.memory_space<hbm>> -> memref<16x128xi32, #tpu.memory_space<hbm>>
    %dma_start3A_54 = arith.constant 0 : i32
    %dma_start3A_55 = tpu.memref_slice %arg3[%add3A_51, %dma_start3A_54] : memref<2560x128xi32, #tpu.memory_space<hbm>> -> memref<16x128xi32, #tpu.memory_space<hbm>>
    tpu.enqueue_dma source(%dma_start3A_55 : memref<16x128xi32, #tpu.memory_space<hbm>>) target(%arg8 : memref<16x128xi32, #tpu.memory_space<vmem>>) target_semaphore(%arg21 : memref<!tpu.dma_semaphore, #tpu.memory_space<semaphore_mem>>)
    %dma_start3A_56 = arith.constant 0 : i32
    %dma_start3A_57 = tpu.memref_slice %arg4[%add3A_51, %dma_start3A_56] : memref<2560x128xi32, #tpu.memory_space<hbm>> -> memref<16x128xi32, #tpu.memory_space<hbm>>
    %dma_start3A_58 = arith.constant 0 : i32
    %dma_start3A_59 = tpu.memref_slice %arg4[%add3A_51, %dma_start3A_58] : memref<2560x128xi32, #tpu.memory_space<hbm>> -> memref<16x128xi32, #tpu.memory_space<hbm>>
    tpu.enqueue_dma source(%dma_start3A_59 : memref<16x128xi32, #tpu.memory_space<hbm>>) target(%arg10 : memref<16x128xi32, #tpu.memory_space<vmem>>) target_semaphore(%arg21 : memref<!tpu.dma_semaphore, #tpu.memory_space<semaphore_mem>>)
    %dma_start3A_60 = arith.constant 0 : i32
    %dma_start3A_61 = tpu.memref_slice %arg5[%add3A_51, %dma_start3A_60] : memref<2560x128xf32, #tpu.memory_space<hbm>> -> memref<16x128xf32, #tpu.memory_space<hbm>>
    %dma_start3A_62 = arith.constant 0 : i32
    %dma_start3A_63 = tpu.memref_slice %arg5[%add3A_51, %dma_start3A_62] : memref<2560x128xf32, #tpu.memory_space<hbm>> -> memref<16x128xf32, #tpu.memory_space<hbm>>
    tpu.enqueue_dma source(%dma_start3A_63 : memref<16x128xf32, #tpu.memory_space<hbm>>) target(%arg12 : memref<16x128xf32, #tpu.memory_space<vmem>>) target_semaphore(%arg21 : memref<!tpu.dma_semaphore, #tpu.memory_space<semaphore_mem>>)
    %dma_start3A_64 = arith.constant 0 : i32
    %dma_start3A_65 = arith.constant 0 : i32
    %dma_start3A_66 = arith.constant 0 : i32
    %dma_start3A_67 = tpu.memref_slice %arg13[%dma_start3A_65, %dma_start3A_66] : memref<128x128xf32, #tpu.memory_space<vmem>> -> memref<64x128xf32, #tpu.memory_space<vmem>>
    %dma_start3A_68 = arith.constant 0 : i32
    %dma_start3A_69 = tpu.memref_slice %arg7[%dma_start3A_64, %dma_start3A_68] : memref<16x128xi32, #tpu.memory_space<vmem>> -> memref<1x64xi32, #tpu.memory_space<vmem>>
    %dma_start3A_70 = tpu.memref_squeeze %dma_start3A_69 : memref<1x64xi32, #tpu.memory_space<vmem>> -> memref<64xi32, #tpu.memory_space<vmem>>
    %dma_start3A_71 = arith.constant 0 : i32
    %dma_start3A_72 = arith.constant 0 : i32
    %dma_start3A_73 = tpu.memref_slice %arg2[%dma_start3A_71, %dma_start3A_72] : memref<80000x128xf32, #tpu.memory_space<hbm>> -> memref<80000x128xf32, #tpu.memory_space<hbm>>
    tpu.enqueue_indirect_dma source(%dma_start3A_73 : memref<80000x128xf32, #tpu.memory_space<hbm>>) target(%dma_start3A_67 : memref<64x128xf32, #tpu.memory_space<vmem>>) offsets(%dma_start3A_70 : memref<64xi32, #tpu.memory_space<vmem>>) semaphore(%arg16 : memref<!tpu.dma_semaphore, #tpu.memory_space<semaphore_mem>>)
    %dma_start3A_74 = arith.constant 0 : i32
    %dma_start3A_75 = arith.constant 64 : i32
    %dma_start3A_76 = arith.constant 0 : i32
    %dma_start3A_77 = tpu.memref_slice %arg13[%dma_start3A_75, %dma_start3A_76] : memref<128x128xf32, #tpu.memory_space<vmem>> -> memref<64x128xf32, #tpu.memory_space<vmem>>
    %dma_start3A_78 = arith.constant 64 : i32
    %dma_start3A_79 = tpu.memref_slice %arg7[%dma_start3A_74, %dma_start3A_78] : memref<16x128xi32, #tpu.memory_space<vmem>> -> memref<1x64xi32, #tpu.memory_space<vmem>>
    %dma_start3A_80 = tpu.memref_squeeze %dma_start3A_79 : memref<1x64xi32, #tpu.memory_space<vmem>> -> memref<64xi32, #tpu.memory_space<vmem>>
    %dma_start3A_81 = arith.constant 0 : i32
    %dma_start3A_82 = arith.constant 0 : i32
    %dma_start3A_83 = tpu.memref_slice %arg2[%dma_start3A_81, %dma_start3A_82] : memref<80000x128xf32, #tpu.memory_space<hbm>> -> memref<80000x128xf32, #tpu.memory_space<hbm>>
    tpu.enqueue_indirect_dma source(%dma_start3A_83 : memref<80000x128xf32, #tpu.memory_space<hbm>>) target(%dma_start3A_77 : memref<64x128xf32, #tpu.memory_space<vmem>>) offsets(%dma_start3A_80 : memref<64xi32, #tpu.memory_space<vmem>>) semaphore(%arg16 : memref<!tpu.dma_semaphore, #tpu.memory_space<semaphore_mem>>)
    %dma_start3A_84 = arith.constant 1 : i32
    %dma_start3A_85 = arith.constant 0 : i32
    %dma_start3A_86 = arith.constant 0 : i32
    %dma_start3A_87 = tpu.memref_slice %arg14[%dma_start3A_85, %dma_start3A_86] : memref<128x128xf32, #tpu.memory_space<vmem>> -> memref<64x128xf32, #tpu.memory_space<vmem>>
    %dma_start3A_88 = arith.constant 0 : i32
    %dma_start3A_89 = tpu.memref_slice %arg7[%dma_start3A_84, %dma_start3A_88] : memref<16x128xi32, #tpu.memory_space<vmem>> -> memref<1x64xi32, #tpu.memory_space<vmem>>
    %dma_start3A_90 = tpu.memref_squeeze %dma_start3A_89 : memref<1x64xi32, #tpu.memory_space<vmem>> -> memref<64xi32, #tpu.memory_space<vmem>>
    %dma_start3A_91 = arith.constant 0 : i32
    %dma_start3A_92 = arith.constant 0 : i32
    %dma_start3A_93 = tpu.memref_slice %arg2[%dma_start3A_91, %dma_start3A_92] : memref<80000x128xf32, #tpu.memory_space<hbm>> -> memref<80000x128xf32, #tpu.memory_space<hbm>>
    tpu.enqueue_indirect_dma source(%dma_start3A_93 : memref<80000x128xf32, #tpu.memory_space<hbm>>) target(%dma_start3A_87 : memref<64x128xf32, #tpu.memory_space<vmem>>) offsets(%dma_start3A_90 : memref<64xi32, #tpu.memory_space<vmem>>) semaphore(%arg17 : memref<!tpu.dma_semaphore, #tpu.memory_space<semaphore_mem>>)
    %dma_start3A_94 = arith.constant 1 : i32
    %dma_start3A_95 = arith.constant 64 : i32
    %dma_start3A_96 = arith.constant 0 : i32
    %dma_start3A_97 = tpu.memref_slice %arg14[%dma_start3A_95, %dma_start3A_96] : memref<128x128xf32, #tpu.memory_space<vmem>> -> memref<64x128xf32, #tpu.memory_space<vmem>>
    %dma_start3A_98 = arith.constant 64 : i32
    %dma_start3A_99 = tpu.memref_slice %arg7[%dma_start3A_94, %dma_start3A_98] : memref<16x128xi32, #tpu.memory_space<vmem>> -> memref<1x64xi32, #tpu.memory_space<vmem>>
    %dma_start3A_100 = tpu.memref_squeeze %dma_start3A_99 : memref<1x64xi32, #tpu.memory_space<vmem>> -> memref<64xi32, #tpu.memory_space<vmem>>
    %dma_start3A_101 = arith.constant 0 : i32
    %dma_start3A_102 = arith.constant 0 : i32
    %dma_start3A_103 = tpu.memref_slice %arg2[%dma_start3A_101, %dma_start3A_102] : memref<80000x128xf32, #tpu.memory_space<hbm>> -> memref<80000x128xf32, #tpu.memory_space<hbm>>
    tpu.enqueue_indirect_dma source(%dma_start3A_103 : memref<80000x128xf32, #tpu.memory_space<hbm>>) target(%dma_start3A_97 : memref<64x128xf32, #tpu.memory_space<vmem>>) offsets(%dma_start3A_100 : memref<64xi32, #tpu.memory_space<vmem>>) semaphore(%arg17 : memref<!tpu.dma_semaphore, #tpu.memory_space<semaphore_mem>>)
    %scan3A_104 = arith.constant 0 : i32
    %scan3A_105 = arith.constant 8 : i32
    %scan3A_106 = arith.addi %scan3A_104, %scan3A_105 : i32
    %scan3A_107 = arith.constant 1 : i32
    scf.for %scan3A_404 = %scan3A_104 to %scan3A_106 step %scan3A_107  : i32 {
      %mul3A_405 = arith.constant 2 : i32
      %mul3A_406 = arith.muli %scan3A_404, %mul3A_405 : i32
      %add3A_407 = arith.constant 0 : i32
      %add3A_408 = arith.addi %add3A_407, %mul3A_406 : i32
      %add3A_409 = arith.constant 0 : i32
      %add3A_410 = arith.addi %add3A_408, %add3A_409 : i32
      %dma_wait3A_411 = arith.constant 0 : i32
      %dma_wait3A_412 = arith.constant 0 : i32
      %dma_wait3A_413 = arith.constant 0 : i32
      %dma_wait3A_414 = tpu.memref_slice %arg13[%dma_wait3A_412, %dma_wait3A_413] : memref<128x128xf32, #tpu.memory_space<vmem>> -> memref<64x128xf32, #tpu.memory_space<vmem>>
      %dma_wait3A_415 = arith.constant 0 : i32
      %dma_wait3A_416 = tpu.memref_slice %arg7[%dma_wait3A_411, %dma_wait3A_415] : memref<16x128xi32, #tpu.memory_space<vmem>> -> memref<1x64xi32, #tpu.memory_space<vmem>>
      %dma_wait3A_417 = tpu.memref_squeeze %dma_wait3A_416 : memref<1x64xi32, #tpu.memory_space<vmem>> -> memref<64xi32, #tpu.memory_space<vmem>>
      %dma_wait3A_418 = arith.constant 0 : i32
      %dma_wait3A_419 = arith.constant 0 : i32
      %dma_wait3A_420 = tpu.memref_slice %arg2[%dma_wait3A_418, %dma_wait3A_419] : memref<80000x128xf32, #tpu.memory_space<hbm>> -> memref<80000x128xf32, #tpu.memory_space<hbm>>
      tpu.wait_indirect_dma semaphore(%arg16 : memref<!tpu.dma_semaphore, #tpu.memory_space<semaphore_mem>>) src(%dma_wait3A_420 : memref<80000x128xf32, #tpu.memory_space<hbm>>) dst(%dma_wait3A_414 : memref<64x128xf32, #tpu.memory_space<vmem>>)
      %dma_wait3A_421 = arith.constant 0 : i32
      %dma_wait3A_422 = arith.constant 64 : i32
      %dma_wait3A_423 = arith.constant 0 : i32
      %dma_wait3A_424 = tpu.memref_slice %arg13[%dma_wait3A_422, %dma_wait3A_423] : memref<128x128xf32, #tpu.memory_space<vmem>> -> memref<64x128xf32, #tpu.memory_space<vmem>>
      %dma_wait3A_425 = arith.constant 64 : i32
      %dma_wait3A_426 = tpu.memref_slice %arg7[%dma_wait3A_421, %dma_wait3A_425] : memref<16x128xi32, #tpu.memory_space<vmem>> -> memref<1x64xi32, #tpu.memory_space<vmem>>
      %dma_wait3A_427 = tpu.memref_squeeze %dma_wait3A_426 : memref<1x64xi32, #tpu.memory_space<vmem>> -> memref<64xi32, #tpu.memory_space<vmem>>
      %dma_wait3A_428 = arith.constant 0 : i32
      %dma_wait3A_429 = arith.constant 0 : i32
      %dma_wait3A_430 = tpu.memref_slice %arg2[%dma_wait3A_428, %dma_wait3A_429] : memref<80000x128xf32, #tpu.memory_space<hbm>> -> memref<80000x128xf32, #tpu.memory_space<hbm>>
      tpu.wait_indirect_dma semaphore(%arg16 : memref<!tpu.dma_semaphore, #tpu.memory_space<semaphore_mem>>) src(%dma_wait3A_430 : memref<80000x128xf32, #tpu.memory_space<hbm>>) dst(%dma_wait3A_424 : memref<64x128xf32, #tpu.memory_space<vmem>>)
      %parallel_loop3A = arith.constant 0 : i32
      %parallel_loop3A_431 = arith.constant 128 : i32
      %parallel_loop3A_432 = arith.constant 1 : i32
      scf.for %parallel_loop3A_499 = %parallel_loop3A to %parallel_loop3A_431 step %parallel_loop3A_432  : i32 {
        %parallel_loop3A_500 = arith.constant 0 : i32
        %parallel_loop3A_501 = vector.broadcast %parallel_loop3A_500 : i32 to vector<16xi32>
        %parallel_loop3A_502 = vector.broadcast %add3A_410 : i32 to vector<16xi32>
        %parallel_loop3A_503 = arith.addi %parallel_loop3A_501, %parallel_loop3A_502 : vector<16xi32>
        %parallel_loop3A_504 = vector.broadcast %parallel_loop3A_499 : i32 to vector<16xi32>
        %parallel_loop3A_505 = arith.addi %parallel_loop3A_501, %parallel_loop3A_504 : vector<16xi32>
        %parallel_loop3A_506 = tpu.vector_load_idx %arg11[%parallel_loop3A_503, %parallel_loop3A_505] : memref<16x128xf32, #tpu.memory_space<vmem>>[vector<16xi32>, vector<16xi32>], vector<16xf32>,
        %parallel_loop3A_507 = arith.index_cast %parallel_loop3A_499 : i32 to index
        %parallel_loop3A_508 = arith.constant 0 : index
        %parallel_loop3A_509 = tpu.vector_load %arg13[%parallel_loop3A_507, %parallel_loop3A_508] {strides = array<i32>} : memref<128x128xf32, #tpu.memory_space<vmem>>, vector<16xf32>,
        %parallel_loop3A_510 = arith.mulf %parallel_loop3A_509, %parallel_loop3A_506 : vector<16xf32>
        %parallel_loop3A_511 = arith.index_cast %parallel_loop3A_499 : i32 to index
        %parallel_loop3A_512 = arith.constant 0 : index
        %parallel_loop3A_513 = tpu.vector_load %arg13[%parallel_loop3A_511, %parallel_loop3A_512] {strides = array<i32>} : memref<128x128xf32, #tpu.memory_space<vmem>>, vector<16xf32>,
        tpu.vector_store %arg13[%parallel_loop3A_511, %parallel_loop3A_512], %parallel_loop3A_510 {strides = array<i32>} : memref<128x128xf32, #tpu.memory_space<vmem>>, vector<16xf32>,
        %parallel_loop3A_514 = arith.index_cast %parallel_loop3A_499 : i32 to index
        %parallel_loop3A_515 = arith.constant 16 : index
        %parallel_loop3A_516 = tpu.vector_load %arg13[%parallel_loop3A_514, %parallel_loop3A_515] {strides = array<i32>} : memref<128x128xf32, #tpu.memory_space<vmem>>, vector<16xf32>,
        %parallel_loop3A_517 = arith.mulf %parallel_loop3A_516, %parallel_loop3A_506 : vector<16xf32>
        %parallel_loop3A_518 = arith.index_cast %parallel_loop3A_499 : i32 to index
        %parallel_loop3A_519 = arith.constant 16 : index
        %parallel_loop3A_520 = tpu.vector_load %arg13[%parallel_loop3A_518, %parallel_loop3A_519] {strides = array<i32>} : memref<128x128xf32, #tpu.memory_space<vmem>>, vector<16xf32>,
        tpu.vector_store %arg13[%parallel_loop3A_518, %parallel_loop3A_519], %parallel_loop3A_517 {strides = array<i32>} : memref<128x128xf32, #tpu.memory_space<vmem>>, vector<16xf32>,
        %parallel_loop3A_521 = arith.index_cast %parallel_loop3A_499 : i32 to index
        %parallel_loop3A_522 = arith.constant 32 : index
        %parallel_loop3A_523 = tpu.vector_load %arg13[%parallel_loop3A_521, %parallel_loop3A_522] {strides = array<i32>} : memref<128x128xf32, #tpu.memory_space<vmem>>, vector<16xf32>,
        %parallel_loop3A_524 = arith.mulf %parallel_loop3A_523, %parallel_loop3A_506 : vector<16xf32>
        %parallel_loop3A_525 = arith.index_cast %parallel_loop3A_499 : i32 to index
        %parallel_loop3A_526 = arith.constant 32 : index
        %parallel_loop3A_527 = tpu.vector_load %arg13[%parallel_loop3A_525, %parallel_loop3A_526] {strides = array<i32>} : memref<128x128xf32, #tpu.memory_space<vmem>>, vector<16xf32>,
        tpu.vector_store %arg13[%parallel_loop3A_525, %parallel_loop3A_526], %parallel_loop3A_524 {strides = array<i32>} : memref<128x128xf32, #tpu.memory_space<vmem>>, vector<16xf32>,
        %parallel_loop3A_528 = arith.index_cast %parallel_loop3A_499 : i32 to index
        %parallel_loop3A_529 = arith.constant 48 : index
        %parallel_loop3A_530 = tpu.vector_load %arg13[%parallel_loop3A_528, %parallel_loop3A_529] {strides = array<i32>} : memref<128x128xf32, #tpu.memory_space<vmem>>, vector<16xf32>,
        %parallel_loop3A_531 = arith.mulf %parallel_loop3A_530, %parallel_loop3A_506 : vector<16xf32>
        %parallel_loop3A_532 = arith.index_cast %parallel_loop3A_499 : i32 to index
        %parallel_loop3A_533 = arith.constant 48 : index
        %parallel_loop3A_534 = tpu.vector_load %arg13[%parallel_loop3A_532, %parallel_loop3A_533] {strides = array<i32>} : memref<128x128xf32, #tpu.memory_space<vmem>>, vector<16xf32>,
        tpu.vector_store %arg13[%parallel_loop3A_532, %parallel_loop3A_533], %parallel_loop3A_531 {strides = array<i32>} : memref<128x128xf32, #tpu.memory_space<vmem>>, vector<16xf32>,
        %parallel_loop3A_535 = arith.index_cast %parallel_loop3A_499 : i32 to index
        %parallel_loop3A_536 = arith.constant 64 : index
        %parallel_loop3A_537 = tpu.vector_load %arg13[%parallel_loop3A_535, %parallel_loop3A_536] {strides = array<i32>} : memref<128x128xf32, #tpu.memory_space<vmem>>, vector<16xf32>,
        %parallel_loop3A_538 = arith.mulf %parallel_loop3A_537, %parallel_loop3A_506 : vector<16xf32>
        %parallel_loop3A_539 = arith.index_cast %parallel_loop3A_499 : i32 to index
        %parallel_loop3A_540 = arith.constant 64 : index
        %parallel_loop3A_541 = tpu.vector_load %arg13[%parallel_loop3A_539, %parallel_loop3A_540] {strides = array<i32>} : memref<128x128xf32, #tpu.memory_space<vmem>>, vector<16xf32>,
        tpu.vector_store %arg13[%parallel_loop3A_539, %parallel_loop3A_540], %parallel_loop3A_538 {strides = array<i32>} : memref<128x128xf32, #tpu.memory_space<vmem>>, vector<16xf32>,
        %parallel_loop3A_542 = arith.index_cast %parallel_loop3A_499 : i32 to index
        %parallel_loop3A_543 = arith.constant 80 : index
        %parallel_loop3A_544 = tpu.vector_load %arg13[%parallel_loop3A_542, %parallel_loop3A_543] {strides = array<i32>} : memref<128x128xf32, #tpu.memory_space<vmem>>, vector<16xf32>,
        %parallel_loop3A_545 = arith.mulf %parallel_loop3A_544, %parallel_loop3A_506 : vector<16xf32>
        %parallel_loop3A_546 = arith.index_cast %parallel_loop3A_499 : i32 to index
        %parallel_loop3A_547 = arith.constant 80 : index
        %parallel_loop3A_548 = tpu.vector_load %arg13[%parallel_loop3A_546, %parallel_loop3A_547] {strides = array<i32>} : memref<128x128xf32, #tpu.memory_space<vmem>>, vector<16xf32>,
        tpu.vector_store %arg13[%parallel_loop3A_546, %parallel_loop3A_547], %parallel_loop3A_545 {strides = array<i32>} : memref<128x128xf32, #tpu.memory_space<vmem>>, vector<16xf32>,
        %parallel_loop3A_549 = arith.index_cast %parallel_loop3A_499 : i32 to index
        %parallel_loop3A_550 = arith.constant 96 : index
        %parallel_loop3A_551 = tpu.vector_load %arg13[%parallel_loop3A_549, %parallel_loop3A_550] {strides = array<i32>} : memref<128x128xf32, #tpu.memory_space<vmem>>, vector<16xf32>,
        %parallel_loop3A_552 = arith.mulf %parallel_loop3A_551, %parallel_loop3A_506 : vector<16xf32>
        %parallel_loop3A_553 = arith.index_cast %parallel_loop3A_499 : i32 to index
        %parallel_loop3A_554 = arith.constant 96 : index
        %parallel_loop3A_555 = tpu.vector_load %arg13[%parallel_loop3A_553, %parallel_loop3A_554] {strides = array<i32>} : memref<128x128xf32, #tpu.memory_space<vmem>>, vector<16xf32>,
        tpu.vector_store %arg13[%parallel_loop3A_553, %parallel_loop3A_554], %parallel_loop3A_552 {strides = array<i32>} : memref<128x128xf32, #tpu.memory_space<vmem>>, vector<16xf32>,
        %parallel_loop3A_556 = arith.index_cast %parallel_loop3A_499 : i32 to index
        %parallel_loop3A_557 = arith.constant 112 : index
        %parallel_loop3A_558 = tpu.vector_load %arg13[%parallel_loop3A_556, %parallel_loop3A_557] {strides = array<i32>} : memref<128x128xf32, #tpu.memory_space<vmem>>, vector<16xf32>,
        %parallel_loop3A_559 = arith.mulf %parallel_loop3A_558, %parallel_loop3A_506 : vector<16xf32>
        %parallel_loop3A_560 = arith.index_cast %parallel_loop3A_499 : i32 to index
        %parallel_loop3A_561 = arith.constant 112 : index
        %parallel_loop3A_562 = tpu.vector_load %arg13[%parallel_loop3A_560, %parallel_loop3A_561] {strides = array<i32>} : memref<128x128xf32, #tpu.memory_space<vmem>>, vector<16xf32>,
        tpu.vector_store %arg13[%parallel_loop3A_560, %parallel_loop3A_561], %parallel_loop3A_559 {strides = array<i32>} : memref<128x128xf32, #tpu.memory_space<vmem>>, vector<16xf32>,
      } {sc.loop_unroll_factor = 4 : i64, sc.parallel_access}
      %dma_start3A_433 = arith.constant 0 : i32
      %dma_start3A_434 = tpu.memref_slice %arg9[%add3A_410, %dma_start3A_433] : memref<16x128xi32, #tpu.memory_space<vmem>> -> memref<1x128xi32, #tpu.memory_space<vmem>>
      %dma_start3A_435 = tpu.memref_squeeze %dma_start3A_434 : memref<1x128xi32, #tpu.memory_space<vmem>> -> memref<128xi32, #tpu.memory_space<vmem>>
      %dma_start3A_436 = arith.constant 0 : i32
      %dma_start3A_437 = arith.constant 0 : i32
      %dma_start3A_438 = tpu.memref_slice %arg15[%dma_start3A_436, %dma_start3A_437] : memref<10240x128xf32, #tpu.memory_space<vmem_shared>> -> memref<10240x128xf32, #tpu.memory_space<vmem_shared>>
      tpu.enqueue_indirect_dma source(%arg13 : memref<128x128xf32, #tpu.memory_space<vmem>>) target(%dma_start3A_438 : memref<10240x128xf32, #tpu.memory_space<vmem_shared>>) offsets(%dma_start3A_435 : memref<128xi32, #tpu.memory_space<vmem>>) semaphore(%arg18 : memref<!tpu.dma_semaphore, #tpu.memory_space<semaphore_mem>>) {add = true}
      %add3A_439 = arith.constant 1 : i32
      %add3A_440 = arith.addi %add3A_408, %add3A_439 : i32
      %dma_wait3A_441 = arith.constant 0 : i32
      %dma_wait3A_442 = arith.constant 0 : i32
      %dma_wait3A_443 = arith.constant 0 : i32
      %dma_wait3A_444 = tpu.memref_slice %arg14[%dma_wait3A_442, %dma_wait3A_443] : memref<128x128xf32, #tpu.memory_space<vmem>> -> memref<64x128xf32, #tpu.memory_space<vmem>>
      %dma_wait3A_445 = arith.constant 0 : i32
      %dma_wait3A_446 = tpu.memref_slice %arg7[%dma_wait3A_441, %dma_wait3A_445] : memref<16x128xi32, #tpu.memory_space<vmem>> -> memref<1x64xi32, #tpu.memory_space<vmem>>
      %dma_wait3A_447 = tpu.memref_squeeze %dma_wait3A_446 : memref<1x64xi32, #tpu.memory_space<vmem>> -> memref<64xi32, #tpu.memory_space<vmem>>
      %dma_wait3A_448 = arith.constant 0 : i32
      %dma_wait3A_449 = arith.constant 0 : i32
      %dma_wait3A_450 = tpu.memref_slice %arg2[%dma_wait3A_448, %dma_wait3A_449] : memref<80000x128xf32, #tpu.memory_space<hbm>> -> memref<80000x128xf32, #tpu.memory_space<hbm>>
      tpu.wait_indirect_dma semaphore(%arg17 : memref<!tpu.dma_semaphore, #tpu.memory_space<semaphore_mem>>) src(%dma_wait3A_450 : memref<80000x128xf32, #tpu.memory_space<hbm>>) dst(%dma_wait3A_444 : memref<64x128xf32, #tpu.memory_space<vmem>>)
      %dma_wait3A_451 = arith.constant 0 : i32
      %dma_wait3A_452 = arith.constant 64 : i32
      %dma_wait3A_453 = arith.constant 0 : i32
      %dma_wait3A_454 = tpu.memref_slice %arg14[%dma_wait3A_452, %dma_wait3A_453] : memref<128x128xf32, #tpu.memory_space<vmem>> -> memref<64x128xf32, #tpu.memory_space<vmem>>
      %dma_wait3A_455 = arith.constant 64 : i32
      %dma_wait3A_456 = tpu.memref_slice %arg7[%dma_wait3A_451, %dma_wait3A_455] : memref<16x128xi32, #tpu.memory_space<vmem>> -> memref<1x64xi32, #tpu.memory_space<vmem>>
      %dma_wait3A_457 = tpu.memref_squeeze %dma_wait3A_456 : memref<1x64xi32, #tpu.memory_space<vmem>> -> memref<64xi32, #tpu.memory_space<vmem>>
      %dma_wait3A_458 = arith.constant 0 : i32
      %dma_wait3A_459 = arith.constant 0 : i32
      %dma_wait3A_460 = tpu.memref_slice %arg2[%dma_wait3A_458, %dma_wait3A_459] : memref<80000x128xf32, #tpu.memory_space<hbm>> -> memref<80000x128xf32, #tpu.memory_space<hbm>>
      tpu.wait_indirect_dma semaphore(%arg17 : memref<!tpu.dma_semaphore, #tpu.memory_space<semaphore_mem>>) src(%dma_wait3A_460 : memref<80000x128xf32, #tpu.memory_space<hbm>>) dst(%dma_wait3A_454 : memref<64x128xf32, #tpu.memory_space<vmem>>)
      %parallel_loop3A_461 = arith.constant 0 : i32
      %parallel_loop3A_462 = arith.constant 128 : i32
      %parallel_loop3A_463 = arith.constant 1 : i32
      scf.for %parallel_loop3A_499 = %parallel_loop3A_461 to %parallel_loop3A_462 step %parallel_loop3A_463  : i32 {
        %parallel_loop3A_500 = arith.constant 0 : i32
        %parallel_loop3A_501 = vector.broadcast %parallel_loop3A_500 : i32 to vector<16xi32>
        %parallel_loop3A_502 = vector.broadcast %add3A_440 : i32 to vector<16xi32>
        %parallel_loop3A_503 = arith.addi %parallel_loop3A_501, %parallel_loop3A_502 : vector<16xi32>
        %parallel_loop3A_504 = vector.broadcast %parallel_loop3A_499 : i32 to vector<16xi32>
        %parallel_loop3A_505 = arith.addi %parallel_loop3A_501, %parallel_loop3A_504 : vector<16xi32>
        %parallel_loop3A_506 = tpu.vector_load_idx %arg11[%parallel_loop3A_503, %parallel_loop3A_505] : memref<16x128xf32, #tpu.memory_space<vmem>>[vector<16xi32>, vector<16xi32>], vector<16xf32>,
        %parallel_loop3A_507 = arith.index_cast %parallel_loop3A_499 : i32 to index
        %parallel_loop3A_508 = arith.constant 0 : index
        %parallel_loop3A_509 = tpu.vector_load %arg14[%parallel_loop3A_507, %parallel_loop3A_508] {strides = array<i32>} : memref<128x128xf32, #tpu.memory_space<vmem>>, vector<16xf32>,
        %parallel_loop3A_510 = arith.mulf %parallel_loop3A_509, %parallel_loop3A_506 : vector<16xf32>
        %parallel_loop3A_511 = arith.index_cast %parallel_loop3A_499 : i32 to index
        %parallel_loop3A_512 = arith.constant 0 : index
        %parallel_loop3A_513 = tpu.vector_load %arg14[%parallel_loop3A_511, %parallel_loop3A_512] {strides = array<i32>} : memref<128x128xf32, #tpu.memory_space<vmem>>, vector<16xf32>,
        tpu.vector_store %arg14[%parallel_loop3A_511, %parallel_loop3A_512], %parallel_loop3A_510 {strides = array<i32>} : memref<128x128xf32, #tpu.memory_space<vmem>>, vector<16xf32>,
        %parallel_loop3A_514 = arith.index_cast %parallel_loop3A_499 : i32 to index
        %parallel_loop3A_515 = arith.constant 16 : index
        %parallel_loop3A_516 = tpu.vector_load %arg14[%parallel_loop3A_514, %parallel_loop3A_515] {strides = array<i32>} : memref<128x128xf32, #tpu.memory_space<vmem>>, vector<16xf32>,
        %parallel_loop3A_517 = arith.mulf %parallel_loop3A_516, %parallel_loop3A_506 : vector<16xf32>
        %parallel_loop3A_518 = arith.index_cast %parallel_loop3A_499 : i32 to index
        %parallel_loop3A_519 = arith.constant 16 : index
        %parallel_loop3A_520 = tpu.vector_load %arg14[%parallel_loop3A_518, %parallel_loop3A_519] {strides = array<i32>} : memref<128x128xf32, #tpu.memory_space<vmem>>, vector<16xf32>,
        tpu.vector_store %arg14[%parallel_loop3A_518, %parallel_loop3A_519], %parallel_loop3A_517 {strides = array<i32>} : memref<128x128xf32, #tpu.memory_space<vmem>>, vector<16xf32>,
        %parallel_loop3A_521 = arith.index_cast %parallel_loop3A_499 : i32 to index
        %parallel_loop3A_522 = arith.constant 32 : index
        %parallel_loop3A_523 = tpu.vector_load %arg14[%parallel_loop3A_521, %parallel_loop3A_522] {strides = array<i32>} : memref<128x128xf32, #tpu.memory_space<vmem>>, vector<16xf32>,
        %parallel_loop3A_524 = arith.mulf %parallel_loop3A_523, %parallel_loop3A_506 : vector<16xf32>
        %parallel_loop3A_525 = arith.index_cast %parallel_loop3A_499 : i32 to index
        %parallel_loop3A_526 = arith.constant 32 : index
        %parallel_loop3A_527 = tpu.vector_load %arg14[%parallel_loop3A_525, %parallel_loop3A_526] {strides = array<i32>} : memref<128x128xf32, #tpu.memory_space<vmem>>, vector<16xf32>,
        tpu.vector_store %arg14[%parallel_loop3A_525, %parallel_loop3A_526], %parallel_loop3A_524 {strides = array<i32>} : memref<128x128xf32, #tpu.memory_space<vmem>>, vector<16xf32>,
        %parallel_loop3A_528 = arith.index_cast %parallel_loop3A_499 : i32 to index
        %parallel_loop3A_529 = arith.constant 48 : index
        %parallel_loop3A_530 = tpu.vector_load %arg14[%parallel_loop3A_528, %parallel_loop3A_529] {strides = array<i32>} : memref<128x128xf32, #tpu.memory_space<vmem>>, vector<16xf32>,
        %parallel_loop3A_531 = arith.mulf %parallel_loop3A_530, %parallel_loop3A_506 : vector<16xf32>
        %parallel_loop3A_532 = arith.index_cast %parallel_loop3A_499 : i32 to index
        %parallel_loop3A_533 = arith.constant 48 : index
        %parallel_loop3A_534 = tpu.vector_load %arg14[%parallel_loop3A_532, %parallel_loop3A_533] {strides = array<i32>} : memref<128x128xf32, #tpu.memory_space<vmem>>, vector<16xf32>,
        tpu.vector_store %arg14[%parallel_loop3A_532, %parallel_loop3A_533], %parallel_loop3A_531 {strides = array<i32>} : memref<128x128xf32, #tpu.memory_space<vmem>>, vector<16xf32>,
        %parallel_loop3A_535 = arith.index_cast %parallel_loop3A_499 : i32 to index
        %parallel_loop3A_536 = arith.constant 64 : index
        %parallel_loop3A_537 = tpu.vector_load %arg14[%parallel_loop3A_535, %parallel_loop3A_536] {strides = array<i32>} : memref<128x128xf32, #tpu.memory_space<vmem>>, vector<16xf32>,
        %parallel_loop3A_538 = arith.mulf %parallel_loop3A_537, %parallel_loop3A_506 : vector<16xf32>
        %parallel_loop3A_539 = arith.index_cast %parallel_loop3A_499 : i32 to index
        %parallel_loop3A_540 = arith.constant 64 : index
        %parallel_loop3A_541 = tpu.vector_load %arg14[%parallel_loop3A_539, %parallel_loop3A_540] {strides = array<i32>} : memref<128x128xf32, #tpu.memory_space<vmem>>, vector<16xf32>,
        tpu.vector_store %arg14[%parallel_loop3A_539, %parallel_loop3A_540], %parallel_loop3A_538 {strides = array<i32>} : memref<128x128xf32, #tpu.memory_space<vmem>>, vector<16xf32>,
        %parallel_loop3A_542 = arith.index_cast %parallel_loop3A_499 : i32 to index
        %parallel_loop3A_543 = arith.constant 80 : index
        %parallel_loop3A_544 = tpu.vector_load %arg14[%parallel_loop3A_542, %parallel_loop3A_543] {strides = array<i32>} : memref<128x128xf32, #tpu.memory_space<vmem>>, vector<16xf32>,
        %parallel_loop3A_545 = arith.mulf %parallel_loop3A_544, %parallel_loop3A_506 : vector<16xf32>
        %parallel_loop3A_546 = arith.index_cast %parallel_loop3A_499 : i32 to index
        %parallel_loop3A_547 = arith.constant 80 : index
        %parallel_loop3A_548 = tpu.vector_load %arg14[%parallel_loop3A_546, %parallel_loop3A_547] {strides = array<i32>} : memref<128x128xf32, #tpu.memory_space<vmem>>, vector<16xf32>,
        tpu.vector_store %arg14[%parallel_loop3A_546, %parallel_loop3A_547], %parallel_loop3A_545 {strides = array<i32>} : memref<128x128xf32, #tpu.memory_space<vmem>>, vector<16xf32>,
        %parallel_loop3A_549 = arith.index_cast %parallel_loop3A_499 : i32 to index
        %parallel_loop3A_550 = arith.constant 96 : index
        %parallel_loop3A_551 = tpu.vector_load %arg14[%parallel_loop3A_549, %parallel_loop3A_550] {strides = array<i32>} : memref<128x128xf32, #tpu.memory_space<vmem>>, vector<16xf32>,
        %parallel_loop3A_552 = arith.mulf %parallel_loop3A_551, %parallel_loop3A_506 : vector<16xf32>
        %parallel_loop3A_553 = arith.index_cast %parallel_loop3A_499 : i32 to index
        %parallel_loop3A_554 = arith.constant 96 : index
        %parallel_loop3A_555 = tpu.vector_load %arg14[%parallel_loop3A_553, %parallel_loop3A_554] {strides = array<i32>} : memref<128x128xf32, #tpu.memory_space<vmem>>, vector<16xf32>,
        tpu.vector_store %arg14[%parallel_loop3A_553, %parallel_loop3A_554], %parallel_loop3A_552 {strides = array<i32>} : memref<128x128xf32, #tpu.memory_space<vmem>>, vector<16xf32>,
        %parallel_loop3A_556 = arith.index_cast %parallel_loop3A_499 : i32 to index
        %parallel_loop3A_557 = arith.constant 112 : index
        %parallel_loop3A_558 = tpu.vector_load %arg14[%parallel_loop3A_556, %parallel_loop3A_557] {strides = array<i32>} : memref<128x128xf32, #tpu.memory_space<vmem>>, vector<16xf32>,
        %parallel_loop3A_559 = arith.mulf %parallel_loop3A_558, %parallel_loop3A_506 : vector<16xf32>
        %parallel_loop3A_560 = arith.index_cast %parallel_loop3A_499 : i32 to index
        %parallel_loop3A_561 = arith.constant 112 : index
        %parallel_loop3A_562 = tpu.vector_load %arg14[%parallel_loop3A_560, %parallel_loop3A_561] {strides = array<i32>} : memref<128x128xf32, #tpu.memory_space<vmem>>, vector<16xf32>,
        tpu.vector_store %arg14[%parallel_loop3A_560, %parallel_loop3A_561], %parallel_loop3A_559 {strides = array<i32>} : memref<128x128xf32, #tpu.memory_space<vmem>>, vector<16xf32>,
      } {sc.loop_unroll_factor = 4 : i64, sc.parallel_access}
      %dma_start3A_464 = arith.constant 0 : i32
      %dma_start3A_465 = tpu.memref_slice %arg9[%add3A_440, %dma_start3A_464] : memref<16x128xi32, #tpu.memory_space<vmem>> -> memref<1x128xi32, #tpu.memory_space<vmem>>
      %dma_start3A_466 = tpu.memref_squeeze %dma_start3A_465 : memref<1x128xi32, #tpu.memory_space<vmem>> -> memref<128xi32, #tpu.memory_space<vmem>>
      %dma_start3A_467 = arith.constant 0 : i32
      %dma_start3A_468 = arith.constant 0 : i32
      %dma_start3A_469 = tpu.memref_slice %arg15[%dma_start3A_467, %dma_start3A_468] : memref<10240x128xf32, #tpu.memory_space<vmem_shared>> -> memref<10240x128xf32, #tpu.memory_space<vmem_shared>>
      tpu.enqueue_indirect_dma source(%arg14 : memref<128x128xf32, #tpu.memory_space<vmem>>) target(%dma_start3A_469 : memref<10240x128xf32, #tpu.memory_space<vmem_shared>>) offsets(%dma_start3A_466 : memref<128xi32, #tpu.memory_space<vmem>>) semaphore(%arg19 : memref<!tpu.dma_semaphore, #tpu.memory_space<semaphore_mem>>) {add = true}
      %dma_wait3A_470 = arith.constant 0 : i32
      %dma_wait3A_471 = arith.constant 0 : i32
      %dma_wait3A_472 = tpu.memref_slice %arg9[%dma_wait3A_470, %dma_wait3A_471] : memref<16x128xi32, #tpu.memory_space<vmem>> -> memref<1x128xi32, #tpu.memory_space<vmem>>
      %dma_wait3A_473 = tpu.memref_squeeze %dma_wait3A_472 : memref<1x128xi32, #tpu.memory_space<vmem>> -> memref<128xi32, #tpu.memory_space<vmem>>
      %dma_wait3A_474 = arith.constant 0 : i32
      %dma_wait3A_475 = arith.constant 0 : i32
      %dma_wait3A_476 = tpu.memref_slice %arg15[%dma_wait3A_474, %dma_wait3A_475] : memref<10240x128xf32, #tpu.memory_space<vmem_shared>> -> memref<10240x128xf32, #tpu.memory_space<vmem_shared>>
      tpu.wait_indirect_dma semaphore(%arg18 : memref<!tpu.dma_semaphore, #tpu.memory_space<semaphore_mem>>) src(%arg13 : memref<128x128xf32, #tpu.memory_space<vmem>>) dst(%dma_wait3A_476 : memref<10240x128xf32, #tpu.memory_space<vmem_shared>>)
      %add3A_477 = arith.constant 2 : i32
      %add3A_478 = arith.addi %add3A_408, %add3A_477 : i32
      %add3A_479 = arith.constant 0 : i32
      %add3A_480 = arith.addi %add3A_478, %add3A_479 : i32
      %lt3A = arith.constant 16 : i32
      %lt3A_481 = arith.cmpi slt, %add3A_480, %lt3A : i32
      %convert_element_type3A = arith.extui %lt3A_481 : i1 to i32
      %cond3A = arith.constant 0 : i32
      %cond3A_482 = arith.cmpi ne, %convert_element_type3A, %cond3A : i32
      scf.if %cond3A_482 {
        %dma_start3A_499 = arith.constant 0 : i32
        %dma_start3A_500 = arith.constant 0 : i32
        %dma_start3A_501 = tpu.memref_slice %arg13[%dma_start3A_499, %dma_start3A_500] : memref<128x128xf32, #tpu.memory_space<vmem>> -> memref<64x128xf32, #tpu.memory_space<vmem>>
        %dma_start3A_502 = arith.constant 0 : i32
        %dma_start3A_503 = tpu.memref_slice %arg7[%add3A_480, %dma_start3A_502] : memref<16x128xi32, #tpu.memory_space<vmem>> -> memref<1x64xi32, #tpu.memory_space<vmem>>
        %dma_start3A_504 = tpu.memref_squeeze %dma_start3A_503 : memref<1x64xi32, #tpu.memory_space<vmem>> -> memref<64xi32, #tpu.memory_space<vmem>>
        %dma_start3A_505 = arith.constant 0 : i32
        %dma_start3A_506 = arith.constant 0 : i32
        %dma_start3A_507 = tpu.memref_slice %arg2[%dma_start3A_505, %dma_start3A_506] : memref<80000x128xf32, #tpu.memory_space<hbm>> -> memref<80000x128xf32, #tpu.memory_space<hbm>>
        tpu.enqueue_indirect_dma source(%dma_start3A_507 : memref<80000x128xf32, #tpu.memory_space<hbm>>) target(%dma_start3A_501 : memref<64x128xf32, #tpu.memory_space<vmem>>) offsets(%dma_start3A_504 : memref<64xi32, #tpu.memory_space<vmem>>) semaphore(%arg16 : memref<!tpu.dma_semaphore, #tpu.memory_space<semaphore_mem>>)
        %dma_start3A_508 = arith.constant 64 : i32
        %dma_start3A_509 = arith.constant 0 : i32
        %dma_start3A_510 = tpu.memref_slice %arg13[%dma_start3A_508, %dma_start3A_509] : memref<128x128xf32, #tpu.memory_space<vmem>> -> memref<64x128xf32, #tpu.memory_space<vmem>>
        %dma_start3A_511 = arith.constant 64 : i32
        %dma_start3A_512 = tpu.memref_slice %arg7[%add3A_480, %dma_start3A_511] : memref<16x128xi32, #tpu.memory_space<vmem>> -> memref<1x64xi32, #tpu.memory_space<vmem>>
        %dma_start3A_513 = tpu.memref_squeeze %dma_start3A_512 : memref<1x64xi32, #tpu.memory_space<vmem>> -> memref<64xi32, #tpu.memory_space<vmem>>
        %dma_start3A_514 = arith.constant 0 : i32
        %dma_start3A_515 = arith.constant 0 : i32
        %dma_start3A_516 = tpu.memref_slice %arg2[%dma_start3A_514, %dma_start3A_515] : memref<80000x128xf32, #tpu.memory_space<hbm>> -> memref<80000x128xf32, #tpu.memory_space<hbm>>
        tpu.enqueue_indirect_dma source(%dma_start3A_516 : memref<80000x128xf32, #tpu.memory_space<hbm>>) target(%dma_start3A_510 : memref<64x128xf32, #tpu.memory_space<vmem>>) offsets(%dma_start3A_513 : memref<64xi32, #tpu.memory_space<vmem>>) semaphore(%arg16 : memref<!tpu.dma_semaphore, #tpu.memory_space<semaphore_mem>>)
      } else {
      }
      %dma_wait3A_483 = arith.constant 0 : i32
      %dma_wait3A_484 = arith.constant 0 : i32
      %dma_wait3A_485 = tpu.memref_slice %arg9[%dma_wait3A_483, %dma_wait3A_484] : memref<16x128xi32, #tpu.memory_space<vmem>> -> memref<1x128xi32, #tpu.memory_space<vmem>>
      %dma_wait3A_486 = tpu.memref_squeeze %dma_wait3A_485 : memref<1x128xi32, #tpu.memory_space<vmem>> -> memref<128xi32, #tpu.memory_space<vmem>>
      %dma_wait3A_487 = arith.constant 0 : i32
      %dma_wait3A_488 = arith.constant 0 : i32
      %dma_wait3A_489 = tpu.memref_slice %arg15[%dma_wait3A_487, %dma_wait3A_488] : memref<10240x128xf32, #tpu.memory_space<vmem_shared>> -> memref<10240x128xf32, #tpu.memory_space<vmem_shared>>
      tpu.wait_indirect_dma semaphore(%arg19 : memref<!tpu.dma_semaphore, #tpu.memory_space<semaphore_mem>>) src(%arg14 : memref<128x128xf32, #tpu.memory_space<vmem>>) dst(%dma_wait3A_489 : memref<10240x128xf32, #tpu.memory_space<vmem_shared>>)
      %add3A_490 = arith.constant 2 : i32
      %add3A_491 = arith.addi %add3A_408, %add3A_490 : i32
      %add3A_492 = arith.constant 1 : i32
      %add3A_493 = arith.addi %add3A_491, %add3A_492 : i32
      %lt3A_494 = arith.constant 16 : i32
      %lt3A_495 = arith.cmpi slt, %add3A_493, %lt3A_494 : i32
      %convert_element_type3A_496 = arith.extui %lt3A_495 : i1 to i32
      %cond3A_497 = arith.constant 0 : i32
      %cond3A_498 = arith.cmpi ne, %convert_element_type3A_496, %cond3A_497 : i32
      scf.if %cond3A_498 {
        %dma_start3A_499 = arith.constant 0 : i32
        %dma_start3A_500 = arith.constant 0 : i32
        %dma_start3A_501 = tpu.memref_slice %arg14[%dma_start3A_499, %dma_start3A_500] : memref<128x128xf32, #tpu.memory_space<vmem>> -> memref<64x128xf32, #tpu.memory_space<vmem>>
        %dma_start3A_502 = arith.constant 0 : i32
        %dma_start3A_503 = tpu.memref_slice %arg7[%add3A_493, %dma_start3A_502] : memref<16x128xi32, #tpu.memory_space<vmem>> -> memref<1x64xi32, #tpu.memory_space<vmem>>
        %dma_start3A_504 = tpu.memref_squeeze %dma_start3A_503 : memref<1x64xi32, #tpu.memory_space<vmem>> -> memref<64xi32, #tpu.memory_space<vmem>>
        %dma_start3A_505 = arith.constant 0 : i32
        %dma_start3A_506 = arith.constant 0 : i32
        %dma_start3A_507 = tpu.memref_slice %arg2[%dma_start3A_505, %dma_start3A_506] : memref<80000x128xf32, #tpu.memory_space<hbm>> -> memref<80000x128xf32, #tpu.memory_space<hbm>>
        tpu.enqueue_indirect_dma source(%dma_start3A_507 : memref<80000x128xf32, #tpu.memory_space<hbm>>) target(%dma_start3A_501 : memref<64x128xf32, #tpu.memory_space<vmem>>) offsets(%dma_start3A_504 : memref<64xi32, #tpu.memory_space<vmem>>) semaphore(%arg17 : memref<!tpu.dma_semaphore, #tpu.memory_space<semaphore_mem>>)
        %dma_start3A_508 = arith.constant 64 : i32
        %dma_start3A_509 = arith.constant 0 : i32
        %dma_start3A_510 = tpu.memref_slice %arg14[%dma_start3A_508, %dma_start3A_509] : memref<128x128xf32, #tpu.memory_space<vmem>> -> memref<64x128xf32, #tpu.memory_space<vmem>>
        %dma_start3A_511 = arith.constant 64 : i32
        %dma_start3A_512 = tpu.memref_slice %arg7[%add3A_493, %dma_start3A_511] : memref<16x128xi32, #tpu.memory_space<vmem>> -> memref<1x64xi32, #tpu.memory_space<vmem>>
        %dma_start3A_513 = tpu.memref_squeeze %dma_start3A_512 : memref<1x64xi32, #tpu.memory_space<vmem>> -> memref<64xi32, #tpu.memory_space<vmem>>
        %dma_start3A_514 = arith.constant 0 : i32
        %dma_start3A_515 = arith.constant 0 : i32
        %dma_start3A_516 = tpu.memref_slice %arg2[%dma_start3A_514, %dma_start3A_515] : memref<80000x128xf32, #tpu.memory_space<hbm>> -> memref<80000x128xf32, #tpu.memory_space<hbm>>
        tpu.enqueue_indirect_dma source(%dma_start3A_516 : memref<80000x128xf32, #tpu.memory_space<hbm>>) target(%dma_start3A_510 : memref<64x128xf32, #tpu.memory_space<vmem>>) offsets(%dma_start3A_513 : memref<64xi32, #tpu.memory_space<vmem>>) semaphore(%arg17 : memref<!tpu.dma_semaphore, #tpu.memory_space<semaphore_mem>>)
      } else {
      }
    }
    %scan3A_108 = arith.constant 8 : i32
    %dma_wait3A_109 = arith.constant 0 : i32
    %dma_wait3A_110 = arith.constant 0 : i32
    %dma_wait3A_111 = tpu.memref_slice %arg3[%dma_wait3A_109, %dma_wait3A_110] : memref<2560x128xi32, #tpu.memory_space<hbm>> -> memref<16x128xi32, #tpu.memory_space<hbm>>
    %dma_wait3A_112 = arith.constant 0 : i32
    %dma_wait3A_113 = arith.constant 0 : i32
    %dma_wait3A_114 = tpu.memref_slice %arg3[%dma_wait3A_112, %dma_wait3A_113] : memref<2560x128xi32, #tpu.memory_space<hbm>> -> memref<16x128xi32, #tpu.memory_space<hbm>>
    tpu.wait_dma2 semaphore(%arg21 : memref<!tpu.dma_semaphore, #tpu.memory_space<semaphore_mem>>) src(%dma_wait3A_114 : memref<16x128xi32, #tpu.memory_space<hbm>>) dst(%arg8 : memref<16x128xi32, #tpu.memory_space<vmem>>)
    %dma_wait3A_115 = arith.constant 0 : i32
    %dma_wait3A_116 = arith.constant 0 : i32
    %dma_wait3A_117 = tpu.memref_slice %arg4[%dma_wait3A_115, %dma_wait3A_116] : memref<2560x128xi32, #tpu.memory_space<hbm>> -> memref<16x128xi32, #tpu.memory_space<hbm>>
    %dma_wait3A_118 = arith.constant 0 : i32
    %dma_wait3A_119 = arith.constant 0 : i32
    %dma_wait3A_120 = tpu.memref_slice %arg4[%dma_wait3A_118, %dma_wait3A_119] : memref<2560x128xi32, #tpu.memory_space<hbm>> -> memref<16x128xi32, #tpu.memory_space<hbm>>
    tpu.wait_dma2 semaphore(%arg21 : memref<!tpu.dma_semaphore, #tpu.memory_space<semaphore_mem>>) src(%dma_wait3A_120 : memref<16x128xi32, #tpu.memory_space<hbm>>) dst(%arg10 : memref<16x128xi32, #tpu.memory_space<vmem>>)
    %dma_wait3A_121 = arith.constant 0 : i32
    %dma_wait3A_122 = arith.constant 0 : i32
    %dma_wait3A_123 = tpu.memref_slice %arg5[%dma_wait3A_121, %dma_wait3A_122] : memref<2560x128xf32, #tpu.memory_space<hbm>> -> memref<16x128xf32, #tpu.memory_space<hbm>>
    %dma_wait3A_124 = arith.constant 0 : i32
    %dma_wait3A_125 = arith.constant 0 : i32
    %dma_wait3A_126 = tpu.memref_slice %arg5[%dma_wait3A_124, %dma_wait3A_125] : memref<2560x128xf32, #tpu.memory_space<hbm>> -> memref<16x128xf32, #tpu.memory_space<hbm>>
    tpu.wait_dma2 semaphore(%arg21 : memref<!tpu.dma_semaphore, #tpu.memory_space<semaphore_mem>>) src(%dma_wait3A_126 : memref<16x128xf32, #tpu.memory_space<hbm>>) dst(%arg12 : memref<16x128xf32, #tpu.memory_space<vmem>>)
    %add3A_127 = arith.constant 32 : i32
    %add3A_128 = arith.addi %mul3A_19, %add3A_127 : i32
    %dma_start3A_129 = arith.constant 0 : i32
    %dma_start3A_130 = tpu.memref_slice %arg3[%add3A_128, %dma_start3A_129] : memref<2560x128xi32, #tpu.memory_space<hbm>> -> memref<16x128xi32, #tpu.memory_space<hbm>>
    %dma_start3A_131 = arith.constant 0 : i32
    %dma_start3A_132 = tpu.memref_slice %arg3[%add3A_128, %dma_start3A_131] : memref<2560x128xi32, #tpu.memory_space<hbm>> -> memref<16x128xi32, #tpu.memory_space<hbm>>
    tpu.enqueue_dma source(%dma_start3A_132 : memref<16x128xi32, #tpu.memory_space<hbm>>) target(%arg7 : memref<16x128xi32, #tpu.memory_space<vmem>>) target_semaphore(%arg20 : memref<!tpu.dma_semaphore, #tpu.memory_space<semaphore_mem>>)
    %dma_start3A_133 = arith.constant 0 : i32
    %dma_start3A_134 = tpu.memref_slice %arg4[%add3A_128, %dma_start3A_133] : memref<2560x128xi32, #tpu.memory_space<hbm>> -> memref<16x128xi32, #tpu.memory_space<hbm>>
    %dma_start3A_135 = arith.constant 0 : i32
    %dma_start3A_136 = tpu.memref_slice %arg4[%add3A_128, %dma_start3A_135] : memref<2560x128xi32, #tpu.memory_space<hbm>> -> memref<16x128xi32, #tpu.memory_space<hbm>>
    tpu.enqueue_dma source(%dma_start3A_136 : memref<16x128xi32, #tpu.memory_space<hbm>>) target(%arg9 : memref<16x128xi32, #tpu.memory_space<vmem>>) target_semaphore(%arg20 : memref<!tpu.dma_semaphore, #tpu.memory_space<semaphore_mem>>)
    %dma_start3A_137 = arith.constant 0 : i32
    %dma_start3A_138 = tpu.memref_slice %arg5[%add3A_128, %dma_start3A_137] : memref<2560x128xf32, #tpu.memory_space<hbm>> -> memref<16x128xf32, #tpu.memory_space<hbm>>
    %dma_start3A_139 = arith.constant 0 : i32
    %dma_start3A_140 = tpu.memref_slice %arg5[%add3A_128, %dma_start3A_139] : memref<2560x128xf32, #tpu.memory_space<hbm>> -> memref<16x128xf32, #tpu.memory_space<hbm>>
    tpu.enqueue_dma source(%dma_start3A_140 : memref<16x128xf32, #tpu.memory_space<hbm>>) target(%arg11 : memref<16x128xf32, #tpu.memory_space<vmem>>) target_semaphore(%arg20 : memref<!tpu.dma_semaphore, #tpu.memory_space<semaphore_mem>>)
    %dma_start3A_141 = arith.constant 0 : i32
    %dma_start3A_142 = arith.constant 0 : i32
    %dma_start3A_143 = arith.constant 0 : i32
    %dma_start3A_144 = tpu.memref_slice %arg13[%dma_start3A_142, %dma_start3A_143] : memref<128x128xf32, #tpu.memory_space<vmem>> -> memref<64x128xf32, #tpu.memory_space<vmem>>
    %dma_start3A_145 = arith.constant 0 : i32
    %dma_start3A_146 = tpu.memref_slice %arg8[%dma_start3A_141, %dma_start3A_145] : memref<16x128xi32, #tpu.memory_space<vmem>> -> memref<1x64xi32, #tpu.memory_space<vmem>>
    %dma_start3A_147 = tpu.memref_squeeze %dma_start3A_146 : memref<1x64xi32, #tpu.memory_space<vmem>> -> memref<64xi32, #tpu.memory_space<vmem>>
    %dma_start3A_148 = arith.constant 0 : i32
    %dma_start3A_149 = arith.constant 0 : i32
    %dma_start3A_150 = tpu.memref_slice %arg2[%dma_start3A_148, %dma_start3A_149] : memref<80000x128xf32, #tpu.memory_space<hbm>> -> memref<80000x128xf32, #tpu.memory_space<hbm>>
    tpu.enqueue_indirect_dma source(%dma_start3A_150 : memref<80000x128xf32, #tpu.memory_space<hbm>>) target(%dma_start3A_144 : memref<64x128xf32, #tpu.memory_space<vmem>>) offsets(%dma_start3A_147 : memref<64xi32, #tpu.memory_space<vmem>>) semaphore(%arg16 : memref<!tpu.dma_semaphore, #tpu.memory_space<semaphore_mem>>)
    %dma_start3A_151 = arith.constant 0 : i32
    %dma_start3A_152 = arith.constant 64 : i32
    %dma_start3A_153 = arith.constant 0 : i32
    %dma_start3A_154 = tpu.memref_slice %arg13[%dma_start3A_152, %dma_start3A_153] : memref<128x128xf32, #tpu.memory_space<vmem>> -> memref<64x128xf32, #tpu.memory_space<vmem>>
    %dma_start3A_155 = arith.constant 64 : i32
    %dma_start3A_156 = tpu.memref_slice %arg8[%dma_start3A_151, %dma_start3A_155] : memref<16x128xi32, #tpu.memory_space<vmem>> -> memref<1x64xi32, #tpu.memory_space<vmem>>
    %dma_start3A_157 = tpu.memref_squeeze %dma_start3A_156 : memref<1x64xi32, #tpu.memory_space<vmem>> -> memref<64xi32, #tpu.memory_space<vmem>>
    %dma_start3A_158 = arith.constant 0 : i32
    %dma_start3A_159 = arith.constant 0 : i32
    %dma_start3A_160 = tpu.memref_slice %arg2[%dma_start3A_158, %dma_start3A_159] : memref<80000x128xf32, #tpu.memory_space<hbm>> -> memref<80000x128xf32, #tpu.memory_space<hbm>>
    tpu.enqueue_indirect_dma source(%dma_start3A_160 : memref<80000x128xf32, #tpu.memory_space<hbm>>) target(%dma_start3A_154 : memref<64x128xf32, #tpu.memory_space<vmem>>) offsets(%dma_start3A_157 : memref<64xi32, #tpu.memory_space<vmem>>) semaphore(%arg16 : memref<!tpu.dma_semaphore, #tpu.memory_space<semaphore_mem>>)
    %dma_start3A_161 = arith.constant 1 : i32
    %dma_start3A_162 = arith.constant 0 : i32
    %dma_start3A_163 = arith.constant 0 : i32
    %dma_start3A_164 = tpu.memref_slice %arg14[%dma_start3A_162, %dma_start3A_163] : memref<128x128xf32, #tpu.memory_space<vmem>> -> memref<64x128xf32, #tpu.memory_space<vmem>>
    %dma_start3A_165 = arith.constant 0 : i32
    %dma_start3A_166 = tpu.memref_slice %arg8[%dma_start3A_161, %dma_start3A_165] : memref<16x128xi32, #tpu.memory_space<vmem>> -> memref<1x64xi32, #tpu.memory_space<vmem>>
    %dma_start3A_167 = tpu.memref_squeeze %dma_start3A_166 : memref<1x64xi32, #tpu.memory_space<vmem>> -> memref<64xi32, #tpu.memory_space<vmem>>
    %dma_start3A_168 = arith.constant 0 : i32
    %dma_start3A_169 = arith.constant 0 : i32
    %dma_start3A_170 = tpu.memref_slice %arg2[%dma_start3A_168, %dma_start3A_169] : memref<80000x128xf32, #tpu.memory_space<hbm>> -> memref<80000x128xf32, #tpu.memory_space<hbm>>
    tpu.enqueue_indirect_dma source(%dma_start3A_170 : memref<80000x128xf32, #tpu.memory_space<hbm>>) target(%dma_start3A_164 : memref<64x128xf32, #tpu.memory_space<vmem>>) offsets(%dma_start3A_167 : memref<64xi32, #tpu.memory_space<vmem>>) semaphore(%arg17 : memref<!tpu.dma_semaphore, #tpu.memory_space<semaphore_mem>>)
    %dma_start3A_171 = arith.constant 1 : i32
    %dma_start3A_172 = arith.constant 64 : i32
    %dma_start3A_173 = arith.constant 0 : i32
    %dma_start3A_174 = tpu.memref_slice %arg14[%dma_start3A_172, %dma_start3A_173] : memref<128x128xf32, #tpu.memory_space<vmem>> -> memref<64x128xf32, #tpu.memory_space<vmem>>
    %dma_start3A_175 = arith.constant 64 : i32
    %dma_start3A_176 = tpu.memref_slice %arg8[%dma_start3A_171, %dma_start3A_175] : memref<16x128xi32, #tpu.memory_space<vmem>> -> memref<1x64xi32, #tpu.memory_space<vmem>>
    %dma_start3A_177 = tpu.memref_squeeze %dma_start3A_176 : memref<1x64xi32, #tpu.memory_space<vmem>> -> memref<64xi32, #tpu.memory_space<vmem>>
    %dma_start3A_178 = arith.constant 0 : i32
    %dma_start3A_179 = arith.constant 0 : i32
    %dma_start3A_180 = tpu.memref_slice %arg2[%dma_start3A_178, %dma_start3A_179] : memref<80000x128xf32, #tpu.memory_space<hbm>> -> memref<80000x128xf32, #tpu.memory_space<hbm>>
    tpu.enqueue_indirect_dma source(%dma_start3A_180 : memref<80000x128xf32, #tpu.memory_space<hbm>>) target(%dma_start3A_174 : memref<64x128xf32, #tpu.memory_space<vmem>>) offsets(%dma_start3A_177 : memref<64xi32, #tpu.memory_space<vmem>>) semaphore(%arg17 : memref<!tpu.dma_semaphore, #tpu.memory_space<semaphore_mem>>)
    %scan3A_181 = arith.constant 0 : i32
    %scan3A_182 = arith.constant 8 : i32
    %scan3A_183 = arith.addi %scan3A_181, %scan3A_182 : i32
    %scan3A_184 = arith.constant 1 : i32
    scf.for %scan3A_404 = %scan3A_181 to %scan3A_183 step %scan3A_184  : i32 {
      %mul3A_405 = arith.constant 2 : i32
      %mul3A_406 = arith.muli %scan3A_404, %mul3A_405 : i32
      %add3A_407 = arith.constant 0 : i32
      %add3A_408 = arith.addi %add3A_407, %mul3A_406 : i32
      %add3A_409 = arith.constant 0 : i32
      %add3A_410 = arith.addi %add3A_408, %add3A_409 : i32
      %dma_wait3A_411 = arith.constant 0 : i32
      %dma_wait3A_412 = arith.constant 0 : i32
      %dma_wait3A_413 = arith.constant 0 : i32
      %dma_wait3A_414 = tpu.memref_slice %arg13[%dma_wait3A_412, %dma_wait3A_413] : memref<128x128xf32, #tpu.memory_space<vmem>> -> memref<64x128xf32, #tpu.memory_space<vmem>>
      %dma_wait3A_415 = arith.constant 0 : i32
      %dma_wait3A_416 = tpu.memref_slice %arg8[%dma_wait3A_411, %dma_wait3A_415] : memref<16x128xi32, #tpu.memory_space<vmem>> -> memref<1x64xi32, #tpu.memory_space<vmem>>
      %dma_wait3A_417 = tpu.memref_squeeze %dma_wait3A_416 : memref<1x64xi32, #tpu.memory_space<vmem>> -> memref<64xi32, #tpu.memory_space<vmem>>
      %dma_wait3A_418 = arith.constant 0 : i32
      %dma_wait3A_419 = arith.constant 0 : i32
      %dma_wait3A_420 = tpu.memref_slice %arg2[%dma_wait3A_418, %dma_wait3A_419] : memref<80000x128xf32, #tpu.memory_space<hbm>> -> memref<80000x128xf32, #tpu.memory_space<hbm>>
      tpu.wait_indirect_dma semaphore(%arg16 : memref<!tpu.dma_semaphore, #tpu.memory_space<semaphore_mem>>) src(%dma_wait3A_420 : memref<80000x128xf32, #tpu.memory_space<hbm>>) dst(%dma_wait3A_414 : memref<64x128xf32, #tpu.memory_space<vmem>>)
      %dma_wait3A_421 = arith.constant 0 : i32
      %dma_wait3A_422 = arith.constant 64 : i32
      %dma_wait3A_423 = arith.constant 0 : i32
      %dma_wait3A_424 = tpu.memref_slice %arg13[%dma_wait3A_422, %dma_wait3A_423] : memref<128x128xf32, #tpu.memory_space<vmem>> -> memref<64x128xf32, #tpu.memory_space<vmem>>
      %dma_wait3A_425 = arith.constant 64 : i32
      %dma_wait3A_426 = tpu.memref_slice %arg8[%dma_wait3A_421, %dma_wait3A_425] : memref<16x128xi32, #tpu.memory_space<vmem>> -> memref<1x64xi32, #tpu.memory_space<vmem>>
      %dma_wait3A_427 = tpu.memref_squeeze %dma_wait3A_426 : memref<1x64xi32, #tpu.memory_space<vmem>> -> memref<64xi32, #tpu.memory_space<vmem>>
      %dma_wait3A_428 = arith.constant 0 : i32
      %dma_wait3A_429 = arith.constant 0 : i32
      %dma_wait3A_430 = tpu.memref_slice %arg2[%dma_wait3A_428, %dma_wait3A_429] : memref<80000x128xf32, #tpu.memory_space<hbm>> -> memref<80000x128xf32, #tpu.memory_space<hbm>>
      tpu.wait_indirect_dma semaphore(%arg16 : memref<!tpu.dma_semaphore, #tpu.memory_space<semaphore_mem>>) src(%dma_wait3A_430 : memref<80000x128xf32, #tpu.memory_space<hbm>>) dst(%dma_wait3A_424 : memref<64x128xf32, #tpu.memory_space<vmem>>)
      %parallel_loop3A = arith.constant 0 : i32
      %parallel_loop3A_431 = arith.constant 128 : i32
      %parallel_loop3A_432 = arith.constant 1 : i32
      scf.for %parallel_loop3A_499 = %parallel_loop3A to %parallel_loop3A_431 step %parallel_loop3A_432  : i32 {
        %parallel_loop3A_500 = arith.constant 0 : i32
        %parallel_loop3A_501 = vector.broadcast %parallel_loop3A_500 : i32 to vector<16xi32>
        %parallel_loop3A_502 = vector.broadcast %add3A_410 : i32 to vector<16xi32>
        %parallel_loop3A_503 = arith.addi %parallel_loop3A_501, %parallel_loop3A_502 : vector<16xi32>
        %parallel_loop3A_504 = vector.broadcast %parallel_loop3A_499 : i32 to vector<16xi32>
        %parallel_loop3A_505 = arith.addi %parallel_loop3A_501, %parallel_loop3A_504 : vector<16xi32>
        %parallel_loop3A_506 = tpu.vector_load_idx %arg12[%parallel_loop3A_503, %parallel_loop3A_505] : memref<16x128xf32, #tpu.memory_space<vmem>>[vector<16xi32>, vector<16xi32>], vector<16xf32>,
        %parallel_loop3A_507 = arith.index_cast %parallel_loop3A_499 : i32 to index
        %parallel_loop3A_508 = arith.constant 0 : index
        %parallel_loop3A_509 = tpu.vector_load %arg13[%parallel_loop3A_507, %parallel_loop3A_508] {strides = array<i32>} : memref<128x128xf32, #tpu.memory_space<vmem>>, vector<16xf32>,
        %parallel_loop3A_510 = arith.mulf %parallel_loop3A_509, %parallel_loop3A_506 : vector<16xf32>
        %parallel_loop3A_511 = arith.index_cast %parallel_loop3A_499 : i32 to index
        %parallel_loop3A_512 = arith.constant 0 : index
        %parallel_loop3A_513 = tpu.vector_load %arg13[%parallel_loop3A_511, %parallel_loop3A_512] {strides = array<i32>} : memref<128x128xf32, #tpu.memory_space<vmem>>, vector<16xf32>,
        tpu.vector_store %arg13[%parallel_loop3A_511, %parallel_loop3A_512], %parallel_loop3A_510 {strides = array<i32>} : memref<128x128xf32, #tpu.memory_space<vmem>>, vector<16xf32>,
        %parallel_loop3A_514 = arith.index_cast %parallel_loop3A_499 : i32 to index
        %parallel_loop3A_515 = arith.constant 16 : index
        %parallel_loop3A_516 = tpu.vector_load %arg13[%parallel_loop3A_514, %parallel_loop3A_515] {strides = array<i32>} : memref<128x128xf32, #tpu.memory_space<vmem>>, vector<16xf32>,
        %parallel_loop3A_517 = arith.mulf %parallel_loop3A_516, %parallel_loop3A_506 : vector<16xf32>
        %parallel_loop3A_518 = arith.index_cast %parallel_loop3A_499 : i32 to index
        %parallel_loop3A_519 = arith.constant 16 : index
        %parallel_loop3A_520 = tpu.vector_load %arg13[%parallel_loop3A_518, %parallel_loop3A_519] {strides = array<i32>} : memref<128x128xf32, #tpu.memory_space<vmem>>, vector<16xf32>,
        tpu.vector_store %arg13[%parallel_loop3A_518, %parallel_loop3A_519], %parallel_loop3A_517 {strides = array<i32>} : memref<128x128xf32, #tpu.memory_space<vmem>>, vector<16xf32>,
        %parallel_loop3A_521 = arith.index_cast %parallel_loop3A_499 : i32 to index
        %parallel_loop3A_522 = arith.constant 32 : index
        %parallel_loop3A_523 = tpu.vector_load %arg13[%parallel_loop3A_521, %parallel_loop3A_522] {strides = array<i32>} : memref<128x128xf32, #tpu.memory_space<vmem>>, vector<16xf32>,
        %parallel_loop3A_524 = arith.mulf %parallel_loop3A_523, %parallel_loop3A_506 : vector<16xf32>
        %parallel_loop3A_525 = arith.index_cast %parallel_loop3A_499 : i32 to index
        %parallel_loop3A_526 = arith.constant 32 : index
        %parallel_loop3A_527 = tpu.vector_load %arg13[%parallel_loop3A_525, %parallel_loop3A_526] {strides = array<i32>} : memref<128x128xf32, #tpu.memory_space<vmem>>, vector<16xf32>,
        tpu.vector_store %arg13[%parallel_loop3A_525, %parallel_loop3A_526], %parallel_loop3A_524 {strides = array<i32>} : memref<128x128xf32, #tpu.memory_space<vmem>>, vector<16xf32>,
        %parallel_loop3A_528 = arith.index_cast %parallel_loop3A_499 : i32 to index
        %parallel_loop3A_529 = arith.constant 48 : index
        %parallel_loop3A_530 = tpu.vector_load %arg13[%parallel_loop3A_528, %parallel_loop3A_529] {strides = array<i32>} : memref<128x128xf32, #tpu.memory_space<vmem>>, vector<16xf32>,
        %parallel_loop3A_531 = arith.mulf %parallel_loop3A_530, %parallel_loop3A_506 : vector<16xf32>
        %parallel_loop3A_532 = arith.index_cast %parallel_loop3A_499 : i32 to index
        %parallel_loop3A_533 = arith.constant 48 : index
        %parallel_loop3A_534 = tpu.vector_load %arg13[%parallel_loop3A_532, %parallel_loop3A_533] {strides = array<i32>} : memref<128x128xf32, #tpu.memory_space<vmem>>, vector<16xf32>,
        tpu.vector_store %arg13[%parallel_loop3A_532, %parallel_loop3A_533], %parallel_loop3A_531 {strides = array<i32>} : memref<128x128xf32, #tpu.memory_space<vmem>>, vector<16xf32>,
        %parallel_loop3A_535 = arith.index_cast %parallel_loop3A_499 : i32 to index
        %parallel_loop3A_536 = arith.constant 64 : index
        %parallel_loop3A_537 = tpu.vector_load %arg13[%parallel_loop3A_535, %parallel_loop3A_536] {strides = array<i32>} : memref<128x128xf32, #tpu.memory_space<vmem>>, vector<16xf32>,
        %parallel_loop3A_538 = arith.mulf %parallel_loop3A_537, %parallel_loop3A_506 : vector<16xf32>
        %parallel_loop3A_539 = arith.index_cast %parallel_loop3A_499 : i32 to index
        %parallel_loop3A_540 = arith.constant 64 : index
        %parallel_loop3A_541 = tpu.vector_load %arg13[%parallel_loop3A_539, %parallel_loop3A_540] {strides = array<i32>} : memref<128x128xf32, #tpu.memory_space<vmem>>, vector<16xf32>,
        tpu.vector_store %arg13[%parallel_loop3A_539, %parallel_loop3A_540], %parallel_loop3A_538 {strides = array<i32>} : memref<128x128xf32, #tpu.memory_space<vmem>>, vector<16xf32>,
        %parallel_loop3A_542 = arith.index_cast %parallel_loop3A_499 : i32 to index
        %parallel_loop3A_543 = arith.constant 80 : index
        %parallel_loop3A_544 = tpu.vector_load %arg13[%parallel_loop3A_542, %parallel_loop3A_543] {strides = array<i32>} : memref<128x128xf32, #tpu.memory_space<vmem>>, vector<16xf32>,
        %parallel_loop3A_545 = arith.mulf %parallel_loop3A_544, %parallel_loop3A_506 : vector<16xf32>
        %parallel_loop3A_546 = arith.index_cast %parallel_loop3A_499 : i32 to index
        %parallel_loop3A_547 = arith.constant 80 : index
        %parallel_loop3A_548 = tpu.vector_load %arg13[%parallel_loop3A_546, %parallel_loop3A_547] {strides = array<i32>} : memref<128x128xf32, #tpu.memory_space<vmem>>, vector<16xf32>,
        tpu.vector_store %arg13[%parallel_loop3A_546, %parallel_loop3A_547], %parallel_loop3A_545 {strides = array<i32>} : memref<128x128xf32, #tpu.memory_space<vmem>>, vector<16xf32>,
        %parallel_loop3A_549 = arith.index_cast %parallel_loop3A_499 : i32 to index
        %parallel_loop3A_550 = arith.constant 96 : index
        %parallel_loop3A_551 = tpu.vector_load %arg13[%parallel_loop3A_549, %parallel_loop3A_550] {strides = array<i32>} : memref<128x128xf32, #tpu.memory_space<vmem>>, vector<16xf32>,
        %parallel_loop3A_552 = arith.mulf %parallel_loop3A_551, %parallel_loop3A_506 : vector<16xf32>
        %parallel_loop3A_553 = arith.index_cast %parallel_loop3A_499 : i32 to index
        %parallel_loop3A_554 = arith.constant 96 : index
        %parallel_loop3A_555 = tpu.vector_load %arg13[%parallel_loop3A_553, %parallel_loop3A_554] {strides = array<i32>} : memref<128x128xf32, #tpu.memory_space<vmem>>, vector<16xf32>,
        tpu.vector_store %arg13[%parallel_loop3A_553, %parallel_loop3A_554], %parallel_loop3A_552 {strides = array<i32>} : memref<128x128xf32, #tpu.memory_space<vmem>>, vector<16xf32>,
        %parallel_loop3A_556 = arith.index_cast %parallel_loop3A_499 : i32 to index
        %parallel_loop3A_557 = arith.constant 112 : index
        %parallel_loop3A_558 = tpu.vector_load %arg13[%parallel_loop3A_556, %parallel_loop3A_557] {strides = array<i32>} : memref<128x128xf32, #tpu.memory_space<vmem>>, vector<16xf32>,
        %parallel_loop3A_559 = arith.mulf %parallel_loop3A_558, %parallel_loop3A_506 : vector<16xf32>
        %parallel_loop3A_560 = arith.index_cast %parallel_loop3A_499 : i32 to index
        %parallel_loop3A_561 = arith.constant 112 : index
        %parallel_loop3A_562 = tpu.vector_load %arg13[%parallel_loop3A_560, %parallel_loop3A_561] {strides = array<i32>} : memref<128x128xf32, #tpu.memory_space<vmem>>, vector<16xf32>,
        tpu.vector_store %arg13[%parallel_loop3A_560, %parallel_loop3A_561], %parallel_loop3A_559 {strides = array<i32>} : memref<128x128xf32, #tpu.memory_space<vmem>>, vector<16xf32>,
      } {sc.loop_unroll_factor = 4 : i64, sc.parallel_access}
      %dma_start3A_433 = arith.constant 0 : i32
      %dma_start3A_434 = tpu.memref_slice %arg10[%add3A_410, %dma_start3A_433] : memref<16x128xi32, #tpu.memory_space<vmem>> -> memref<1x128xi32, #tpu.memory_space<vmem>>
      %dma_start3A_435 = tpu.memref_squeeze %dma_start3A_434 : memref<1x128xi32, #tpu.memory_space<vmem>> -> memref<128xi32, #tpu.memory_space<vmem>>
      %dma_start3A_436 = arith.constant 0 : i32
      %dma_start3A_437 = arith.constant 0 : i32
      %dma_start3A_438 = tpu.memref_slice %arg15[%dma_start3A_436, %dma_start3A_437] : memref<10240x128xf32, #tpu.memory_space<vmem_shared>> -> memref<10240x128xf32, #tpu.memory_space<vmem_shared>>
      tpu.enqueue_indirect_dma source(%arg13 : memref<128x128xf32, #tpu.memory_space<vmem>>) target(%dma_start3A_438 : memref<10240x128xf32, #tpu.memory_space<vmem_shared>>) offsets(%dma_start3A_435 : memref<128xi32, #tpu.memory_space<vmem>>) semaphore(%arg18 : memref<!tpu.dma_semaphore, #tpu.memory_space<semaphore_mem>>) {add = true}
      %add3A_439 = arith.constant 1 : i32
      %add3A_440 = arith.addi %add3A_408, %add3A_439 : i32
      %dma_wait3A_441 = arith.constant 0 : i32
      %dma_wait3A_442 = arith.constant 0 : i32
      %dma_wait3A_443 = arith.constant 0 : i32
      %dma_wait3A_444 = tpu.memref_slice %arg14[%dma_wait3A_442, %dma_wait3A_443] : memref<128x128xf32, #tpu.memory_space<vmem>> -> memref<64x128xf32, #tpu.memory_space<vmem>>
      %dma_wait3A_445 = arith.constant 0 : i32
      %dma_wait3A_446 = tpu.memref_slice %arg8[%dma_wait3A_441, %dma_wait3A_445] : memref<16x128xi32, #tpu.memory_space<vmem>> -> memref<1x64xi32, #tpu.memory_space<vmem>>
      %dma_wait3A_447 = tpu.memref_squeeze %dma_wait3A_446 : memref<1x64xi32, #tpu.memory_space<vmem>> -> memref<64xi32, #tpu.memory_space<vmem>>
      %dma_wait3A_448 = arith.constant 0 : i32
      %dma_wait3A_449 = arith.constant 0 : i32
      %dma_wait3A_450 = tpu.memref_slice %arg2[%dma_wait3A_448, %dma_wait3A_449] : memref<80000x128xf32, #tpu.memory_space<hbm>> -> memref<80000x128xf32, #tpu.memory_space<hbm>>
      tpu.wait_indirect_dma semaphore(%arg17 : memref<!tpu.dma_semaphore, #tpu.memory_space<semaphore_mem>>) src(%dma_wait3A_450 : memref<80000x128xf32, #tpu.memory_space<hbm>>) dst(%dma_wait3A_444 : memref<64x128xf32, #tpu.memory_space<vmem>>)
      %dma_wait3A_451 = arith.constant 0 : i32
      %dma_wait3A_452 = arith.constant 64 : i32
      %dma_wait3A_453 = arith.constant 0 : i32
      %dma_wait3A_454 = tpu.memref_slice %arg14[%dma_wait3A_452, %dma_wait3A_453] : memref<128x128xf32, #tpu.memory_space<vmem>> -> memref<64x128xf32, #tpu.memory_space<vmem>>
      %dma_wait3A_455 = arith.constant 64 : i32
      %dma_wait3A_456 = tpu.memref_slice %arg8[%dma_wait3A_451, %dma_wait3A_455] : memref<16x128xi32, #tpu.memory_space<vmem>> -> memref<1x64xi32, #tpu.memory_space<vmem>>
      %dma_wait3A_457 = tpu.memref_squeeze %dma_wait3A_456 : memref<1x64xi32, #tpu.memory_space<vmem>> -> memref<64xi32, #tpu.memory_space<vmem>>
      %dma_wait3A_458 = arith.constant 0 : i32
      %dma_wait3A_459 = arith.constant 0 : i32
      %dma_wait3A_460 = tpu.memref_slice %arg2[%dma_wait3A_458, %dma_wait3A_459] : memref<80000x128xf32, #tpu.memory_space<hbm>> -> memref<80000x128xf32, #tpu.memory_space<hbm>>
      tpu.wait_indirect_dma semaphore(%arg17 : memref<!tpu.dma_semaphore, #tpu.memory_space<semaphore_mem>>) src(%dma_wait3A_460 : memref<80000x128xf32, #tpu.memory_space<hbm>>) dst(%dma_wait3A_454 : memref<64x128xf32, #tpu.memory_space<vmem>>)
      %parallel_loop3A_461 = arith.constant 0 : i32
      %parallel_loop3A_462 = arith.constant 128 : i32
      %parallel_loop3A_463 = arith.constant 1 : i32
      scf.for %parallel_loop3A_499 = %parallel_loop3A_461 to %parallel_loop3A_462 step %parallel_loop3A_463  : i32 {
        %parallel_loop3A_500 = arith.constant 0 : i32
        %parallel_loop3A_501 = vector.broadcast %parallel_loop3A_500 : i32 to vector<16xi32>
        %parallel_loop3A_502 = vector.broadcast %add3A_440 : i32 to vector<16xi32>
        %parallel_loop3A_503 = arith.addi %parallel_loop3A_501, %parallel_loop3A_502 : vector<16xi32>
        %parallel_loop3A_504 = vector.broadcast %parallel_loop3A_499 : i32 to vector<16xi32>
        %parallel_loop3A_505 = arith.addi %parallel_loop3A_501, %parallel_loop3A_504 : vector<16xi32>
        %parallel_loop3A_506 = tpu.vector_load_idx %arg12[%parallel_loop3A_503, %parallel_loop3A_505] : memref<16x128xf32, #tpu.memory_space<vmem>>[vector<16xi32>, vector<16xi32>], vector<16xf32>,
        %parallel_loop3A_507 = arith.index_cast %parallel_loop3A_499 : i32 to index
        %parallel_loop3A_508 = arith.constant 0 : index
        %parallel_loop3A_509 = tpu.vector_load %arg14[%parallel_loop3A_507, %parallel_loop3A_508] {strides = array<i32>} : memref<128x128xf32, #tpu.memory_space<vmem>>, vector<16xf32>,
        %parallel_loop3A_510 = arith.mulf %parallel_loop3A_509, %parallel_loop3A_506 : vector<16xf32>
        %parallel_loop3A_511 = arith.index_cast %parallel_loop3A_499 : i32 to index
        %parallel_loop3A_512 = arith.constant 0 : index
        %parallel_loop3A_513 = tpu.vector_load %arg14[%parallel_loop3A_511, %parallel_loop3A_512] {strides = array<i32>} : memref<128x128xf32, #tpu.memory_space<vmem>>, vector<16xf32>,
        tpu.vector_store %arg14[%parallel_loop3A_511, %parallel_loop3A_512], %parallel_loop3A_510 {strides = array<i32>} : memref<128x128xf32, #tpu.memory_space<vmem>>, vector<16xf32>,
        %parallel_loop3A_514 = arith.index_cast %parallel_loop3A_499 : i32 to index
        %parallel_loop3A_515 = arith.constant 16 : index
        %parallel_loop3A_516 = tpu.vector_load %arg14[%parallel_loop3A_514, %parallel_loop3A_515] {strides = array<i32>} : memref<128x128xf32, #tpu.memory_space<vmem>>, vector<16xf32>,
        %parallel_loop3A_517 = arith.mulf %parallel_loop3A_516, %parallel_loop3A_506 : vector<16xf32>
        %parallel_loop3A_518 = arith.index_cast %parallel_loop3A_499 : i32 to index
        %parallel_loop3A_519 = arith.constant 16 : index
        %parallel_loop3A_520 = tpu.vector_load %arg14[%parallel_loop3A_518, %parallel_loop3A_519] {strides = array<i32>} : memref<128x128xf32, #tpu.memory_space<vmem>>, vector<16xf32>,
        tpu.vector_store %arg14[%parallel_loop3A_518, %parallel_loop3A_519], %parallel_loop3A_517 {strides = array<i32>} : memref<128x128xf32, #tpu.memory_space<vmem>>, vector<16xf32>,
        %parallel_loop3A_521 = arith.index_cast %parallel_loop3A_499 : i32 to index
        %parallel_loop3A_522 = arith.constant 32 : index
        %parallel_loop3A_523 = tpu.vector_load %arg14[%parallel_loop3A_521, %parallel_loop3A_522] {strides = array<i32>} : memref<128x128xf32, #tpu.memory_space<vmem>>, vector<16xf32>,
        %parallel_loop3A_524 = arith.mulf %parallel_loop3A_523, %parallel_loop3A_506 : vector<16xf32>
        %parallel_loop3A_525 = arith.index_cast %parallel_loop3A_499 : i32 to index
        %parallel_loop3A_526 = arith.constant 32 : index
        %parallel_loop3A_527 = tpu.vector_load %arg14[%parallel_loop3A_525, %parallel_loop3A_526] {strides = array<i32>} : memref<128x128xf32, #tpu.memory_space<vmem>>, vector<16xf32>,
        tpu.vector_store %arg14[%parallel_loop3A_525, %parallel_loop3A_526], %parallel_loop3A_524 {strides = array<i32>} : memref<128x128xf32, #tpu.memory_space<vmem>>, vector<16xf32>,
        %parallel_loop3A_528 = arith.index_cast %parallel_loop3A_499 : i32 to index
        %parallel_loop3A_529 = arith.constant 48 : index
        %parallel_loop3A_530 = tpu.vector_load %arg14[%parallel_loop3A_528, %parallel_loop3A_529] {strides = array<i32>} : memref<128x128xf32, #tpu.memory_space<vmem>>, vector<16xf32>,
        %parallel_loop3A_531 = arith.mulf %parallel_loop3A_530, %parallel_loop3A_506 : vector<16xf32>
        %parallel_loop3A_532 = arith.index_cast %parallel_loop3A_499 : i32 to index
        %parallel_loop3A_533 = arith.constant 48 : index
        %parallel_loop3A_534 = tpu.vector_load %arg14[%parallel_loop3A_532, %parallel_loop3A_533] {strides = array<i32>} : memref<128x128xf32, #tpu.memory_space<vmem>>, vector<16xf32>,
        tpu.vector_store %arg14[%parallel_loop3A_532, %parallel_loop3A_533], %parallel_loop3A_531 {strides = array<i32>} : memref<128x128xf32, #tpu.memory_space<vmem>>, vector<16xf32>,
        %parallel_loop3A_535 = arith.index_cast %parallel_loop3A_499 : i32 to index
        %parallel_loop3A_536 = arith.constant 64 : index
        %parallel_loop3A_537 = tpu.vector_load %arg14[%parallel_loop3A_535, %parallel_loop3A_536] {strides = array<i32>} : memref<128x128xf32, #tpu.memory_space<vmem>>, vector<16xf32>,
        %parallel_loop3A_538 = arith.mulf %parallel_loop3A_537, %parallel_loop3A_506 : vector<16xf32>
        %parallel_loop3A_539 = arith.index_cast %parallel_loop3A_499 : i32 to index
        %parallel_loop3A_540 = arith.constant 64 : index
        %parallel_loop3A_541 = tpu.vector_load %arg14[%parallel_loop3A_539, %parallel_loop3A_540] {strides = array<i32>} : memref<128x128xf32, #tpu.memory_space<vmem>>, vector<16xf32>,
        tpu.vector_store %arg14[%parallel_loop3A_539, %parallel_loop3A_540], %parallel_loop3A_538 {strides = array<i32>} : memref<128x128xf32, #tpu.memory_space<vmem>>, vector<16xf32>,
        %parallel_loop3A_542 = arith.index_cast %parallel_loop3A_499 : i32 to index
        %parallel_loop3A_543 = arith.constant 80 : index
        %parallel_loop3A_544 = tpu.vector_load %arg14[%parallel_loop3A_542, %parallel_loop3A_543] {strides = array<i32>} : memref<128x128xf32, #tpu.memory_space<vmem>>, vector<16xf32>,
        %parallel_loop3A_545 = arith.mulf %parallel_loop3A_544, %parallel_loop3A_506 : vector<16xf32>
        %parallel_loop3A_546 = arith.index_cast %parallel_loop3A_499 : i32 to index
        %parallel_loop3A_547 = arith.constant 80 : index
        %parallel_loop3A_548 = tpu.vector_load %arg14[%parallel_loop3A_546, %parallel_loop3A_547] {strides = array<i32>} : memref<128x128xf32, #tpu.memory_space<vmem>>, vector<16xf32>,
        tpu.vector_store %arg14[%parallel_loop3A_546, %parallel_loop3A_547], %parallel_loop3A_545 {strides = array<i32>} : memref<128x128xf32, #tpu.memory_space<vmem>>, vector<16xf32>,
        %parallel_loop3A_549 = arith.index_cast %parallel_loop3A_499 : i32 to index
        %parallel_loop3A_550 = arith.constant 96 : index
        %parallel_loop3A_551 = tpu.vector_load %arg14[%parallel_loop3A_549, %parallel_loop3A_550] {strides = array<i32>} : memref<128x128xf32, #tpu.memory_space<vmem>>, vector<16xf32>,
        %parallel_loop3A_552 = arith.mulf %parallel_loop3A_551, %parallel_loop3A_506 : vector<16xf32>
        %parallel_loop3A_553 = arith.index_cast %parallel_loop3A_499 : i32 to index
        %parallel_loop3A_554 = arith.constant 96 : index
        %parallel_loop3A_555 = tpu.vector_load %arg14[%parallel_loop3A_553, %parallel_loop3A_554] {strides = array<i32>} : memref<128x128xf32, #tpu.memory_space<vmem>>, vector<16xf32>,
        tpu.vector_store %arg14[%parallel_loop3A_553, %parallel_loop3A_554], %parallel_loop3A_552 {strides = array<i32>} : memref<128x128xf32, #tpu.memory_space<vmem>>, vector<16xf32>,
        %parallel_loop3A_556 = arith.index_cast %parallel_loop3A_499 : i32 to index
        %parallel_loop3A_557 = arith.constant 112 : index
        %parallel_loop3A_558 = tpu.vector_load %arg14[%parallel_loop3A_556, %parallel_loop3A_557] {strides = array<i32>} : memref<128x128xf32, #tpu.memory_space<vmem>>, vector<16xf32>,
        %parallel_loop3A_559 = arith.mulf %parallel_loop3A_558, %parallel_loop3A_506 : vector<16xf32>
        %parallel_loop3A_560 = arith.index_cast %parallel_loop3A_499 : i32 to index
        %parallel_loop3A_561 = arith.constant 112 : index
        %parallel_loop3A_562 = tpu.vector_load %arg14[%parallel_loop3A_560, %parallel_loop3A_561] {strides = array<i32>} : memref<128x128xf32, #tpu.memory_space<vmem>>, vector<16xf32>,
        tpu.vector_store %arg14[%parallel_loop3A_560, %parallel_loop3A_561], %parallel_loop3A_559 {strides = array<i32>} : memref<128x128xf32, #tpu.memory_space<vmem>>, vector<16xf32>,
      } {sc.loop_unroll_factor = 4 : i64, sc.parallel_access}
      %dma_start3A_464 = arith.constant 0 : i32
      %dma_start3A_465 = tpu.memref_slice %arg10[%add3A_440, %dma_start3A_464] : memref<16x128xi32, #tpu.memory_space<vmem>> -> memref<1x128xi32, #tpu.memory_space<vmem>>
      %dma_start3A_466 = tpu.memref_squeeze %dma_start3A_465 : memref<1x128xi32, #tpu.memory_space<vmem>> -> memref<128xi32, #tpu.memory_space<vmem>>
      %dma_start3A_467 = arith.constant 0 : i32
      %dma_start3A_468 = arith.constant 0 : i32
      %dma_start3A_469 = tpu.memref_slice %arg15[%dma_start3A_467, %dma_start3A_468] : memref<10240x128xf32, #tpu.memory_space<vmem_shared>> -> memref<10240x128xf32, #tpu.memory_space<vmem_shared>>
      tpu.enqueue_indirect_dma source(%arg14 : memref<128x128xf32, #tpu.memory_space<vmem>>) target(%dma_start3A_469 : memref<10240x128xf32, #tpu.memory_space<vmem_shared>>) offsets(%dma_start3A_466 : memref<128xi32, #tpu.memory_space<vmem>>) semaphore(%arg19 : memref<!tpu.dma_semaphore, #tpu.memory_space<semaphore_mem>>) {add = true}
      %dma_wait3A_470 = arith.constant 0 : i32
      %dma_wait3A_471 = arith.constant 0 : i32
      %dma_wait3A_472 = tpu.memref_slice %arg10[%dma_wait3A_470, %dma_wait3A_471] : memref<16x128xi32, #tpu.memory_space<vmem>> -> memref<1x128xi32, #tpu.memory_space<vmem>>
      %dma_wait3A_473 = tpu.memref_squeeze %dma_wait3A_472 : memref<1x128xi32, #tpu.memory_space<vmem>> -> memref<128xi32, #tpu.memory_space<vmem>>
      %dma_wait3A_474 = arith.constant 0 : i32
      %dma_wait3A_475 = arith.constant 0 : i32
      %dma_wait3A_476 = tpu.memref_slice %arg15[%dma_wait3A_474, %dma_wait3A_475] : memref<10240x128xf32, #tpu.memory_space<vmem_shared>> -> memref<10240x128xf32, #tpu.memory_space<vmem_shared>>
      tpu.wait_indirect_dma semaphore(%arg18 : memref<!tpu.dma_semaphore, #tpu.memory_space<semaphore_mem>>) src(%arg13 : memref<128x128xf32, #tpu.memory_space<vmem>>) dst(%dma_wait3A_476 : memref<10240x128xf32, #tpu.memory_space<vmem_shared>>)
      %add3A_477 = arith.constant 2 : i32
      %add3A_478 = arith.addi %add3A_408, %add3A_477 : i32
      %add3A_479 = arith.constant 0 : i32
      %add3A_480 = arith.addi %add3A_478, %add3A_479 : i32
      %lt3A = arith.constant 16 : i32
      %lt3A_481 = arith.cmpi slt, %add3A_480, %lt3A : i32
      %convert_element_type3A = arith.extui %lt3A_481 : i1 to i32
      %cond3A = arith.constant 0 : i32
      %cond3A_482 = arith.cmpi ne, %convert_element_type3A, %cond3A : i32
      scf.if %cond3A_482 {
        %dma_start3A_499 = arith.constant 0 : i32
        %dma_start3A_500 = arith.constant 0 : i32
        %dma_start3A_501 = tpu.memref_slice %arg13[%dma_start3A_499, %dma_start3A_500] : memref<128x128xf32, #tpu.memory_space<vmem>> -> memref<64x128xf32, #tpu.memory_space<vmem>>
        %dma_start3A_502 = arith.constant 0 : i32
        %dma_start3A_503 = tpu.memref_slice %arg8[%add3A_480, %dma_start3A_502] : memref<16x128xi32, #tpu.memory_space<vmem>> -> memref<1x64xi32, #tpu.memory_space<vmem>>
        %dma_start3A_504 = tpu.memref_squeeze %dma_start3A_503 : memref<1x64xi32, #tpu.memory_space<vmem>> -> memref<64xi32, #tpu.memory_space<vmem>>
        %dma_start3A_505 = arith.constant 0 : i32
        %dma_start3A_506 = arith.constant 0 : i32
        %dma_start3A_507 = tpu.memref_slice %arg2[%dma_start3A_505, %dma_start3A_506] : memref<80000x128xf32, #tpu.memory_space<hbm>> -> memref<80000x128xf32, #tpu.memory_space<hbm>>
        tpu.enqueue_indirect_dma source(%dma_start3A_507 : memref<80000x128xf32, #tpu.memory_space<hbm>>) target(%dma_start3A_501 : memref<64x128xf32, #tpu.memory_space<vmem>>) offsets(%dma_start3A_504 : memref<64xi32, #tpu.memory_space<vmem>>) semaphore(%arg16 : memref<!tpu.dma_semaphore, #tpu.memory_space<semaphore_mem>>)
        %dma_start3A_508 = arith.constant 64 : i32
        %dma_start3A_509 = arith.constant 0 : i32
        %dma_start3A_510 = tpu.memref_slice %arg13[%dma_start3A_508, %dma_start3A_509] : memref<128x128xf32, #tpu.memory_space<vmem>> -> memref<64x128xf32, #tpu.memory_space<vmem>>
        %dma_start3A_511 = arith.constant 64 : i32
        %dma_start3A_512 = tpu.memref_slice %arg8[%add3A_480, %dma_start3A_511] : memref<16x128xi32, #tpu.memory_space<vmem>> -> memref<1x64xi32, #tpu.memory_space<vmem>>
        %dma_start3A_513 = tpu.memref_squeeze %dma_start3A_512 : memref<1x64xi32, #tpu.memory_space<vmem>> -> memref<64xi32, #tpu.memory_space<vmem>>
        %dma_start3A_514 = arith.constant 0 : i32
        %dma_start3A_515 = arith.constant 0 : i32
        %dma_start3A_516 = tpu.memref_slice %arg2[%dma_start3A_514, %dma_start3A_515] : memref<80000x128xf32, #tpu.memory_space<hbm>> -> memref<80000x128xf32, #tpu.memory_space<hbm>>
        tpu.enqueue_indirect_dma source(%dma_start3A_516 : memref<80000x128xf32, #tpu.memory_space<hbm>>) target(%dma_start3A_510 : memref<64x128xf32, #tpu.memory_space<vmem>>) offsets(%dma_start3A_513 : memref<64xi32, #tpu.memory_space<vmem>>) semaphore(%arg16 : memref<!tpu.dma_semaphore, #tpu.memory_space<semaphore_mem>>)
      } else {
      }
      %dma_wait3A_483 = arith.constant 0 : i32
      %dma_wait3A_484 = arith.constant 0 : i32
      %dma_wait3A_485 = tpu.memref_slice %arg10[%dma_wait3A_483, %dma_wait3A_484] : memref<16x128xi32, #tpu.memory_space<vmem>> -> memref<1x128xi32, #tpu.memory_space<vmem>>
      %dma_wait3A_486 = tpu.memref_squeeze %dma_wait3A_485 : memref<1x128xi32, #tpu.memory_space<vmem>> -> memref<128xi32, #tpu.memory_space<vmem>>
      %dma_wait3A_487 = arith.constant 0 : i32
      %dma_wait3A_488 = arith.constant 0 : i32
      %dma_wait3A_489 = tpu.memref_slice %arg15[%dma_wait3A_487, %dma_wait3A_488] : memref<10240x128xf32, #tpu.memory_space<vmem_shared>> -> memref<10240x128xf32, #tpu.memory_space<vmem_shared>>
      tpu.wait_indirect_dma semaphore(%arg19 : memref<!tpu.dma_semaphore, #tpu.memory_space<semaphore_mem>>) src(%arg14 : memref<128x128xf32, #tpu.memory_space<vmem>>) dst(%dma_wait3A_489 : memref<10240x128xf32, #tpu.memory_space<vmem_shared>>)
      %add3A_490 = arith.constant 2 : i32
      %add3A_491 = arith.addi %add3A_408, %add3A_490 : i32
      %add3A_492 = arith.constant 1 : i32
      %add3A_493 = arith.addi %add3A_491, %add3A_492 : i32
      %lt3A_494 = arith.constant 16 : i32
      %lt3A_495 = arith.cmpi slt, %add3A_493, %lt3A_494 : i32
      %convert_element_type3A_496 = arith.extui %lt3A_495 : i1 to i32
      %cond3A_497 = arith.constant 0 : i32
      %cond3A_498 = arith.cmpi ne, %convert_element_type3A_496, %cond3A_497 : i32
      scf.if %cond3A_498 {
        %dma_start3A_499 = arith.constant 0 : i32
        %dma_start3A_500 = arith.constant 0 : i32
        %dma_start3A_501 = tpu.memref_slice %arg14[%dma_start3A_499, %dma_start3A_500] : memref<128x128xf32, #tpu.memory_space<vmem>> -> memref<64x128xf32, #tpu.memory_space<vmem>>
        %dma_start3A_502 = arith.constant 0 : i32
        %dma_start3A_503 = tpu.memref_slice %arg8[%add3A_493, %dma_start3A_502] : memref<16x128xi32, #tpu.memory_space<vmem>> -> memref<1x64xi32, #tpu.memory_space<vmem>>
        %dma_start3A_504 = tpu.memref_squeeze %dma_start3A_503 : memref<1x64xi32, #tpu.memory_space<vmem>> -> memref<64xi32, #tpu.memory_space<vmem>>
        %dma_start3A_505 = arith.constant 0 : i32
        %dma_start3A_506 = arith.constant 0 : i32
        %dma_start3A_507 = tpu.memref_slice %arg2[%dma_start3A_505, %dma_start3A_506] : memref<80000x128xf32, #tpu.memory_space<hbm>> -> memref<80000x128xf32, #tpu.memory_space<hbm>>
        tpu.enqueue_indirect_dma source(%dma_start3A_507 : memref<80000x128xf32, #tpu.memory_space<hbm>>) target(%dma_start3A_501 : memref<64x128xf32, #tpu.memory_space<vmem>>) offsets(%dma_start3A_504 : memref<64xi32, #tpu.memory_space<vmem>>) semaphore(%arg17 : memref<!tpu.dma_semaphore, #tpu.memory_space<semaphore_mem>>)
        %dma_start3A_508 = arith.constant 64 : i32
        %dma_start3A_509 = arith.constant 0 : i32
        %dma_start3A_510 = tpu.memref_slice %arg14[%dma_start3A_508, %dma_start3A_509] : memref<128x128xf32, #tpu.memory_space<vmem>> -> memref<64x128xf32, #tpu.memory_space<vmem>>
        %dma_start3A_511 = arith.constant 64 : i32
        %dma_start3A_512 = tpu.memref_slice %arg8[%add3A_493, %dma_start3A_511] : memref<16x128xi32, #tpu.memory_space<vmem>> -> memref<1x64xi32, #tpu.memory_space<vmem>>
        %dma_start3A_513 = tpu.memref_squeeze %dma_start3A_512 : memref<1x64xi32, #tpu.memory_space<vmem>> -> memref<64xi32, #tpu.memory_space<vmem>>
        %dma_start3A_514 = arith.constant 0 : i32
        %dma_start3A_515 = arith.constant 0 : i32
        %dma_start3A_516 = tpu.memref_slice %arg2[%dma_start3A_514, %dma_start3A_515] : memref<80000x128xf32, #tpu.memory_space<hbm>> -> memref<80000x128xf32, #tpu.memory_space<hbm>>
        tpu.enqueue_indirect_dma source(%dma_start3A_516 : memref<80000x128xf32, #tpu.memory_space<hbm>>) target(%dma_start3A_510 : memref<64x128xf32, #tpu.memory_space<vmem>>) offsets(%dma_start3A_513 : memref<64xi32, #tpu.memory_space<vmem>>) semaphore(%arg17 : memref<!tpu.dma_semaphore, #tpu.memory_space<semaphore_mem>>)
      } else {
      }
    }
    %scan3A_185 = arith.constant 8 : i32
    %dma_wait3A_186 = arith.constant 0 : i32
    %dma_wait3A_187 = arith.constant 0 : i32
    %dma_wait3A_188 = tpu.memref_slice %arg3[%dma_wait3A_186, %dma_wait3A_187] : memref<2560x128xi32, #tpu.memory_space<hbm>> -> memref<16x128xi32, #tpu.memory_space<hbm>>
    %dma_wait3A_189 = arith.constant 0 : i32
    %dma_wait3A_190 = arith.constant 0 : i32
    %dma_wait3A_191 = tpu.memref_slice %arg3[%dma_wait3A_189, %dma_wait3A_190] : memref<2560x128xi32, #tpu.memory_space<hbm>> -> memref<16x128xi32, #tpu.memory_space<hbm>>
    tpu.wait_dma2 semaphore(%arg20 : memref<!tpu.dma_semaphore, #tpu.memory_space<semaphore_mem>>) src(%dma_wait3A_191 : memref<16x128xi32, #tpu.memory_space<hbm>>) dst(%arg7 : memref<16x128xi32, #tpu.memory_space<vmem>>)
    %dma_wait3A_192 = arith.constant 0 : i32
    %dma_wait3A_193 = arith.constant 0 : i32
    %dma_wait3A_194 = tpu.memref_slice %arg4[%dma_wait3A_192, %dma_wait3A_193] : memref<2560x128xi32, #tpu.memory_space<hbm>> -> memref<16x128xi32, #tpu.memory_space<hbm>>
    %dma_wait3A_195 = arith.constant 0 : i32
    %dma_wait3A_196 = arith.constant 0 : i32
    %dma_wait3A_197 = tpu.memref_slice %arg4[%dma_wait3A_195, %dma_wait3A_196] : memref<2560x128xi32, #tpu.memory_space<hbm>> -> memref<16x128xi32, #tpu.memory_space<hbm>>
    tpu.wait_dma2 semaphore(%arg20 : memref<!tpu.dma_semaphore, #tpu.memory_space<semaphore_mem>>) src(%dma_wait3A_197 : memref<16x128xi32, #tpu.memory_space<hbm>>) dst(%arg9 : memref<16x128xi32, #tpu.memory_space<vmem>>)
    %dma_wait3A_198 = arith.constant 0 : i32
    %dma_wait3A_199 = arith.constant 0 : i32
    %dma_wait3A_200 = tpu.memref_slice %arg5[%dma_wait3A_198, %dma_wait3A_199] : memref<2560x128xf32, #tpu.memory_space<hbm>> -> memref<16x128xf32, #tpu.memory_space<hbm>>
    %dma_wait3A_201 = arith.constant 0 : i32
    %dma_wait3A_202 = arith.constant 0 : i32
    %dma_wait3A_203 = tpu.memref_slice %arg5[%dma_wait3A_201, %dma_wait3A_202] : memref<2560x128xf32, #tpu.memory_space<hbm>> -> memref<16x128xf32, #tpu.memory_space<hbm>>
    tpu.wait_dma2 semaphore(%arg20 : memref<!tpu.dma_semaphore, #tpu.memory_space<semaphore_mem>>) src(%dma_wait3A_203 : memref<16x128xf32, #tpu.memory_space<hbm>>) dst(%arg11 : memref<16x128xf32, #tpu.memory_space<vmem>>)
    %add3A_204 = arith.constant 48 : i32
    %add3A_205 = arith.addi %mul3A_19, %add3A_204 : i32
    %dma_start3A_206 = arith.constant 0 : i32
    %dma_start3A_207 = tpu.memref_slice %arg3[%add3A_205, %dma_start3A_206] : memref<2560x128xi32, #tpu.memory_space<hbm>> -> memref<16x128xi32, #tpu.memory_space<hbm>>
    %dma_start3A_208 = arith.constant 0 : i32
    %dma_start3A_209 = tpu.memref_slice %arg3[%add3A_205, %dma_start3A_208] : memref<2560x128xi32, #tpu.memory_space<hbm>> -> memref<16x128xi32, #tpu.memory_space<hbm>>
    tpu.enqueue_dma source(%dma_start3A_209 : memref<16x128xi32, #tpu.memory_space<hbm>>) target(%arg8 : memref<16x128xi32, #tpu.memory_space<vmem>>) target_semaphore(%arg21 : memref<!tpu.dma_semaphore, #tpu.memory_space<semaphore_mem>>)
    %dma_start3A_210 = arith.constant 0 : i32
    %dma_start3A_211 = tpu.memref_slice %arg4[%add3A_205, %dma_start3A_210] : memref<2560x128xi32, #tpu.memory_space<hbm>> -> memref<16x128xi32, #tpu.memory_space<hbm>>
    %dma_start3A_212 = arith.constant 0 : i32
    %dma_start3A_213 = tpu.memref_slice %arg4[%add3A_205, %dma_start3A_212] : memref<2560x128xi32, #tpu.memory_space<hbm>> -> memref<16x128xi32, #tpu.memory_space<hbm>>
    tpu.enqueue_dma source(%dma_start3A_213 : memref<16x128xi32, #tpu.memory_space<hbm>>) target(%arg10 : memref<16x128xi32, #tpu.memory_space<vmem>>) target_semaphore(%arg21 : memref<!tpu.dma_semaphore, #tpu.memory_space<semaphore_mem>>)
    %dma_start3A_214 = arith.constant 0 : i32
    %dma_start3A_215 = tpu.memref_slice %arg5[%add3A_205, %dma_start3A_214] : memref<2560x128xf32, #tpu.memory_space<hbm>> -> memref<16x128xf32, #tpu.memory_space<hbm>>
    %dma_start3A_216 = arith.constant 0 : i32
    %dma_start3A_217 = tpu.memref_slice %arg5[%add3A_205, %dma_start3A_216] : memref<2560x128xf32, #tpu.memory_space<hbm>> -> memref<16x128xf32, #tpu.memory_space<hbm>>
    tpu.enqueue_dma source(%dma_start3A_217 : memref<16x128xf32, #tpu.memory_space<hbm>>) target(%arg12 : memref<16x128xf32, #tpu.memory_space<vmem>>) target_semaphore(%arg21 : memref<!tpu.dma_semaphore, #tpu.memory_space<semaphore_mem>>)
    %dma_start3A_218 = arith.constant 0 : i32
    %dma_start3A_219 = arith.constant 0 : i32
    %dma_start3A_220 = arith.constant 0 : i32
    %dma_start3A_221 = tpu.memref_slice %arg13[%dma_start3A_219, %dma_start3A_220] : memref<128x128xf32, #tpu.memory_space<vmem>> -> memref<64x128xf32, #tpu.memory_space<vmem>>
    %dma_start3A_222 = arith.constant 0 : i32
    %dma_start3A_223 = tpu.memref_slice %arg7[%dma_start3A_218, %dma_start3A_222] : memref<16x128xi32, #tpu.memory_space<vmem>> -> memref<1x64xi32, #tpu.memory_space<vmem>>
    %dma_start3A_224 = tpu.memref_squeeze %dma_start3A_223 : memref<1x64xi32, #tpu.memory_space<vmem>> -> memref<64xi32, #tpu.memory_space<vmem>>
    %dma_start3A_225 = arith.constant 0 : i32
    %dma_start3A_226 = arith.constant 0 : i32
    %dma_start3A_227 = tpu.memref_slice %arg2[%dma_start3A_225, %dma_start3A_226] : memref<80000x128xf32, #tpu.memory_space<hbm>> -> memref<80000x128xf32, #tpu.memory_space<hbm>>
    tpu.enqueue_indirect_dma source(%dma_start3A_227 : memref<80000x128xf32, #tpu.memory_space<hbm>>) target(%dma_start3A_221 : memref<64x128xf32, #tpu.memory_space<vmem>>) offsets(%dma_start3A_224 : memref<64xi32, #tpu.memory_space<vmem>>) semaphore(%arg16 : memref<!tpu.dma_semaphore, #tpu.memory_space<semaphore_mem>>)
    %dma_start3A_228 = arith.constant 0 : i32
    %dma_start3A_229 = arith.constant 64 : i32
    %dma_start3A_230 = arith.constant 0 : i32
    %dma_start3A_231 = tpu.memref_slice %arg13[%dma_start3A_229, %dma_start3A_230] : memref<128x128xf32, #tpu.memory_space<vmem>> -> memref<64x128xf32, #tpu.memory_space<vmem>>
    %dma_start3A_232 = arith.constant 64 : i32
    %dma_start3A_233 = tpu.memref_slice %arg7[%dma_start3A_228, %dma_start3A_232] : memref<16x128xi32, #tpu.memory_space<vmem>> -> memref<1x64xi32, #tpu.memory_space<vmem>>
    %dma_start3A_234 = tpu.memref_squeeze %dma_start3A_233 : memref<1x64xi32, #tpu.memory_space<vmem>> -> memref<64xi32, #tpu.memory_space<vmem>>
    %dma_start3A_235 = arith.constant 0 : i32
    %dma_start3A_236 = arith.constant 0 : i32
    %dma_start3A_237 = tpu.memref_slice %arg2[%dma_start3A_235, %dma_start3A_236] : memref<80000x128xf32, #tpu.memory_space<hbm>> -> memref<80000x128xf32, #tpu.memory_space<hbm>>
    tpu.enqueue_indirect_dma source(%dma_start3A_237 : memref<80000x128xf32, #tpu.memory_space<hbm>>) target(%dma_start3A_231 : memref<64x128xf32, #tpu.memory_space<vmem>>) offsets(%dma_start3A_234 : memref<64xi32, #tpu.memory_space<vmem>>) semaphore(%arg16 : memref<!tpu.dma_semaphore, #tpu.memory_space<semaphore_mem>>)
    %dma_start3A_238 = arith.constant 1 : i32
    %dma_start3A_239 = arith.constant 0 : i32
    %dma_start3A_240 = arith.constant 0 : i32
    %dma_start3A_241 = tpu.memref_slice %arg14[%dma_start3A_239, %dma_start3A_240] : memref<128x128xf32, #tpu.memory_space<vmem>> -> memref<64x128xf32, #tpu.memory_space<vmem>>
    %dma_start3A_242 = arith.constant 0 : i32
    %dma_start3A_243 = tpu.memref_slice %arg7[%dma_start3A_238, %dma_start3A_242] : memref<16x128xi32, #tpu.memory_space<vmem>> -> memref<1x64xi32, #tpu.memory_space<vmem>>
    %dma_start3A_244 = tpu.memref_squeeze %dma_start3A_243 : memref<1x64xi32, #tpu.memory_space<vmem>> -> memref<64xi32, #tpu.memory_space<vmem>>
    %dma_start3A_245 = arith.constant 0 : i32
    %dma_start3A_246 = arith.constant 0 : i32
    %dma_start3A_247 = tpu.memref_slice %arg2[%dma_start3A_245, %dma_start3A_246] : memref<80000x128xf32, #tpu.memory_space<hbm>> -> memref<80000x128xf32, #tpu.memory_space<hbm>>
    tpu.enqueue_indirect_dma source(%dma_start3A_247 : memref<80000x128xf32, #tpu.memory_space<hbm>>) target(%dma_start3A_241 : memref<64x128xf32, #tpu.memory_space<vmem>>) offsets(%dma_start3A_244 : memref<64xi32, #tpu.memory_space<vmem>>) semaphore(%arg17 : memref<!tpu.dma_semaphore, #tpu.memory_space<semaphore_mem>>)
    %dma_start3A_248 = arith.constant 1 : i32
    %dma_start3A_249 = arith.constant 64 : i32
    %dma_start3A_250 = arith.constant 0 : i32
    %dma_start3A_251 = tpu.memref_slice %arg14[%dma_start3A_249, %dma_start3A_250] : memref<128x128xf32, #tpu.memory_space<vmem>> -> memref<64x128xf32, #tpu.memory_space<vmem>>
    %dma_start3A_252 = arith.constant 64 : i32
    %dma_start3A_253 = tpu.memref_slice %arg7[%dma_start3A_248, %dma_start3A_252] : memref<16x128xi32, #tpu.memory_space<vmem>> -> memref<1x64xi32, #tpu.memory_space<vmem>>
    %dma_start3A_254 = tpu.memref_squeeze %dma_start3A_253 : memref<1x64xi32, #tpu.memory_space<vmem>> -> memref<64xi32, #tpu.memory_space<vmem>>
    %dma_start3A_255 = arith.constant 0 : i32
    %dma_start3A_256 = arith.constant 0 : i32
    %dma_start3A_257 = tpu.memref_slice %arg2[%dma_start3A_255, %dma_start3A_256] : memref<80000x128xf32, #tpu.memory_space<hbm>> -> memref<80000x128xf32, #tpu.memory_space<hbm>>
    tpu.enqueue_indirect_dma source(%dma_start3A_257 : memref<80000x128xf32, #tpu.memory_space<hbm>>) target(%dma_start3A_251 : memref<64x128xf32, #tpu.memory_space<vmem>>) offsets(%dma_start3A_254 : memref<64xi32, #tpu.memory_space<vmem>>) semaphore(%arg17 : memref<!tpu.dma_semaphore, #tpu.memory_space<semaphore_mem>>)
    %scan3A_258 = arith.constant 0 : i32
    %scan3A_259 = arith.constant 8 : i32
    %scan3A_260 = arith.addi %scan3A_258, %scan3A_259 : i32
    %scan3A_261 = arith.constant 1 : i32
    scf.for %scan3A_404 = %scan3A_258 to %scan3A_260 step %scan3A_261  : i32 {
      %mul3A_405 = arith.constant 2 : i32
      %mul3A_406 = arith.muli %scan3A_404, %mul3A_405 : i32
      %add3A_407 = arith.constant 0 : i32
      %add3A_408 = arith.addi %add3A_407, %mul3A_406 : i32
      %add3A_409 = arith.constant 0 : i32
      %add3A_410 = arith.addi %add3A_408, %add3A_409 : i32
      %dma_wait3A_411 = arith.constant 0 : i32
      %dma_wait3A_412 = arith.constant 0 : i32
      %dma_wait3A_413 = arith.constant 0 : i32
      %dma_wait3A_414 = tpu.memref_slice %arg13[%dma_wait3A_412, %dma_wait3A_413] : memref<128x128xf32, #tpu.memory_space<vmem>> -> memref<64x128xf32, #tpu.memory_space<vmem>>
      %dma_wait3A_415 = arith.constant 0 : i32
      %dma_wait3A_416 = tpu.memref_slice %arg7[%dma_wait3A_411, %dma_wait3A_415] : memref<16x128xi32, #tpu.memory_space<vmem>> -> memref<1x64xi32, #tpu.memory_space<vmem>>
      %dma_wait3A_417 = tpu.memref_squeeze %dma_wait3A_416 : memref<1x64xi32, #tpu.memory_space<vmem>> -> memref<64xi32, #tpu.memory_space<vmem>>
      %dma_wait3A_418 = arith.constant 0 : i32
      %dma_wait3A_419 = arith.constant 0 : i32
      %dma_wait3A_420 = tpu.memref_slice %arg2[%dma_wait3A_418, %dma_wait3A_419] : memref<80000x128xf32, #tpu.memory_space<hbm>> -> memref<80000x128xf32, #tpu.memory_space<hbm>>
      tpu.wait_indirect_dma semaphore(%arg16 : memref<!tpu.dma_semaphore, #tpu.memory_space<semaphore_mem>>) src(%dma_wait3A_420 : memref<80000x128xf32, #tpu.memory_space<hbm>>) dst(%dma_wait3A_414 : memref<64x128xf32, #tpu.memory_space<vmem>>)
      %dma_wait3A_421 = arith.constant 0 : i32
      %dma_wait3A_422 = arith.constant 64 : i32
      %dma_wait3A_423 = arith.constant 0 : i32
      %dma_wait3A_424 = tpu.memref_slice %arg13[%dma_wait3A_422, %dma_wait3A_423] : memref<128x128xf32, #tpu.memory_space<vmem>> -> memref<64x128xf32, #tpu.memory_space<vmem>>
      %dma_wait3A_425 = arith.constant 64 : i32
      %dma_wait3A_426 = tpu.memref_slice %arg7[%dma_wait3A_421, %dma_wait3A_425] : memref<16x128xi32, #tpu.memory_space<vmem>> -> memref<1x64xi32, #tpu.memory_space<vmem>>
      %dma_wait3A_427 = tpu.memref_squeeze %dma_wait3A_426 : memref<1x64xi32, #tpu.memory_space<vmem>> -> memref<64xi32, #tpu.memory_space<vmem>>
      %dma_wait3A_428 = arith.constant 0 : i32
      %dma_wait3A_429 = arith.constant 0 : i32
      %dma_wait3A_430 = tpu.memref_slice %arg2[%dma_wait3A_428, %dma_wait3A_429] : memref<80000x128xf32, #tpu.memory_space<hbm>> -> memref<80000x128xf32, #tpu.memory_space<hbm>>
      tpu.wait_indirect_dma semaphore(%arg16 : memref<!tpu.dma_semaphore, #tpu.memory_space<semaphore_mem>>) src(%dma_wait3A_430 : memref<80000x128xf32, #tpu.memory_space<hbm>>) dst(%dma_wait3A_424 : memref<64x128xf32, #tpu.memory_space<vmem>>)
      %parallel_loop3A = arith.constant 0 : i32
      %parallel_loop3A_431 = arith.constant 128 : i32
      %parallel_loop3A_432 = arith.constant 1 : i32
      scf.for %parallel_loop3A_499 = %parallel_loop3A to %parallel_loop3A_431 step %parallel_loop3A_432  : i32 {
        %parallel_loop3A_500 = arith.constant 0 : i32
        %parallel_loop3A_501 = vector.broadcast %parallel_loop3A_500 : i32 to vector<16xi32>
        %parallel_loop3A_502 = vector.broadcast %add3A_410 : i32 to vector<16xi32>
        %parallel_loop3A_503 = arith.addi %parallel_loop3A_501, %parallel_loop3A_502 : vector<16xi32>
        %parallel_loop3A_504 = vector.broadcast %parallel_loop3A_499 : i32 to vector<16xi32>
        %parallel_loop3A_505 = arith.addi %parallel_loop3A_501, %parallel_loop3A_504 : vector<16xi32>
        %parallel_loop3A_506 = tpu.vector_load_idx %arg11[%parallel_loop3A_503, %parallel_loop3A_505] : memref<16x128xf32, #tpu.memory_space<vmem>>[vector<16xi32>, vector<16xi32>], vector<16xf32>,
        %parallel_loop3A_507 = arith.index_cast %parallel_loop3A_499 : i32 to index
        %parallel_loop3A_508 = arith.constant 0 : index
        %parallel_loop3A_509 = tpu.vector_load %arg13[%parallel_loop3A_507, %parallel_loop3A_508] {strides = array<i32>} : memref<128x128xf32, #tpu.memory_space<vmem>>, vector<16xf32>,
        %parallel_loop3A_510 = arith.mulf %parallel_loop3A_509, %parallel_loop3A_506 : vector<16xf32>
        %parallel_loop3A_511 = arith.index_cast %parallel_loop3A_499 : i32 to index
        %parallel_loop3A_512 = arith.constant 0 : index
        %parallel_loop3A_513 = tpu.vector_load %arg13[%parallel_loop3A_511, %parallel_loop3A_512] {strides = array<i32>} : memref<128x128xf32, #tpu.memory_space<vmem>>, vector<16xf32>,
        tpu.vector_store %arg13[%parallel_loop3A_511, %parallel_loop3A_512], %parallel_loop3A_510 {strides = array<i32>} : memref<128x128xf32, #tpu.memory_space<vmem>>, vector<16xf32>,
        %parallel_loop3A_514 = arith.index_cast %parallel_loop3A_499 : i32 to index
        %parallel_loop3A_515 = arith.constant 16 : index
        %parallel_loop3A_516 = tpu.vector_load %arg13[%parallel_loop3A_514, %parallel_loop3A_515] {strides = array<i32>} : memref<128x128xf32, #tpu.memory_space<vmem>>, vector<16xf32>,
        %parallel_loop3A_517 = arith.mulf %parallel_loop3A_516, %parallel_loop3A_506 : vector<16xf32>
        %parallel_loop3A_518 = arith.index_cast %parallel_loop3A_499 : i32 to index
        %parallel_loop3A_519 = arith.constant 16 : index
        %parallel_loop3A_520 = tpu.vector_load %arg13[%parallel_loop3A_518, %parallel_loop3A_519] {strides = array<i32>} : memref<128x128xf32, #tpu.memory_space<vmem>>, vector<16xf32>,
        tpu.vector_store %arg13[%parallel_loop3A_518, %parallel_loop3A_519], %parallel_loop3A_517 {strides = array<i32>} : memref<128x128xf32, #tpu.memory_space<vmem>>, vector<16xf32>,
        %parallel_loop3A_521 = arith.index_cast %parallel_loop3A_499 : i32 to index
        %parallel_loop3A_522 = arith.constant 32 : index
        %parallel_loop3A_523 = tpu.vector_load %arg13[%parallel_loop3A_521, %parallel_loop3A_522] {strides = array<i32>} : memref<128x128xf32, #tpu.memory_space<vmem>>, vector<16xf32>,
        %parallel_loop3A_524 = arith.mulf %parallel_loop3A_523, %parallel_loop3A_506 : vector<16xf32>
        %parallel_loop3A_525 = arith.index_cast %parallel_loop3A_499 : i32 to index
        %parallel_loop3A_526 = arith.constant 32 : index
        %parallel_loop3A_527 = tpu.vector_load %arg13[%parallel_loop3A_525, %parallel_loop3A_526] {strides = array<i32>} : memref<128x128xf32, #tpu.memory_space<vmem>>, vector<16xf32>,
        tpu.vector_store %arg13[%parallel_loop3A_525, %parallel_loop3A_526], %parallel_loop3A_524 {strides = array<i32>} : memref<128x128xf32, #tpu.memory_space<vmem>>, vector<16xf32>,
        %parallel_loop3A_528 = arith.index_cast %parallel_loop3A_499 : i32 to index
        %parallel_loop3A_529 = arith.constant 48 : index
        %parallel_loop3A_530 = tpu.vector_load %arg13[%parallel_loop3A_528, %parallel_loop3A_529] {strides = array<i32>} : memref<128x128xf32, #tpu.memory_space<vmem>>, vector<16xf32>,
        %parallel_loop3A_531 = arith.mulf %parallel_loop3A_530, %parallel_loop3A_506 : vector<16xf32>
        %parallel_loop3A_532 = arith.index_cast %parallel_loop3A_499 : i32 to index
        %parallel_loop3A_533 = arith.constant 48 : index
        %parallel_loop3A_534 = tpu.vector_load %arg13[%parallel_loop3A_532, %parallel_loop3A_533] {strides = array<i32>} : memref<128x128xf32, #tpu.memory_space<vmem>>, vector<16xf32>,
        tpu.vector_store %arg13[%parallel_loop3A_532, %parallel_loop3A_533], %parallel_loop3A_531 {strides = array<i32>} : memref<128x128xf32, #tpu.memory_space<vmem>>, vector<16xf32>,
        %parallel_loop3A_535 = arith.index_cast %parallel_loop3A_499 : i32 to index
        %parallel_loop3A_536 = arith.constant 64 : index
        %parallel_loop3A_537 = tpu.vector_load %arg13[%parallel_loop3A_535, %parallel_loop3A_536] {strides = array<i32>} : memref<128x128xf32, #tpu.memory_space<vmem>>, vector<16xf32>,
        %parallel_loop3A_538 = arith.mulf %parallel_loop3A_537, %parallel_loop3A_506 : vector<16xf32>
        %parallel_loop3A_539 = arith.index_cast %parallel_loop3A_499 : i32 to index
        %parallel_loop3A_540 = arith.constant 64 : index
        %parallel_loop3A_541 = tpu.vector_load %arg13[%parallel_loop3A_539, %parallel_loop3A_540] {strides = array<i32>} : memref<128x128xf32, #tpu.memory_space<vmem>>, vector<16xf32>,
        tpu.vector_store %arg13[%parallel_loop3A_539, %parallel_loop3A_540], %parallel_loop3A_538 {strides = array<i32>} : memref<128x128xf32, #tpu.memory_space<vmem>>, vector<16xf32>,
        %parallel_loop3A_542 = arith.index_cast %parallel_loop3A_499 : i32 to index
        %parallel_loop3A_543 = arith.constant 80 : index
        %parallel_loop3A_544 = tpu.vector_load %arg13[%parallel_loop3A_542, %parallel_loop3A_543] {strides = array<i32>} : memref<128x128xf32, #tpu.memory_space<vmem>>, vector<16xf32>,
        %parallel_loop3A_545 = arith.mulf %parallel_loop3A_544, %parallel_loop3A_506 : vector<16xf32>
        %parallel_loop3A_546 = arith.index_cast %parallel_loop3A_499 : i32 to index
        %parallel_loop3A_547 = arith.constant 80 : index
        %parallel_loop3A_548 = tpu.vector_load %arg13[%parallel_loop3A_546, %parallel_loop3A_547] {strides = array<i32>} : memref<128x128xf32, #tpu.memory_space<vmem>>, vector<16xf32>,
        tpu.vector_store %arg13[%parallel_loop3A_546, %parallel_loop3A_547], %parallel_loop3A_545 {strides = array<i32>} : memref<128x128xf32, #tpu.memory_space<vmem>>, vector<16xf32>,
        %parallel_loop3A_549 = arith.index_cast %parallel_loop3A_499 : i32 to index
        %parallel_loop3A_550 = arith.constant 96 : index
        %parallel_loop3A_551 = tpu.vector_load %arg13[%parallel_loop3A_549, %parallel_loop3A_550] {strides = array<i32>} : memref<128x128xf32, #tpu.memory_space<vmem>>, vector<16xf32>,
        %parallel_loop3A_552 = arith.mulf %parallel_loop3A_551, %parallel_loop3A_506 : vector<16xf32>
        %parallel_loop3A_553 = arith.index_cast %parallel_loop3A_499 : i32 to index
        %parallel_loop3A_554 = arith.constant 96 : index
        %parallel_loop3A_555 = tpu.vector_load %arg13[%parallel_loop3A_553, %parallel_loop3A_554] {strides = array<i32>} : memref<128x128xf32, #tpu.memory_space<vmem>>, vector<16xf32>,
        tpu.vector_store %arg13[%parallel_loop3A_553, %parallel_loop3A_554], %parallel_loop3A_552 {strides = array<i32>} : memref<128x128xf32, #tpu.memory_space<vmem>>, vector<16xf32>,
        %parallel_loop3A_556 = arith.index_cast %parallel_loop3A_499 : i32 to index
        %parallel_loop3A_557 = arith.constant 112 : index
        %parallel_loop3A_558 = tpu.vector_load %arg13[%parallel_loop3A_556, %parallel_loop3A_557] {strides = array<i32>} : memref<128x128xf32, #tpu.memory_space<vmem>>, vector<16xf32>,
        %parallel_loop3A_559 = arith.mulf %parallel_loop3A_558, %parallel_loop3A_506 : vector<16xf32>
        %parallel_loop3A_560 = arith.index_cast %parallel_loop3A_499 : i32 to index
        %parallel_loop3A_561 = arith.constant 112 : index
        %parallel_loop3A_562 = tpu.vector_load %arg13[%parallel_loop3A_560, %parallel_loop3A_561] {strides = array<i32>} : memref<128x128xf32, #tpu.memory_space<vmem>>, vector<16xf32>,
        tpu.vector_store %arg13[%parallel_loop3A_560, %parallel_loop3A_561], %parallel_loop3A_559 {strides = array<i32>} : memref<128x128xf32, #tpu.memory_space<vmem>>, vector<16xf32>,
      } {sc.loop_unroll_factor = 4 : i64, sc.parallel_access}
      %dma_start3A_433 = arith.constant 0 : i32
      %dma_start3A_434 = tpu.memref_slice %arg9[%add3A_410, %dma_start3A_433] : memref<16x128xi32, #tpu.memory_space<vmem>> -> memref<1x128xi32, #tpu.memory_space<vmem>>
      %dma_start3A_435 = tpu.memref_squeeze %dma_start3A_434 : memref<1x128xi32, #tpu.memory_space<vmem>> -> memref<128xi32, #tpu.memory_space<vmem>>
      %dma_start3A_436 = arith.constant 0 : i32
      %dma_start3A_437 = arith.constant 0 : i32
      %dma_start3A_438 = tpu.memref_slice %arg15[%dma_start3A_436, %dma_start3A_437] : memref<10240x128xf32, #tpu.memory_space<vmem_shared>> -> memref<10240x128xf32, #tpu.memory_space<vmem_shared>>
      tpu.enqueue_indirect_dma source(%arg13 : memref<128x128xf32, #tpu.memory_space<vmem>>) target(%dma_start3A_438 : memref<10240x128xf32, #tpu.memory_space<vmem_shared>>) offsets(%dma_start3A_435 : memref<128xi32, #tpu.memory_space<vmem>>) semaphore(%arg18 : memref<!tpu.dma_semaphore, #tpu.memory_space<semaphore_mem>>) {add = true}
      %add3A_439 = arith.constant 1 : i32
      %add3A_440 = arith.addi %add3A_408, %add3A_439 : i32
      %dma_wait3A_441 = arith.constant 0 : i32
      %dma_wait3A_442 = arith.constant 0 : i32
      %dma_wait3A_443 = arith.constant 0 : i32
      %dma_wait3A_444 = tpu.memref_slice %arg14[%dma_wait3A_442, %dma_wait3A_443] : memref<128x128xf32, #tpu.memory_space<vmem>> -> memref<64x128xf32, #tpu.memory_space<vmem>>
      %dma_wait3A_445 = arith.constant 0 : i32
      %dma_wait3A_446 = tpu.memref_slice %arg7[%dma_wait3A_441, %dma_wait3A_445] : memref<16x128xi32, #tpu.memory_space<vmem>> -> memref<1x64xi32, #tpu.memory_space<vmem>>
      %dma_wait3A_447 = tpu.memref_squeeze %dma_wait3A_446 : memref<1x64xi32, #tpu.memory_space<vmem>> -> memref<64xi32, #tpu.memory_space<vmem>>
      %dma_wait3A_448 = arith.constant 0 : i32
      %dma_wait3A_449 = arith.constant 0 : i32
      %dma_wait3A_450 = tpu.memref_slice %arg2[%dma_wait3A_448, %dma_wait3A_449] : memref<80000x128xf32, #tpu.memory_space<hbm>> -> memref<80000x128xf32, #tpu.memory_space<hbm>>
      tpu.wait_indirect_dma semaphore(%arg17 : memref<!tpu.dma_semaphore, #tpu.memory_space<semaphore_mem>>) src(%dma_wait3A_450 : memref<80000x128xf32, #tpu.memory_space<hbm>>) dst(%dma_wait3A_444 : memref<64x128xf32, #tpu.memory_space<vmem>>)
      %dma_wait3A_451 = arith.constant 0 : i32
      %dma_wait3A_452 = arith.constant 64 : i32
      %dma_wait3A_453 = arith.constant 0 : i32
      %dma_wait3A_454 = tpu.memref_slice %arg14[%dma_wait3A_452, %dma_wait3A_453] : memref<128x128xf32, #tpu.memory_space<vmem>> -> memref<64x128xf32, #tpu.memory_space<vmem>>
      %dma_wait3A_455 = arith.constant 64 : i32
      %dma_wait3A_456 = tpu.memref_slice %arg7[%dma_wait3A_451, %dma_wait3A_455] : memref<16x128xi32, #tpu.memory_space<vmem>> -> memref<1x64xi32, #tpu.memory_space<vmem>>
      %dma_wait3A_457 = tpu.memref_squeeze %dma_wait3A_456 : memref<1x64xi32, #tpu.memory_space<vmem>> -> memref<64xi32, #tpu.memory_space<vmem>>
      %dma_wait3A_458 = arith.constant 0 : i32
      %dma_wait3A_459 = arith.constant 0 : i32
      %dma_wait3A_460 = tpu.memref_slice %arg2[%dma_wait3A_458, %dma_wait3A_459] : memref<80000x128xf32, #tpu.memory_space<hbm>> -> memref<80000x128xf32, #tpu.memory_space<hbm>>
      tpu.wait_indirect_dma semaphore(%arg17 : memref<!tpu.dma_semaphore, #tpu.memory_space<semaphore_mem>>) src(%dma_wait3A_460 : memref<80000x128xf32, #tpu.memory_space<hbm>>) dst(%dma_wait3A_454 : memref<64x128xf32, #tpu.memory_space<vmem>>)
      %parallel_loop3A_461 = arith.constant 0 : i32
      %parallel_loop3A_462 = arith.constant 128 : i32
      %parallel_loop3A_463 = arith.constant 1 : i32
      scf.for %parallel_loop3A_499 = %parallel_loop3A_461 to %parallel_loop3A_462 step %parallel_loop3A_463  : i32 {
        %parallel_loop3A_500 = arith.constant 0 : i32
        %parallel_loop3A_501 = vector.broadcast %parallel_loop3A_500 : i32 to vector<16xi32>
        %parallel_loop3A_502 = vector.broadcast %add3A_440 : i32 to vector<16xi32>
        %parallel_loop3A_503 = arith.addi %parallel_loop3A_501, %parallel_loop3A_502 : vector<16xi32>
        %parallel_loop3A_504 = vector.broadcast %parallel_loop3A_499 : i32 to vector<16xi32>
        %parallel_loop3A_505 = arith.addi %parallel_loop3A_501, %parallel_loop3A_504 : vector<16xi32>
        %parallel_loop3A_506 = tpu.vector_load_idx %arg11[%parallel_loop3A_503, %parallel_loop3A_505] : memref<16x128xf32, #tpu.memory_space<vmem>>[vector<16xi32>, vector<16xi32>], vector<16xf32>,
        %parallel_loop3A_507 = arith.index_cast %parallel_loop3A_499 : i32 to index
        %parallel_loop3A_508 = arith.constant 0 : index
        %parallel_loop3A_509 = tpu.vector_load %arg14[%parallel_loop3A_507, %parallel_loop3A_508] {strides = array<i32>} : memref<128x128xf32, #tpu.memory_space<vmem>>, vector<16xf32>,
        %parallel_loop3A_510 = arith.mulf %parallel_loop3A_509, %parallel_loop3A_506 : vector<16xf32>
        %parallel_loop3A_511 = arith.index_cast %parallel_loop3A_499 : i32 to index
        %parallel_loop3A_512 = arith.constant 0 : index
        %parallel_loop3A_513 = tpu.vector_load %arg14[%parallel_loop3A_511, %parallel_loop3A_512] {strides = array<i32>} : memref<128x128xf32, #tpu.memory_space<vmem>>, vector<16xf32>,
        tpu.vector_store %arg14[%parallel_loop3A_511, %parallel_loop3A_512], %parallel_loop3A_510 {strides = array<i32>} : memref<128x128xf32, #tpu.memory_space<vmem>>, vector<16xf32>,
        %parallel_loop3A_514 = arith.index_cast %parallel_loop3A_499 : i32 to index
        %parallel_loop3A_515 = arith.constant 16 : index
        %parallel_loop3A_516 = tpu.vector_load %arg14[%parallel_loop3A_514, %parallel_loop3A_515] {strides = array<i32>} : memref<128x128xf32, #tpu.memory_space<vmem>>, vector<16xf32>,
        %parallel_loop3A_517 = arith.mulf %parallel_loop3A_516, %parallel_loop3A_506 : vector<16xf32>
        %parallel_loop3A_518 = arith.index_cast %parallel_loop3A_499 : i32 to index
        %parallel_loop3A_519 = arith.constant 16 : index
        %parallel_loop3A_520 = tpu.vector_load %arg14[%parallel_loop3A_518, %parallel_loop3A_519] {strides = array<i32>} : memref<128x128xf32, #tpu.memory_space<vmem>>, vector<16xf32>,
        tpu.vector_store %arg14[%parallel_loop3A_518, %parallel_loop3A_519], %parallel_loop3A_517 {strides = array<i32>} : memref<128x128xf32, #tpu.memory_space<vmem>>, vector<16xf32>,
        %parallel_loop3A_521 = arith.index_cast %parallel_loop3A_499 : i32 to index
        %parallel_loop3A_522 = arith.constant 32 : index
        %parallel_loop3A_523 = tpu.vector_load %arg14[%parallel_loop3A_521, %parallel_loop3A_522] {strides = array<i32>} : memref<128x128xf32, #tpu.memory_space<vmem>>, vector<16xf32>,
        %parallel_loop3A_524 = arith.mulf %parallel_loop3A_523, %parallel_loop3A_506 : vector<16xf32>
        %parallel_loop3A_525 = arith.index_cast %parallel_loop3A_499 : i32 to index
        %parallel_loop3A_526 = arith.constant 32 : index
        %parallel_loop3A_527 = tpu.vector_load %arg14[%parallel_loop3A_525, %parallel_loop3A_526] {strides = array<i32>} : memref<128x128xf32, #tpu.memory_space<vmem>>, vector<16xf32>,
        tpu.vector_store %arg14[%parallel_loop3A_525, %parallel_loop3A_526], %parallel_loop3A_524 {strides = array<i32>} : memref<128x128xf32, #tpu.memory_space<vmem>>, vector<16xf32>,
        %parallel_loop3A_528 = arith.index_cast %parallel_loop3A_499 : i32 to index
        %parallel_loop3A_529 = arith.constant 48 : index
        %parallel_loop3A_530 = tpu.vector_load %arg14[%parallel_loop3A_528, %parallel_loop3A_529] {strides = array<i32>} : memref<128x128xf32, #tpu.memory_space<vmem>>, vector<16xf32>,
        %parallel_loop3A_531 = arith.mulf %parallel_loop3A_530, %parallel_loop3A_506 : vector<16xf32>
        %parallel_loop3A_532 = arith.index_cast %parallel_loop3A_499 : i32 to index
        %parallel_loop3A_533 = arith.constant 48 : index
        %parallel_loop3A_534 = tpu.vector_load %arg14[%parallel_loop3A_532, %parallel_loop3A_533] {strides = array<i32>} : memref<128x128xf32, #tpu.memory_space<vmem>>, vector<16xf32>,
        tpu.vector_store %arg14[%parallel_loop3A_532, %parallel_loop3A_533], %parallel_loop3A_531 {strides = array<i32>} : memref<128x128xf32, #tpu.memory_space<vmem>>, vector<16xf32>,
        %parallel_loop3A_535 = arith.index_cast %parallel_loop3A_499 : i32 to index
        %parallel_loop3A_536 = arith.constant 64 : index
        %parallel_loop3A_537 = tpu.vector_load %arg14[%parallel_loop3A_535, %parallel_loop3A_536] {strides = array<i32>} : memref<128x128xf32, #tpu.memory_space<vmem>>, vector<16xf32>,
        %parallel_loop3A_538 = arith.mulf %parallel_loop3A_537, %parallel_loop3A_506 : vector<16xf32>
        %parallel_loop3A_539 = arith.index_cast %parallel_loop3A_499 : i32 to index
        %parallel_loop3A_540 = arith.constant 64 : index
        %parallel_loop3A_541 = tpu.vector_load %arg14[%parallel_loop3A_539, %parallel_loop3A_540] {strides = array<i32>} : memref<128x128xf32, #tpu.memory_space<vmem>>, vector<16xf32>,
        tpu.vector_store %arg14[%parallel_loop3A_539, %parallel_loop3A_540], %parallel_loop3A_538 {strides = array<i32>} : memref<128x128xf32, #tpu.memory_space<vmem>>, vector<16xf32>,
        %parallel_loop3A_542 = arith.index_cast %parallel_loop3A_499 : i32 to index
        %parallel_loop3A_543 = arith.constant 80 : index
        %parallel_loop3A_544 = tpu.vector_load %arg14[%parallel_loop3A_542, %parallel_loop3A_543] {strides = array<i32>} : memref<128x128xf32, #tpu.memory_space<vmem>>, vector<16xf32>,
        %parallel_loop3A_545 = arith.mulf %parallel_loop3A_544, %parallel_loop3A_506 : vector<16xf32>
        %parallel_loop3A_546 = arith.index_cast %parallel_loop3A_499 : i32 to index
        %parallel_loop3A_547 = arith.constant 80 : index
        %parallel_loop3A_548 = tpu.vector_load %arg14[%parallel_loop3A_546, %parallel_loop3A_547] {strides = array<i32>} : memref<128x128xf32, #tpu.memory_space<vmem>>, vector<16xf32>,
        tpu.vector_store %arg14[%parallel_loop3A_546, %parallel_loop3A_547], %parallel_loop3A_545 {strides = array<i32>} : memref<128x128xf32, #tpu.memory_space<vmem>>, vector<16xf32>,
        %parallel_loop3A_549 = arith.index_cast %parallel_loop3A_499 : i32 to index
        %parallel_loop3A_550 = arith.constant 96 : index
        %parallel_loop3A_551 = tpu.vector_load %arg14[%parallel_loop3A_549, %parallel_loop3A_550] {strides = array<i32>} : memref<128x128xf32, #tpu.memory_space<vmem>>, vector<16xf32>,
        %parallel_loop3A_552 = arith.mulf %parallel_loop3A_551, %parallel_loop3A_506 : vector<16xf32>
        %parallel_loop3A_553 = arith.index_cast %parallel_loop3A_499 : i32 to index
        %parallel_loop3A_554 = arith.constant 96 : index
        %parallel_loop3A_555 = tpu.vector_load %arg14[%parallel_loop3A_553, %parallel_loop3A_554] {strides = array<i32>} : memref<128x128xf32, #tpu.memory_space<vmem>>, vector<16xf32>,
        tpu.vector_store %arg14[%parallel_loop3A_553, %parallel_loop3A_554], %parallel_loop3A_552 {strides = array<i32>} : memref<128x128xf32, #tpu.memory_space<vmem>>, vector<16xf32>,
        %parallel_loop3A_556 = arith.index_cast %parallel_loop3A_499 : i32 to index
        %parallel_loop3A_557 = arith.constant 112 : index
        %parallel_loop3A_558 = tpu.vector_load %arg14[%parallel_loop3A_556, %parallel_loop3A_557] {strides = array<i32>} : memref<128x128xf32, #tpu.memory_space<vmem>>, vector<16xf32>,
        %parallel_loop3A_559 = arith.mulf %parallel_loop3A_558, %parallel_loop3A_506 : vector<16xf32>
        %parallel_loop3A_560 = arith.index_cast %parallel_loop3A_499 : i32 to index
        %parallel_loop3A_561 = arith.constant 112 : index
        %parallel_loop3A_562 = tpu.vector_load %arg14[%parallel_loop3A_560, %parallel_loop3A_561] {strides = array<i32>} : memref<128x128xf32, #tpu.memory_space<vmem>>, vector<16xf32>,
        tpu.vector_store %arg14[%parallel_loop3A_560, %parallel_loop3A_561], %parallel_loop3A_559 {strides = array<i32>} : memref<128x128xf32, #tpu.memory_space<vmem>>, vector<16xf32>,
      } {sc.loop_unroll_factor = 4 : i64, sc.parallel_access}
      %dma_start3A_464 = arith.constant 0 : i32
      %dma_start3A_465 = tpu.memref_slice %arg9[%add3A_440, %dma_start3A_464] : memref<16x128xi32, #tpu.memory_space<vmem>> -> memref<1x128xi32, #tpu.memory_space<vmem>>
      %dma_start3A_466 = tpu.memref_squeeze %dma_start3A_465 : memref<1x128xi32, #tpu.memory_space<vmem>> -> memref<128xi32, #tpu.memory_space<vmem>>
      %dma_start3A_467 = arith.constant 0 : i32
      %dma_start3A_468 = arith.constant 0 : i32
      %dma_start3A_469 = tpu.memref_slice %arg15[%dma_start3A_467, %dma_start3A_468] : memref<10240x128xf32, #tpu.memory_space<vmem_shared>> -> memref<10240x128xf32, #tpu.memory_space<vmem_shared>>
      tpu.enqueue_indirect_dma source(%arg14 : memref<128x128xf32, #tpu.memory_space<vmem>>) target(%dma_start3A_469 : memref<10240x128xf32, #tpu.memory_space<vmem_shared>>) offsets(%dma_start3A_466 : memref<128xi32, #tpu.memory_space<vmem>>) semaphore(%arg19 : memref<!tpu.dma_semaphore, #tpu.memory_space<semaphore_mem>>) {add = true}
      %dma_wait3A_470 = arith.constant 0 : i32
      %dma_wait3A_471 = arith.constant 0 : i32
      %dma_wait3A_472 = tpu.memref_slice %arg9[%dma_wait3A_470, %dma_wait3A_471] : memref<16x128xi32, #tpu.memory_space<vmem>> -> memref<1x128xi32, #tpu.memory_space<vmem>>
      %dma_wait3A_473 = tpu.memref_squeeze %dma_wait3A_472 : memref<1x128xi32, #tpu.memory_space<vmem>> -> memref<128xi32, #tpu.memory_space<vmem>>
      %dma_wait3A_474 = arith.constant 0 : i32
      %dma_wait3A_475 = arith.constant 0 : i32
      %dma_wait3A_476 = tpu.memref_slice %arg15[%dma_wait3A_474, %dma_wait3A_475] : memref<10240x128xf32, #tpu.memory_space<vmem_shared>> -> memref<10240x128xf32, #tpu.memory_space<vmem_shared>>
      tpu.wait_indirect_dma semaphore(%arg18 : memref<!tpu.dma_semaphore, #tpu.memory_space<semaphore_mem>>) src(%arg13 : memref<128x128xf32, #tpu.memory_space<vmem>>) dst(%dma_wait3A_476 : memref<10240x128xf32, #tpu.memory_space<vmem_shared>>)
      %add3A_477 = arith.constant 2 : i32
      %add3A_478 = arith.addi %add3A_408, %add3A_477 : i32
      %add3A_479 = arith.constant 0 : i32
      %add3A_480 = arith.addi %add3A_478, %add3A_479 : i32
      %lt3A = arith.constant 16 : i32
      %lt3A_481 = arith.cmpi slt, %add3A_480, %lt3A : i32
      %convert_element_type3A = arith.extui %lt3A_481 : i1 to i32
      %cond3A = arith.constant 0 : i32
      %cond3A_482 = arith.cmpi ne, %convert_element_type3A, %cond3A : i32
      scf.if %cond3A_482 {
        %dma_start3A_499 = arith.constant 0 : i32
        %dma_start3A_500 = arith.constant 0 : i32
        %dma_start3A_501 = tpu.memref_slice %arg13[%dma_start3A_499, %dma_start3A_500] : memref<128x128xf32, #tpu.memory_space<vmem>> -> memref<64x128xf32, #tpu.memory_space<vmem>>
        %dma_start3A_502 = arith.constant 0 : i32
        %dma_start3A_503 = tpu.memref_slice %arg7[%add3A_480, %dma_start3A_502] : memref<16x128xi32, #tpu.memory_space<vmem>> -> memref<1x64xi32, #tpu.memory_space<vmem>>
        %dma_start3A_504 = tpu.memref_squeeze %dma_start3A_503 : memref<1x64xi32, #tpu.memory_space<vmem>> -> memref<64xi32, #tpu.memory_space<vmem>>
        %dma_start3A_505 = arith.constant 0 : i32
        %dma_start3A_506 = arith.constant 0 : i32
        %dma_start3A_507 = tpu.memref_slice %arg2[%dma_start3A_505, %dma_start3A_506] : memref<80000x128xf32, #tpu.memory_space<hbm>> -> memref<80000x128xf32, #tpu.memory_space<hbm>>
        tpu.enqueue_indirect_dma source(%dma_start3A_507 : memref<80000x128xf32, #tpu.memory_space<hbm>>) target(%dma_start3A_501 : memref<64x128xf32, #tpu.memory_space<vmem>>) offsets(%dma_start3A_504 : memref<64xi32, #tpu.memory_space<vmem>>) semaphore(%arg16 : memref<!tpu.dma_semaphore, #tpu.memory_space<semaphore_mem>>)
        %dma_start3A_508 = arith.constant 64 : i32
        %dma_start3A_509 = arith.constant 0 : i32
        %dma_start3A_510 = tpu.memref_slice %arg13[%dma_start3A_508, %dma_start3A_509] : memref<128x128xf32, #tpu.memory_space<vmem>> -> memref<64x128xf32, #tpu.memory_space<vmem>>
        %dma_start3A_511 = arith.constant 64 : i32
        %dma_start3A_512 = tpu.memref_slice %arg7[%add3A_480, %dma_start3A_511] : memref<16x128xi32, #tpu.memory_space<vmem>> -> memref<1x64xi32, #tpu.memory_space<vmem>>
        %dma_start3A_513 = tpu.memref_squeeze %dma_start3A_512 : memref<1x64xi32, #tpu.memory_space<vmem>> -> memref<64xi32, #tpu.memory_space<vmem>>
        %dma_start3A_514 = arith.constant 0 : i32
        %dma_start3A_515 = arith.constant 0 : i32
        %dma_start3A_516 = tpu.memref_slice %arg2[%dma_start3A_514, %dma_start3A_515] : memref<80000x128xf32, #tpu.memory_space<hbm>> -> memref<80000x128xf32, #tpu.memory_space<hbm>>
        tpu.enqueue_indirect_dma source(%dma_start3A_516 : memref<80000x128xf32, #tpu.memory_space<hbm>>) target(%dma_start3A_510 : memref<64x128xf32, #tpu.memory_space<vmem>>) offsets(%dma_start3A_513 : memref<64xi32, #tpu.memory_space<vmem>>) semaphore(%arg16 : memref<!tpu.dma_semaphore, #tpu.memory_space<semaphore_mem>>)
      } else {
      }
      %dma_wait3A_483 = arith.constant 0 : i32
      %dma_wait3A_484 = arith.constant 0 : i32
      %dma_wait3A_485 = tpu.memref_slice %arg9[%dma_wait3A_483, %dma_wait3A_484] : memref<16x128xi32, #tpu.memory_space<vmem>> -> memref<1x128xi32, #tpu.memory_space<vmem>>
      %dma_wait3A_486 = tpu.memref_squeeze %dma_wait3A_485 : memref<1x128xi32, #tpu.memory_space<vmem>> -> memref<128xi32, #tpu.memory_space<vmem>>
      %dma_wait3A_487 = arith.constant 0 : i32
      %dma_wait3A_488 = arith.constant 0 : i32
      %dma_wait3A_489 = tpu.memref_slice %arg15[%dma_wait3A_487, %dma_wait3A_488] : memref<10240x128xf32, #tpu.memory_space<vmem_shared>> -> memref<10240x128xf32, #tpu.memory_space<vmem_shared>>
      tpu.wait_indirect_dma semaphore(%arg19 : memref<!tpu.dma_semaphore, #tpu.memory_space<semaphore_mem>>) src(%arg14 : memref<128x128xf32, #tpu.memory_space<vmem>>) dst(%dma_wait3A_489 : memref<10240x128xf32, #tpu.memory_space<vmem_shared>>)
      %add3A_490 = arith.constant 2 : i32
      %add3A_491 = arith.addi %add3A_408, %add3A_490 : i32
      %add3A_492 = arith.constant 1 : i32
      %add3A_493 = arith.addi %add3A_491, %add3A_492 : i32
      %lt3A_494 = arith.constant 16 : i32
      %lt3A_495 = arith.cmpi slt, %add3A_493, %lt3A_494 : i32
      %convert_element_type3A_496 = arith.extui %lt3A_495 : i1 to i32
      %cond3A_497 = arith.constant 0 : i32
      %cond3A_498 = arith.cmpi ne, %convert_element_type3A_496, %cond3A_497 : i32
      scf.if %cond3A_498 {
        %dma_start3A_499 = arith.constant 0 : i32
        %dma_start3A_500 = arith.constant 0 : i32
        %dma_start3A_501 = tpu.memref_slice %arg14[%dma_start3A_499, %dma_start3A_500] : memref<128x128xf32, #tpu.memory_space<vmem>> -> memref<64x128xf32, #tpu.memory_space<vmem>>
        %dma_start3A_502 = arith.constant 0 : i32
        %dma_start3A_503 = tpu.memref_slice %arg7[%add3A_493, %dma_start3A_502] : memref<16x128xi32, #tpu.memory_space<vmem>> -> memref<1x64xi32, #tpu.memory_space<vmem>>
        %dma_start3A_504 = tpu.memref_squeeze %dma_start3A_503 : memref<1x64xi32, #tpu.memory_space<vmem>> -> memref<64xi32, #tpu.memory_space<vmem>>
        %dma_start3A_505 = arith.constant 0 : i32
        %dma_start3A_506 = arith.constant 0 : i32
        %dma_start3A_507 = tpu.memref_slice %arg2[%dma_start3A_505, %dma_start3A_506] : memref<80000x128xf32, #tpu.memory_space<hbm>> -> memref<80000x128xf32, #tpu.memory_space<hbm>>
        tpu.enqueue_indirect_dma source(%dma_start3A_507 : memref<80000x128xf32, #tpu.memory_space<hbm>>) target(%dma_start3A_501 : memref<64x128xf32, #tpu.memory_space<vmem>>) offsets(%dma_start3A_504 : memref<64xi32, #tpu.memory_space<vmem>>) semaphore(%arg17 : memref<!tpu.dma_semaphore, #tpu.memory_space<semaphore_mem>>)
        %dma_start3A_508 = arith.constant 64 : i32
        %dma_start3A_509 = arith.constant 0 : i32
        %dma_start3A_510 = tpu.memref_slice %arg14[%dma_start3A_508, %dma_start3A_509] : memref<128x128xf32, #tpu.memory_space<vmem>> -> memref<64x128xf32, #tpu.memory_space<vmem>>
        %dma_start3A_511 = arith.constant 64 : i32
        %dma_start3A_512 = tpu.memref_slice %arg7[%add3A_493, %dma_start3A_511] : memref<16x128xi32, #tpu.memory_space<vmem>> -> memref<1x64xi32, #tpu.memory_space<vmem>>
        %dma_start3A_513 = tpu.memref_squeeze %dma_start3A_512 : memref<1x64xi32, #tpu.memory_space<vmem>> -> memref<64xi32, #tpu.memory_space<vmem>>
        %dma_start3A_514 = arith.constant 0 : i32
        %dma_start3A_515 = arith.constant 0 : i32
        %dma_start3A_516 = tpu.memref_slice %arg2[%dma_start3A_514, %dma_start3A_515] : memref<80000x128xf32, #tpu.memory_space<hbm>> -> memref<80000x128xf32, #tpu.memory_space<hbm>>
        tpu.enqueue_indirect_dma source(%dma_start3A_516 : memref<80000x128xf32, #tpu.memory_space<hbm>>) target(%dma_start3A_510 : memref<64x128xf32, #tpu.memory_space<vmem>>) offsets(%dma_start3A_513 : memref<64xi32, #tpu.memory_space<vmem>>) semaphore(%arg17 : memref<!tpu.dma_semaphore, #tpu.memory_space<semaphore_mem>>)
      } else {
      }
    }
    %scan3A_262 = arith.constant 8 : i32
    %dma_wait3A_263 = arith.constant 0 : i32
    %dma_wait3A_264 = arith.constant 0 : i32
    %dma_wait3A_265 = tpu.memref_slice %arg3[%dma_wait3A_263, %dma_wait3A_264] : memref<2560x128xi32, #tpu.memory_space<hbm>> -> memref<16x128xi32, #tpu.memory_space<hbm>>
    %dma_wait3A_266 = arith.constant 0 : i32
    %dma_wait3A_267 = arith.constant 0 : i32
    %dma_wait3A_268 = tpu.memref_slice %arg3[%dma_wait3A_266, %dma_wait3A_267] : memref<2560x128xi32, #tpu.memory_space<hbm>> -> memref<16x128xi32, #tpu.memory_space<hbm>>
    tpu.wait_dma2 semaphore(%arg21 : memref<!tpu.dma_semaphore, #tpu.memory_space<semaphore_mem>>) src(%dma_wait3A_268 : memref<16x128xi32, #tpu.memory_space<hbm>>) dst(%arg8 : memref<16x128xi32, #tpu.memory_space<vmem>>)
    %dma_wait3A_269 = arith.constant 0 : i32
    %dma_wait3A_270 = arith.constant 0 : i32
    %dma_wait3A_271 = tpu.memref_slice %arg4[%dma_wait3A_269, %dma_wait3A_270] : memref<2560x128xi32, #tpu.memory_space<hbm>> -> memref<16x128xi32, #tpu.memory_space<hbm>>
    %dma_wait3A_272 = arith.constant 0 : i32
    %dma_wait3A_273 = arith.constant 0 : i32
    %dma_wait3A_274 = tpu.memref_slice %arg4[%dma_wait3A_272, %dma_wait3A_273] : memref<2560x128xi32, #tpu.memory_space<hbm>> -> memref<16x128xi32, #tpu.memory_space<hbm>>
    tpu.wait_dma2 semaphore(%arg21 : memref<!tpu.dma_semaphore, #tpu.memory_space<semaphore_mem>>) src(%dma_wait3A_274 : memref<16x128xi32, #tpu.memory_space<hbm>>) dst(%arg10 : memref<16x128xi32, #tpu.memory_space<vmem>>)
    %dma_wait3A_275 = arith.constant 0 : i32
    %dma_wait3A_276 = arith.constant 0 : i32
    %dma_wait3A_277 = tpu.memref_slice %arg5[%dma_wait3A_275, %dma_wait3A_276] : memref<2560x128xf32, #tpu.memory_space<hbm>> -> memref<16x128xf32, #tpu.memory_space<hbm>>
    %dma_wait3A_278 = arith.constant 0 : i32
    %dma_wait3A_279 = arith.constant 0 : i32
    %dma_wait3A_280 = tpu.memref_slice %arg5[%dma_wait3A_278, %dma_wait3A_279] : memref<2560x128xf32, #tpu.memory_space<hbm>> -> memref<16x128xf32, #tpu.memory_space<hbm>>
    tpu.wait_dma2 semaphore(%arg21 : memref<!tpu.dma_semaphore, #tpu.memory_space<semaphore_mem>>) src(%dma_wait3A_280 : memref<16x128xf32, #tpu.memory_space<hbm>>) dst(%arg12 : memref<16x128xf32, #tpu.memory_space<vmem>>)
    %add3A_281 = arith.constant 64 : i32
    %add3A_282 = arith.addi %mul3A_19, %add3A_281 : i32
    %dma_start3A_283 = arith.constant 0 : i32
    %dma_start3A_284 = tpu.memref_slice %arg3[%add3A_282, %dma_start3A_283] : memref<2560x128xi32, #tpu.memory_space<hbm>> -> memref<16x128xi32, #tpu.memory_space<hbm>>
    %dma_start3A_285 = arith.constant 0 : i32
    %dma_start3A_286 = tpu.memref_slice %arg3[%add3A_282, %dma_start3A_285] : memref<2560x128xi32, #tpu.memory_space<hbm>> -> memref<16x128xi32, #tpu.memory_space<hbm>>
    tpu.enqueue_dma source(%dma_start3A_286 : memref<16x128xi32, #tpu.memory_space<hbm>>) target(%arg7 : memref<16x128xi32, #tpu.memory_space<vmem>>) target_semaphore(%arg20 : memref<!tpu.dma_semaphore, #tpu.memory_space<semaphore_mem>>)
    %dma_start3A_287 = arith.constant 0 : i32
    %dma_start3A_288 = tpu.memref_slice %arg4[%add3A_282, %dma_start3A_287] : memref<2560x128xi32, #tpu.memory_space<hbm>> -> memref<16x128xi32, #tpu.memory_space<hbm>>
    %dma_start3A_289 = arith.constant 0 : i32
    %dma_start3A_290 = tpu.memref_slice %arg4[%add3A_282, %dma_start3A_289] : memref<2560x128xi32, #tpu.memory_space<hbm>> -> memref<16x128xi32, #tpu.memory_space<hbm>>
    tpu.enqueue_dma source(%dma_start3A_290 : memref<16x128xi32, #tpu.memory_space<hbm>>) target(%arg9 : memref<16x128xi32, #tpu.memory_space<vmem>>) target_semaphore(%arg20 : memref<!tpu.dma_semaphore, #tpu.memory_space<semaphore_mem>>)
    %dma_start3A_291 = arith.constant 0 : i32
    %dma_start3A_292 = tpu.memref_slice %arg5[%add3A_282, %dma_start3A_291] : memref<2560x128xf32, #tpu.memory_space<hbm>> -> memref<16x128xf32, #tpu.memory_space<hbm>>
    %dma_start3A_293 = arith.constant 0 : i32
    %dma_start3A_294 = tpu.memref_slice %arg5[%add3A_282, %dma_start3A_293] : memref<2560x128xf32, #tpu.memory_space<hbm>> -> memref<16x128xf32, #tpu.memory_space<hbm>>
    tpu.enqueue_dma source(%dma_start3A_294 : memref<16x128xf32, #tpu.memory_space<hbm>>) target(%arg11 : memref<16x128xf32, #tpu.memory_space<vmem>>) target_semaphore(%arg20 : memref<!tpu.dma_semaphore, #tpu.memory_space<semaphore_mem>>)
    %dma_start3A_295 = arith.constant 0 : i32
    %dma_start3A_296 = arith.constant 0 : i32
    %dma_start3A_297 = arith.constant 0 : i32
    %dma_start3A_298 = tpu.memref_slice %arg13[%dma_start3A_296, %dma_start3A_297] : memref<128x128xf32, #tpu.memory_space<vmem>> -> memref<64x128xf32, #tpu.memory_space<vmem>>
    %dma_start3A_299 = arith.constant 0 : i32
    %dma_start3A_300 = tpu.memref_slice %arg8[%dma_start3A_295, %dma_start3A_299] : memref<16x128xi32, #tpu.memory_space<vmem>> -> memref<1x64xi32, #tpu.memory_space<vmem>>
    %dma_start3A_301 = tpu.memref_squeeze %dma_start3A_300 : memref<1x64xi32, #tpu.memory_space<vmem>> -> memref<64xi32, #tpu.memory_space<vmem>>
    %dma_start3A_302 = arith.constant 0 : i32
    %dma_start3A_303 = arith.constant 0 : i32
    %dma_start3A_304 = tpu.memref_slice %arg2[%dma_start3A_302, %dma_start3A_303] : memref<80000x128xf32, #tpu.memory_space<hbm>> -> memref<80000x128xf32, #tpu.memory_space<hbm>>
    tpu.enqueue_indirect_dma source(%dma_start3A_304 : memref<80000x128xf32, #tpu.memory_space<hbm>>) target(%dma_start3A_298 : memref<64x128xf32, #tpu.memory_space<vmem>>) offsets(%dma_start3A_301 : memref<64xi32, #tpu.memory_space<vmem>>) semaphore(%arg16 : memref<!tpu.dma_semaphore, #tpu.memory_space<semaphore_mem>>)
    %dma_start3A_305 = arith.constant 0 : i32
    %dma_start3A_306 = arith.constant 64 : i32
    %dma_start3A_307 = arith.constant 0 : i32
    %dma_start3A_308 = tpu.memref_slice %arg13[%dma_start3A_306, %dma_start3A_307] : memref<128x128xf32, #tpu.memory_space<vmem>> -> memref<64x128xf32, #tpu.memory_space<vmem>>
    %dma_start3A_309 = arith.constant 64 : i32
    %dma_start3A_310 = tpu.memref_slice %arg8[%dma_start3A_305, %dma_start3A_309] : memref<16x128xi32, #tpu.memory_space<vmem>> -> memref<1x64xi32, #tpu.memory_space<vmem>>
    %dma_start3A_311 = tpu.memref_squeeze %dma_start3A_310 : memref<1x64xi32, #tpu.memory_space<vmem>> -> memref<64xi32, #tpu.memory_space<vmem>>
    %dma_start3A_312 = arith.constant 0 : i32
    %dma_start3A_313 = arith.constant 0 : i32
    %dma_start3A_314 = tpu.memref_slice %arg2[%dma_start3A_312, %dma_start3A_313] : memref<80000x128xf32, #tpu.memory_space<hbm>> -> memref<80000x128xf32, #tpu.memory_space<hbm>>
    tpu.enqueue_indirect_dma source(%dma_start3A_314 : memref<80000x128xf32, #tpu.memory_space<hbm>>) target(%dma_start3A_308 : memref<64x128xf32, #tpu.memory_space<vmem>>) offsets(%dma_start3A_311 : memref<64xi32, #tpu.memory_space<vmem>>) semaphore(%arg16 : memref<!tpu.dma_semaphore, #tpu.memory_space<semaphore_mem>>)
    %dma_start3A_315 = arith.constant 1 : i32
    %dma_start3A_316 = arith.constant 0 : i32
    %dma_start3A_317 = arith.constant 0 : i32
    %dma_start3A_318 = tpu.memref_slice %arg14[%dma_start3A_316, %dma_start3A_317] : memref<128x128xf32, #tpu.memory_space<vmem>> -> memref<64x128xf32, #tpu.memory_space<vmem>>
    %dma_start3A_319 = arith.constant 0 : i32
    %dma_start3A_320 = tpu.memref_slice %arg8[%dma_start3A_315, %dma_start3A_319] : memref<16x128xi32, #tpu.memory_space<vmem>> -> memref<1x64xi32, #tpu.memory_space<vmem>>
    %dma_start3A_321 = tpu.memref_squeeze %dma_start3A_320 : memref<1x64xi32, #tpu.memory_space<vmem>> -> memref<64xi32, #tpu.memory_space<vmem>>
    %dma_start3A_322 = arith.constant 0 : i32
    %dma_start3A_323 = arith.constant 0 : i32
    %dma_start3A_324 = tpu.memref_slice %arg2[%dma_start3A_322, %dma_start3A_323] : memref<80000x128xf32, #tpu.memory_space<hbm>> -> memref<80000x128xf32, #tpu.memory_space<hbm>>
    tpu.enqueue_indirect_dma source(%dma_start3A_324 : memref<80000x128xf32, #tpu.memory_space<hbm>>) target(%dma_start3A_318 : memref<64x128xf32, #tpu.memory_space<vmem>>) offsets(%dma_start3A_321 : memref<64xi32, #tpu.memory_space<vmem>>) semaphore(%arg17 : memref<!tpu.dma_semaphore, #tpu.memory_space<semaphore_mem>>)
    %dma_start3A_325 = arith.constant 1 : i32
    %dma_start3A_326 = arith.constant 64 : i32
    %dma_start3A_327 = arith.constant 0 : i32
    %dma_start3A_328 = tpu.memref_slice %arg14[%dma_start3A_326, %dma_start3A_327] : memref<128x128xf32, #tpu.memory_space<vmem>> -> memref<64x128xf32, #tpu.memory_space<vmem>>
    %dma_start3A_329 = arith.constant 64 : i32
    %dma_start3A_330 = tpu.memref_slice %arg8[%dma_start3A_325, %dma_start3A_329] : memref<16x128xi32, #tpu.memory_space<vmem>> -> memref<1x64xi32, #tpu.memory_space<vmem>>
    %dma_start3A_331 = tpu.memref_squeeze %dma_start3A_330 : memref<1x64xi32, #tpu.memory_space<vmem>> -> memref<64xi32, #tpu.memory_space<vmem>>
    %dma_start3A_332 = arith.constant 0 : i32
    %dma_start3A_333 = arith.constant 0 : i32
    %dma_start3A_334 = tpu.memref_slice %arg2[%dma_start3A_332, %dma_start3A_333] : memref<80000x128xf32, #tpu.memory_space<hbm>> -> memref<80000x128xf32, #tpu.memory_space<hbm>>
    tpu.enqueue_indirect_dma source(%dma_start3A_334 : memref<80000x128xf32, #tpu.memory_space<hbm>>) target(%dma_start3A_328 : memref<64x128xf32, #tpu.memory_space<vmem>>) offsets(%dma_start3A_331 : memref<64xi32, #tpu.memory_space<vmem>>) semaphore(%arg17 : memref<!tpu.dma_semaphore, #tpu.memory_space<semaphore_mem>>)
    %scan3A_335 = arith.constant 0 : i32
    %scan3A_336 = arith.constant 8 : i32
    %scan3A_337 = arith.addi %scan3A_335, %scan3A_336 : i32
    %scan3A_338 = arith.constant 1 : i32
    scf.for %scan3A_404 = %scan3A_335 to %scan3A_337 step %scan3A_338  : i32 {
      %mul3A_405 = arith.constant 2 : i32
      %mul3A_406 = arith.muli %scan3A_404, %mul3A_405 : i32
      %add3A_407 = arith.constant 0 : i32
      %add3A_408 = arith.addi %add3A_407, %mul3A_406 : i32
      %add3A_409 = arith.constant 0 : i32
      %add3A_410 = arith.addi %add3A_408, %add3A_409 : i32
      %dma_wait3A_411 = arith.constant 0 : i32
      %dma_wait3A_412 = arith.constant 0 : i32
      %dma_wait3A_413 = arith.constant 0 : i32
      %dma_wait3A_414 = tpu.memref_slice %arg13[%dma_wait3A_412, %dma_wait3A_413] : memref<128x128xf32, #tpu.memory_space<vmem>> -> memref<64x128xf32, #tpu.memory_space<vmem>>
      %dma_wait3A_415 = arith.constant 0 : i32
      %dma_wait3A_416 = tpu.memref_slice %arg8[%dma_wait3A_411, %dma_wait3A_415] : memref<16x128xi32, #tpu.memory_space<vmem>> -> memref<1x64xi32, #tpu.memory_space<vmem>>
      %dma_wait3A_417 = tpu.memref_squeeze %dma_wait3A_416 : memref<1x64xi32, #tpu.memory_space<vmem>> -> memref<64xi32, #tpu.memory_space<vmem>>
      %dma_wait3A_418 = arith.constant 0 : i32
      %dma_wait3A_419 = arith.constant 0 : i32
      %dma_wait3A_420 = tpu.memref_slice %arg2[%dma_wait3A_418, %dma_wait3A_419] : memref<80000x128xf32, #tpu.memory_space<hbm>> -> memref<80000x128xf32, #tpu.memory_space<hbm>>
      tpu.wait_indirect_dma semaphore(%arg16 : memref<!tpu.dma_semaphore, #tpu.memory_space<semaphore_mem>>) src(%dma_wait3A_420 : memref<80000x128xf32, #tpu.memory_space<hbm>>) dst(%dma_wait3A_414 : memref<64x128xf32, #tpu.memory_space<vmem>>)
      %dma_wait3A_421 = arith.constant 0 : i32
      %dma_wait3A_422 = arith.constant 64 : i32
      %dma_wait3A_423 = arith.constant 0 : i32
      %dma_wait3A_424 = tpu.memref_slice %arg13[%dma_wait3A_422, %dma_wait3A_423] : memref<128x128xf32, #tpu.memory_space<vmem>> -> memref<64x128xf32, #tpu.memory_space<vmem>>
      %dma_wait3A_425 = arith.constant 64 : i32
      %dma_wait3A_426 = tpu.memref_slice %arg8[%dma_wait3A_421, %dma_wait3A_425] : memref<16x128xi32, #tpu.memory_space<vmem>> -> memref<1x64xi32, #tpu.memory_space<vmem>>
      %dma_wait3A_427 = tpu.memref_squeeze %dma_wait3A_426 : memref<1x64xi32, #tpu.memory_space<vmem>> -> memref<64xi32, #tpu.memory_space<vmem>>
      %dma_wait3A_428 = arith.constant 0 : i32
      %dma_wait3A_429 = arith.constant 0 : i32
      %dma_wait3A_430 = tpu.memref_slice %arg2[%dma_wait3A_428, %dma_wait3A_429] : memref<80000x128xf32, #tpu.memory_space<hbm>> -> memref<80000x128xf32, #tpu.memory_space<hbm>>
      tpu.wait_indirect_dma semaphore(%arg16 : memref<!tpu.dma_semaphore, #tpu.memory_space<semaphore_mem>>) src(%dma_wait3A_430 : memref<80000x128xf32, #tpu.memory_space<hbm>>) dst(%dma_wait3A_424 : memref<64x128xf32, #tpu.memory_space<vmem>>)
      %parallel_loop3A = arith.constant 0 : i32
      %parallel_loop3A_431 = arith.constant 128 : i32
      %parallel_loop3A_432 = arith.constant 1 : i32
      scf.for %parallel_loop3A_499 = %parallel_loop3A to %parallel_loop3A_431 step %parallel_loop3A_432  : i32 {
        %parallel_loop3A_500 = arith.constant 0 : i32
        %parallel_loop3A_501 = vector.broadcast %parallel_loop3A_500 : i32 to vector<16xi32>
        %parallel_loop3A_502 = vector.broadcast %add3A_410 : i32 to vector<16xi32>
        %parallel_loop3A_503 = arith.addi %parallel_loop3A_501, %parallel_loop3A_502 : vector<16xi32>
        %parallel_loop3A_504 = vector.broadcast %parallel_loop3A_499 : i32 to vector<16xi32>
        %parallel_loop3A_505 = arith.addi %parallel_loop3A_501, %parallel_loop3A_504 : vector<16xi32>
        %parallel_loop3A_506 = tpu.vector_load_idx %arg12[%parallel_loop3A_503, %parallel_loop3A_505] : memref<16x128xf32, #tpu.memory_space<vmem>>[vector<16xi32>, vector<16xi32>], vector<16xf32>,
        %parallel_loop3A_507 = arith.index_cast %parallel_loop3A_499 : i32 to index
        %parallel_loop3A_508 = arith.constant 0 : index
        %parallel_loop3A_509 = tpu.vector_load %arg13[%parallel_loop3A_507, %parallel_loop3A_508] {strides = array<i32>} : memref<128x128xf32, #tpu.memory_space<vmem>>, vector<16xf32>,
        %parallel_loop3A_510 = arith.mulf %parallel_loop3A_509, %parallel_loop3A_506 : vector<16xf32>
        %parallel_loop3A_511 = arith.index_cast %parallel_loop3A_499 : i32 to index
        %parallel_loop3A_512 = arith.constant 0 : index
        %parallel_loop3A_513 = tpu.vector_load %arg13[%parallel_loop3A_511, %parallel_loop3A_512] {strides = array<i32>} : memref<128x128xf32, #tpu.memory_space<vmem>>, vector<16xf32>,
        tpu.vector_store %arg13[%parallel_loop3A_511, %parallel_loop3A_512], %parallel_loop3A_510 {strides = array<i32>} : memref<128x128xf32, #tpu.memory_space<vmem>>, vector<16xf32>,
        %parallel_loop3A_514 = arith.index_cast %parallel_loop3A_499 : i32 to index
        %parallel_loop3A_515 = arith.constant 16 : index
        %parallel_loop3A_516 = tpu.vector_load %arg13[%parallel_loop3A_514, %parallel_loop3A_515] {strides = array<i32>} : memref<128x128xf32, #tpu.memory_space<vmem>>, vector<16xf32>,
        %parallel_loop3A_517 = arith.mulf %parallel_loop3A_516, %parallel_loop3A_506 : vector<16xf32>
        %parallel_loop3A_518 = arith.index_cast %parallel_loop3A_499 : i32 to index
        %parallel_loop3A_519 = arith.constant 16 : index
        %parallel_loop3A_520 = tpu.vector_load %arg13[%parallel_loop3A_518, %parallel_loop3A_519] {strides = array<i32>} : memref<128x128xf32, #tpu.memory_space<vmem>>, vector<16xf32>,
        tpu.vector_store %arg13[%parallel_loop3A_518, %parallel_loop3A_519], %parallel_loop3A_517 {strides = array<i32>} : memref<128x128xf32, #tpu.memory_space<vmem>>, vector<16xf32>,
        %parallel_loop3A_521 = arith.index_cast %parallel_loop3A_499 : i32 to index
        %parallel_loop3A_522 = arith.constant 32 : index
        %parallel_loop3A_523 = tpu.vector_load %arg13[%parallel_loop3A_521, %parallel_loop3A_522] {strides = array<i32>} : memref<128x128xf32, #tpu.memory_space<vmem>>, vector<16xf32>,
        %parallel_loop3A_524 = arith.mulf %parallel_loop3A_523, %parallel_loop3A_506 : vector<16xf32>
        %parallel_loop3A_525 = arith.index_cast %parallel_loop3A_499 : i32 to index
        %parallel_loop3A_526 = arith.constant 32 : index
        %parallel_loop3A_527 = tpu.vector_load %arg13[%parallel_loop3A_525, %parallel_loop3A_526] {strides = array<i32>} : memref<128x128xf32, #tpu.memory_space<vmem>>, vector<16xf32>,
        tpu.vector_store %arg13[%parallel_loop3A_525, %parallel_loop3A_526], %parallel_loop3A_524 {strides = array<i32>} : memref<128x128xf32, #tpu.memory_space<vmem>>, vector<16xf32>,
        %parallel_loop3A_528 = arith.index_cast %parallel_loop3A_499 : i32 to index
        %parallel_loop3A_529 = arith.constant 48 : index
        %parallel_loop3A_530 = tpu.vector_load %arg13[%parallel_loop3A_528, %parallel_loop3A_529] {strides = array<i32>} : memref<128x128xf32, #tpu.memory_space<vmem>>, vector<16xf32>,
        %parallel_loop3A_531 = arith.mulf %parallel_loop3A_530, %parallel_loop3A_506 : vector<16xf32>
        %parallel_loop3A_532 = arith.index_cast %parallel_loop3A_499 : i32 to index
        %parallel_loop3A_533 = arith.constant 48 : index
        %parallel_loop3A_534 = tpu.vector_load %arg13[%parallel_loop3A_532, %parallel_loop3A_533] {strides = array<i32>} : memref<128x128xf32, #tpu.memory_space<vmem>>, vector<16xf32>,
        tpu.vector_store %arg13[%parallel_loop3A_532, %parallel_loop3A_533], %parallel_loop3A_531 {strides = array<i32>} : memref<128x128xf32, #tpu.memory_space<vmem>>, vector<16xf32>,
        %parallel_loop3A_535 = arith.index_cast %parallel_loop3A_499 : i32 to index
        %parallel_loop3A_536 = arith.constant 64 : index
        %parallel_loop3A_537 = tpu.vector_load %arg13[%parallel_loop3A_535, %parallel_loop3A_536] {strides = array<i32>} : memref<128x128xf32, #tpu.memory_space<vmem>>, vector<16xf32>,
        %parallel_loop3A_538 = arith.mulf %parallel_loop3A_537, %parallel_loop3A_506 : vector<16xf32>
        %parallel_loop3A_539 = arith.index_cast %parallel_loop3A_499 : i32 to index
        %parallel_loop3A_540 = arith.constant 64 : index
        %parallel_loop3A_541 = tpu.vector_load %arg13[%parallel_loop3A_539, %parallel_loop3A_540] {strides = array<i32>} : memref<128x128xf32, #tpu.memory_space<vmem>>, vector<16xf32>,
        tpu.vector_store %arg13[%parallel_loop3A_539, %parallel_loop3A_540], %parallel_loop3A_538 {strides = array<i32>} : memref<128x128xf32, #tpu.memory_space<vmem>>, vector<16xf32>,
        %parallel_loop3A_542 = arith.index_cast %parallel_loop3A_499 : i32 to index
        %parallel_loop3A_543 = arith.constant 80 : index
        %parallel_loop3A_544 = tpu.vector_load %arg13[%parallel_loop3A_542, %parallel_loop3A_543] {strides = array<i32>} : memref<128x128xf32, #tpu.memory_space<vmem>>, vector<16xf32>,
        %parallel_loop3A_545 = arith.mulf %parallel_loop3A_544, %parallel_loop3A_506 : vector<16xf32>
        %parallel_loop3A_546 = arith.index_cast %parallel_loop3A_499 : i32 to index
        %parallel_loop3A_547 = arith.constant 80 : index
        %parallel_loop3A_548 = tpu.vector_load %arg13[%parallel_loop3A_546, %parallel_loop3A_547] {strides = array<i32>} : memref<128x128xf32, #tpu.memory_space<vmem>>, vector<16xf32>,
        tpu.vector_store %arg13[%parallel_loop3A_546, %parallel_loop3A_547], %parallel_loop3A_545 {strides = array<i32>} : memref<128x128xf32, #tpu.memory_space<vmem>>, vector<16xf32>,
        %parallel_loop3A_549 = arith.index_cast %parallel_loop3A_499 : i32 to index
        %parallel_loop3A_550 = arith.constant 96 : index
        %parallel_loop3A_551 = tpu.vector_load %arg13[%parallel_loop3A_549, %parallel_loop3A_550] {strides = array<i32>} : memref<128x128xf32, #tpu.memory_space<vmem>>, vector<16xf32>,
        %parallel_loop3A_552 = arith.mulf %parallel_loop3A_551, %parallel_loop3A_506 : vector<16xf32>
        %parallel_loop3A_553 = arith.index_cast %parallel_loop3A_499 : i32 to index
        %parallel_loop3A_554 = arith.constant 96 : index
        %parallel_loop3A_555 = tpu.vector_load %arg13[%parallel_loop3A_553, %parallel_loop3A_554] {strides = array<i32>} : memref<128x128xf32, #tpu.memory_space<vmem>>, vector<16xf32>,
        tpu.vector_store %arg13[%parallel_loop3A_553, %parallel_loop3A_554], %parallel_loop3A_552 {strides = array<i32>} : memref<128x128xf32, #tpu.memory_space<vmem>>, vector<16xf32>,
        %parallel_loop3A_556 = arith.index_cast %parallel_loop3A_499 : i32 to index
        %parallel_loop3A_557 = arith.constant 112 : index
        %parallel_loop3A_558 = tpu.vector_load %arg13[%parallel_loop3A_556, %parallel_loop3A_557] {strides = array<i32>} : memref<128x128xf32, #tpu.memory_space<vmem>>, vector<16xf32>,
        %parallel_loop3A_559 = arith.mulf %parallel_loop3A_558, %parallel_loop3A_506 : vector<16xf32>
        %parallel_loop3A_560 = arith.index_cast %parallel_loop3A_499 : i32 to index
        %parallel_loop3A_561 = arith.constant 112 : index
        %parallel_loop3A_562 = tpu.vector_load %arg13[%parallel_loop3A_560, %parallel_loop3A_561] {strides = array<i32>} : memref<128x128xf32, #tpu.memory_space<vmem>>, vector<16xf32>,
        tpu.vector_store %arg13[%parallel_loop3A_560, %parallel_loop3A_561], %parallel_loop3A_559 {strides = array<i32>} : memref<128x128xf32, #tpu.memory_space<vmem>>, vector<16xf32>,
      } {sc.loop_unroll_factor = 4 : i64, sc.parallel_access}
      %dma_start3A_433 = arith.constant 0 : i32
      %dma_start3A_434 = tpu.memref_slice %arg10[%add3A_410, %dma_start3A_433] : memref<16x128xi32, #tpu.memory_space<vmem>> -> memref<1x128xi32, #tpu.memory_space<vmem>>
      %dma_start3A_435 = tpu.memref_squeeze %dma_start3A_434 : memref<1x128xi32, #tpu.memory_space<vmem>> -> memref<128xi32, #tpu.memory_space<vmem>>
      %dma_start3A_436 = arith.constant 0 : i32
      %dma_start3A_437 = arith.constant 0 : i32
      %dma_start3A_438 = tpu.memref_slice %arg15[%dma_start3A_436, %dma_start3A_437] : memref<10240x128xf32, #tpu.memory_space<vmem_shared>> -> memref<10240x128xf32, #tpu.memory_space<vmem_shared>>
      tpu.enqueue_indirect_dma source(%arg13 : memref<128x128xf32, #tpu.memory_space<vmem>>) target(%dma_start3A_438 : memref<10240x128xf32, #tpu.memory_space<vmem_shared>>) offsets(%dma_start3A_435 : memref<128xi32, #tpu.memory_space<vmem>>) semaphore(%arg18 : memref<!tpu.dma_semaphore, #tpu.memory_space<semaphore_mem>>) {add = true}
      %add3A_439 = arith.constant 1 : i32
      %add3A_440 = arith.addi %add3A_408, %add3A_439 : i32
      %dma_wait3A_441 = arith.constant 0 : i32
      %dma_wait3A_442 = arith.constant 0 : i32
      %dma_wait3A_443 = arith.constant 0 : i32
      %dma_wait3A_444 = tpu.memref_slice %arg14[%dma_wait3A_442, %dma_wait3A_443] : memref<128x128xf32, #tpu.memory_space<vmem>> -> memref<64x128xf32, #tpu.memory_space<vmem>>
      %dma_wait3A_445 = arith.constant 0 : i32
      %dma_wait3A_446 = tpu.memref_slice %arg8[%dma_wait3A_441, %dma_wait3A_445] : memref<16x128xi32, #tpu.memory_space<vmem>> -> memref<1x64xi32, #tpu.memory_space<vmem>>
      %dma_wait3A_447 = tpu.memref_squeeze %dma_wait3A_446 : memref<1x64xi32, #tpu.memory_space<vmem>> -> memref<64xi32, #tpu.memory_space<vmem>>
      %dma_wait3A_448 = arith.constant 0 : i32
      %dma_wait3A_449 = arith.constant 0 : i32
      %dma_wait3A_450 = tpu.memref_slice %arg2[%dma_wait3A_448, %dma_wait3A_449] : memref<80000x128xf32, #tpu.memory_space<hbm>> -> memref<80000x128xf32, #tpu.memory_space<hbm>>
      tpu.wait_indirect_dma semaphore(%arg17 : memref<!tpu.dma_semaphore, #tpu.memory_space<semaphore_mem>>) src(%dma_wait3A_450 : memref<80000x128xf32, #tpu.memory_space<hbm>>) dst(%dma_wait3A_444 : memref<64x128xf32, #tpu.memory_space<vmem>>)
      %dma_wait3A_451 = arith.constant 0 : i32
      %dma_wait3A_452 = arith.constant 64 : i32
      %dma_wait3A_453 = arith.constant 0 : i32
      %dma_wait3A_454 = tpu.memref_slice %arg14[%dma_wait3A_452, %dma_wait3A_453] : memref<128x128xf32, #tpu.memory_space<vmem>> -> memref<64x128xf32, #tpu.memory_space<vmem>>
      %dma_wait3A_455 = arith.constant 64 : i32
      %dma_wait3A_456 = tpu.memref_slice %arg8[%dma_wait3A_451, %dma_wait3A_455] : memref<16x128xi32, #tpu.memory_space<vmem>> -> memref<1x64xi32, #tpu.memory_space<vmem>>
      %dma_wait3A_457 = tpu.memref_squeeze %dma_wait3A_456 : memref<1x64xi32, #tpu.memory_space<vmem>> -> memref<64xi32, #tpu.memory_space<vmem>>
      %dma_wait3A_458 = arith.constant 0 : i32
      %dma_wait3A_459 = arith.constant 0 : i32
      %dma_wait3A_460 = tpu.memref_slice %arg2[%dma_wait3A_458, %dma_wait3A_459] : memref<80000x128xf32, #tpu.memory_space<hbm>> -> memref<80000x128xf32, #tpu.memory_space<hbm>>
      tpu.wait_indirect_dma semaphore(%arg17 : memref<!tpu.dma_semaphore, #tpu.memory_space<semaphore_mem>>) src(%dma_wait3A_460 : memref<80000x128xf32, #tpu.memory_space<hbm>>) dst(%dma_wait3A_454 : memref<64x128xf32, #tpu.memory_space<vmem>>)
      %parallel_loop3A_461 = arith.constant 0 : i32
      %parallel_loop3A_462 = arith.constant 128 : i32
      %parallel_loop3A_463 = arith.constant 1 : i32
      scf.for %parallel_loop3A_499 = %parallel_loop3A_461 to %parallel_loop3A_462 step %parallel_loop3A_463  : i32 {
        %parallel_loop3A_500 = arith.constant 0 : i32
        %parallel_loop3A_501 = vector.broadcast %parallel_loop3A_500 : i32 to vector<16xi32>
        %parallel_loop3A_502 = vector.broadcast %add3A_440 : i32 to vector<16xi32>
        %parallel_loop3A_503 = arith.addi %parallel_loop3A_501, %parallel_loop3A_502 : vector<16xi32>
        %parallel_loop3A_504 = vector.broadcast %parallel_loop3A_499 : i32 to vector<16xi32>
        %parallel_loop3A_505 = arith.addi %parallel_loop3A_501, %parallel_loop3A_504 : vector<16xi32>
        %parallel_loop3A_506 = tpu.vector_load_idx %arg12[%parallel_loop3A_503, %parallel_loop3A_505] : memref<16x128xf32, #tpu.memory_space<vmem>>[vector<16xi32>, vector<16xi32>], vector<16xf32>,
        %parallel_loop3A_507 = arith.index_cast %parallel_loop3A_499 : i32 to index
        %parallel_loop3A_508 = arith.constant 0 : index
        %parallel_loop3A_509 = tpu.vector_load %arg14[%parallel_loop3A_507, %parallel_loop3A_508] {strides = array<i32>} : memref<128x128xf32, #tpu.memory_space<vmem>>, vector<16xf32>,
        %parallel_loop3A_510 = arith.mulf %parallel_loop3A_509, %parallel_loop3A_506 : vector<16xf32>
        %parallel_loop3A_511 = arith.index_cast %parallel_loop3A_499 : i32 to index
        %parallel_loop3A_512 = arith.constant 0 : index
        %parallel_loop3A_513 = tpu.vector_load %arg14[%parallel_loop3A_511, %parallel_loop3A_512] {strides = array<i32>} : memref<128x128xf32, #tpu.memory_space<vmem>>, vector<16xf32>,
        tpu.vector_store %arg14[%parallel_loop3A_511, %parallel_loop3A_512], %parallel_loop3A_510 {strides = array<i32>} : memref<128x128xf32, #tpu.memory_space<vmem>>, vector<16xf32>,
        %parallel_loop3A_514 = arith.index_cast %parallel_loop3A_499 : i32 to index
        %parallel_loop3A_515 = arith.constant 16 : index
        %parallel_loop3A_516 = tpu.vector_load %arg14[%parallel_loop3A_514, %parallel_loop3A_515] {strides = array<i32>} : memref<128x128xf32, #tpu.memory_space<vmem>>, vector<16xf32>,
        %parallel_loop3A_517 = arith.mulf %parallel_loop3A_516, %parallel_loop3A_506 : vector<16xf32>
        %parallel_loop3A_518 = arith.index_cast %parallel_loop3A_499 : i32 to index
        %parallel_loop3A_519 = arith.constant 16 : index
        %parallel_loop3A_520 = tpu.vector_load %arg14[%parallel_loop3A_518, %parallel_loop3A_519] {strides = array<i32>} : memref<128x128xf32, #tpu.memory_space<vmem>>, vector<16xf32>,
        tpu.vector_store %arg14[%parallel_loop3A_518, %parallel_loop3A_519], %parallel_loop3A_517 {strides = array<i32>} : memref<128x128xf32, #tpu.memory_space<vmem>>, vector<16xf32>,
        %parallel_loop3A_521 = arith.index_cast %parallel_loop3A_499 : i32 to index
        %parallel_loop3A_522 = arith.constant 32 : index
        %parallel_loop3A_523 = tpu.vector_load %arg14[%parallel_loop3A_521, %parallel_loop3A_522] {strides = array<i32>} : memref<128x128xf32, #tpu.memory_space<vmem>>, vector<16xf32>,
        %parallel_loop3A_524 = arith.mulf %parallel_loop3A_523, %parallel_loop3A_506 : vector<16xf32>
        %parallel_loop3A_525 = arith.index_cast %parallel_loop3A_499 : i32 to index
        %parallel_loop3A_526 = arith.constant 32 : index
        %parallel_loop3A_527 = tpu.vector_load %arg14[%parallel_loop3A_525, %parallel_loop3A_526] {strides = array<i32>} : memref<128x128xf32, #tpu.memory_space<vmem>>, vector<16xf32>,
        tpu.vector_store %arg14[%parallel_loop3A_525, %parallel_loop3A_526], %parallel_loop3A_524 {strides = array<i32>} : memref<128x128xf32, #tpu.memory_space<vmem>>, vector<16xf32>,
        %parallel_loop3A_528 = arith.index_cast %parallel_loop3A_499 : i32 to index
        %parallel_loop3A_529 = arith.constant 48 : index
        %parallel_loop3A_530 = tpu.vector_load %arg14[%parallel_loop3A_528, %parallel_loop3A_529] {strides = array<i32>} : memref<128x128xf32, #tpu.memory_space<vmem>>, vector<16xf32>,
        %parallel_loop3A_531 = arith.mulf %parallel_loop3A_530, %parallel_loop3A_506 : vector<16xf32>
        %parallel_loop3A_532 = arith.index_cast %parallel_loop3A_499 : i32 to index
        %parallel_loop3A_533 = arith.constant 48 : index
        %parallel_loop3A_534 = tpu.vector_load %arg14[%parallel_loop3A_532, %parallel_loop3A_533] {strides = array<i32>} : memref<128x128xf32, #tpu.memory_space<vmem>>, vector<16xf32>,
        tpu.vector_store %arg14[%parallel_loop3A_532, %parallel_loop3A_533], %parallel_loop3A_531 {strides = array<i32>} : memref<128x128xf32, #tpu.memory_space<vmem>>, vector<16xf32>,
        %parallel_loop3A_535 = arith.index_cast %parallel_loop3A_499 : i32 to index
        %parallel_loop3A_536 = arith.constant 64 : index
        %parallel_loop3A_537 = tpu.vector_load %arg14[%parallel_loop3A_535, %parallel_loop3A_536] {strides = array<i32>} : memref<128x128xf32, #tpu.memory_space<vmem>>, vector<16xf32>,
        %parallel_loop3A_538 = arith.mulf %parallel_loop3A_537, %parallel_loop3A_506 : vector<16xf32>
        %parallel_loop3A_539 = arith.index_cast %parallel_loop3A_499 : i32 to index
        %parallel_loop3A_540 = arith.constant 64 : index
        %parallel_loop3A_541 = tpu.vector_load %arg14[%parallel_loop3A_539, %parallel_loop3A_540] {strides = array<i32>} : memref<128x128xf32, #tpu.memory_space<vmem>>, vector<16xf32>,
        tpu.vector_store %arg14[%parallel_loop3A_539, %parallel_loop3A_540], %parallel_loop3A_538 {strides = array<i32>} : memref<128x128xf32, #tpu.memory_space<vmem>>, vector<16xf32>,
        %parallel_loop3A_542 = arith.index_cast %parallel_loop3A_499 : i32 to index
        %parallel_loop3A_543 = arith.constant 80 : index
        %parallel_loop3A_544 = tpu.vector_load %arg14[%parallel_loop3A_542, %parallel_loop3A_543] {strides = array<i32>} : memref<128x128xf32, #tpu.memory_space<vmem>>, vector<16xf32>,
        %parallel_loop3A_545 = arith.mulf %parallel_loop3A_544, %parallel_loop3A_506 : vector<16xf32>
        %parallel_loop3A_546 = arith.index_cast %parallel_loop3A_499 : i32 to index
        %parallel_loop3A_547 = arith.constant 80 : index
        %parallel_loop3A_548 = tpu.vector_load %arg14[%parallel_loop3A_546, %parallel_loop3A_547] {strides = array<i32>} : memref<128x128xf32, #tpu.memory_space<vmem>>, vector<16xf32>,
        tpu.vector_store %arg14[%parallel_loop3A_546, %parallel_loop3A_547], %parallel_loop3A_545 {strides = array<i32>} : memref<128x128xf32, #tpu.memory_space<vmem>>, vector<16xf32>,
        %parallel_loop3A_549 = arith.index_cast %parallel_loop3A_499 : i32 to index
        %parallel_loop3A_550 = arith.constant 96 : index
        %parallel_loop3A_551 = tpu.vector_load %arg14[%parallel_loop3A_549, %parallel_loop3A_550] {strides = array<i32>} : memref<128x128xf32, #tpu.memory_space<vmem>>, vector<16xf32>,
        %parallel_loop3A_552 = arith.mulf %parallel_loop3A_551, %parallel_loop3A_506 : vector<16xf32>
        %parallel_loop3A_553 = arith.index_cast %parallel_loop3A_499 : i32 to index
        %parallel_loop3A_554 = arith.constant 96 : index
        %parallel_loop3A_555 = tpu.vector_load %arg14[%parallel_loop3A_553, %parallel_loop3A_554] {strides = array<i32>} : memref<128x128xf32, #tpu.memory_space<vmem>>, vector<16xf32>,
        tpu.vector_store %arg14[%parallel_loop3A_553, %parallel_loop3A_554], %parallel_loop3A_552 {strides = array<i32>} : memref<128x128xf32, #tpu.memory_space<vmem>>, vector<16xf32>,
        %parallel_loop3A_556 = arith.index_cast %parallel_loop3A_499 : i32 to index
        %parallel_loop3A_557 = arith.constant 112 : index
        %parallel_loop3A_558 = tpu.vector_load %arg14[%parallel_loop3A_556, %parallel_loop3A_557] {strides = array<i32>} : memref<128x128xf32, #tpu.memory_space<vmem>>, vector<16xf32>,
        %parallel_loop3A_559 = arith.mulf %parallel_loop3A_558, %parallel_loop3A_506 : vector<16xf32>
        %parallel_loop3A_560 = arith.index_cast %parallel_loop3A_499 : i32 to index
        %parallel_loop3A_561 = arith.constant 112 : index
        %parallel_loop3A_562 = tpu.vector_load %arg14[%parallel_loop3A_560, %parallel_loop3A_561] {strides = array<i32>} : memref<128x128xf32, #tpu.memory_space<vmem>>, vector<16xf32>,
        tpu.vector_store %arg14[%parallel_loop3A_560, %parallel_loop3A_561], %parallel_loop3A_559 {strides = array<i32>} : memref<128x128xf32, #tpu.memory_space<vmem>>, vector<16xf32>,
      } {sc.loop_unroll_factor = 4 : i64, sc.parallel_access}
      %dma_start3A_464 = arith.constant 0 : i32
      %dma_start3A_465 = tpu.memref_slice %arg10[%add3A_440, %dma_start3A_464] : memref<16x128xi32, #tpu.memory_space<vmem>> -> memref<1x128xi32, #tpu.memory_space<vmem>>
      %dma_start3A_466 = tpu.memref_squeeze %dma_start3A_465 : memref<1x128xi32, #tpu.memory_space<vmem>> -> memref<128xi32, #tpu.memory_space<vmem>>
      %dma_start3A_467 = arith.constant 0 : i32
      %dma_start3A_468 = arith.constant 0 : i32
      %dma_start3A_469 = tpu.memref_slice %arg15[%dma_start3A_467, %dma_start3A_468] : memref<10240x128xf32, #tpu.memory_space<vmem_shared>> -> memref<10240x128xf32, #tpu.memory_space<vmem_shared>>
      tpu.enqueue_indirect_dma source(%arg14 : memref<128x128xf32, #tpu.memory_space<vmem>>) target(%dma_start3A_469 : memref<10240x128xf32, #tpu.memory_space<vmem_shared>>) offsets(%dma_start3A_466 : memref<128xi32, #tpu.memory_space<vmem>>) semaphore(%arg19 : memref<!tpu.dma_semaphore, #tpu.memory_space<semaphore_mem>>) {add = true}
      %dma_wait3A_470 = arith.constant 0 : i32
      %dma_wait3A_471 = arith.constant 0 : i32
      %dma_wait3A_472 = tpu.memref_slice %arg10[%dma_wait3A_470, %dma_wait3A_471] : memref<16x128xi32, #tpu.memory_space<vmem>> -> memref<1x128xi32, #tpu.memory_space<vmem>>
      %dma_wait3A_473 = tpu.memref_squeeze %dma_wait3A_472 : memref<1x128xi32, #tpu.memory_space<vmem>> -> memref<128xi32, #tpu.memory_space<vmem>>
      %dma_wait3A_474 = arith.constant 0 : i32
      %dma_wait3A_475 = arith.constant 0 : i32
      %dma_wait3A_476 = tpu.memref_slice %arg15[%dma_wait3A_474, %dma_wait3A_475] : memref<10240x128xf32, #tpu.memory_space<vmem_shared>> -> memref<10240x128xf32, #tpu.memory_space<vmem_shared>>
      tpu.wait_indirect_dma semaphore(%arg18 : memref<!tpu.dma_semaphore, #tpu.memory_space<semaphore_mem>>) src(%arg13 : memref<128x128xf32, #tpu.memory_space<vmem>>) dst(%dma_wait3A_476 : memref<10240x128xf32, #tpu.memory_space<vmem_shared>>)
      %add3A_477 = arith.constant 2 : i32
      %add3A_478 = arith.addi %add3A_408, %add3A_477 : i32
      %add3A_479 = arith.constant 0 : i32
      %add3A_480 = arith.addi %add3A_478, %add3A_479 : i32
      %lt3A = arith.constant 16 : i32
      %lt3A_481 = arith.cmpi slt, %add3A_480, %lt3A : i32
      %convert_element_type3A = arith.extui %lt3A_481 : i1 to i32
      %cond3A = arith.constant 0 : i32
      %cond3A_482 = arith.cmpi ne, %convert_element_type3A, %cond3A : i32
      scf.if %cond3A_482 {
        %dma_start3A_499 = arith.constant 0 : i32
        %dma_start3A_500 = arith.constant 0 : i32
        %dma_start3A_501 = tpu.memref_slice %arg13[%dma_start3A_499, %dma_start3A_500] : memref<128x128xf32, #tpu.memory_space<vmem>> -> memref<64x128xf32, #tpu.memory_space<vmem>>
        %dma_start3A_502 = arith.constant 0 : i32
        %dma_start3A_503 = tpu.memref_slice %arg8[%add3A_480, %dma_start3A_502] : memref<16x128xi32, #tpu.memory_space<vmem>> -> memref<1x64xi32, #tpu.memory_space<vmem>>
        %dma_start3A_504 = tpu.memref_squeeze %dma_start3A_503 : memref<1x64xi32, #tpu.memory_space<vmem>> -> memref<64xi32, #tpu.memory_space<vmem>>
        %dma_start3A_505 = arith.constant 0 : i32
        %dma_start3A_506 = arith.constant 0 : i32
        %dma_start3A_507 = tpu.memref_slice %arg2[%dma_start3A_505, %dma_start3A_506] : memref<80000x128xf32, #tpu.memory_space<hbm>> -> memref<80000x128xf32, #tpu.memory_space<hbm>>
        tpu.enqueue_indirect_dma source(%dma_start3A_507 : memref<80000x128xf32, #tpu.memory_space<hbm>>) target(%dma_start3A_501 : memref<64x128xf32, #tpu.memory_space<vmem>>) offsets(%dma_start3A_504 : memref<64xi32, #tpu.memory_space<vmem>>) semaphore(%arg16 : memref<!tpu.dma_semaphore, #tpu.memory_space<semaphore_mem>>)
        %dma_start3A_508 = arith.constant 64 : i32
        %dma_start3A_509 = arith.constant 0 : i32
        %dma_start3A_510 = tpu.memref_slice %arg13[%dma_start3A_508, %dma_start3A_509] : memref<128x128xf32, #tpu.memory_space<vmem>> -> memref<64x128xf32, #tpu.memory_space<vmem>>
        %dma_start3A_511 = arith.constant 64 : i32
        %dma_start3A_512 = tpu.memref_slice %arg8[%add3A_480, %dma_start3A_511] : memref<16x128xi32, #tpu.memory_space<vmem>> -> memref<1x64xi32, #tpu.memory_space<vmem>>
        %dma_start3A_513 = tpu.memref_squeeze %dma_start3A_512 : memref<1x64xi32, #tpu.memory_space<vmem>> -> memref<64xi32, #tpu.memory_space<vmem>>
        %dma_start3A_514 = arith.constant 0 : i32
        %dma_start3A_515 = arith.constant 0 : i32
        %dma_start3A_516 = tpu.memref_slice %arg2[%dma_start3A_514, %dma_start3A_515] : memref<80000x128xf32, #tpu.memory_space<hbm>> -> memref<80000x128xf32, #tpu.memory_space<hbm>>
        tpu.enqueue_indirect_dma source(%dma_start3A_516 : memref<80000x128xf32, #tpu.memory_space<hbm>>) target(%dma_start3A_510 : memref<64x128xf32, #tpu.memory_space<vmem>>) offsets(%dma_start3A_513 : memref<64xi32, #tpu.memory_space<vmem>>) semaphore(%arg16 : memref<!tpu.dma_semaphore, #tpu.memory_space<semaphore_mem>>)
      } else {
      }
      %dma_wait3A_483 = arith.constant 0 : i32
      %dma_wait3A_484 = arith.constant 0 : i32
      %dma_wait3A_485 = tpu.memref_slice %arg10[%dma_wait3A_483, %dma_wait3A_484] : memref<16x128xi32, #tpu.memory_space<vmem>> -> memref<1x128xi32, #tpu.memory_space<vmem>>
      %dma_wait3A_486 = tpu.memref_squeeze %dma_wait3A_485 : memref<1x128xi32, #tpu.memory_space<vmem>> -> memref<128xi32, #tpu.memory_space<vmem>>
      %dma_wait3A_487 = arith.constant 0 : i32
      %dma_wait3A_488 = arith.constant 0 : i32
      %dma_wait3A_489 = tpu.memref_slice %arg15[%dma_wait3A_487, %dma_wait3A_488] : memref<10240x128xf32, #tpu.memory_space<vmem_shared>> -> memref<10240x128xf32, #tpu.memory_space<vmem_shared>>
      tpu.wait_indirect_dma semaphore(%arg19 : memref<!tpu.dma_semaphore, #tpu.memory_space<semaphore_mem>>) src(%arg14 : memref<128x128xf32, #tpu.memory_space<vmem>>) dst(%dma_wait3A_489 : memref<10240x128xf32, #tpu.memory_space<vmem_shared>>)
      %add3A_490 = arith.constant 2 : i32
      %add3A_491 = arith.addi %add3A_408, %add3A_490 : i32
      %add3A_492 = arith.constant 1 : i32
      %add3A_493 = arith.addi %add3A_491, %add3A_492 : i32
      %lt3A_494 = arith.constant 16 : i32
      %lt3A_495 = arith.cmpi slt, %add3A_493, %lt3A_494 : i32
      %convert_element_type3A_496 = arith.extui %lt3A_495 : i1 to i32
      %cond3A_497 = arith.constant 0 : i32
      %cond3A_498 = arith.cmpi ne, %convert_element_type3A_496, %cond3A_497 : i32
      scf.if %cond3A_498 {
        %dma_start3A_499 = arith.constant 0 : i32
        %dma_start3A_500 = arith.constant 0 : i32
        %dma_start3A_501 = tpu.memref_slice %arg14[%dma_start3A_499, %dma_start3A_500] : memref<128x128xf32, #tpu.memory_space<vmem>> -> memref<64x128xf32, #tpu.memory_space<vmem>>
        %dma_start3A_502 = arith.constant 0 : i32
        %dma_start3A_503 = tpu.memref_slice %arg8[%add3A_493, %dma_start3A_502] : memref<16x128xi32, #tpu.memory_space<vmem>> -> memref<1x64xi32, #tpu.memory_space<vmem>>
        %dma_start3A_504 = tpu.memref_squeeze %dma_start3A_503 : memref<1x64xi32, #tpu.memory_space<vmem>> -> memref<64xi32, #tpu.memory_space<vmem>>
        %dma_start3A_505 = arith.constant 0 : i32
        %dma_start3A_506 = arith.constant 0 : i32
        %dma_start3A_507 = tpu.memref_slice %arg2[%dma_start3A_505, %dma_start3A_506] : memref<80000x128xf32, #tpu.memory_space<hbm>> -> memref<80000x128xf32, #tpu.memory_space<hbm>>
        tpu.enqueue_indirect_dma source(%dma_start3A_507 : memref<80000x128xf32, #tpu.memory_space<hbm>>) target(%dma_start3A_501 : memref<64x128xf32, #tpu.memory_space<vmem>>) offsets(%dma_start3A_504 : memref<64xi32, #tpu.memory_space<vmem>>) semaphore(%arg17 : memref<!tpu.dma_semaphore, #tpu.memory_space<semaphore_mem>>)
        %dma_start3A_508 = arith.constant 64 : i32
        %dma_start3A_509 = arith.constant 0 : i32
        %dma_start3A_510 = tpu.memref_slice %arg14[%dma_start3A_508, %dma_start3A_509] : memref<128x128xf32, #tpu.memory_space<vmem>> -> memref<64x128xf32, #tpu.memory_space<vmem>>
        %dma_start3A_511 = arith.constant 64 : i32
        %dma_start3A_512 = tpu.memref_slice %arg8[%add3A_493, %dma_start3A_511] : memref<16x128xi32, #tpu.memory_space<vmem>> -> memref<1x64xi32, #tpu.memory_space<vmem>>
        %dma_start3A_513 = tpu.memref_squeeze %dma_start3A_512 : memref<1x64xi32, #tpu.memory_space<vmem>> -> memref<64xi32, #tpu.memory_space<vmem>>
        %dma_start3A_514 = arith.constant 0 : i32
        %dma_start3A_515 = arith.constant 0 : i32
        %dma_start3A_516 = tpu.memref_slice %arg2[%dma_start3A_514, %dma_start3A_515] : memref<80000x128xf32, #tpu.memory_space<hbm>> -> memref<80000x128xf32, #tpu.memory_space<hbm>>
        tpu.enqueue_indirect_dma source(%dma_start3A_516 : memref<80000x128xf32, #tpu.memory_space<hbm>>) target(%dma_start3A_510 : memref<64x128xf32, #tpu.memory_space<vmem>>) offsets(%dma_start3A_513 : memref<64xi32, #tpu.memory_space<vmem>>) semaphore(%arg17 : memref<!tpu.dma_semaphore, #tpu.memory_space<semaphore_mem>>)
      } else {
      }
    }
    %scan3A_339 = arith.constant 8 : i32
    %dma_wait3A_340 = arith.constant 0 : i32
    %dma_wait3A_341 = arith.constant 0 : i32
    %dma_wait3A_342 = tpu.memref_slice %arg3[%dma_wait3A_340, %dma_wait3A_341] : memref<2560x128xi32, #tpu.memory_space<hbm>> -> memref<16x128xi32, #tpu.memory_space<hbm>>
    %dma_wait3A_343 = arith.constant 0 : i32
    %dma_wait3A_344 = arith.constant 0 : i32
    %dma_wait3A_345 = tpu.memref_slice %arg3[%dma_wait3A_343, %dma_wait3A_344] : memref<2560x128xi32, #tpu.memory_space<hbm>> -> memref<16x128xi32, #tpu.memory_space<hbm>>
    tpu.wait_dma2 semaphore(%arg20 : memref<!tpu.dma_semaphore, #tpu.memory_space<semaphore_mem>>) src(%dma_wait3A_345 : memref<16x128xi32, #tpu.memory_space<hbm>>) dst(%arg7 : memref<16x128xi32, #tpu.memory_space<vmem>>)
    %dma_wait3A_346 = arith.constant 0 : i32
    %dma_wait3A_347 = arith.constant 0 : i32
    %dma_wait3A_348 = tpu.memref_slice %arg4[%dma_wait3A_346, %dma_wait3A_347] : memref<2560x128xi32, #tpu.memory_space<hbm>> -> memref<16x128xi32, #tpu.memory_space<hbm>>
    %dma_wait3A_349 = arith.constant 0 : i32
    %dma_wait3A_350 = arith.constant 0 : i32
    %dma_wait3A_351 = tpu.memref_slice %arg4[%dma_wait3A_349, %dma_wait3A_350] : memref<2560x128xi32, #tpu.memory_space<hbm>> -> memref<16x128xi32, #tpu.memory_space<hbm>>
    tpu.wait_dma2 semaphore(%arg20 : memref<!tpu.dma_semaphore, #tpu.memory_space<semaphore_mem>>) src(%dma_wait3A_351 : memref<16x128xi32, #tpu.memory_space<hbm>>) dst(%arg9 : memref<16x128xi32, #tpu.memory_space<vmem>>)
    %dma_wait3A_352 = arith.constant 0 : i32
    %dma_wait3A_353 = arith.constant 0 : i32
    %dma_wait3A_354 = tpu.memref_slice %arg5[%dma_wait3A_352, %dma_wait3A_353] : memref<2560x128xf32, #tpu.memory_space<hbm>> -> memref<16x128xf32, #tpu.memory_space<hbm>>
    %dma_wait3A_355 = arith.constant 0 : i32
    %dma_wait3A_356 = arith.constant 0 : i32
    %dma_wait3A_357 = tpu.memref_slice %arg5[%dma_wait3A_355, %dma_wait3A_356] : memref<2560x128xf32, #tpu.memory_space<hbm>> -> memref<16x128xf32, #tpu.memory_space<hbm>>
    tpu.wait_dma2 semaphore(%arg20 : memref<!tpu.dma_semaphore, #tpu.memory_space<semaphore_mem>>) src(%dma_wait3A_357 : memref<16x128xf32, #tpu.memory_space<hbm>>) dst(%arg11 : memref<16x128xf32, #tpu.memory_space<vmem>>)
    %dma_start3A_358 = arith.constant 0 : i32
    %dma_start3A_359 = arith.constant 0 : i32
    %dma_start3A_360 = arith.constant 0 : i32
    %dma_start3A_361 = tpu.memref_slice %arg13[%dma_start3A_359, %dma_start3A_360] : memref<128x128xf32, #tpu.memory_space<vmem>> -> memref<64x128xf32, #tpu.memory_space<vmem>>
    %dma_start3A_362 = arith.constant 0 : i32
    %dma_start3A_363 = tpu.memref_slice %arg7[%dma_start3A_358, %dma_start3A_362] : memref<16x128xi32, #tpu.memory_space<vmem>> -> memref<1x64xi32, #tpu.memory_space<vmem>>
    %dma_start3A_364 = tpu.memref_squeeze %dma_start3A_363 : memref<1x64xi32, #tpu.memory_space<vmem>> -> memref<64xi32, #tpu.memory_space<vmem>>
    %dma_start3A_365 = arith.constant 0 : i32
    %dma_start3A_366 = arith.constant 0 : i32
    %dma_start3A_367 = tpu.memref_slice %arg2[%dma_start3A_365, %dma_start3A_366] : memref<80000x128xf32, #tpu.memory_space<hbm>> -> memref<80000x128xf32, #tpu.memory_space<hbm>>
    tpu.enqueue_indirect_dma source(%dma_start3A_367 : memref<80000x128xf32, #tpu.memory_space<hbm>>) target(%dma_start3A_361 : memref<64x128xf32, #tpu.memory_space<vmem>>) offsets(%dma_start3A_364 : memref<64xi32, #tpu.memory_space<vmem>>) semaphore(%arg16 : memref<!tpu.dma_semaphore, #tpu.memory_space<semaphore_mem>>)
    %dma_start3A_368 = arith.constant 0 : i32
    %dma_start3A_369 = arith.constant 64 : i32
    %dma_start3A_370 = arith.constant 0 : i32
    %dma_start3A_371 = tpu.memref_slice %arg13[%dma_start3A_369, %dma_start3A_370] : memref<128x128xf32, #tpu.memory_space<vmem>> -> memref<64x128xf32, #tpu.memory_space<vmem>>
    %dma_start3A_372 = arith.constant 64 : i32
    %dma_start3A_373 = tpu.memref_slice %arg7[%dma_start3A_368, %dma_start3A_372] : memref<16x128xi32, #tpu.memory_space<vmem>> -> memref<1x64xi32, #tpu.memory_space<vmem>>
    %dma_start3A_374 = tpu.memref_squeeze %dma_start3A_373 : memref<1x64xi32, #tpu.memory_space<vmem>> -> memref<64xi32, #tpu.memory_space<vmem>>
    %dma_start3A_375 = arith.constant 0 : i32
    %dma_start3A_376 = arith.constant 0 : i32
    %dma_start3A_377 = tpu.memref_slice %arg2[%dma_start3A_375, %dma_start3A_376] : memref<80000x128xf32, #tpu.memory_space<hbm>> -> memref<80000x128xf32, #tpu.memory_space<hbm>>
    tpu.enqueue_indirect_dma source(%dma_start3A_377 : memref<80000x128xf32, #tpu.memory_space<hbm>>) target(%dma_start3A_371 : memref<64x128xf32, #tpu.memory_space<vmem>>) offsets(%dma_start3A_374 : memref<64xi32, #tpu.memory_space<vmem>>) semaphore(%arg16 : memref<!tpu.dma_semaphore, #tpu.memory_space<semaphore_mem>>)
    %dma_start3A_378 = arith.constant 1 : i32
    %dma_start3A_379 = arith.constant 0 : i32
    %dma_start3A_380 = arith.constant 0 : i32
    %dma_start3A_381 = tpu.memref_slice %arg14[%dma_start3A_379, %dma_start3A_380] : memref<128x128xf32, #tpu.memory_space<vmem>> -> memref<64x128xf32, #tpu.memory_space<vmem>>
    %dma_start3A_382 = arith.constant 0 : i32
    %dma_start3A_383 = tpu.memref_slice %arg7[%dma_start3A_378, %dma_start3A_382] : memref<16x128xi32, #tpu.memory_space<vmem>> -> memref<1x64xi32, #tpu.memory_space<vmem>>
    %dma_start3A_384 = tpu.memref_squeeze %dma_start3A_383 : memref<1x64xi32, #tpu.memory_space<vmem>> -> memref<64xi32, #tpu.memory_space<vmem>>
    %dma_start3A_385 = arith.constant 0 : i32
    %dma_start3A_386 = arith.constant 0 : i32
    %dma_start3A_387 = tpu.memref_slice %arg2[%dma_start3A_385, %dma_start3A_386] : memref<80000x128xf32, #tpu.memory_space<hbm>> -> memref<80000x128xf32, #tpu.memory_space<hbm>>
    tpu.enqueue_indirect_dma source(%dma_start3A_387 : memref<80000x128xf32, #tpu.memory_space<hbm>>) target(%dma_start3A_381 : memref<64x128xf32, #tpu.memory_space<vmem>>) offsets(%dma_start3A_384 : memref<64xi32, #tpu.memory_space<vmem>>) semaphore(%arg17 : memref<!tpu.dma_semaphore, #tpu.memory_space<semaphore_mem>>)
    %dma_start3A_388 = arith.constant 1 : i32
    %dma_start3A_389 = arith.constant 64 : i32
    %dma_start3A_390 = arith.constant 0 : i32
    %dma_start3A_391 = tpu.memref_slice %arg14[%dma_start3A_389, %dma_start3A_390] : memref<128x128xf32, #tpu.memory_space<vmem>> -> memref<64x128xf32, #tpu.memory_space<vmem>>
    %dma_start3A_392 = arith.constant 64 : i32
    %dma_start3A_393 = tpu.memref_slice %arg7[%dma_start3A_388, %dma_start3A_392] : memref<16x128xi32, #tpu.memory_space<vmem>> -> memref<1x64xi32, #tpu.memory_space<vmem>>
    %dma_start3A_394 = tpu.memref_squeeze %dma_start3A_393 : memref<1x64xi32, #tpu.memory_space<vmem>> -> memref<64xi32, #tpu.memory_space<vmem>>
    %dma_start3A_395 = arith.constant 0 : i32
    %dma_start3A_396 = arith.constant 0 : i32
    %dma_start3A_397 = tpu.memref_slice %arg2[%dma_start3A_395, %dma_start3A_396] : memref<80000x128xf32, #tpu.memory_space<hbm>> -> memref<80000x128xf32, #tpu.memory_space<hbm>>
    tpu.enqueue_indirect_dma source(%dma_start3A_397 : memref<80000x128xf32, #tpu.memory_space<hbm>>) target(%dma_start3A_391 : memref<64x128xf32, #tpu.memory_space<vmem>>) offsets(%dma_start3A_394 : memref<64xi32, #tpu.memory_space<vmem>>) semaphore(%arg17 : memref<!tpu.dma_semaphore, #tpu.memory_space<semaphore_mem>>)
    %scan3A_398 = arith.constant 0 : i32
    %scan3A_399 = arith.constant 8 : i32
    %scan3A_400 = arith.addi %scan3A_398, %scan3A_399 : i32
    %scan3A_401 = arith.constant 1 : i32
    scf.for %scan3A_404 = %scan3A_398 to %scan3A_400 step %scan3A_401  : i32 {
      %mul3A_405 = arith.constant 2 : i32
      %mul3A_406 = arith.muli %scan3A_404, %mul3A_405 : i32
      %add3A_407 = arith.constant 0 : i32
      %add3A_408 = arith.addi %add3A_407, %mul3A_406 : i32
      %add3A_409 = arith.constant 0 : i32
      %add3A_410 = arith.addi %add3A_408, %add3A_409 : i32
      %dma_wait3A_411 = arith.constant 0 : i32
      %dma_wait3A_412 = arith.constant 0 : i32
      %dma_wait3A_413 = arith.constant 0 : i32
      %dma_wait3A_414 = tpu.memref_slice %arg13[%dma_wait3A_412, %dma_wait3A_413] : memref<128x128xf32, #tpu.memory_space<vmem>> -> memref<64x128xf32, #tpu.memory_space<vmem>>
      %dma_wait3A_415 = arith.constant 0 : i32
      %dma_wait3A_416 = tpu.memref_slice %arg7[%dma_wait3A_411, %dma_wait3A_415] : memref<16x128xi32, #tpu.memory_space<vmem>> -> memref<1x64xi32, #tpu.memory_space<vmem>>
      %dma_wait3A_417 = tpu.memref_squeeze %dma_wait3A_416 : memref<1x64xi32, #tpu.memory_space<vmem>> -> memref<64xi32, #tpu.memory_space<vmem>>
      %dma_wait3A_418 = arith.constant 0 : i32
      %dma_wait3A_419 = arith.constant 0 : i32
      %dma_wait3A_420 = tpu.memref_slice %arg2[%dma_wait3A_418, %dma_wait3A_419] : memref<80000x128xf32, #tpu.memory_space<hbm>> -> memref<80000x128xf32, #tpu.memory_space<hbm>>
      tpu.wait_indirect_dma semaphore(%arg16 : memref<!tpu.dma_semaphore, #tpu.memory_space<semaphore_mem>>) src(%dma_wait3A_420 : memref<80000x128xf32, #tpu.memory_space<hbm>>) dst(%dma_wait3A_414 : memref<64x128xf32, #tpu.memory_space<vmem>>)
      %dma_wait3A_421 = arith.constant 0 : i32
      %dma_wait3A_422 = arith.constant 64 : i32
      %dma_wait3A_423 = arith.constant 0 : i32
      %dma_wait3A_424 = tpu.memref_slice %arg13[%dma_wait3A_422, %dma_wait3A_423] : memref<128x128xf32, #tpu.memory_space<vmem>> -> memref<64x128xf32, #tpu.memory_space<vmem>>
      %dma_wait3A_425 = arith.constant 64 : i32
      %dma_wait3A_426 = tpu.memref_slice %arg7[%dma_wait3A_421, %dma_wait3A_425] : memref<16x128xi32, #tpu.memory_space<vmem>> -> memref<1x64xi32, #tpu.memory_space<vmem>>
      %dma_wait3A_427 = tpu.memref_squeeze %dma_wait3A_426 : memref<1x64xi32, #tpu.memory_space<vmem>> -> memref<64xi32, #tpu.memory_space<vmem>>
      %dma_wait3A_428 = arith.constant 0 : i32
      %dma_wait3A_429 = arith.constant 0 : i32
      %dma_wait3A_430 = tpu.memref_slice %arg2[%dma_wait3A_428, %dma_wait3A_429] : memref<80000x128xf32, #tpu.memory_space<hbm>> -> memref<80000x128xf32, #tpu.memory_space<hbm>>
      tpu.wait_indirect_dma semaphore(%arg16 : memref<!tpu.dma_semaphore, #tpu.memory_space<semaphore_mem>>) src(%dma_wait3A_430 : memref<80000x128xf32, #tpu.memory_space<hbm>>) dst(%dma_wait3A_424 : memref<64x128xf32, #tpu.memory_space<vmem>>)
      %parallel_loop3A = arith.constant 0 : i32
      %parallel_loop3A_431 = arith.constant 128 : i32
      %parallel_loop3A_432 = arith.constant 1 : i32
      scf.for %parallel_loop3A_499 = %parallel_loop3A to %parallel_loop3A_431 step %parallel_loop3A_432  : i32 {
        %parallel_loop3A_500 = arith.constant 0 : i32
        %parallel_loop3A_501 = vector.broadcast %parallel_loop3A_500 : i32 to vector<16xi32>
        %parallel_loop3A_502 = vector.broadcast %add3A_410 : i32 to vector<16xi32>
        %parallel_loop3A_503 = arith.addi %parallel_loop3A_501, %parallel_loop3A_502 : vector<16xi32>
        %parallel_loop3A_504 = vector.broadcast %parallel_loop3A_499 : i32 to vector<16xi32>
        %parallel_loop3A_505 = arith.addi %parallel_loop3A_501, %parallel_loop3A_504 : vector<16xi32>
        %parallel_loop3A_506 = tpu.vector_load_idx %arg11[%parallel_loop3A_503, %parallel_loop3A_505] : memref<16x128xf32, #tpu.memory_space<vmem>>[vector<16xi32>, vector<16xi32>], vector<16xf32>,
        %parallel_loop3A_507 = arith.index_cast %parallel_loop3A_499 : i32 to index
        %parallel_loop3A_508 = arith.constant 0 : index
        %parallel_loop3A_509 = tpu.vector_load %arg13[%parallel_loop3A_507, %parallel_loop3A_508] {strides = array<i32>} : memref<128x128xf32, #tpu.memory_space<vmem>>, vector<16xf32>,
        %parallel_loop3A_510 = arith.mulf %parallel_loop3A_509, %parallel_loop3A_506 : vector<16xf32>
        %parallel_loop3A_511 = arith.index_cast %parallel_loop3A_499 : i32 to index
        %parallel_loop3A_512 = arith.constant 0 : index
        %parallel_loop3A_513 = tpu.vector_load %arg13[%parallel_loop3A_511, %parallel_loop3A_512] {strides = array<i32>} : memref<128x128xf32, #tpu.memory_space<vmem>>, vector<16xf32>,
        tpu.vector_store %arg13[%parallel_loop3A_511, %parallel_loop3A_512], %parallel_loop3A_510 {strides = array<i32>} : memref<128x128xf32, #tpu.memory_space<vmem>>, vector<16xf32>,
        %parallel_loop3A_514 = arith.index_cast %parallel_loop3A_499 : i32 to index
        %parallel_loop3A_515 = arith.constant 16 : index
        %parallel_loop3A_516 = tpu.vector_load %arg13[%parallel_loop3A_514, %parallel_loop3A_515] {strides = array<i32>} : memref<128x128xf32, #tpu.memory_space<vmem>>, vector<16xf32>,
        %parallel_loop3A_517 = arith.mulf %parallel_loop3A_516, %parallel_loop3A_506 : vector<16xf32>
        %parallel_loop3A_518 = arith.index_cast %parallel_loop3A_499 : i32 to index
        %parallel_loop3A_519 = arith.constant 16 : index
        %parallel_loop3A_520 = tpu.vector_load %arg13[%parallel_loop3A_518, %parallel_loop3A_519] {strides = array<i32>} : memref<128x128xf32, #tpu.memory_space<vmem>>, vector<16xf32>,
        tpu.vector_store %arg13[%parallel_loop3A_518, %parallel_loop3A_519], %parallel_loop3A_517 {strides = array<i32>} : memref<128x128xf32, #tpu.memory_space<vmem>>, vector<16xf32>,
        %parallel_loop3A_521 = arith.index_cast %parallel_loop3A_499 : i32 to index
        %parallel_loop3A_522 = arith.constant 32 : index
        %parallel_loop3A_523 = tpu.vector_load %arg13[%parallel_loop3A_521, %parallel_loop3A_522] {strides = array<i32>} : memref<128x128xf32, #tpu.memory_space<vmem>>, vector<16xf32>,
        %parallel_loop3A_524 = arith.mulf %parallel_loop3A_523, %parallel_loop3A_506 : vector<16xf32>
        %parallel_loop3A_525 = arith.index_cast %parallel_loop3A_499 : i32 to index
        %parallel_loop3A_526 = arith.constant 32 : index
        %parallel_loop3A_527 = tpu.vector_load %arg13[%parallel_loop3A_525, %parallel_loop3A_526] {strides = array<i32>} : memref<128x128xf32, #tpu.memory_space<vmem>>, vector<16xf32>,
        tpu.vector_store %arg13[%parallel_loop3A_525, %parallel_loop3A_526], %parallel_loop3A_524 {strides = array<i32>} : memref<128x128xf32, #tpu.memory_space<vmem>>, vector<16xf32>,
        %parallel_loop3A_528 = arith.index_cast %parallel_loop3A_499 : i32 to index
        %parallel_loop3A_529 = arith.constant 48 : index
        %parallel_loop3A_530 = tpu.vector_load %arg13[%parallel_loop3A_528, %parallel_loop3A_529] {strides = array<i32>} : memref<128x128xf32, #tpu.memory_space<vmem>>, vector<16xf32>,
        %parallel_loop3A_531 = arith.mulf %parallel_loop3A_530, %parallel_loop3A_506 : vector<16xf32>
        %parallel_loop3A_532 = arith.index_cast %parallel_loop3A_499 : i32 to index
        %parallel_loop3A_533 = arith.constant 48 : index
        %parallel_loop3A_534 = tpu.vector_load %arg13[%parallel_loop3A_532, %parallel_loop3A_533] {strides = array<i32>} : memref<128x128xf32, #tpu.memory_space<vmem>>, vector<16xf32>,
        tpu.vector_store %arg13[%parallel_loop3A_532, %parallel_loop3A_533], %parallel_loop3A_531 {strides = array<i32>} : memref<128x128xf32, #tpu.memory_space<vmem>>, vector<16xf32>,
        %parallel_loop3A_535 = arith.index_cast %parallel_loop3A_499 : i32 to index
        %parallel_loop3A_536 = arith.constant 64 : index
        %parallel_loop3A_537 = tpu.vector_load %arg13[%parallel_loop3A_535, %parallel_loop3A_536] {strides = array<i32>} : memref<128x128xf32, #tpu.memory_space<vmem>>, vector<16xf32>,
        %parallel_loop3A_538 = arith.mulf %parallel_loop3A_537, %parallel_loop3A_506 : vector<16xf32>
        %parallel_loop3A_539 = arith.index_cast %parallel_loop3A_499 : i32 to index
        %parallel_loop3A_540 = arith.constant 64 : index
        %parallel_loop3A_541 = tpu.vector_load %arg13[%parallel_loop3A_539, %parallel_loop3A_540] {strides = array<i32>} : memref<128x128xf32, #tpu.memory_space<vmem>>, vector<16xf32>,
        tpu.vector_store %arg13[%parallel_loop3A_539, %parallel_loop3A_540], %parallel_loop3A_538 {strides = array<i32>} : memref<128x128xf32, #tpu.memory_space<vmem>>, vector<16xf32>,
        %parallel_loop3A_542 = arith.index_cast %parallel_loop3A_499 : i32 to index
        %parallel_loop3A_543 = arith.constant 80 : index
        %parallel_loop3A_544 = tpu.vector_load %arg13[%parallel_loop3A_542, %parallel_loop3A_543] {strides = array<i32>} : memref<128x128xf32, #tpu.memory_space<vmem>>, vector<16xf32>,
        %parallel_loop3A_545 = arith.mulf %parallel_loop3A_544, %parallel_loop3A_506 : vector<16xf32>
        %parallel_loop3A_546 = arith.index_cast %parallel_loop3A_499 : i32 to index
        %parallel_loop3A_547 = arith.constant 80 : index
        %parallel_loop3A_548 = tpu.vector_load %arg13[%parallel_loop3A_546, %parallel_loop3A_547] {strides = array<i32>} : memref<128x128xf32, #tpu.memory_space<vmem>>, vector<16xf32>,
        tpu.vector_store %arg13[%parallel_loop3A_546, %parallel_loop3A_547], %parallel_loop3A_545 {strides = array<i32>} : memref<128x128xf32, #tpu.memory_space<vmem>>, vector<16xf32>,
        %parallel_loop3A_549 = arith.index_cast %parallel_loop3A_499 : i32 to index
        %parallel_loop3A_550 = arith.constant 96 : index
        %parallel_loop3A_551 = tpu.vector_load %arg13[%parallel_loop3A_549, %parallel_loop3A_550] {strides = array<i32>} : memref<128x128xf32, #tpu.memory_space<vmem>>, vector<16xf32>,
        %parallel_loop3A_552 = arith.mulf %parallel_loop3A_551, %parallel_loop3A_506 : vector<16xf32>
        %parallel_loop3A_553 = arith.index_cast %parallel_loop3A_499 : i32 to index
        %parallel_loop3A_554 = arith.constant 96 : index
        %parallel_loop3A_555 = tpu.vector_load %arg13[%parallel_loop3A_553, %parallel_loop3A_554] {strides = array<i32>} : memref<128x128xf32, #tpu.memory_space<vmem>>, vector<16xf32>,
        tpu.vector_store %arg13[%parallel_loop3A_553, %parallel_loop3A_554], %parallel_loop3A_552 {strides = array<i32>} : memref<128x128xf32, #tpu.memory_space<vmem>>, vector<16xf32>,
        %parallel_loop3A_556 = arith.index_cast %parallel_loop3A_499 : i32 to index
        %parallel_loop3A_557 = arith.constant 112 : index
        %parallel_loop3A_558 = tpu.vector_load %arg13[%parallel_loop3A_556, %parallel_loop3A_557] {strides = array<i32>} : memref<128x128xf32, #tpu.memory_space<vmem>>, vector<16xf32>,
        %parallel_loop3A_559 = arith.mulf %parallel_loop3A_558, %parallel_loop3A_506 : vector<16xf32>
        %parallel_loop3A_560 = arith.index_cast %parallel_loop3A_499 : i32 to index
        %parallel_loop3A_561 = arith.constant 112 : index
        %parallel_loop3A_562 = tpu.vector_load %arg13[%parallel_loop3A_560, %parallel_loop3A_561] {strides = array<i32>} : memref<128x128xf32, #tpu.memory_space<vmem>>, vector<16xf32>,
        tpu.vector_store %arg13[%parallel_loop3A_560, %parallel_loop3A_561], %parallel_loop3A_559 {strides = array<i32>} : memref<128x128xf32, #tpu.memory_space<vmem>>, vector<16xf32>,
      } {sc.loop_unroll_factor = 4 : i64, sc.parallel_access}
      %dma_start3A_433 = arith.constant 0 : i32
      %dma_start3A_434 = tpu.memref_slice %arg9[%add3A_410, %dma_start3A_433] : memref<16x128xi32, #tpu.memory_space<vmem>> -> memref<1x128xi32, #tpu.memory_space<vmem>>
      %dma_start3A_435 = tpu.memref_squeeze %dma_start3A_434 : memref<1x128xi32, #tpu.memory_space<vmem>> -> memref<128xi32, #tpu.memory_space<vmem>>
      %dma_start3A_436 = arith.constant 0 : i32
      %dma_start3A_437 = arith.constant 0 : i32
      %dma_start3A_438 = tpu.memref_slice %arg15[%dma_start3A_436, %dma_start3A_437] : memref<10240x128xf32, #tpu.memory_space<vmem_shared>> -> memref<10240x128xf32, #tpu.memory_space<vmem_shared>>
      tpu.enqueue_indirect_dma source(%arg13 : memref<128x128xf32, #tpu.memory_space<vmem>>) target(%dma_start3A_438 : memref<10240x128xf32, #tpu.memory_space<vmem_shared>>) offsets(%dma_start3A_435 : memref<128xi32, #tpu.memory_space<vmem>>) semaphore(%arg18 : memref<!tpu.dma_semaphore, #tpu.memory_space<semaphore_mem>>) {add = true}
      %add3A_439 = arith.constant 1 : i32
      %add3A_440 = arith.addi %add3A_408, %add3A_439 : i32
      %dma_wait3A_441 = arith.constant 0 : i32
      %dma_wait3A_442 = arith.constant 0 : i32
      %dma_wait3A_443 = arith.constant 0 : i32
      %dma_wait3A_444 = tpu.memref_slice %arg14[%dma_wait3A_442, %dma_wait3A_443] : memref<128x128xf32, #tpu.memory_space<vmem>> -> memref<64x128xf32, #tpu.memory_space<vmem>>
      %dma_wait3A_445 = arith.constant 0 : i32
      %dma_wait3A_446 = tpu.memref_slice %arg7[%dma_wait3A_441, %dma_wait3A_445] : memref<16x128xi32, #tpu.memory_space<vmem>> -> memref<1x64xi32, #tpu.memory_space<vmem>>
      %dma_wait3A_447 = tpu.memref_squeeze %dma_wait3A_446 : memref<1x64xi32, #tpu.memory_space<vmem>> -> memref<64xi32, #tpu.memory_space<vmem>>
      %dma_wait3A_448 = arith.constant 0 : i32
      %dma_wait3A_449 = arith.constant 0 : i32
      %dma_wait3A_450 = tpu.memref_slice %arg2[%dma_wait3A_448, %dma_wait3A_449] : memref<80000x128xf32, #tpu.memory_space<hbm>> -> memref<80000x128xf32, #tpu.memory_space<hbm>>
      tpu.wait_indirect_dma semaphore(%arg17 : memref<!tpu.dma_semaphore, #tpu.memory_space<semaphore_mem>>) src(%dma_wait3A_450 : memref<80000x128xf32, #tpu.memory_space<hbm>>) dst(%dma_wait3A_444 : memref<64x128xf32, #tpu.memory_space<vmem>>)
      %dma_wait3A_451 = arith.constant 0 : i32
      %dma_wait3A_452 = arith.constant 64 : i32
      %dma_wait3A_453 = arith.constant 0 : i32
      %dma_wait3A_454 = tpu.memref_slice %arg14[%dma_wait3A_452, %dma_wait3A_453] : memref<128x128xf32, #tpu.memory_space<vmem>> -> memref<64x128xf32, #tpu.memory_space<vmem>>
      %dma_wait3A_455 = arith.constant 64 : i32
      %dma_wait3A_456 = tpu.memref_slice %arg7[%dma_wait3A_451, %dma_wait3A_455] : memref<16x128xi32, #tpu.memory_space<vmem>> -> memref<1x64xi32, #tpu.memory_space<vmem>>
      %dma_wait3A_457 = tpu.memref_squeeze %dma_wait3A_456 : memref<1x64xi32, #tpu.memory_space<vmem>> -> memref<64xi32, #tpu.memory_space<vmem>>
      %dma_wait3A_458 = arith.constant 0 : i32
      %dma_wait3A_459 = arith.constant 0 : i32
      %dma_wait3A_460 = tpu.memref_slice %arg2[%dma_wait3A_458, %dma_wait3A_459] : memref<80000x128xf32, #tpu.memory_space<hbm>> -> memref<80000x128xf32, #tpu.memory_space<hbm>>
      tpu.wait_indirect_dma semaphore(%arg17 : memref<!tpu.dma_semaphore, #tpu.memory_space<semaphore_mem>>) src(%dma_wait3A_460 : memref<80000x128xf32, #tpu.memory_space<hbm>>) dst(%dma_wait3A_454 : memref<64x128xf32, #tpu.memory_space<vmem>>)
      %parallel_loop3A_461 = arith.constant 0 : i32
      %parallel_loop3A_462 = arith.constant 128 : i32
      %parallel_loop3A_463 = arith.constant 1 : i32
      scf.for %parallel_loop3A_499 = %parallel_loop3A_461 to %parallel_loop3A_462 step %parallel_loop3A_463  : i32 {
        %parallel_loop3A_500 = arith.constant 0 : i32
        %parallel_loop3A_501 = vector.broadcast %parallel_loop3A_500 : i32 to vector<16xi32>
        %parallel_loop3A_502 = vector.broadcast %add3A_440 : i32 to vector<16xi32>
        %parallel_loop3A_503 = arith.addi %parallel_loop3A_501, %parallel_loop3A_502 : vector<16xi32>
        %parallel_loop3A_504 = vector.broadcast %parallel_loop3A_499 : i32 to vector<16xi32>
        %parallel_loop3A_505 = arith.addi %parallel_loop3A_501, %parallel_loop3A_504 : vector<16xi32>
        %parallel_loop3A_506 = tpu.vector_load_idx %arg11[%parallel_loop3A_503, %parallel_loop3A_505] : memref<16x128xf32, #tpu.memory_space<vmem>>[vector<16xi32>, vector<16xi32>], vector<16xf32>,
        %parallel_loop3A_507 = arith.index_cast %parallel_loop3A_499 : i32 to index
        %parallel_loop3A_508 = arith.constant 0 : index
        %parallel_loop3A_509 = tpu.vector_load %arg14[%parallel_loop3A_507, %parallel_loop3A_508] {strides = array<i32>} : memref<128x128xf32, #tpu.memory_space<vmem>>, vector<16xf32>,
        %parallel_loop3A_510 = arith.mulf %parallel_loop3A_509, %parallel_loop3A_506 : vector<16xf32>
        %parallel_loop3A_511 = arith.index_cast %parallel_loop3A_499 : i32 to index
        %parallel_loop3A_512 = arith.constant 0 : index
        %parallel_loop3A_513 = tpu.vector_load %arg14[%parallel_loop3A_511, %parallel_loop3A_512] {strides = array<i32>} : memref<128x128xf32, #tpu.memory_space<vmem>>, vector<16xf32>,
        tpu.vector_store %arg14[%parallel_loop3A_511, %parallel_loop3A_512], %parallel_loop3A_510 {strides = array<i32>} : memref<128x128xf32, #tpu.memory_space<vmem>>, vector<16xf32>,
        %parallel_loop3A_514 = arith.index_cast %parallel_loop3A_499 : i32 to index
        %parallel_loop3A_515 = arith.constant 16 : index
        %parallel_loop3A_516 = tpu.vector_load %arg14[%parallel_loop3A_514, %parallel_loop3A_515] {strides = array<i32>} : memref<128x128xf32, #tpu.memory_space<vmem>>, vector<16xf32>,
        %parallel_loop3A_517 = arith.mulf %parallel_loop3A_516, %parallel_loop3A_506 : vector<16xf32>
        %parallel_loop3A_518 = arith.index_cast %parallel_loop3A_499 : i32 to index
        %parallel_loop3A_519 = arith.constant 16 : index
        %parallel_loop3A_520 = tpu.vector_load %arg14[%parallel_loop3A_518, %parallel_loop3A_519] {strides = array<i32>} : memref<128x128xf32, #tpu.memory_space<vmem>>, vector<16xf32>,
        tpu.vector_store %arg14[%parallel_loop3A_518, %parallel_loop3A_519], %parallel_loop3A_517 {strides = array<i32>} : memref<128x128xf32, #tpu.memory_space<vmem>>, vector<16xf32>,
        %parallel_loop3A_521 = arith.index_cast %parallel_loop3A_499 : i32 to index
        %parallel_loop3A_522 = arith.constant 32 : index
        %parallel_loop3A_523 = tpu.vector_load %arg14[%parallel_loop3A_521, %parallel_loop3A_522] {strides = array<i32>} : memref<128x128xf32, #tpu.memory_space<vmem>>, vector<16xf32>,
        %parallel_loop3A_524 = arith.mulf %parallel_loop3A_523, %parallel_loop3A_506 : vector<16xf32>
        %parallel_loop3A_525 = arith.index_cast %parallel_loop3A_499 : i32 to index
        %parallel_loop3A_526 = arith.constant 32 : index
        %parallel_loop3A_527 = tpu.vector_load %arg14[%parallel_loop3A_525, %parallel_loop3A_526] {strides = array<i32>} : memref<128x128xf32, #tpu.memory_space<vmem>>, vector<16xf32>,
        tpu.vector_store %arg14[%parallel_loop3A_525, %parallel_loop3A_526], %parallel_loop3A_524 {strides = array<i32>} : memref<128x128xf32, #tpu.memory_space<vmem>>, vector<16xf32>,
        %parallel_loop3A_528 = arith.index_cast %parallel_loop3A_499 : i32 to index
        %parallel_loop3A_529 = arith.constant 48 : index
        %parallel_loop3A_530 = tpu.vector_load %arg14[%parallel_loop3A_528, %parallel_loop3A_529] {strides = array<i32>} : memref<128x128xf32, #tpu.memory_space<vmem>>, vector<16xf32>,
        %parallel_loop3A_531 = arith.mulf %parallel_loop3A_530, %parallel_loop3A_506 : vector<16xf32>
        %parallel_loop3A_532 = arith.index_cast %parallel_loop3A_499 : i32 to index
        %parallel_loop3A_533 = arith.constant 48 : index
        %parallel_loop3A_534 = tpu.vector_load %arg14[%parallel_loop3A_532, %parallel_loop3A_533] {strides = array<i32>} : memref<128x128xf32, #tpu.memory_space<vmem>>, vector<16xf32>,
        tpu.vector_store %arg14[%parallel_loop3A_532, %parallel_loop3A_533], %parallel_loop3A_531 {strides = array<i32>} : memref<128x128xf32, #tpu.memory_space<vmem>>, vector<16xf32>,
        %parallel_loop3A_535 = arith.index_cast %parallel_loop3A_499 : i32 to index
        %parallel_loop3A_536 = arith.constant 64 : index
        %parallel_loop3A_537 = tpu.vector_load %arg14[%parallel_loop3A_535, %parallel_loop3A_536] {strides = array<i32>} : memref<128x128xf32, #tpu.memory_space<vmem>>, vector<16xf32>,
        %parallel_loop3A_538 = arith.mulf %parallel_loop3A_537, %parallel_loop3A_506 : vector<16xf32>
        %parallel_loop3A_539 = arith.index_cast %parallel_loop3A_499 : i32 to index
        %parallel_loop3A_540 = arith.constant 64 : index
        %parallel_loop3A_541 = tpu.vector_load %arg14[%parallel_loop3A_539, %parallel_loop3A_540] {strides = array<i32>} : memref<128x128xf32, #tpu.memory_space<vmem>>, vector<16xf32>,
        tpu.vector_store %arg14[%parallel_loop3A_539, %parallel_loop3A_540], %parallel_loop3A_538 {strides = array<i32>} : memref<128x128xf32, #tpu.memory_space<vmem>>, vector<16xf32>,
        %parallel_loop3A_542 = arith.index_cast %parallel_loop3A_499 : i32 to index
        %parallel_loop3A_543 = arith.constant 80 : index
        %parallel_loop3A_544 = tpu.vector_load %arg14[%parallel_loop3A_542, %parallel_loop3A_543] {strides = array<i32>} : memref<128x128xf32, #tpu.memory_space<vmem>>, vector<16xf32>,
        %parallel_loop3A_545 = arith.mulf %parallel_loop3A_544, %parallel_loop3A_506 : vector<16xf32>
        %parallel_loop3A_546 = arith.index_cast %parallel_loop3A_499 : i32 to index
        %parallel_loop3A_547 = arith.constant 80 : index
        %parallel_loop3A_548 = tpu.vector_load %arg14[%parallel_loop3A_546, %parallel_loop3A_547] {strides = array<i32>} : memref<128x128xf32, #tpu.memory_space<vmem>>, vector<16xf32>,
        tpu.vector_store %arg14[%parallel_loop3A_546, %parallel_loop3A_547], %parallel_loop3A_545 {strides = array<i32>} : memref<128x128xf32, #tpu.memory_space<vmem>>, vector<16xf32>,
        %parallel_loop3A_549 = arith.index_cast %parallel_loop3A_499 : i32 to index
        %parallel_loop3A_550 = arith.constant 96 : index
        %parallel_loop3A_551 = tpu.vector_load %arg14[%parallel_loop3A_549, %parallel_loop3A_550] {strides = array<i32>} : memref<128x128xf32, #tpu.memory_space<vmem>>, vector<16xf32>,
        %parallel_loop3A_552 = arith.mulf %parallel_loop3A_551, %parallel_loop3A_506 : vector<16xf32>
        %parallel_loop3A_553 = arith.index_cast %parallel_loop3A_499 : i32 to index
        %parallel_loop3A_554 = arith.constant 96 : index
        %parallel_loop3A_555 = tpu.vector_load %arg14[%parallel_loop3A_553, %parallel_loop3A_554] {strides = array<i32>} : memref<128x128xf32, #tpu.memory_space<vmem>>, vector<16xf32>,
        tpu.vector_store %arg14[%parallel_loop3A_553, %parallel_loop3A_554], %parallel_loop3A_552 {strides = array<i32>} : memref<128x128xf32, #tpu.memory_space<vmem>>, vector<16xf32>,
        %parallel_loop3A_556 = arith.index_cast %parallel_loop3A_499 : i32 to index
        %parallel_loop3A_557 = arith.constant 112 : index
        %parallel_loop3A_558 = tpu.vector_load %arg14[%parallel_loop3A_556, %parallel_loop3A_557] {strides = array<i32>} : memref<128x128xf32, #tpu.memory_space<vmem>>, vector<16xf32>,
        %parallel_loop3A_559 = arith.mulf %parallel_loop3A_558, %parallel_loop3A_506 : vector<16xf32>
        %parallel_loop3A_560 = arith.index_cast %parallel_loop3A_499 : i32 to index
        %parallel_loop3A_561 = arith.constant 112 : index
        %parallel_loop3A_562 = tpu.vector_load %arg14[%parallel_loop3A_560, %parallel_loop3A_561] {strides = array<i32>} : memref<128x128xf32, #tpu.memory_space<vmem>>, vector<16xf32>,
        tpu.vector_store %arg14[%parallel_loop3A_560, %parallel_loop3A_561], %parallel_loop3A_559 {strides = array<i32>} : memref<128x128xf32, #tpu.memory_space<vmem>>, vector<16xf32>,
      } {sc.loop_unroll_factor = 4 : i64, sc.parallel_access}
      %dma_start3A_464 = arith.constant 0 : i32
      %dma_start3A_465 = tpu.memref_slice %arg9[%add3A_440, %dma_start3A_464] : memref<16x128xi32, #tpu.memory_space<vmem>> -> memref<1x128xi32, #tpu.memory_space<vmem>>
      %dma_start3A_466 = tpu.memref_squeeze %dma_start3A_465 : memref<1x128xi32, #tpu.memory_space<vmem>> -> memref<128xi32, #tpu.memory_space<vmem>>
      %dma_start3A_467 = arith.constant 0 : i32
      %dma_start3A_468 = arith.constant 0 : i32
      %dma_start3A_469 = tpu.memref_slice %arg15[%dma_start3A_467, %dma_start3A_468] : memref<10240x128xf32, #tpu.memory_space<vmem_shared>> -> memref<10240x128xf32, #tpu.memory_space<vmem_shared>>
      tpu.enqueue_indirect_dma source(%arg14 : memref<128x128xf32, #tpu.memory_space<vmem>>) target(%dma_start3A_469 : memref<10240x128xf32, #tpu.memory_space<vmem_shared>>) offsets(%dma_start3A_466 : memref<128xi32, #tpu.memory_space<vmem>>) semaphore(%arg19 : memref<!tpu.dma_semaphore, #tpu.memory_space<semaphore_mem>>) {add = true}
      %dma_wait3A_470 = arith.constant 0 : i32
      %dma_wait3A_471 = arith.constant 0 : i32
      %dma_wait3A_472 = tpu.memref_slice %arg9[%dma_wait3A_470, %dma_wait3A_471] : memref<16x128xi32, #tpu.memory_space<vmem>> -> memref<1x128xi32, #tpu.memory_space<vmem>>
      %dma_wait3A_473 = tpu.memref_squeeze %dma_wait3A_472 : memref<1x128xi32, #tpu.memory_space<vmem>> -> memref<128xi32, #tpu.memory_space<vmem>>
      %dma_wait3A_474 = arith.constant 0 : i32
      %dma_wait3A_475 = arith.constant 0 : i32
      %dma_wait3A_476 = tpu.memref_slice %arg15[%dma_wait3A_474, %dma_wait3A_475] : memref<10240x128xf32, #tpu.memory_space<vmem_shared>> -> memref<10240x128xf32, #tpu.memory_space<vmem_shared>>
      tpu.wait_indirect_dma semaphore(%arg18 : memref<!tpu.dma_semaphore, #tpu.memory_space<semaphore_mem>>) src(%arg13 : memref<128x128xf32, #tpu.memory_space<vmem>>) dst(%dma_wait3A_476 : memref<10240x128xf32, #tpu.memory_space<vmem_shared>>)
      %add3A_477 = arith.constant 2 : i32
      %add3A_478 = arith.addi %add3A_408, %add3A_477 : i32
      %add3A_479 = arith.constant 0 : i32
      %add3A_480 = arith.addi %add3A_478, %add3A_479 : i32
      %lt3A = arith.constant 16 : i32
      %lt3A_481 = arith.cmpi slt, %add3A_480, %lt3A : i32
      %convert_element_type3A = arith.extui %lt3A_481 : i1 to i32
      %cond3A = arith.constant 0 : i32
      %cond3A_482 = arith.cmpi ne, %convert_element_type3A, %cond3A : i32
      scf.if %cond3A_482 {
        %dma_start3A_499 = arith.constant 0 : i32
        %dma_start3A_500 = arith.constant 0 : i32
        %dma_start3A_501 = tpu.memref_slice %arg13[%dma_start3A_499, %dma_start3A_500] : memref<128x128xf32, #tpu.memory_space<vmem>> -> memref<64x128xf32, #tpu.memory_space<vmem>>
        %dma_start3A_502 = arith.constant 0 : i32
        %dma_start3A_503 = tpu.memref_slice %arg7[%add3A_480, %dma_start3A_502] : memref<16x128xi32, #tpu.memory_space<vmem>> -> memref<1x64xi32, #tpu.memory_space<vmem>>
        %dma_start3A_504 = tpu.memref_squeeze %dma_start3A_503 : memref<1x64xi32, #tpu.memory_space<vmem>> -> memref<64xi32, #tpu.memory_space<vmem>>
        %dma_start3A_505 = arith.constant 0 : i32
        %dma_start3A_506 = arith.constant 0 : i32
        %dma_start3A_507 = tpu.memref_slice %arg2[%dma_start3A_505, %dma_start3A_506] : memref<80000x128xf32, #tpu.memory_space<hbm>> -> memref<80000x128xf32, #tpu.memory_space<hbm>>
        tpu.enqueue_indirect_dma source(%dma_start3A_507 : memref<80000x128xf32, #tpu.memory_space<hbm>>) target(%dma_start3A_501 : memref<64x128xf32, #tpu.memory_space<vmem>>) offsets(%dma_start3A_504 : memref<64xi32, #tpu.memory_space<vmem>>) semaphore(%arg16 : memref<!tpu.dma_semaphore, #tpu.memory_space<semaphore_mem>>)
        %dma_start3A_508 = arith.constant 64 : i32
        %dma_start3A_509 = arith.constant 0 : i32
        %dma_start3A_510 = tpu.memref_slice %arg13[%dma_start3A_508, %dma_start3A_509] : memref<128x128xf32, #tpu.memory_space<vmem>> -> memref<64x128xf32, #tpu.memory_space<vmem>>
        %dma_start3A_511 = arith.constant 64 : i32
        %dma_start3A_512 = tpu.memref_slice %arg7[%add3A_480, %dma_start3A_511] : memref<16x128xi32, #tpu.memory_space<vmem>> -> memref<1x64xi32, #tpu.memory_space<vmem>>
        %dma_start3A_513 = tpu.memref_squeeze %dma_start3A_512 : memref<1x64xi32, #tpu.memory_space<vmem>> -> memref<64xi32, #tpu.memory_space<vmem>>
        %dma_start3A_514 = arith.constant 0 : i32
        %dma_start3A_515 = arith.constant 0 : i32
        %dma_start3A_516 = tpu.memref_slice %arg2[%dma_start3A_514, %dma_start3A_515] : memref<80000x128xf32, #tpu.memory_space<hbm>> -> memref<80000x128xf32, #tpu.memory_space<hbm>>
        tpu.enqueue_indirect_dma source(%dma_start3A_516 : memref<80000x128xf32, #tpu.memory_space<hbm>>) target(%dma_start3A_510 : memref<64x128xf32, #tpu.memory_space<vmem>>) offsets(%dma_start3A_513 : memref<64xi32, #tpu.memory_space<vmem>>) semaphore(%arg16 : memref<!tpu.dma_semaphore, #tpu.memory_space<semaphore_mem>>)
      } else {
      }
      %dma_wait3A_483 = arith.constant 0 : i32
      %dma_wait3A_484 = arith.constant 0 : i32
      %dma_wait3A_485 = tpu.memref_slice %arg9[%dma_wait3A_483, %dma_wait3A_484] : memref<16x128xi32, #tpu.memory_space<vmem>> -> memref<1x128xi32, #tpu.memory_space<vmem>>
      %dma_wait3A_486 = tpu.memref_squeeze %dma_wait3A_485 : memref<1x128xi32, #tpu.memory_space<vmem>> -> memref<128xi32, #tpu.memory_space<vmem>>
      %dma_wait3A_487 = arith.constant 0 : i32
      %dma_wait3A_488 = arith.constant 0 : i32
      %dma_wait3A_489 = tpu.memref_slice %arg15[%dma_wait3A_487, %dma_wait3A_488] : memref<10240x128xf32, #tpu.memory_space<vmem_shared>> -> memref<10240x128xf32, #tpu.memory_space<vmem_shared>>
      tpu.wait_indirect_dma semaphore(%arg19 : memref<!tpu.dma_semaphore, #tpu.memory_space<semaphore_mem>>) src(%arg14 : memref<128x128xf32, #tpu.memory_space<vmem>>) dst(%dma_wait3A_489 : memref<10240x128xf32, #tpu.memory_space<vmem_shared>>)
      %add3A_490 = arith.constant 2 : i32
      %add3A_491 = arith.addi %add3A_408, %add3A_490 : i32
      %add3A_492 = arith.constant 1 : i32
      %add3A_493 = arith.addi %add3A_491, %add3A_492 : i32
      %lt3A_494 = arith.constant 16 : i32
      %lt3A_495 = arith.cmpi slt, %add3A_493, %lt3A_494 : i32
      %convert_element_type3A_496 = arith.extui %lt3A_495 : i1 to i32
      %cond3A_497 = arith.constant 0 : i32
      %cond3A_498 = arith.cmpi ne, %convert_element_type3A_496, %cond3A_497 : i32
      scf.if %cond3A_498 {
        %dma_start3A_499 = arith.constant 0 : i32
        %dma_start3A_500 = arith.constant 0 : i32
        %dma_start3A_501 = tpu.memref_slice %arg14[%dma_start3A_499, %dma_start3A_500] : memref<128x128xf32, #tpu.memory_space<vmem>> -> memref<64x128xf32, #tpu.memory_space<vmem>>
        %dma_start3A_502 = arith.constant 0 : i32
        %dma_start3A_503 = tpu.memref_slice %arg7[%add3A_493, %dma_start3A_502] : memref<16x128xi32, #tpu.memory_space<vmem>> -> memref<1x64xi32, #tpu.memory_space<vmem>>
        %dma_start3A_504 = tpu.memref_squeeze %dma_start3A_503 : memref<1x64xi32, #tpu.memory_space<vmem>> -> memref<64xi32, #tpu.memory_space<vmem>>
        %dma_start3A_505 = arith.constant 0 : i32
        %dma_start3A_506 = arith.constant 0 : i32
        %dma_start3A_507 = tpu.memref_slice %arg2[%dma_start3A_505, %dma_start3A_506] : memref<80000x128xf32, #tpu.memory_space<hbm>> -> memref<80000x128xf32, #tpu.memory_space<hbm>>
        tpu.enqueue_indirect_dma source(%dma_start3A_507 : memref<80000x128xf32, #tpu.memory_space<hbm>>) target(%dma_start3A_501 : memref<64x128xf32, #tpu.memory_space<vmem>>) offsets(%dma_start3A_504 : memref<64xi32, #tpu.memory_space<vmem>>) semaphore(%arg17 : memref<!tpu.dma_semaphore, #tpu.memory_space<semaphore_mem>>)
        %dma_start3A_508 = arith.constant 64 : i32
        %dma_start3A_509 = arith.constant 0 : i32
        %dma_start3A_510 = tpu.memref_slice %arg14[%dma_start3A_508, %dma_start3A_509] : memref<128x128xf32, #tpu.memory_space<vmem>> -> memref<64x128xf32, #tpu.memory_space<vmem>>
        %dma_start3A_511 = arith.constant 64 : i32
        %dma_start3A_512 = tpu.memref_slice %arg7[%add3A_493, %dma_start3A_511] : memref<16x128xi32, #tpu.memory_space<vmem>> -> memref<1x64xi32, #tpu.memory_space<vmem>>
        %dma_start3A_513 = tpu.memref_squeeze %dma_start3A_512 : memref<1x64xi32, #tpu.memory_space<vmem>> -> memref<64xi32, #tpu.memory_space<vmem>>
        %dma_start3A_514 = arith.constant 0 : i32
        %dma_start3A_515 = arith.constant 0 : i32
        %dma_start3A_516 = tpu.memref_slice %arg2[%dma_start3A_514, %dma_start3A_515] : memref<80000x128xf32, #tpu.memory_space<hbm>> -> memref<80000x128xf32, #tpu.memory_space<hbm>>
        tpu.enqueue_indirect_dma source(%dma_start3A_516 : memref<80000x128xf32, #tpu.memory_space<hbm>>) target(%dma_start3A_510 : memref<64x128xf32, #tpu.memory_space<vmem>>) offsets(%dma_start3A_513 : memref<64xi32, #tpu.memory_space<vmem>>) semaphore(%arg17 : memref<!tpu.dma_semaphore, #tpu.memory_space<semaphore_mem>>)
      } else {
      }
    }
    %scan3A_402 = arith.constant 8 : i32
    %barrier3A_403 = arith.constant 0 : index
    tpu.barrier barrier_id(%barrier3A_403)
    "tpu.region"() ({
      %run_scoped3A = tpu.sem_alloc : memref<!tpu.dma_semaphore, #tpu.memory_space<semaphore_mem>>
      %dma_start3A_404 = arith.constant 0 : i32
      %dma_start3A_405 = tpu.memref_slice %arg6[%arg0, %mul3A_7, %dma_start3A_404] : memref<2x10240x128xf32, #tpu.memory_space<hbm>> -> memref<1x640x128xf32, #tpu.memory_space<hbm>>
      %dma_start3A_406 = tpu.memref_squeeze %dma_start3A_405 : memref<1x640x128xf32, #tpu.memory_space<hbm>> -> memref<640x128xf32, #tpu.memory_space<hbm>>
      %dma_start3A_407 = arith.constant 0 : i32
      %dma_start3A_408 = tpu.memref_slice %arg15[%mul3A_7, %dma_start3A_407] : memref<10240x128xf32, #tpu.memory_space<vmem_shared>> -> memref<640x128xf32, #tpu.memory_space<vmem_shared>>
      tpu.enqueue_dma source(%dma_start3A_408 : memref<640x128xf32, #tpu.memory_space<vmem_shared>>) target(%dma_start3A_406 : memref<640x128xf32, #tpu.memory_space<hbm>>) target_semaphore(%run_scoped3A : memref<!tpu.dma_semaphore, #tpu.memory_space<semaphore_mem>>)
      %dma_wait3A_409 = arith.constant 0 : i32
      %dma_wait3A_410 = tpu.memref_slice %arg6[%arg0, %mul3A_7, %dma_wait3A_409] : memref<2x10240x128xf32, #tpu.memory_space<hbm>> -> memref<1x640x128xf32, #tpu.memory_space<hbm>>
      %dma_wait3A_411 = tpu.memref_squeeze %dma_wait3A_410 : memref<1x640x128xf32, #tpu.memory_space<hbm>> -> memref<640x128xf32, #tpu.memory_space<hbm>>
      %dma_wait3A_412 = arith.constant 0 : i32
      %dma_wait3A_413 = tpu.memref_slice %arg15[%mul3A_7, %dma_wait3A_412] : memref<10240x128xf32, #tpu.memory_space<vmem_shared>> -> memref<640x128xf32, #tpu.memory_space<vmem_shared>>
      tpu.wait_dma2 semaphore(%run_scoped3A : memref<!tpu.dma_semaphore, #tpu.memory_space<semaphore_mem>>) src(%dma_wait3A_413 : memref<640x128xf32, #tpu.memory_space<vmem_shared>>) dst(%dma_wait3A_411 : memref<640x128xf32, #tpu.memory_space<hbm>>)
      tpu.yield
    }) : () -> ()
    return
  }
}

module attributes {stable_mosaic.version = 14 : i64} {
  func.func @_prep_body(%arg0: memref<5000x128xi32, #tpu.memory_space<vmem>>, %arg1: memref<2500x128xi32, #tpu.memory_space<vmem>>, %arg2: memref<2500x128xf32, #tpu.memory_space<vmem>>, %arg3: memref<2560x128xi32, #tpu.memory_space<vmem>>, %arg4: memref<2560x128xi32, #tpu.memory_space<vmem>>, %arg5: memref<2560x128xf32, #tpu.memory_space<vmem>>) attributes {dimension_semantics = [], scalar_prefetch = 0 : i64, scratch_operands = 0 : i64, tpu.core_type = #tpu.core_type<tc>} {
    %get3A = arith.constant 0 : index
    %get3A_0 = arith.constant 0 : index
    %get3A_1 = vector.load %arg0[%get3A, %get3A_0] : memref<5000x128xi32, #tpu.memory_space<vmem>>, vector<2500x128xi32>
    %get3A_2 = arith.constant 2500 : index
    %get3A_3 = arith.constant 0 : index
    %get3A_4 = vector.load %arg0[%get3A_2, %get3A_3] : memref<5000x128xi32, #tpu.memory_space<vmem>>, vector<2500x128xi32>
    %broadcast_in_dim3A = arith.constant 0.000000e+00 : f32
    %broadcast_in_dim3A_5 = vector.broadcast %broadcast_in_dim3A : f32 to vector<60x128xf32>
    %iota3A = tpu.iota {dimensions = array<i32: 0>} : vector<60x128xi32>
    %mul3A = arith.constant 128 : i32
    %mul3A_6 = vector.broadcast %mul3A : i32 to vector<60x128xi32>
    %mul3A_7 = arith.muli %iota3A, %mul3A_6 : vector<60x128xi32>
    %iota3A_8 = tpu.iota {dimensions = array<i32: 1>} : vector<60x128xi32>
    %add3A = arith.addi %mul3A_7, %iota3A_8 : vector<60x128xi32>
    %jit3A = arith.constant 240 : i32
    %eq3A = arith.constant 0 : i32
    %eq3A_9 = arith.cmpi eq, %jit3A, %eq3A : i32
    %jit3A_10 = arith.constant 1 : i32
    %select_n3A = arith.select %eq3A_9, %jit3A_10, %jit3A : i32
    %rem3A = vector.broadcast %select_n3A : i32 to vector<60x128xi32>
    %rem3A_11 = arith.remsi %add3A, %rem3A : vector<60x128xi32>
    %ne3A = arith.constant 0 : i32
    %ne3A_12 = vector.broadcast %ne3A : i32 to vector<60x128xi32>
    %ne3A_13 = arith.cmpi ne, %rem3A_11, %ne3A_12 : vector<60x128xi32>
    %lt3A = arith.constant 0 : i32
    %lt3A_14 = vector.broadcast %lt3A : i32 to vector<60x128xi32>
    %lt3A_15 = arith.cmpi slt, %rem3A_11, %lt3A_14 : vector<60x128xi32>
    %lt3A_16 = arith.constant 0 : i32
    %lt3A_17 = arith.cmpi slt, %select_n3A, %lt3A_16 : i32
    %ne3A_18 = vector.broadcast %lt3A_17 : i1 to vector<60x128xi1>
    %ne3A_19 = vector.broadcast %ne3A_18 : vector<60x128xi1> to vector<60x128xi1>
    %ne3A_20 = arith.xori %lt3A_15, %ne3A_19 : vector<60x128xi1>
    %and3A = arith.andi %ne3A_20, %ne3A_13 : vector<60x128xi1>
    %add3A_21 = vector.broadcast %select_n3A : i32 to vector<60x128xi32>
    %add3A_22 = arith.addi %rem3A_11, %add3A_21 : vector<60x128xi32>
    %select_n3A_23 = arith.select %and3A, %add3A_22, %rem3A_11 : vector<60x128xi1>, vector<60x128xi32>
    %add3A_24 = arith.constant 10000 : i32
    %add3A_25 = vector.broadcast %add3A_24 : i32 to vector<60x128xi32>
    %add3A_26 = arith.addi %add3A_25, %select_n3A_23 : vector<60x128xi32>
    %jit3A_27 = arith.constant 80000 : i32
    %eq3A_28 = arith.constant 0 : i32
    %eq3A_29 = arith.cmpi eq, %jit3A_27, %eq3A_28 : i32
    %jit3A_30 = arith.constant 1 : i32
    %select_n3A_31 = arith.select %eq3A_29, %jit3A_30, %jit3A_27 : i32
    %rem3A_32 = vector.broadcast %select_n3A_31 : i32 to vector<60x128xi32>
    %rem3A_33 = arith.remsi %add3A, %rem3A_32 : vector<60x128xi32>
    %ne3A_34 = arith.constant 0 : i32
    %ne3A_35 = vector.broadcast %ne3A_34 : i32 to vector<60x128xi32>
    %ne3A_36 = arith.cmpi ne, %rem3A_33, %ne3A_35 : vector<60x128xi32>
    %lt3A_37 = arith.constant 0 : i32
    %lt3A_38 = vector.broadcast %lt3A_37 : i32 to vector<60x128xi32>
    %lt3A_39 = arith.cmpi slt, %rem3A_33, %lt3A_38 : vector<60x128xi32>
    %lt3A_40 = arith.constant 0 : i32
    %lt3A_41 = arith.cmpi slt, %select_n3A_31, %lt3A_40 : i32
    %ne3A_42 = vector.broadcast %lt3A_41 : i1 to vector<60x128xi1>
    %ne3A_43 = vector.broadcast %ne3A_42 : vector<60x128xi1> to vector<60x128xi1>
    %ne3A_44 = arith.xori %lt3A_39, %ne3A_43 : vector<60x128xi1>
    %and3A_45 = arith.andi %ne3A_44, %ne3A_36 : vector<60x128xi1>
    %add3A_46 = vector.broadcast %select_n3A_31 : i32 to vector<60x128xi32>
    %add3A_47 = arith.addi %rem3A_33, %add3A_46 : vector<60x128xi32>
    %select_n3A_48 = arith.select %and3A_45, %add3A_47, %rem3A_33 : vector<60x128xi1>, vector<60x128xi32>
    %get3A_49 = arith.constant 0 : index
    %get3A_50 = arith.constant 0 : index
    %get3A_51 = vector.load %arg1[%get3A_49, %get3A_50] : memref<2500x128xi32, #tpu.memory_space<vmem>>, vector<2500x128xi32>
    %mul3A_52 = arith.constant 10000 : i32
    %mul3A_53 = vector.broadcast %mul3A_52 : i32 to vector<2500x128xi32>
    %mul3A_54 = arith.muli %get3A_51, %mul3A_53 : vector<2500x128xi32>
    %add3A_55 = arith.addi %mul3A_54, %get3A_1 : vector<2500x128xi32>
    %concatenate3A = tpu.concatenate %add3A_55, %select_n3A_48 in 0 : vector<2500x128xi32>, vector<60x128xi32> -> vector<2560x128xi32>
    %swap3A = arith.constant 0 : index
    %swap3A_56 = arith.constant 0 : index
    %swap3A_57 = vector.load %arg3[%swap3A, %swap3A_56] : memref<2560x128xi32, #tpu.memory_space<vmem>>, vector<2560x128xi32>
    tpu.vector_store %arg3[%swap3A, %swap3A_56], %concatenate3A {strides = array<i32>} : memref<2560x128xi32, #tpu.memory_space<vmem>>, vector<2560x128xi32>,
    %concatenate3A_58 = tpu.concatenate %get3A_4, %add3A_26 in 0 : vector<2500x128xi32>, vector<60x128xi32> -> vector<2560x128xi32>
    %swap3A_59 = arith.constant 0 : index
    %swap3A_60 = arith.constant 0 : index
    %swap3A_61 = vector.load %arg4[%swap3A_59, %swap3A_60] : memref<2560x128xi32, #tpu.memory_space<vmem>>, vector<2560x128xi32>
    tpu.vector_store %arg4[%swap3A_59, %swap3A_60], %concatenate3A_58 {strides = array<i32>} : memref<2560x128xi32, #tpu.memory_space<vmem>>, vector<2560x128xi32>,
    %get3A_62 = arith.constant 0 : index
    %get3A_63 = arith.constant 0 : index
    %get3A_64 = vector.load %arg2[%get3A_62, %get3A_63] : memref<2500x128xf32, #tpu.memory_space<vmem>>, vector<2500x128xf32>
    %concatenate3A_65 = tpu.concatenate %get3A_64, %broadcast_in_dim3A_5 in 0 : vector<2500x128xf32>, vector<60x128xf32> -> vector<2560x128xf32>
    %swap3A_66 = arith.constant 0 : index
    %swap3A_67 = arith.constant 0 : index
    %swap3A_68 = vector.load %arg5[%swap3A_66, %swap3A_67] : memref<2560x128xf32, #tpu.memory_space<vmem>>, vector<2560x128xf32>
    tpu.vector_store %arg5[%swap3A_66, %swap3A_67], %concatenate3A_65 {strides = array<i32>} : memref<2560x128xf32, #tpu.memory_space<vmem>>, vector<2560x128xf32>,
    return
  }
}

module attributes {stable_mosaic.version = 14 : i64} {
  func.func @_mm_body(%arg0: i32, %arg1: memref<2000x128xf32, #tpu.memory_space<vmem>>, %arg2: memref<8x128x128xf32, #tpu.memory_space<vmem>>, %arg3: memref<8x2000x128xf32, #tpu.memory_space<vmem>>) attributes {dimension_semantics = [#tpu.dimension_semantics<arbitrary>], iteration_bounds = array<i64: 5>, scalar_prefetch = 0 : i64, scratch_operands = 0 : i64, tpu.core_type = #tpu.core_type<tc>, window_params = [{transform_indices = @transform_0, window_bounds = array<i64: 2000, 128>}, {pipeline_mode = #tpu.pipeline_mode<synchronous>, transform_indices = @transform_1, window_bounds = array<i64: 8, 128, 128>}, {transform_indices = @transform_2, window_bounds = array<i64: 8, 2000, 128>}]} {
    %get3A = arith.constant 0 : index
    %get3A_0 = arith.constant 0 : index
    %get3A_1 = vector.load %arg1[%get3A, %get3A_0] : memref<2000x128xf32, #tpu.memory_space<vmem>>, vector<2000x128xf32>
    %get3A_2 = arith.constant 0 : index
    %get3A_3 = arith.constant 0 : index
    %get3A_4 = arith.constant 0 : index
    %get3A_5 = vector.load %arg2[%get3A_2, %get3A_3, %get3A_4] : memref<8x128x128xf32, #tpu.memory_space<vmem>>, vector<1x128x128xf32>
    %get3A_6 = vector.shape_cast %get3A_5 : vector<1x128x128xf32> to vector<128x128xf32>
    %dot_general3A = arith.constant dense<0.000000e+00> : vector<2000x128xf32>
    %dot_general3A_7 = tpu.matmul %get3A_1, %get3A_6, %dot_general3A {dimension_numbers = #tpu.dot_dimension_numbers<[1], [0], [0], [1], [0, 0, 1, 1], [], []>, transpose_lhs_hint = false} : vector<2000x128xf32>, vector<128x128xf32>, vector<2000x128xf32> -> vector<2000x128xf32>
    %swap3A = arith.constant 0 : index
    %swap3A_8 = arith.constant 0 : index
    %swap3A_9 = arith.constant 0 : index
    %swap3A_10 = vector.load %arg3[%swap3A, %swap3A_8, %swap3A_9] : memref<8x2000x128xf32, #tpu.memory_space<vmem>>, vector<1x2000x128xf32>
    %swap3A_11 = vector.shape_cast %swap3A_10 : vector<1x2000x128xf32> to vector<2000x128xf32>
    %swap3A_12 = vector.shape_cast %dot_general3A_7 : vector<2000x128xf32> to vector<1x2000x128xf32>
    tpu.vector_store %arg3[%swap3A, %swap3A_8, %swap3A_9], %swap3A_12 {strides = array<i32>} : memref<8x2000x128xf32, #tpu.memory_space<vmem>>, vector<1x2000x128xf32>,
    %get3A_13 = arith.constant 0 : index
    %get3A_14 = arith.constant 0 : index
    %get3A_15 = vector.load %arg1[%get3A_13, %get3A_14] : memref<2000x128xf32, #tpu.memory_space<vmem>>, vector<2000x128xf32>
    %get3A_16 = arith.constant 1 : index
    %get3A_17 = arith.constant 0 : index
    %get3A_18 = arith.constant 0 : index
    %get3A_19 = vector.load %arg2[%get3A_16, %get3A_17, %get3A_18] : memref<8x128x128xf32, #tpu.memory_space<vmem>>, vector<1x128x128xf32>
    %get3A_20 = vector.shape_cast %get3A_19 : vector<1x128x128xf32> to vector<128x128xf32>
    %dot_general3A_21 = arith.constant dense<0.000000e+00> : vector<2000x128xf32>
    %dot_general3A_22 = tpu.matmul %get3A_15, %get3A_20, %dot_general3A_21 {dimension_numbers = #tpu.dot_dimension_numbers<[1], [0], [0], [1], [0, 0, 1, 1], [], []>, transpose_lhs_hint = false} : vector<2000x128xf32>, vector<128x128xf32>, vector<2000x128xf32> -> vector<2000x128xf32>
    %swap3A_23 = arith.constant 1 : index
    %swap3A_24 = arith.constant 0 : index
    %swap3A_25 = arith.constant 0 : index
    %swap3A_26 = vector.load %arg3[%swap3A_23, %swap3A_24, %swap3A_25] : memref<8x2000x128xf32, #tpu.memory_space<vmem>>, vector<1x2000x128xf32>
    %swap3A_27 = vector.shape_cast %swap3A_26 : vector<1x2000x128xf32> to vector<2000x128xf32>
    %swap3A_28 = vector.shape_cast %dot_general3A_22 : vector<2000x128xf32> to vector<1x2000x128xf32>
    tpu.vector_store %arg3[%swap3A_23, %swap3A_24, %swap3A_25], %swap3A_28 {strides = array<i32>} : memref<8x2000x128xf32, #tpu.memory_space<vmem>>, vector<1x2000x128xf32>,
    %get3A_29 = arith.constant 0 : index
    %get3A_30 = arith.constant 0 : index
    %get3A_31 = vector.load %arg1[%get3A_29, %get3A_30] : memref<2000x128xf32, #tpu.memory_space<vmem>>, vector<2000x128xf32>
    %get3A_32 = arith.constant 2 : index
    %get3A_33 = arith.constant 0 : index
    %get3A_34 = arith.constant 0 : index
    %get3A_35 = vector.load %arg2[%get3A_32, %get3A_33, %get3A_34] : memref<8x128x128xf32, #tpu.memory_space<vmem>>, vector<1x128x128xf32>
    %get3A_36 = vector.shape_cast %get3A_35 : vector<1x128x128xf32> to vector<128x128xf32>
    %dot_general3A_37 = arith.constant dense<0.000000e+00> : vector<2000x128xf32>
    %dot_general3A_38 = tpu.matmul %get3A_31, %get3A_36, %dot_general3A_37 {dimension_numbers = #tpu.dot_dimension_numbers<[1], [0], [0], [1], [0, 0, 1, 1], [], []>, transpose_lhs_hint = false} : vector<2000x128xf32>, vector<128x128xf32>, vector<2000x128xf32> -> vector<2000x128xf32>
    %swap3A_39 = arith.constant 2 : index
    %swap3A_40 = arith.constant 0 : index
    %swap3A_41 = arith.constant 0 : index
    %swap3A_42 = vector.load %arg3[%swap3A_39, %swap3A_40, %swap3A_41] : memref<8x2000x128xf32, #tpu.memory_space<vmem>>, vector<1x2000x128xf32>
    %swap3A_43 = vector.shape_cast %swap3A_42 : vector<1x2000x128xf32> to vector<2000x128xf32>
    %swap3A_44 = vector.shape_cast %dot_general3A_38 : vector<2000x128xf32> to vector<1x2000x128xf32>
    tpu.vector_store %arg3[%swap3A_39, %swap3A_40, %swap3A_41], %swap3A_44 {strides = array<i32>} : memref<8x2000x128xf32, #tpu.memory_space<vmem>>, vector<1x2000x128xf32>,
    %get3A_45 = arith.constant 0 : index
    %get3A_46 = arith.constant 0 : index
    %get3A_47 = vector.load %arg1[%get3A_45, %get3A_46] : memref<2000x128xf32, #tpu.memory_space<vmem>>, vector<2000x128xf32>
    %get3A_48 = arith.constant 3 : index
    %get3A_49 = arith.constant 0 : index
    %get3A_50 = arith.constant 0 : index
    %get3A_51 = vector.load %arg2[%get3A_48, %get3A_49, %get3A_50] : memref<8x128x128xf32, #tpu.memory_space<vmem>>, vector<1x128x128xf32>
    %get3A_52 = vector.shape_cast %get3A_51 : vector<1x128x128xf32> to vector<128x128xf32>
    %dot_general3A_53 = arith.constant dense<0.000000e+00> : vector<2000x128xf32>
    %dot_general3A_54 = tpu.matmul %get3A_47, %get3A_52, %dot_general3A_53 {dimension_numbers = #tpu.dot_dimension_numbers<[1], [0], [0], [1], [0, 0, 1, 1], [], []>, transpose_lhs_hint = false} : vector<2000x128xf32>, vector<128x128xf32>, vector<2000x128xf32> -> vector<2000x128xf32>
    %swap3A_55 = arith.constant 3 : index
    %swap3A_56 = arith.constant 0 : index
    %swap3A_57 = arith.constant 0 : index
    %swap3A_58 = vector.load %arg3[%swap3A_55, %swap3A_56, %swap3A_57] : memref<8x2000x128xf32, #tpu.memory_space<vmem>>, vector<1x2000x128xf32>
    %swap3A_59 = vector.shape_cast %swap3A_58 : vector<1x2000x128xf32> to vector<2000x128xf32>
    %swap3A_60 = vector.shape_cast %dot_general3A_54 : vector<2000x128xf32> to vector<1x2000x128xf32>
    tpu.vector_store %arg3[%swap3A_55, %swap3A_56, %swap3A_57], %swap3A_60 {strides = array<i32>} : memref<8x2000x128xf32, #tpu.memory_space<vmem>>, vector<1x2000x128xf32>,
    %get3A_61 = arith.constant 0 : index
    %get3A_62 = arith.constant 0 : index
    %get3A_63 = vector.load %arg1[%get3A_61, %get3A_62] : memref<2000x128xf32, #tpu.memory_space<vmem>>, vector<2000x128xf32>
    %get3A_64 = arith.constant 4 : index
    %get3A_65 = arith.constant 0 : index
    %get3A_66 = arith.constant 0 : index
    %get3A_67 = vector.load %arg2[%get3A_64, %get3A_65, %get3A_66] : memref<8x128x128xf32, #tpu.memory_space<vmem>>, vector<1x128x128xf32>
    %get3A_68 = vector.shape_cast %get3A_67 : vector<1x128x128xf32> to vector<128x128xf32>
    %dot_general3A_69 = arith.constant dense<0.000000e+00> : vector<2000x128xf32>
    %dot_general3A_70 = tpu.matmul %get3A_63, %get3A_68, %dot_general3A_69 {dimension_numbers = #tpu.dot_dimension_numbers<[1], [0], [0], [1], [0, 0, 1, 1], [], []>, transpose_lhs_hint = false} : vector<2000x128xf32>, vector<128x128xf32>, vector<2000x128xf32> -> vector<2000x128xf32>
    %swap3A_71 = arith.constant 4 : index
    %swap3A_72 = arith.constant 0 : index
    %swap3A_73 = arith.constant 0 : index
    %swap3A_74 = vector.load %arg3[%swap3A_71, %swap3A_72, %swap3A_73] : memref<8x2000x128xf32, #tpu.memory_space<vmem>>, vector<1x2000x128xf32>
    %swap3A_75 = vector.shape_cast %swap3A_74 : vector<1x2000x128xf32> to vector<2000x128xf32>
    %swap3A_76 = vector.shape_cast %dot_general3A_70 : vector<2000x128xf32> to vector<1x2000x128xf32>
    tpu.vector_store %arg3[%swap3A_71, %swap3A_72, %swap3A_73], %swap3A_76 {strides = array<i32>} : memref<8x2000x128xf32, #tpu.memory_space<vmem>>, vector<1x2000x128xf32>,
    %get3A_77 = arith.constant 0 : index
    %get3A_78 = arith.constant 0 : index
    %get3A_79 = vector.load %arg1[%get3A_77, %get3A_78] : memref<2000x128xf32, #tpu.memory_space<vmem>>, vector<2000x128xf32>
    %get3A_80 = arith.constant 5 : index
    %get3A_81 = arith.constant 0 : index
    %get3A_82 = arith.constant 0 : index
    %get3A_83 = vector.load %arg2[%get3A_80, %get3A_81, %get3A_82] : memref<8x128x128xf32, #tpu.memory_space<vmem>>, vector<1x128x128xf32>
    %get3A_84 = vector.shape_cast %get3A_83 : vector<1x128x128xf32> to vector<128x128xf32>
    %dot_general3A_85 = arith.constant dense<0.000000e+00> : vector<2000x128xf32>
    %dot_general3A_86 = tpu.matmul %get3A_79, %get3A_84, %dot_general3A_85 {dimension_numbers = #tpu.dot_dimension_numbers<[1], [0], [0], [1], [0, 0, 1, 1], [], []>, transpose_lhs_hint = false} : vector<2000x128xf32>, vector<128x128xf32>, vector<2000x128xf32> -> vector<2000x128xf32>
    %swap3A_87 = arith.constant 5 : index
    %swap3A_88 = arith.constant 0 : index
    %swap3A_89 = arith.constant 0 : index
    %swap3A_90 = vector.load %arg3[%swap3A_87, %swap3A_88, %swap3A_89] : memref<8x2000x128xf32, #tpu.memory_space<vmem>>, vector<1x2000x128xf32>
    %swap3A_91 = vector.shape_cast %swap3A_90 : vector<1x2000x128xf32> to vector<2000x128xf32>
    %swap3A_92 = vector.shape_cast %dot_general3A_86 : vector<2000x128xf32> to vector<1x2000x128xf32>
    tpu.vector_store %arg3[%swap3A_87, %swap3A_88, %swap3A_89], %swap3A_92 {strides = array<i32>} : memref<8x2000x128xf32, #tpu.memory_space<vmem>>, vector<1x2000x128xf32>,
    %get3A_93 = arith.constant 0 : index
    %get3A_94 = arith.constant 0 : index
    %get3A_95 = vector.load %arg1[%get3A_93, %get3A_94] : memref<2000x128xf32, #tpu.memory_space<vmem>>, vector<2000x128xf32>
    %get3A_96 = arith.constant 6 : index
    %get3A_97 = arith.constant 0 : index
    %get3A_98 = arith.constant 0 : index
    %get3A_99 = vector.load %arg2[%get3A_96, %get3A_97, %get3A_98] : memref<8x128x128xf32, #tpu.memory_space<vmem>>, vector<1x128x128xf32>
    %get3A_100 = vector.shape_cast %get3A_99 : vector<1x128x128xf32> to vector<128x128xf32>
    %dot_general3A_101 = arith.constant dense<0.000000e+00> : vector<2000x128xf32>
    %dot_general3A_102 = tpu.matmul %get3A_95, %get3A_100, %dot_general3A_101 {dimension_numbers = #tpu.dot_dimension_numbers<[1], [0], [0], [1], [0, 0, 1, 1], [], []>, transpose_lhs_hint = false} : vector<2000x128xf32>, vector<128x128xf32>, vector<2000x128xf32> -> vector<2000x128xf32>
    %swap3A_103 = arith.constant 6 : index
    %swap3A_104 = arith.constant 0 : index
    %swap3A_105 = arith.constant 0 : index
    %swap3A_106 = vector.load %arg3[%swap3A_103, %swap3A_104, %swap3A_105] : memref<8x2000x128xf32, #tpu.memory_space<vmem>>, vector<1x2000x128xf32>
    %swap3A_107 = vector.shape_cast %swap3A_106 : vector<1x2000x128xf32> to vector<2000x128xf32>
    %swap3A_108 = vector.shape_cast %dot_general3A_102 : vector<2000x128xf32> to vector<1x2000x128xf32>
    tpu.vector_store %arg3[%swap3A_103, %swap3A_104, %swap3A_105], %swap3A_108 {strides = array<i32>} : memref<8x2000x128xf32, #tpu.memory_space<vmem>>, vector<1x2000x128xf32>,
    %get3A_109 = arith.constant 0 : index
    %get3A_110 = arith.constant 0 : index
    %get3A_111 = vector.load %arg1[%get3A_109, %get3A_110] : memref<2000x128xf32, #tpu.memory_space<vmem>>, vector<2000x128xf32>
    %get3A_112 = arith.constant 7 : index
    %get3A_113 = arith.constant 0 : index
    %get3A_114 = arith.constant 0 : index
    %get3A_115 = vector.load %arg2[%get3A_112, %get3A_113, %get3A_114] : memref<8x128x128xf32, #tpu.memory_space<vmem>>, vector<1x128x128xf32>
    %get3A_116 = vector.shape_cast %get3A_115 : vector<1x128x128xf32> to vector<128x128xf32>
    %dot_general3A_117 = arith.constant dense<0.000000e+00> : vector<2000x128xf32>
    %dot_general3A_118 = tpu.matmul %get3A_111, %get3A_116, %dot_general3A_117 {dimension_numbers = #tpu.dot_dimension_numbers<[1], [0], [0], [1], [0, 0, 1, 1], [], []>, transpose_lhs_hint = false} : vector<2000x128xf32>, vector<128x128xf32>, vector<2000x128xf32> -> vector<2000x128xf32>
    %swap3A_119 = arith.constant 7 : index
    %swap3A_120 = arith.constant 0 : index
    %swap3A_121 = arith.constant 0 : index
    %swap3A_122 = vector.load %arg3[%swap3A_119, %swap3A_120, %swap3A_121] : memref<8x2000x128xf32, #tpu.memory_space<vmem>>, vector<1x2000x128xf32>
    %swap3A_123 = vector.shape_cast %swap3A_122 : vector<1x2000x128xf32> to vector<2000x128xf32>
    %swap3A_124 = vector.shape_cast %dot_general3A_118 : vector<2000x128xf32> to vector<1x2000x128xf32>
    tpu.vector_store %arg3[%swap3A_119, %swap3A_120, %swap3A_121], %swap3A_124 {strides = array<i32>} : memref<8x2000x128xf32, #tpu.memory_space<vmem>>, vector<1x2000x128xf32>,
    return
  }
  func.func @transform_0(%arg0: i32) -> (i32, i32) {
    %c0_i32 = arith.constant 0 : i32
    %c0_i32_0 = arith.constant 0 : i32
    return %arg0, %c0_i32 : i32, i32
  }
  func.func @transform_1(%arg0: i32) -> (i32, i32, i32) {
    %c0_i32 = arith.constant 0 : i32
    %c0_i32_0 = arith.constant 0 : i32
    %c0_i32_1 = arith.constant 0 : i32
    %c0_i32_2 = arith.constant 0 : i32
    return %c0_i32, %c0_i32_0, %c0_i32_1 : i32, i32, i32
  }
  func.func @transform_2(%arg0: i32) -> (i32, i32, i32) {
    %c0_i32 = arith.constant 0 : i32
    %c0_i32_0 = arith.constant 0 : i32
    %c0_i32_1 = arith.constant 0 : i32
    return %c0_i32, %arg0, %c0_i32_0 : i32, i32, i32
  }
}

module attributes {stable_mosaic.version = 14 : i64} {
  func.func @_add_body(%arg0: i32, %arg1: memref<1x2000x128xf32, #tpu.memory_space<vmem>>, %arg2: memref<1x2000x128xf32, #tpu.memory_space<vmem>>, %arg3: memref<2000x128xf32, #tpu.memory_space<vmem>>) attributes {dimension_semantics = [#tpu.dimension_semantics<arbitrary>], iteration_bounds = array<i64: 5>, scalar_prefetch = 0 : i64, scratch_operands = 0 : i64, tpu.core_type = #tpu.core_type<tc>, window_params = [{transform_indices = @transform_0, window_bounds = array<i64: 1, 2000, 128>}, {transform_indices = @transform_1, window_bounds = array<i64: 1, 2000, 128>}, {transform_indices = @transform_2, window_bounds = array<i64: 2000, 128>}]} {
    %get3A = arith.constant 0 : index
    %get3A_0 = arith.constant 0 : index
    %get3A_1 = arith.constant 0 : index
    %get3A_2 = vector.load %arg1[%get3A, %get3A_0, %get3A_1] : memref<1x2000x128xf32, #tpu.memory_space<vmem>>, vector<1x2000x128xf32>
    %get3A_3 = vector.shape_cast %get3A_2 : vector<1x2000x128xf32> to vector<2000x128xf32>
    %get3A_4 = arith.constant 0 : index
    %get3A_5 = arith.constant 0 : index
    %get3A_6 = arith.constant 0 : index
    %get3A_7 = vector.load %arg2[%get3A_4, %get3A_5, %get3A_6] : memref<1x2000x128xf32, #tpu.memory_space<vmem>>, vector<1x2000x128xf32>
    %get3A_8 = vector.shape_cast %get3A_7 : vector<1x2000x128xf32> to vector<2000x128xf32>
    %add3A = arith.addf %get3A_3, %get3A_8 : vector<2000x128xf32>
    %swap3A = arith.constant 0 : index
    %swap3A_9 = arith.constant 0 : index
    %swap3A_10 = vector.load %arg3[%swap3A, %swap3A_9] : memref<2000x128xf32, #tpu.memory_space<vmem>>, vector<2000x128xf32>
    tpu.vector_store %arg3[%swap3A, %swap3A_9], %add3A {strides = array<i32>} : memref<2000x128xf32, #tpu.memory_space<vmem>>, vector<2000x128xf32>,
    return
  }
  func.func @transform_0(%arg0: i32) -> (i32, i32, i32) {
    %c0_i32 = arith.constant 0 : i32
    %c0_i32_0 = arith.constant 0 : i32
    %c0_i32_1 = arith.constant 0 : i32
    return %c0_i32, %arg0, %c0_i32_0 : i32, i32, i32
  }
  func.func @transform_1(%arg0: i32) -> (i32, i32, i32) {
    %c1_i32 = arith.constant 1 : i32
    %c0_i32 = arith.constant 0 : i32
    %c0_i32_0 = arith.constant 0 : i32
    return %c1_i32, %arg0, %c0_i32 : i32, i32, i32
  }
  func.func @transform_2(%arg0: i32) -> (i32, i32) {
    %c0_i32 = arith.constant 0 : i32
    %c0_i32_0 = arith.constant 0 : i32
    return %arg0, %c0_i32 : i32, i32
  }
}

</mosaic_0001>

<sc_bundles>
// kernel: kernel.6.cloned.1.call-start
scs
__scs_entry_jumppad:
0x0: {  	(pc) =	sbr.rel $0x88, $3  }
0x1: {  	(tag) =	ssettag $0x0;
	lr =	simm.s32 $0x1  }
0x2: {  	[smem:$0x3F9C] =	sst lr;
	_ =	strace $0xD0000000  }
0x3: {  	_ = 	snop  }
0x4: {  	_ = 	snop  }
0x5: {  	_ = 	snop  }
0x6: {  	_ = 	snop  }
0x7: {  	_ = 	snop  }
__scs_overlays_trampoline_lowered:
0x8: {  	[smem:$0x3FAB] =	sst s0  }
0x9: {  	[smem:$0x3FAC] =	sst s1  }
0xa: {  	[smem:$0x3FAD] =	sst s2  }
0xb: {  	[smem:$0x3FAE] =	sst s3  }
0xc: {  	[smem:$0x3FAF] =	sst s4  }
0xd: {  	[smem:$0x3FB0] =	sst s5  }
0xe: {  	[smem:$0x3FB1] =	sst s6  }
0xf: {  	[smem:$0x3FB2] =	sst s7  }
0x10: {  	[smem:$0x3FB3] =	sst s8  }
0x11: {  	[smem:$0x3FB4] =	sst s9;
	s0 =	simm.s32 @!p0 $0x0  }
0x12: {  	s1 =	sld [smem:$0x3F9A];
	s0 =	simm.s32 @p0 $0x1  }
0x13: {  	[smem:$0x3FB5] =	sst s0;
	s0 =	simm.s32 @!p1 $0x0  }
0x14: {  	s2 =	sld [smem:$0x3F99];
	s0 =	simm.s32 @p1 $0x1  }
0x15: {  	[smem:$0x3FB6] =	sst s0;
	s0 =	simm.s32 @!p2 $0x0  }
0x16: {  	s3 =	sld [smem:$0x3FDB];
	s0 =	simm.s32 @p2 $0x1  }
0x17: {  	s4 =	simm.s32 $0x1BF5;
	[smem:$0x3FB8] =	sst s0  }
0x18: {  	s0 =	sld [smem:$0x3F9B];
	_ =	swait.ge [sflag:s4], $0x0  }
0x19: {  	s7 =	sld [smem:$0x3F9C]  }
0x1a: {  	s8 =	sadd.s32 $0xFFFFE003, lr  }
0x1b: {  	s9 =	sadd.s32 $0xFFFFFEF7, lr;
	s5 =	simm.s32 $0xFFFFFFFF;
	p2 =	slt.u32 s8, $0xFFFFF086  }
0x1c: {  	p1 =	slt.u32 s9, $0xF7A;
	s5 =	simm.s32 @!p2 $0x0  }
0x1d: {  	s5 =	simm.s32 @p1 $0x1;
	p0 =	seq.s32 s7, s2  }
0x1e: {  	s7 =	smul.u32 @!p0 $0xF7A, s2;
	p2 =	seq.s32 @!p0 s5, $0x0  }
0x1f: {  	s9 =	smul.u32 $0xF7A, s1;
	s8 =	simm.s32 @!p0 $0x1BF5;
	p2 =	por !p2, p0  }
0x20: {  	[sflag:s8] =	ssyncset.s32 @!p0 $0xFFFFF086;
	s6 =	sadd.s32 @!p0 s3, s7;
	s7 =	simm.s32 @!p0 $0x108  }
0x21: {  	s3 =	sadd.s32 s3, s9;
	s6 =	sadd.s32 @!p0 $0x88, s6;
	s7 =	simm.s32 @p2 $0x1082  }
0x22: {  	[simem:s7], [sflag:s8] =	dma.local @!p0 [hbm:s6], $0xF7A  }
0x23: {  	s9 =	sor.u32 $0xD0000000, s2;
	s6 =	simm.s32 $0x108;
	_ =	swait.ge @!p0 [sflag:s8], $0x0  }
0x24: {  	s3 =	sadd.s32 $0x88, s3;
	s6 =	simm.s32 @!p1 $0x1082;
	[sflag:s4] =	ssyncset.s32 $0xFFFFF086  }
0x25: {  	[simem:s6], [sflag:s4] =	dma.local [hbm:s3], $0xF7A  }
0x26: {  	[smem:$0x3F9C] =	sst s1;
	(tag) =	ssettag s2;
	_ =	strace s9  }
0x27: {  	s1 =	sld [smem:$0x3FAC]  }
0x28: {  	s2 =	sld [smem:$0x3FAD]  }
0x29: {  	s4 =	sld [smem:$0x3FAF]  }
0x2a: {  	p0 =	seq.s32 s5, $0x0;
	s5 =	sld [smem:$0x3FB0]  }
0x2b: {  	s6 =	sld [smem:$0x3FB1]  }
0x2c: {  	s7 =	sld [smem:$0x3FB2]  }
0x2d: {  	s3 =	simm.s32 $0x108;
	s8 =	sld [smem:$0x3FB3]  }
0x2e: {  	s3 =	simm.s32 @!p0 $0x1082;
	s9 =	sld [smem:$0x3FB4]  }
0x2f: {  	lr =	sadd.s32 s0, s3;
	s0 =	sld [smem:$0x3FAB]  }
0x30: {  	s3 =	sld [smem:$0x3FAE]  }
0x31: {  	[smem:$0x3FB7] =	sst s10  }
0x32: {  	s10 =	sld [smem:$0x3FB5];
	_ =	sdelay $0x3  }
0x33: {  	p0 =	seq.s32 s10, $0x1;
	s10 =	sld [smem:$0x3FB7];
	_ =	sdelay $0x3  }
0x34: {  	[smem:$0x3FB7] =	sst s10  }
0x35: {  	s10 =	sld [smem:$0x3FB6];
	_ =	sdelay $0x3  }
0x36: {  	p1 =	seq.s32 s10, $0x1;
	s10 =	sld [smem:$0x3FB7];
	_ =	sdelay $0x3  }
0x37: {  	[smem:$0x3FB7] =	sst s10  }
0x38: {  	s10 =	sld [smem:$0x3FB8]  }
0x39: {  	_ = 	snop;
	(pc) =	sbr.ind lr, $3  }
0x3a: {  	_ = 	snop  }
0x3b: {  	_ = 	snop  }
0x3c: {  	p2 =	seq.s32 s10, $0x1;
	s10 =	sld [smem:$0x3FB7]  }
0x3d: {  	_ =	shalt  }
0x3e: {  	_ =	shalt  }
0x3f: {  	_ =	shalt  }
0x40: {  	_ =	shalt  }
0x41: {  	_ =	shalt  }
0x42: {  	_ =	shalt  }
0x43: {  	_ =	shalt  }
0x44: {  	_ =	shalt  }
0x45: {  	_ =	shalt  }
0x46: {  	_ =	shalt  }
0x47: {  	_ =	shalt  }
0x48: {  	_ =	shalt  }
0x49: {  	_ =	shalt  }
0x4a: {  	_ =	shalt  }
0x4b: {  	_ =	shalt  }
0x4c: {  	_ =	shalt  }
0x4d: {  	_ =	shalt  }
0x4e: {  	_ =	shalt  }
0x4f: {  	_ =	shalt  }
0x50: {  	_ =	shalt  }
0x51: {  	_ =	shalt  }
0x52: {  	_ =	shalt  }
0x53: {  	_ =	shalt  }
0x54: {  	_ =	shalt  }
0x55: {  	_ =	shalt  }
0x56: {  	_ =	shalt  }
0x57: {  	_ =	shalt  }
0x58: {  	_ =	shalt  }
0x59: {  	_ =	shalt  }
0x5a: {  	_ =	shalt  }
0x5b: {  	_ =	shalt  }
0x5c: {  	_ =	shalt  }
0x5d: {  	_ =	shalt  }
0x5e: {  	_ =	shalt  }
0x5f: {  	_ =	shalt  }
0x60: {  	_ =	shalt  }
0x61: {  	_ =	shalt  }
0x62: {  	_ =	shalt  }
0x63: {  	_ =	shalt  }
0x64: {  	_ =	shalt  }
0x65: {  	_ =	shalt  }
0x66: {  	_ =	shalt  }
0x67: {  	_ =	shalt  }
0x68: {  	_ =	shalt  }
0x69: {  	_ =	shalt  }
0x6a: {  	_ =	shalt  }
0x6b: {  	_ =	shalt  }
0x6c: {  	_ =	shalt  }
0x6d: {  	_ =	shalt  }
0x6e: {  	_ =	shalt  }
0x6f: {  	_ =	shalt  }
0x70: {  	_ =	shalt  }
0x71: {  	_ =	shalt  }
0x72: {  	_ =	shalt  }
0x73: {  	_ =	shalt  }
0x74: {  	_ =	shalt  }
0x75: {  	_ =	shalt  }
0x76: {  	_ =	shalt  }
0x77: {  	_ =	shalt  }
0x78: {  	_ =	shalt  }
0x79: {  	_ =	shalt  }
0x7a: {  	_ =	shalt  }
0x7b: {  	_ =	shalt  }
0x7c: {  	_ =	shalt  }
0x7d: {  	_ =	shalt  }
0x7e: {  	_ =	shalt  }
0x7f: {  	_ =	shalt  }
0x80: {  	_ =	shalt  }
0x81: {  	_ =	shalt  }
0x82: {  	_ =	shalt  }
0x83: {  	_ =	shalt  }
0x84: {  	_ =	shalt  }
0x85: {  	_ =	shalt  }
0x86: {  	_ =	shalt  }
0x87: {  	_ =	shalt  }
.Lfunc_end0:
.L_simem_size_0:
called_computation_lowered:
.L_overlay_start_0:
0x88: {  	s2 =	sld [smem:$0x3FD9]  }
0x89: {  	s3 =	sld [smem:$0x3FFE];
	_ =	sdelay $0x1  }
0x8a: {  	s1 =	srdreg.scid  }
0x8b: {  	s0 =	sand.u32 $0x1, s1  }
0x8c: {  	s17 =	sshll.u32 s0, $0xA;
	s2 =	sadd.s32 s3, s2  }
0x8d: {  	s2 =	sadd.s32 s2, s17  }
0x8e: {  	[smem:$0x3FC3] =	sst s2  }
0x8f: {  	_ = 	snop  }
0x90: {  	s2 =	sld [smem:$0x3FD0];
	(tm) =	ssettm $0x1  }
0x91: {  	s18 =	sld [smem:$0x3FFB];
	_ =	sdelay $0x3  }
0x92: {  	_ =	strace s18  }
0x93: {  	s3 =	sld [smem:$0x3FFC];
	_ =	sdelay $0x3  }
0x94: {  	_ =	strace s3  }
0x95: {  	s3 =	sld [smem:$0x3FFD];
	_ =	sdelay $0x3  }
0x96: {  	_ =	strace s3  }
0x97: {  	_ =	strace $0x8FFFFFFF  }
0x98: {  	s19 =	sld [smem:$0x3FDB];
	_ =	sdelay $0x1  }
0x99: {  	s4 =	simm.s32 $_scs_section_size  }
0x9a: {  	s5 =	simm.s32 $_size__tile_overlayer_lowered;
	s6 =	simm.s32 $_tile_overlayer_lowered  }
0x9b: {  	s22 =	simm.s32 $0x1BFF;
	s21 =	sshll.u32 s6, $0x1;
	s3 =	sadd.s32 s4, s19  }
0x9c: {  	s7 =	simm.s32 $0x0;
	s20 =	sshll.u32 s5, $0x1;
	s5 =	sadd.s32 s21, s3  }
0x9d: {  	[timem:s7], [sflag:s22] =	dma.local [hbm:s5], s20  }
0x9e: {  	_ =	swait.ge [sflag:s22], s20  }
0x9f: {  	s4 =	ssub.s32 $0x0, s20;
	[sflag:s22] =	ssyncset.done $0x0  }
0xa0: {  	[sflag:s22] =	ssyncadd.s32 s4;
	_ =	sdelay $0x1  }
0xa1: {  	s23 =	simm.s32 $0x1B8B  }
0xa2: {  	_ =	swait.ge [sflag:s23], $0x1  }
0xa3: {  	[sflag:s23] =	ssyncset.done $0x0  }
0xa4: {  	s25 =	simm.s32 $0x1B8E;
	s24 =	sld [smem:$0x3FFE];
	[sflag:s23] =	ssyncadd.s32 $0xFFFFFFFF  }
0xa5: {  	s26 =	simm.s32 $execute0_lowered;
	[smem:$0x3FD2] =	sst s25  }
0xa6: {  	s5 =	sshll.u32 s26, $0x1;
	_ =	strace $0x80000046;
	[dreg:$0x1] =	wrdreg $0xFFFFFFFF  }
0xa7: {  	s28 =	simm.s32 $_size_execute0_lowered;
	s3 =	sadd.s32 s3, s5;
	[dreg:$0x0] =	wrdreg $0x0  }
0xa8: {  	s5 =	sshll.u32 s28, $0x1;
	[dreg:$0x2] =	wrdreg s3  }
0xa9: {  	[dreg:$0x3] =	wrdreg s5  }
0xaa: {  	[dreg:$0x4] =	wrdreg $0xC0  }
0xab: {  	_ =	task [dreg:s7], $0x5FFFF  }
0xac: {  	[dreg:$0x1] =	wrdreg $0xFFFFFFFF  }
0xad: {  	[dreg:$0x0] =	wrdreg $0x60  }
0xae: {  	[dreg:$0x2] =	wrdreg s24  }
0xaf: {  	[dreg:$0x3] =	wrdreg s2  }
0xb0: {  	[dreg:$0x4] =	wrdreg $0xB0000  }
0xb1: {  	[dreg:$0x5] =	wrdreg $0x9  }
0xb2: {  	_ =	task.clear_ibuf [dreg:s7], $0x6FFFF;
	_ =	strace $0x90000046  }
0xb3: {  	s29 =	simm.s32 $0x9;
	_ =	strace $0x80000048  }
0xb4: {  	_ =	swait.ge [sflag:s29], $0x1  }
0xb5: {  	[sflag:s29] =	ssyncadd.s32 $0xFFFFFFFF  }
0xb6: {  	_ =	strace $0x90000048  }
0xb7: {  	_ =	sfence  }
0xb8: {  	s30 =	sld [smem:$0x0];
	_ =	sdelay $0x2  }
0xb9: {  	s31 =	sshll.u32 s1, $0xD;
	s1 =	sshrl.u32 s1, $0x2  }
0xba: {  	s3 =	sand.u32 $0x4000, s31;
	s1 =	sadd.s32 s1, s30  }
0xbb: {  	s0 =	sor.u32 s3, s0;
	s1 =	sshll.u32 s1, $0x11  }
0xbc: {  	s0 =	sor.u32 s1, s0  }
0xbd: {  	s0 =	sadd.s32 $0x8F2B, s0  }
0xbe: {  	[sflag:s0] =	ssyncadd.remote.s32 $0x1  }
0xbf: {  	_ =	sfence.sel $0xFFFF  }
0xc0: {  	[dreg:$0x0] =	wrdreg $0xFFFFFFFF;
	(pc) =	sbr.abs _section_cstart, $3  }
0xc1: {  	[dreg:$0x1] =	wrdreg $0xFFFFFFFF  }
0xc2: {  	_ =	task.clear_ibuf [dreg:s7], $0x2FFFF;
	_ =	strace $0x9FFFFFFF  }
0xc3: {  	(tm) =	ssettm $0x7FFFFFFF  }
tec
execute0_lowered:
.L_overlay_start_1:
0x0: {  	(tag) =	ssettag $0x1  }
0x1: {  	s0 =	rddreg [dreg:$0x0]  }
0x2: {  	s2 =	rddreg [dreg:$0x1]  }
0x3: {  	s1 =	rddreg [dreg:$0x2]  }
0x4: {  	s3 =	srdreg.scid;
	s11 =	stileid.u32  }
0x5: {  	s5 =	sand.u32 $0x1, s3;
	s3 =	simm.s32 $0x0;
	s7 =	smul.u32 $0x14000, s11  }
0x6: {  	s4 =	sadd.s32 $0x1600, s0;
	s8 =	sadd.s32 $0x139E00, s0;
	s10 =	smul.u32 $0x50000, s11  }
0x7: {  	s9 =	sadd.s32 $0x143E00, s0;
	s6 =	smul.u32 $0x140000, s5;
	[smem:$0x7FF] =	sst s3  }
0x8: {  	s22 =	sshll.u32 s5, $0x4;
	s5 =	ssub.s32 $0x2, s5;
	_ =	strace $0x80000047  }
0x9: {  	s23 =	sor.u32 s11, s22;
	s24 =	sshrl.u32 s5, $0x1;
	s10 =	sshrl.u32 s10, $0x2  }
0xa: {  	s6 =	sadd.s32 s7, s6;
	s7 =	ssub.s32 s5, s24;
	s5 =	sadd.s32 s10, s1  }
0xb: {  	s11 =	smul.u32 $0x2800, s23;
	s6 =	sshrl.u32 s6, $0x3;
	s10 =	sadd.s32 $0x4000, s5  }
0xc: {  	s25 =	sadd.s32 $0x8000, s5;
	s0 =	sadd.s32 s6, s0;
	[dreg:$0x4] =	wrdreg s10  }
0xd: {  	s6 =	smul.u32 $0x500, s23;
	[dreg:$0x5] =	wrdreg s25;
	s26 =	sshrl.u32 s11, $0x3  }
0xe: {  	s25 =	sadd.s32 $0xC000, s5;
	s15 =	sadd.s32 $0x100, s26;
	s17 =	sadd.s32 $0x200, s26  }
0xf: {  	s20 =	sadd.s32 $0x300, s26;
	[dreg:$0x15] =	wrdreg s25;
	s0 =	sadd.s32 $0x14DE00, s0  }
0x10: {  	s10 =	sadd.s32 $0x400, s26;
	s26 =	smax.u32 s7, $0x1;
	[dreg:$0x16] =	wrdreg s0  }
0x11: {  	s13 =	sadd.s32 s2, s6;
	[dreg:$0x17] =	wrdreg s26  }
0x12: {  	s14 =	sadd.s32 s8, s6;
	[dreg:$0x6] =	wrdreg s13  }
0x13: {  	s6 =	sadd.s32 s9, s6;
	[dreg:$0x7] =	wrdreg s14  }
0x14: {  	s28 =	simm.s32 $0x3000;
	s16 =	sadd.s32 s2, s15;
	[dreg:$0x8] =	wrdreg s6  }
0x15: {  	s29 =	simm.s32 $0x7;
	s12 =	sadd.s32 s8, s15;
	[dreg:$0x9] =	wrdreg s16  }
0x16: {  	s30 =	simm.s32 $0x1000;
	s11 =	sadd.s32 s9, s15;
	[dreg:$0xa] =	wrdreg s12  }
0x17: {  	s31 =	simm.s32 $0x2000;
	s18 =	sadd.s32 s2, s17;
	[dreg:$0xb] =	wrdreg s11  }
0x18: {  	s7 =	simm.s32 $0x40;
	s19 =	sadd.s32 s8, s17;
	[dreg:$0xc] =	wrdreg s18  }
0x19: {  	s21 =	sadd.s32 s2, s20;
	s22 =	sadd.s32 s8, s20;
	[dreg:$0xd] =	wrdreg s19  }
0x1a: {  	s2 =	sadd.s32 s2, s10;
	s23 =	sadd.s32 s8, s10;
	[dreg:$0xf] =	wrdreg s21  }
0x1b: {  	s24 =	sadd.s32 s9, s10;
	s26 =	sadd.s32 $0x10000, s5;
	[dreg:$0x10] =	wrdreg s22  }
0x1c: {  	s0 =	simm.s32 $0x5;
	s8 =	simm.s32 $0x5000;
	[dreg:$0x12] =	wrdreg s2  }
0x1d: {  	s10 =	simm.s32 $0x7000;
	s15 =	simm.s32 $0x3;
	[dreg:$0x13] =	wrdreg s23  }
.Ltmp0:
0x1e: {  	s6 =	sadd.s32 s9, s17;
	[dreg:$0x14] =	wrdreg s24;
	(pc) =	sbr.rel .LBB2_1-.Ltmp0, $4  }
0x1f: {  	s2 =	simm.s32 $0x800;
	s11 =	simm.s32 $0xC0;
	s12 =	simm.s32 $0x9000  }
0x20: {  	s13 =	simm.s32 $0x1;
	s14 =	simm.s32 $0x2;
	s16 =	simm.s32 $0x4  }
0x21: {  	s17 =	simm.s32 $0x6;
	[dreg:$0xe] =	wrdreg s6;
	s6 =	sadd.s32 s9, s20  }
0x22: {  	v0 =	vimm.f32 $0.0e+00;
	s9 =	simm.s32 $0x80;
	[dreg:$0x11] =	wrdreg s6;
	s6 =	simm.s32 $0x2800  }
.LBB2_38:
0x23: {  	_ =	swait.ge [sflag:s16], $0x4000  }
0x24: {  	[sflag:s16] =	ssyncset.done $0x0  }
0x25: {  	s18 =	stileid.u32;
	[sflag:s16] =	ssyncadd.s32 $0xFFFFC000  }
0x26: {  	s18 =	sshll.u32 s18, $0x6;
	[bflag:$0x0] =	sbarrier.arrive $0xFFFF  }
0x27: {  	s19 =	sshrl.u32 s5, $0x3;
	s18 =	sor.u32 $0x1C07, s18;
	s20 =	rddreg [dreg:$0x16]  }
0x28: {  	[hbm:s20], [sflag:s18] =	dma.local [spmem:s19], $0x2800  }
0x29: {  	_ =	swait.ge [sflag:s29], $0x2800  }
0x2a: {  	s3 =	sadd.s32 $0x1, s3;
	s25 =	rddreg [dreg:$0x17]  }
0x2b: {  	p0 =	sne.s32 s3, s25  }
.Ltmp1:
0x2c: {  	_ = 	snop;
	(pc) =	sbr.rel @!p0 .LBB2_39-.Ltmp1, $3  }
0x2d: {  	_ =	sdelay $0x1  }
0x2e: {  	[sflag:s29] =	ssyncset.done $0x0  }
0x2f: {  	[sflag:s29] =	ssyncadd.s32 $0xFFFFD800  }
.LBB2_1:
0x30: {  	s18 =	simm.s32 $0x0;
	s19 =	simm.s32 $0x200  }
.LBB2_2:
0x31: {  	p0 =	sne.s32 s19, $0xFE00;
	[tilespmem:s18+$0x3070] =	vst v0  }
0x32: {  	[tilespmem:s18+$0x3000] =	vst v0  }
0x33: {  	[tilespmem:s18+$0x3010] =	vst v0  }
.Ltmp2:
0x34: {  	[tilespmem:s18+$0x3020] =	vst v0;
	(pc) =	sbr.rel @p0 .LBB2_2-.Ltmp2, $4  }
0x35: {  	[tilespmem:s18+$0x3030] =	vst v0  }
0x36: {  	[tilespmem:s18+$0x3040] =	vst v0  }
0x37: {  	[tilespmem:s18+$0x3050] =	vst v0  }
0x38: {  	[tilespmem:s18+$0x3060] =	vst v0;
	s18 =	sshra.s32 s19, $0x2;
	s19 =	sadd.s32 $0x200, s19  }
0x39: {  	[tilespmem:s18+$0x3070] =	vst v0  }
0x3a: {  	[tilespmem:s18+$0x3000] =	vst v0  }
0x3b: {  	[tilespmem:s18+$0x3010] =	vst v0  }
0x3c: {  	[tilespmem:s18+$0x3020] =	vst v0  }
0x3d: {  	[tilespmem:s18+$0x3030] =	vst v0  }
0x3e: {  	[tilespmem:s18+$0x3040] =	vst v0  }
0x3f: {  	[tilespmem:s18+$0x3050] =	vst v0  }
0x40: {  	[tilespmem:s18+$0x3060] =	vst v0  }
0x41: {  	[spmem:s5] =	stream.linear.scatter [tilespmem:s28], [sflag:$0x7], $0x4000, $0x38;
	[tilespmem:$0x1F000] =	vst v63  }
0x42: {  	_ =	swait.ge [sflag:s29], $0x4000  }
0x43: {  	[sflag:s29] =	ssyncset.done $0x0  }
0x44: {  	s25 =	rddreg [dreg:$0x4];
	[sflag:s29] =	ssyncadd.s32 $0xFFFFC000  }
0x45: {  	[spmem:s25] =	stream.linear.scatter [tilespmem:s28], [sflag:$0x7], $0x4000, $0x38;
	[tilespmem:$0x1F000] =	vst v63  }
0x46: {  	_ =	swait.ge [sflag:s29], $0x4000  }
0x47: {  	[sflag:s29] =	ssyncset.done $0x0  }
0x48: {  	s19 =	rddreg [dreg:$0x5];
	[sflag:s29] =	ssyncadd.s32 $0xFFFFC000  }
0x49: {  	[spmem:s19] =	stream.linear.scatter [tilespmem:s28], [sflag:$0x7], $0x4000, $0x38;
	[tilespmem:$0x1F000] =	vst v63  }
0x4a: {  	_ =	swait.ge [sflag:s29], $0x4000  }
0x4b: {  	[sflag:s29] =	ssyncset.done $0x0  }
0x4c: {  	s20 =	rddreg [dreg:$0x15];
	[sflag:s29] =	ssyncadd.s32 $0xFFFFC000  }
0x4d: {  	[spmem:s20] =	stream.linear.scatter [tilespmem:s28], [sflag:$0x7], $0x4000, $0x38;
	[tilespmem:$0x1F000] =	vst v63  }
0x4e: {  	_ =	swait.ge [sflag:s29], $0x4000  }
0x4f: {  	[sflag:s29] =	ssyncset.done $0x0  }
0x50: {  	[sflag:s29] =	ssyncadd.s32 $0xFFFFC000  }
0x51: {  	[spmem:s26] =	stream.linear.scatter [tilespmem:s28], [sflag:$0x7], $0x4000, $0x38;
	[tilespmem:$0x1F000] =	vst v63  }
0x52: {  	_ =	swait.ge [sflag:s29], $0x4000  }
0x53: {  	[sflag:s29] =	ssyncset.done $0x0  }
0x54: {  	[sflag:s29] =	ssyncadd.s32 $0xFFFFC000  }
0x55: {  	[bflag:$0x0] =	sbarrier.arrive $0xFFFF  }
0x56: {  	s18 =	simm.s32 $0x0;
	s19 =	rddreg [dreg:$0x6]  }
0x57: {  	[tilespmem:s18], [sflag:$0x5] =	stream.linear.gather [hbm4b:s19+s18], $0x800, $0x38;
	[tilespmem:$0x1F000] =	vst v63  }
0x58: {  	s21 =	rddreg [dreg:$0x7]  }
0x59: {  	[tilespmem:s30], [sflag:$0x5] =	stream.linear.gather [hbm4b:s21+s18], $0x800, $0x38;
	[tilespmem:$0x1F000] =	vst v63  }
0x5a: {  	s22 =	rddreg [dreg:$0x8]  }
0x5b: {  	[tilespmem:s31], [sflag:$0x5] =	stream.linear.gather [hbm4b:s22+s18], $0x800, $0x38;
	[tilespmem:$0x1F000] =	vst v63  }
0x5c: {  	_ =	swait.ge [sflag:s0], $0x800  }
0x5d: {  	[sflag:s0] =	ssyncset.done $0x0  }
0x5e: {  	[sflag:s0] =	ssyncadd.s32 $0xFFFFF800  }
0x5f: {  	_ =	swait.ge [sflag:s0], $0x800  }
0x60: {  	[sflag:s0] =	ssyncset.done $0x0  }
0x61: {  	[sflag:s0] =	ssyncadd.s32 $0xFFFFF800  }
0x62: {  	_ =	swait.ge [sflag:s0], $0x800  }
0x63: {  	[sflag:s0] =	ssyncset.done $0x0  }
0x64: {  	s23 =	rddreg [dreg:$0x9];
	[sflag:s0] =	ssyncadd.s32 $0xFFFFF800  }
0x65: {  	[tilespmem:s2], [sflag:$0x6] =	stream.linear.gather [hbm4b:s23+s18], $0x800, $0x38;
	[tilespmem:$0x1F000] =	vst v63  }
0x66: {  	s20 =	simm.s32 $0x1800;
	s24 =	rddreg [dreg:$0xa]  }
0x67: {  	[tilespmem:s20], [sflag:$0x6] =	stream.linear.gather [hbm4b:s24+s18], $0x800, $0x38;
	[tilespmem:$0x1F000] =	vst v63  }
0x68: {  	s25 =	rddreg [dreg:$0xb]  }
0x69: {  	[tilespmem:s6], [sflag:$0x6] =	stream.linear.gather [hbm4b:s25+s18], $0x800, $0x38;
	[tilespmem:$0x1F000] =	vst v63  }
0x6a: {  	_ = 	snop  }
0x6b: {  	[tilespmem:s28], [sflag:$0x1] =	stream.indirect.gather [hbm4b:s4+s7], $0x80, s18, s7, $0xb8;
	[tilespmem:$0x1F000] =	vst v63  }
0x6c: {  	_ = 	snop  }
0x6d: {  	[tilespmem:s8], [sflag:$0x1] =	stream.indirect.gather [hbm4b:s4+s7], $0x80, s7, s7, $0xb8;
	[tilespmem:$0x1F000] =	vst v63  }
0x6e: {  	_ = 	snop  }
0x6f: {  	[tilespmem:s10], [sflag:$0x2] =	stream.indirect.gather [hbm4b:s4+s7], $0x80, s9, s7, $0xb8;
	[tilespmem:$0x1F000] =	vst v63  }
0x70: {  	s19 =	simm.s32 $0x0  }
0x71: {  	[tilespmem:s12], [sflag:$0x2] =	stream.indirect.gather [hbm4b:s4+s7], $0x80, s11, s7, $0xb8;
	[tilespmem:$0x1F000] =	vst v63  }
.LBB2_4:
0x72: {  	s20 =	sshll.u32 s19, $0x8;
	v1 =	vmov s18;
	s21 =	simm.s32 $0x3  }
0x73: {  	_ =	swait.ge [sflag:s13], $0x2000;
	v2 =	vmov s20;
	v1 =	vand.u32 $0x7C, v1;
	v3 =	vmov s21  }
0x74: {  	[sflag:s13] =	ssyncset.done $0x0;
	v1 =	vor.u32 v2, v1;
	v3 =	vand.u32 $0x7F, v3  }
0x75: {  	[sflag:s13] =	ssyncadd.s32 $0xFFFFE000;
	v1 =	vbroadcast v1, $0x0;
	v3 =	vor.u32 v2, v3  }
0x76: {  	_ =	swait.ge [sflag:s13], $0x2000;
	v3 =	vbroadcast v3, $0x0  }
0x77: {  	[sflag:s13] =	ssyncset.done $0x0  }
0x78: {  	s21 =	simm.s32 $0x3100;
	[sflag:s13] =	ssyncadd.s32 $0xFFFFE000  }
0x79: {  	v6 =	vld [tilespmem:s21+$0xFFFFFF00]  }
0x7a: {  	s25 =	simm.s32 $0x1;
	v7 =	vld [tilespmem:s21+$0xFFFFFF10]  }
0x7b: {  	v5 =	vmov s25;
	v4 =	vld.idx.msk [tilespmem:v1+s31+$0x0], $0xffff  }
0x7c: {  	v1 =	vld.idx.msk [tilespmem:v3+s31+$0x0], $0xffff;
	v3 =	vand.u32 $0x7D, v5  }
0x7d: {  	v8 =	vld [tilespmem:s21+$0xFFFFFF20];
	v3 =	vor.u32 v2, v3  }
0x7e: {  	v9 =	vld [tilespmem:s21+$0xFFFFFF30];
	v3 =	vbroadcast v3, $0x0  }
0x7f: {  	v5 =	vld [tilespmem:s21+$0xF0]  }
0x80: {  	v10 =	vld [tilespmem:s21+$0xFFFFFF40]  }
0x81: {  	v11 =	vld [tilespmem:s21+$0xFFFFFF50];
	v6 =	vmul.f32 v6, v4  }
0x82: {  	v12 =	vld [tilespmem:s21+$0xFFFFFF60]  }
0x83: {  	s22 =	simm.s32 $0x2;
	v7 =	vmul.f32 v7, v4;
	[tilespmem:s21+$0xFFFFFF00] =	vst v6;
	v6 =	vld [tilespmem:s21+$0xFFFFFF70]  }
0x84: {  	v13 =	vmov s22;
	v5 =	vmul.f32 v5, v1;
	v14 =	vld.idx.msk [tilespmem:v3+s31+$0x0], $0xffff  }
0x85: {  	[tilespmem:s21+$0xFFFFFF10] =	vst v7;
	v7 =	vmul.f32 v9, v4;
	v3 =	vand.u32 $0x7E, v13;
	v13 =	vld [tilespmem:s21+$0xFFFFFF80]  }
0x86: {  	v9 =	vld [tilespmem:s21+$0xFFFFFFA0];
	[tilespmem:s21+$0xF0] =	vst v5;
	v5 =	vmul.f32 v8, v4;
	v3 =	vor.u32 v2, v3  }
0x87: {  	v8 =	vld [tilespmem:s21+$0xFFFFFF90];
	[tilespmem:s21+$0xFFFFFF30] =	vst v7;
	v7 =	vmul.f32 v11, v4;
	v3 =	vbroadcast v3, $0x0  }
0x88: {  	v11 =	vld [tilespmem:s21+$0xFFFFFFC0];
	[tilespmem:s21+$0xFFFFFF20] =	vst v5;
	v5 =	vmul.f32 v10, v4  }
0x89: {  	v12 =	vmul.f32 v12, v4;
	v10 =	vld [tilespmem:s21+$0xFFFFFFB0];
	[tilespmem:s21+$0xFFFFFF50] =	vst v7;
	v4 =	vmul.f32 v6, v4  }
0x8a: {  	v7 =	vld [tilespmem:s21+$0xFFFFFFE0];
	[tilespmem:s21+$0xFFFFFF40] =	vst v5;
	v5 =	vmul.f32 v13, v14  }
0x8b: {  	v13 =	vld [tilespmem:s21+$0xFFFFFFD0];
	[tilespmem:s21+$0xFFFFFF70] =	vst v4  }
0x8c: {  	v4 =	vmul.f32 v9, v14;
	[tilespmem:s21+$0xFFFFFF80] =	vst v5;
	v5 =	vmul.f32 v8, v14;
	v8 =	vld [tilespmem:s21+$0x0]  }
0x8d: {  	[tilespmem:s21+$0xFFFFFF60] =	vst v12;
	v3 =	vld.idx.msk [tilespmem:v3+s31+$0x0], $0xffff  }
0x8e: {  	v6 =	vld [tilespmem:s21+$0xFFFFFFF0];
	[tilespmem:s21+$0xFFFFFFA0] =	vst v4;
	v4 =	vmul.f32 v11, v14  }
0x8f: {  	v9 =	vld [tilespmem:s21+$0x10];
	[tilespmem:s21+$0xFFFFFF90] =	vst v5;
	v5 =	vmul.f32 v10, v14  }
0x90: {  	s23 =	simm.s32 $0x4;
	v7 =	vmul.f32 v7, v14;
	v10 =	vld [tilespmem:s21+$0x20];
	[tilespmem:s21+$0xFFFFFFC0] =	vst v4  }
0x91: {  	v12 =	vmov s23;
	v11 =	vld [tilespmem:s21+$0x30];
	[tilespmem:s21+$0xFFFFFFB0] =	vst v5;
	v5 =	vmul.f32 v13, v14  }
0x92: {  	v12 =	vand.u32 $0x7C, v12;
	v4 =	vld [tilespmem:s21+$0x40];
	[tilespmem:s21+$0xFFFFFFE0] =	vst v7;
	v8 =	vmul.f32 v8, v3  }
0x93: {  	s24 =	simm.s32 $0x5;
	s25 =	simm.s32 $0x6;
	v7 =	vor.u32 v2, v12;
	v13 =	vmul.f32 v6, v14;
	[tilespmem:s21+$0xFFFFFFD0] =	vst v5;
	v5 =	vld [tilespmem:s21+$0x50]  }
0x94: {  	v14 =	vmov s24;
	v6 =	vld [tilespmem:s21+$0x60];
	v9 =	vmul.f32 v9, v3;
	[tilespmem:s21+$0x0] =	vst v8;
	v8 =	vmov s25  }
0x95: {  	s20 =	sshll.u32 s19, $0x1;
	[tilespmem:s21+$0xFFFFFFF0] =	vst v13;
	v13 =	vand.u32 $0x7D, v14;
	v10 =	vmul.f32 v10, v3;
	v12 =	vand.u32 $0x7E, v8;
	v8 =	vld [tilespmem:s21+$0x70]  }
0x96: {  	s22 =	simm.s32 $0x3100;
	s23 =	simm.s32 $0x8;
	v7 =	vbroadcast v7, $0x0;
	s24 =	simm.s32 $0x7;
	v11 =	vmul.f32 v11, v3;
	v13 =	vor.u32 v2, v13;
	[tilespmem:s21+$0x10] =	vst v9;
	v9 =	vld [tilespmem:s21+$0x80]  }
.LBB2_5:
0x97: {  	p0 =	slt.u32 s23, $0x7C;
	v12 =	vor.u32 v2, v12;
	v14 =	vmov s24;
	[tilespmem:s21+$0x20] =	vst v10;
	v4 =	vmul.f32 v4, v3;
	v10 =	vld [tilespmem:s21+$0x90]  }
0x98: {  	v13 =	vbroadcast v13, $0x0;
	v14 =	vand.u32 $0x7F, v14;
	[tilespmem:s21+$0x30] =	vst v11;
	v5 =	vmul.f32 v5, v3;
	v11 =	vld [tilespmem:s21+$0xA0]  }
0x99: {  	v12 =	vbroadcast v12, $0x0;
	v14 =	vor.u32 v2, v14;
	[tilespmem:s21+$0x40] =	vst v4;
	v4 =	vmul.f32 v6, v3;
	v6 =	vld [tilespmem:s21+$0xB0]  }
0x9a: {  	v14 =	vbroadcast v14, $0x0;
	[tilespmem:s21+$0x50] =	vst v5;
	v3 =	vmul.f32 v8, v3;
	v5 =	vld [tilespmem:s21+$0xC0]  }
0x9b: {  	[tilespmem:s21+$0x60] =	vst v4;
	v4 =	vmul.f32 v9, v1;
	v8 =	vld [tilespmem:s21+$0xD0]  }
0x9c: {  	[tilespmem:s21+$0x70] =	vst v3;
	v3 =	vmul.f32 v10, v1;
	v9 =	vld [tilespmem:s21+$0xE0]  }
0x9d: {  	v7 =	vld.idx.msk [tilespmem:v7+s31+$0x0], $0xffff;
	[tilespmem:s21+$0x80] =	vst v4;
	v4 =	vmul.f32 v11, v1  }
0x9e: {  	v10 =	vld.idx.msk [tilespmem:v13+s31+$0x0], $0xffff;
	[tilespmem:s21+$0x90] =	vst v3;
	v6 =	vmul.f32 v6, v1  }
0x9f: {  	v3 =	vld.idx.msk [tilespmem:v12+s31+$0x0], $0xffff;
	[tilespmem:s21+$0xA0] =	vst v4;
	v4 =	vmul.f32 v5, v1  }
0xa0: {  	s21 =	sadd.s32 $0x200, s21;
	v5 =	vld.idx.msk [tilespmem:v14+s31+$0x0], $0xffff;
	[tilespmem:s22+$0xB0] =	vst v6;
	v6 =	vmul.f32 v8, v1  }
0xa1: {  	v8 =	vld [tilespmem:s21+$0xF0];
	[tilespmem:s22+$0xC0] =	vst v4;
	v1 =	vmul.f32 v9, v1  }
0xa2: {  	v4 =	vld [tilespmem:s21+$0xFFFFFF00];
	[tilespmem:s22+$0xD0] =	vst v6  }
0xa3: {  	v6 =	vld [tilespmem:s21+$0xFFFFFF10];
	[tilespmem:s22+$0xE0] =	vst v1;
	s22 =	smov.u32 s21  }
0xa4: {  	v9 =	vld [tilespmem:s21+$0xFFFFFF20]  }
0xa5: {  	v11 =	vld [tilespmem:s21+$0xFFFFFF30]  }
0xa6: {  	v1 =	vmov v5;
	v12 =	vld [tilespmem:s21+$0xFFFFFF40];
	v8 =	vmul.f32 v8, v5  }
0xa7: {  	v4 =	vmul.f32 v4, v7;
	v5 =	vld [tilespmem:s21+$0xFFFFFF50]  }
0xa8: {  	v6 =	vmul.f32 v6, v7;
	v13 =	vld [tilespmem:s21+$0xFFFFFF60];
	[tilespmem:s21+$0xF0] =	vst v8  }
0xa9: {  	[tilespmem:s21+$0xFFFFFF00] =	vst v4;
	v4 =	vmul.f32 v9, v7;
	v8 =	vld [tilespmem:s21+$0xFFFFFF70]  }
0xaa: {  	[tilespmem:s21+$0xFFFFFF10] =	vst v6;
	v6 =	vmul.f32 v11, v7;
	v9 =	vld [tilespmem:s21+$0xFFFFFF80]  }
0xab: {  	[tilespmem:s21+$0xFFFFFF20] =	vst v4;
	v4 =	vmul.f32 v12, v7;
	v11 =	vld [tilespmem:s21+$0xFFFFFF90]  }
0xac: {  	[tilespmem:s21+$0xFFFFFF30] =	vst v6;
	v5 =	vmul.f32 v5, v7;
	v6 =	vld [tilespmem:s21+$0xFFFFFFA0]  }
0xad: {  	[tilespmem:s21+$0xFFFFFF40] =	vst v4;
	v4 =	vmul.f32 v13, v7;
	v12 =	vld [tilespmem:s21+$0xFFFFFFB0]  }
0xae: {  	[tilespmem:s21+$0xFFFFFF50] =	vst v5;
	v5 =	vmul.f32 v8, v7;
	v7 =	vld [tilespmem:s21+$0xFFFFFFC0]  }
0xaf: {  	[tilespmem:s21+$0xFFFFFF60] =	vst v4;
	v4 =	vmul.f32 v9, v10;
	v8 =	vld [tilespmem:s21+$0xFFFFFFD0]  }
0xb0: {  	[tilespmem:s21+$0xFFFFFF70] =	vst v5;
	v5 =	vmul.f32 v11, v10;
	v9 =	vld [tilespmem:s21+$0xFFFFFFE0]  }
0xb1: {  	[tilespmem:s21+$0xFFFFFF80] =	vst v4;
	v4 =	vmul.f32 v6, v10;
	v6 =	vld [tilespmem:s21+$0xFFFFFFF0]  }
0xb2: {  	[tilespmem:s21+$0xFFFFFF90] =	vst v5;
	v5 =	vmul.f32 v12, v10;
	v11 =	vld [tilespmem:s21+$0x0]  }
0xb3: {  	[tilespmem:s21+$0xFFFFFFA0] =	vst v4;
	v4 =	vmul.f32 v7, v10;
	v7 =	vld [tilespmem:s21+$0x10]  }
0xb4: {  	[tilespmem:s21+$0xFFFFFFB0] =	vst v5;
	v5 =	vmul.f32 v8, v10;
	v8 =	vld [tilespmem:s21+$0x20]  }
0xb5: {  	[tilespmem:s21+$0xFFFFFFC0] =	vst v4;
	v9 =	vmul.f32 v9, v10;
	v14 =	vld [tilespmem:s21+$0x30]  }
.Ltmp3:
0xb6: {  	s24 =	sadd.s32 $0x1, s23;
	v12 =	vmov s23;
	[tilespmem:s21+$0xFFFFFFD0] =	vst v5;
	v6 =	vmul.f32 v6, v10;
	v4 =	vld [tilespmem:s21+$0x40];
	(pc) =	sbr.rel @p0 .LBB2_5-.Ltmp3, $4  }
0xb7: {  	v10 =	vand.u32 $0x7C, v12;
	v12 =	vmov s24;
	s24 =	sadd.s32 $0x2, s23;
	[tilespmem:s21+$0xFFFFFFE0] =	vst v9;
	v9 =	vmul.f32 v11, v3;
	v5 =	vld [tilespmem:s21+$0x50]  }
0xb8: {  	v11 =	vor.u32 v2, v10;
	v10 =	vmov s24;
	[tilespmem:s21+$0xFFFFFFF0] =	vst v6;
	v15 =	vmul.f32 v7, v3;
	v6 =	vld [tilespmem:s21+$0x60]  }
0xb9: {  	v13 =	vand.u32 $0x7D, v12;
	v12 =	vand.u32 $0x7E, v10;
	[tilespmem:s21+$0x0] =	vst v9;
	v10 =	vmul.f32 v8, v3;
	v8 =	vld [tilespmem:s21+$0x70]  }
0xba: {  	s24 =	sadd.s32 $0x3, s23;
	s23 =	sadd.s32 $0x4, s23;
	v7 =	vbroadcast v11, $0x0;
	v13 =	vor.u32 v2, v13;
	[tilespmem:s21+$0x10] =	vst v15;
	v11 =	vmul.f32 v14, v3;
	v9 =	vld [tilespmem:s21+$0x80]  }
0xbb: {  	v15 =	vld [tilespmem:s21+$0x90]  }
0xbc: {  	v16 =	vld [tilespmem:s21+$0xA0]  }
0xbd: {  	v14 =	vmov s24;
	v12 =	vor.u32 v2, v12;
	v17 =	vld [tilespmem:s21+$0xC0]  }
0xbe: {  	v13 =	vbroadcast v13, $0x0;
	[tilespmem:s21+$0x20] =	vst v10;
	v4 =	vmul.f32 v4, v3;
	v10 =	vld [tilespmem:s21+$0xD0];
	v14 =	vand.u32 $0x7F, v14  }
0xbf: {  	v12 =	vbroadcast v12, $0x0;
	[tilespmem:s21+$0x30] =	vst v11;
	v5 =	vmul.f32 v5, v3;
	v11 =	vld [tilespmem:s21+$0xE0];
	v2 =	vor.u32 v2, v14  }
0xc0: {  	v14 =	vld [tilespmem:s21+$0xB0];
	[tilespmem:s21+$0x40] =	vst v4;
	v4 =	vmul.f32 v6, v3;
	v2 =	vbroadcast v2, $0x0  }
0xc1: {  	s23 =	sadd.s32 $0x200, s21;
	v6 =	vld.idx.msk [tilespmem:v7+s31+$0x0], $0xffff;
	[tilespmem:s21+$0x50] =	vst v5;
	v3 =	vmul.f32 v8, v3  }
0xc2: {  	v8 =	vld [tilespmem:s23+$0xF0];
	[tilespmem:s21+$0x60] =	vst v4;
	v4 =	vmul.f32 v9, v1  }
0xc3: {  	v9 =	vld [tilespmem:s23+$0xFFFFFF00];
	[tilespmem:s21+$0x70] =	vst v3;
	v3 =	vmul.f32 v15, v1  }
0xc4: {  	v5 =	vld.idx.msk [tilespmem:v13+s31+$0x0], $0xffff;
	[tilespmem:s21+$0x80] =	vst v4;
	v4 =	vmul.f32 v16, v1  }
0xc5: {  	v7 =	vld.idx.msk [tilespmem:v12+s31+$0x0], $0xffff;
	[tilespmem:s21+$0x90] =	vst v3;
	v3 =	vmul.f32 v14, v1  }
0xc6: {  	[tilespmem:s21+$0xA0] =	vst v4;
	v4 =	vmul.f32 v17, v1;
	v2 =	vld.idx.msk [tilespmem:v2+s31+$0x0], $0xffff  }
0xc7: {  	v12 =	vld [tilespmem:s23+$0xFFFFFF10];
	[tilespmem:s22+$0xB0] =	vst v3;
	v3 =	vmul.f32 v10, v1  }
0xc8: {  	v10 =	vld [tilespmem:s23+$0xFFFFFF20];
	v1 =	vmul.f32 v11, v1;
	[tilespmem:s22+$0xC0] =	vst v4  }
0xc9: {  	v4 =	vld [tilespmem:s23+$0xFFFFFF30];
	[tilespmem:s22+$0xD0] =	vst v3  }
0xca: {  	v3 =	vld [tilespmem:s23+$0xFFFFFF40];
	[tilespmem:s22+$0xE0] =	vst v1;
	v1 =	vmul.f32 v9, v6  }
0xcb: {  	v9 =	vld [tilespmem:s23+$0xFFFFFF50];
	v8 =	vmul.f32 v8, v2  }
0xcc: {  	v11 =	vmul.f32 v12, v6;
	v12 =	vld [tilespmem:s23+$0xFFFFFF60];
	[tilespmem:s23+$0xFFFFFF00] =	vst v1  }
0xcd: {  	v1 =	vmul.f32 v10, v6;
	[tilespmem:s23+$0xF0] =	vst v8;
	v8 =	vld [tilespmem:s23+$0xFFFFFF70]  }
0xce: {  	[tilespmem:s23+$0xFFFFFF10] =	vst v11;
	v10 =	vld [tilespmem:s23+$0xFFFFFF80];
	v4 =	vmul.f32 v4, v6  }
0xcf: {  	[tilespmem:s23+$0xFFFFFF20] =	vst v1;
	v1 =	vmul.f32 v3, v6;
	v3 =	vld [tilespmem:s23+$0xFFFFFF90]  }
0xd0: {  	[tilespmem:s23+$0xFFFFFF30] =	vst v4;
	v4 =	vmul.f32 v9, v6;
	v9 =	vld [tilespmem:s23+$0xFFFFFFA0]  }
0xd1: {  	v11 =	vld [tilespmem:s23+$0xFFFFFFB0];
	[tilespmem:s23+$0xFFFFFF40] =	vst v1;
	v1 =	vmul.f32 v12, v6  }
0xd2: {  	[tilespmem:s23+$0xFFFFFF50] =	vst v4;
	v4 =	vmul.f32 v8, v6;
	v6 =	vld [tilespmem:s23+$0xFFFFFFC0]  }
0xd3: {  	[tilespmem:s23+$0xFFFFFF60] =	vst v1;
	v1 =	vmul.f32 v10, v5;
	v8 =	vld [tilespmem:s23+$0xFFFFFFD0]  }
0xd4: {  	v3 =	vmul.f32 v3, v5;
	[tilespmem:s23+$0xFFFFFF70] =	vst v4;
	v4 =	vld [tilespmem:s23+$0xFFFFFFE0]  }
0xd5: {  	[tilespmem:s23+$0xFFFFFF80] =	vst v1;
	v1 =	vmul.f32 v9, v5;
	v9 =	vld [tilespmem:s23+$0xFFFFFFF0]  }
0xd6: {  	v10 =	vld [tilespmem:s23+$0x0];
	[tilespmem:s23+$0xFFFFFF90] =	vst v3;
	v3 =	vmul.f32 v11, v5  }
0xd7: {  	[tilespmem:s23+$0xFFFFFFA0] =	vst v1;
	v1 =	vmul.f32 v6, v5;
	v6 =	vld [tilespmem:s23+$0x10]  }
0xd8: {  	[tilespmem:s23+$0xFFFFFFB0] =	vst v3;
	v3 =	vmul.f32 v8, v5;
	v8 =	vld [tilespmem:s23+$0x20]  }
0xd9: {  	[tilespmem:s23+$0xFFFFFFC0] =	vst v1;
	v1 =	vmul.f32 v4, v5;
	v4 =	vld [tilespmem:s23+$0x30]  }
0xda: {  	[tilespmem:s23+$0xFFFFFFD0] =	vst v3;
	v3 =	vmul.f32 v9, v5;
	v5 =	vld [tilespmem:s23+$0x40]  }
0xdb: {  	v9 =	vld [tilespmem:s23+$0x50];
	[tilespmem:s23+$0xFFFFFFE0] =	vst v1;
	v1 =	vmul.f32 v10, v7  }
0xdc: {  	[tilespmem:s23+$0xFFFFFFF0] =	vst v3;
	v3 =	vmul.f32 v6, v7;
	v6 =	vld [tilespmem:s23+$0x60]  }
0xdd: {  	[tilespmem:s23+$0x0] =	vst v1;
	v1 =	vmul.f32 v8, v7;
	v8 =	vld [tilespmem:s23+$0x70]  }
0xde: {  	[tilespmem:s23+$0x10] =	vst v3;
	v3 =	vmul.f32 v4, v7;
	v4 =	vld [tilespmem:s23+$0x80]  }
0xdf: {  	[tilespmem:s23+$0x20] =	vst v1;
	v1 =	vmul.f32 v5, v7;
	v5 =	vld [tilespmem:s23+$0x90]  }
0xe0: {  	[tilespmem:s23+$0x30] =	vst v3;
	v3 =	vmul.f32 v9, v7;
	v9 =	vld [tilespmem:s23+$0xA0]  }
0xe1: {  	[tilespmem:s23+$0x40] =	vst v1;
	v1 =	vmul.f32 v6, v7;
	v6 =	vld [tilespmem:s23+$0xB0]  }
0xe2: {  	[tilespmem:s23+$0x50] =	vst v3;
	v3 =	vmul.f32 v8, v7;
	v7 =	vld [tilespmem:s23+$0xC0]  }
0xe3: {  	[tilespmem:s23+$0x60] =	vst v1;
	v1 =	vmul.f32 v4, v2;
	v4 =	vld [tilespmem:s23+$0xD0]  }
0xe4: {  	[tilespmem:s23+$0x70] =	vst v3;
	v3 =	vmul.f32 v5, v2;
	v5 =	vld [tilespmem:s23+$0xE0]  }
0xe5: {  	[tilespmem:s23+$0x80] =	vst v1;
	v1 =	vmul.f32 v9, v2  }
0xe6: {  	[tilespmem:s23+$0x90] =	vst v3;
	v3 =	vmul.f32 v6, v2  }
0xe7: {  	[tilespmem:s23+$0xA0] =	vst v1;
	v1 =	vmul.f32 v7, v2  }
0xe8: {  	[tilespmem:s23+$0xB0] =	vst v3;
	v3 =	vmul.f32 v4, v2  }
0xe9: {  	s24 =	sor.u32 $0x1, s20;
	s25 =	simm.s32 $0x0;
	s22 =	sshll.u32 s19, $0xA;
	[tilespmem:s23+$0xC0] =	vst v1;
	v1 =	vmul.f32 v5, v2  }
0xea: {  	s21 =	sshll.u32 s24, $0x7;
	s20 =	sshrl.u32 s22, $0x2;
	[tilespmem:s23+$0xD0] =	vst v3;
	v3 =	vmov s25  }
0xeb: {  	s24 =	sadd.s32 $0x1000, s20;
	v2 =	vmov s21;
	[tilespmem:s23+$0xE0] =	vst v1;
	v1 =	vand.u32 $0x7C, v3  }
0xec: {  	[spmem:s1] =	stream.indirect.scatter.add.f32 [tilespmem:s28], [sflag:$0x3], $0x80, s24, s9, $0xb8;
	v1 =	vor.u32 v2, v1;
	[tilespmem:$0x1F000] =	vst v63  }
0xed: {  	s25 =	simm.s32 $0x3;
	_ =	swait.ge [sflag:s14], $0x2000;
	v1 =	vbroadcast v1, $0x0  }
0xee: {  	v3 =	vmov s25;
	[sflag:s14] =	ssyncset.done $0x0  }
0xef: {  	v3 =	vand.u32 $0x7F, v3;
	[sflag:s14] =	ssyncadd.s32 $0xFFFFE000  }
0xf0: {  	v3 =	vor.u32 v2, v3;
	_ =	swait.ge [sflag:s14], $0x2000  }
0xf1: {  	v3 =	vbroadcast v3, $0x0;
	[sflag:s14] =	ssyncset.done $0x0  }
0xf2: {  	[sflag:s14] =	ssyncadd.s32 $0xFFFFE000  }
0xf3: {  	s22 =	simm.s32 $0x7100;
	v4 =	vld.idx.msk [tilespmem:v1+s31+$0x0], $0xffff  }
0xf4: {  	v6 =	vld [tilespmem:s22+$0xFFFFFF00]  }
0xf5: {  	s25 =	simm.s32 $0x1;
	v7 =	vld [tilespmem:s22+$0xFFFFFF10]  }
0xf6: {  	v5 =	vmov s25;
	v8 =	vld [tilespmem:s22+$0xFFFFFF20]  }
0xf7: {  	v1 =	vld.idx.msk [tilespmem:v3+s31+$0x0], $0xffff;
	v3 =	vand.u32 $0x7D, v5  }
0xf8: {  	v9 =	vld [tilespmem:s22+$0xFFFFFF30];
	v3 =	vor.u32 v2, v3  }
0xf9: {  	v12 =	vld [tilespmem:s22+$0xFFFFFF60];
	v3 =	vbroadcast v3, $0x0  }
0xfa: {  	v5 =	vld [tilespmem:s22+$0xF0]  }
0xfb: {  	v10 =	vld [tilespmem:s22+$0xFFFFFF40];
	v6 =	vmul.f32 v6, v4  }
0xfc: {  	v11 =	vld [tilespmem:s22+$0xFFFFFF50];
	v7 =	vmul.f32 v7, v4  }
0xfd: {  	[tilespmem:s22+$0xFFFFFF00] =	vst v6;
	v6 =	vld [tilespmem:s22+$0xFFFFFF70]  }
0xfe: {  	s24 =	simm.s32 $0x2;
	v12 =	vmul.f32 v12, v4;
	[tilespmem:s22+$0xFFFFFF10] =	vst v7;
	v7 =	vmul.f32 v9, v4;
	v9 =	vld [tilespmem:s22+$0xFFFFFFA0]  }
0xff: {  	v13 =	vmov s24;
	v5 =	vmul.f32 v5, v1;
	v14 =	vld.idx.msk [tilespmem:v3+s31+$0x0], $0xffff  }
0x100: {  	[tilespmem:s22+$0xFFFFFF60] =	vst v12;
	v3 =	vand.u32 $0x7E, v13;
	v13 =	vld [tilespmem:s22+$0xFFFFFF80]  }
0x101: {  	[tilespmem:s22+$0xF0] =	vst v5;
	v5 =	vmul.f32 v8, v4;
	v8 =	vld [tilespmem:s22+$0xFFFFFF90];
	v3 =	vor.u32 v2, v3  }
0x102: {  	[tilespmem:s22+$0xFFFFFF30] =	vst v7;
	v7 =	vmul.f32 v11, v4;
	v11 =	vld [tilespmem:s22+$0xFFFFFFC0];
	v3 =	vbroadcast v3, $0x0  }
0x103: {  	[tilespmem:s22+$0xFFFFFF20] =	vst v5;
	v5 =	vmul.f32 v10, v4;
	v10 =	vld [tilespmem:s22+$0xFFFFFFB0]  }
0x104: {  	[tilespmem:s22+$0xFFFFFF50] =	vst v7;
	v7 =	vld [tilespmem:s22+$0xFFFFFFE0];
	v4 =	vmul.f32 v6, v4  }
0x105: {  	[tilespmem:s22+$0xFFFFFF40] =	vst v5;
	v6 =	vld [tilespmem:s22+$0xFFFFFFF0];
	v5 =	vmul.f32 v13, v14  }
0x106: {  	v13 =	vld [tilespmem:s22+$0xFFFFFFD0];
	[tilespmem:s22+$0xFFFFFF70] =	vst v4;
	v4 =	vmul.f32 v9, v14  }
0x107: {  	[tilespmem:s22+$0xFFFFFF80] =	vst v5;
	v5 =	vmul.f32 v8, v14;
	v8 =	vld [tilespmem:s22+$0x0]  }
0x108: {  	[tilespmem:s22+$0xFFFFFFA0] =	vst v4;
	v4 =	vmul.f32 v11, v14;
	v3 =	vld.idx.msk [tilespmem:v3+s31+$0x0], $0xffff  }
0x109: {  	v9 =	vld [tilespmem:s22+$0x10];
	[tilespmem:s22+$0xFFFFFF90] =	vst v5;
	v5 =	vmul.f32 v10, v14  }
0x10a: {  	s25 =	simm.s32 $0x4;
	v7 =	vmul.f32 v7, v14;
	v10 =	vld [tilespmem:s22+$0x20];
	[tilespmem:s22+$0xFFFFFFC0] =	vst v4  }
0x10b: {  	v12 =	vmov s25;
	v11 =	vld [tilespmem:s22+$0x30];
	[tilespmem:s22+$0xFFFFFFB0] =	vst v5;
	v5 =	vmul.f32 v13, v14  }
0x10c: {  	v12 =	vand.u32 $0x7C, v12;
	v4 =	vld [tilespmem:s22+$0x40];
	[tilespmem:s22+$0xFFFFFFE0] =	vst v7;
	v13 =	vmul.f32 v6, v14  }
0x10d: {  	s24 =	simm.s32 $0x5;
	s25 =	simm.s32 $0x6;
	v7 =	vor.u32 v2, v12;
	[tilespmem:s22+$0xFFFFFFD0] =	vst v5;
	v8 =	vmul.f32 v8, v3;
	v5 =	vld [tilespmem:s22+$0x50]  }
0x10e: {  	v12 =	vmov s25;
	v14 =	vmov s24;
	v6 =	vld [tilespmem:s22+$0x60];
	v9 =	vmul.f32 v9, v3;
	[tilespmem:s22+$0xFFFFFFF0] =	vst v13  }
0x10f: {  	v12 =	vand.u32 $0x7E, v12;
	v13 =	vand.u32 $0x7D, v14;
	v10 =	vmul.f32 v10, v3;
	[tilespmem:s22+$0x0] =	vst v8;
	v8 =	vld [tilespmem:s22+$0x70]  }
0x110: {  	s23 =	simm.s32 $0x7100;
	s25 =	simm.s32 $0x7;
	v7 =	vbroadcast v7, $0x0;
	s24 =	simm.s32 $0x8;
	v11 =	vmul.f32 v11, v3;
	v13 =	vor.u32 v2, v13;
	[tilespmem:s22+$0x10] =	vst v9;
	v9 =	vld [tilespmem:s22+$0x80]  }
.LBB2_7:
0x111: {  	p0 =	slt.u32 s24, $0x7C;
	v12 =	vor.u32 v2, v12;
	v14 =	vmov s25;
	[tilespmem:s22+$0x20] =	vst v10;
	v4 =	vmul.f32 v4, v3;
	v10 =	vld [tilespmem:s22+$0x90]  }
0x112: {  	v13 =	vbroadcast v13, $0x0;
	v14 =	vand.u32 $0x7F, v14;
	[tilespmem:s22+$0x30] =	vst v11;
	v5 =	vmul.f32 v5, v3;
	v11 =	vld [tilespmem:s22+$0xA0]  }
0x113: {  	v12 =	vbroadcast v12, $0x0;
	v14 =	vor.u32 v2, v14;
	[tilespmem:s22+$0x40] =	vst v4;
	v4 =	vmul.f32 v6, v3;
	v6 =	vld [tilespmem:s22+$0xB0]  }
0x114: {  	v14 =	vbroadcast v14, $0x0;
	[tilespmem:s22+$0x50] =	vst v5;
	v3 =	vmul.f32 v8, v3;
	v5 =	vld [tilespmem:s22+$0xC0]  }
0x115: {  	[tilespmem:s22+$0x60] =	vst v4;
	v4 =	vmul.f32 v9, v1;
	v8 =	vld [tilespmem:s22+$0xD0]  }
0x116: {  	[tilespmem:s22+$0x70] =	vst v3;
	v3 =	vmul.f32 v10, v1;
	v9 =	vld [tilespmem:s22+$0xE0]  }
0x117: {  	v7 =	vld.idx.msk [tilespmem:v7+s31+$0x0], $0xffff;
	[tilespmem:s22+$0x80] =	vst v4;
	v4 =	vmul.f32 v11, v1  }
0x118: {  	v10 =	vld.idx.msk [tilespmem:v13+s31+$0x0], $0xffff;
	[tilespmem:s22+$0x90] =	vst v3;
	v6 =	vmul.f32 v6, v1  }
0x119: {  	v3 =	vld.idx.msk [tilespmem:v12+s31+$0x0], $0xffff;
	[tilespmem:s22+$0xA0] =	vst v4;
	v4 =	vmul.f32 v5, v1  }
0x11a: {  	s22 =	sadd.s32 $0x200, s22;
	v5 =	vld.idx.msk [tilespmem:v14+s31+$0x0], $0xffff;
	[tilespmem:s23+$0xB0] =	vst v6;
	v6 =	vmul.f32 v8, v1  }
0x11b: {  	v8 =	vld [tilespmem:s22+$0xF0];
	[tilespmem:s23+$0xC0] =	vst v4;
	v1 =	vmul.f32 v9, v1  }
0x11c: {  	v4 =	vld [tilespmem:s22+$0xFFFFFF00];
	[tilespmem:s23+$0xD0] =	vst v6  }
0x11d: {  	v6 =	vld [tilespmem:s22+$0xFFFFFF10];
	[tilespmem:s23+$0xE0] =	vst v1;
	s23 =	smov.u32 s22  }
0x11e: {  	v9 =	vld [tilespmem:s22+$0xFFFFFF20]  }
0x11f: {  	v11 =	vld [tilespmem:s22+$0xFFFFFF30]  }
0x120: {  	v1 =	vmov v5;
	v12 =	vld [tilespmem:s22+$0xFFFFFF40];
	v8 =	vmul.f32 v8, v5  }
0x121: {  	v4 =	vmul.f32 v4, v7;
	v5 =	vld [tilespmem:s22+$0xFFFFFF50]  }
0x122: {  	v6 =	vmul.f32 v6, v7;
	v13 =	vld [tilespmem:s22+$0xFFFFFF60];
	[tilespmem:s22+$0xF0] =	vst v8  }
0x123: {  	[tilespmem:s22+$0xFFFFFF00] =	vst v4;
	v4 =	vmul.f32 v9, v7;
	v8 =	vld [tilespmem:s22+$0xFFFFFF70]  }
0x124: {  	[tilespmem:s22+$0xFFFFFF10] =	vst v6;
	v6 =	vmul.f32 v11, v7;
	v9 =	vld [tilespmem:s22+$0xFFFFFF80]  }
0x125: {  	[tilespmem:s22+$0xFFFFFF20] =	vst v4;
	v4 =	vmul.f32 v12, v7;
	v11 =	vld [tilespmem:s22+$0xFFFFFF90]  }
0x126: {  	[tilespmem:s22+$0xFFFFFF30] =	vst v6;
	v5 =	vmul.f32 v5, v7;
	v6 =	vld [tilespmem:s22+$0xFFFFFFA0]  }
0x127: {  	[tilespmem:s22+$0xFFFFFF40] =	vst v4;
	v4 =	vmul.f32 v13, v7;
	v12 =	vld [tilespmem:s22+$0xFFFFFFB0]  }
0x128: {  	[tilespmem:s22+$0xFFFFFF50] =	vst v5;
	v5 =	vmul.f32 v8, v7;
	v7 =	vld [tilespmem:s22+$0xFFFFFFC0]  }
0x129: {  	[tilespmem:s22+$0xFFFFFF60] =	vst v4;
	v4 =	vmul.f32 v9, v10;
	v8 =	vld [tilespmem:s22+$0xFFFFFFD0]  }
0x12a: {  	[tilespmem:s22+$0xFFFFFF70] =	vst v5;
	v5 =	vmul.f32 v11, v10;
	v9 =	vld [tilespmem:s22+$0xFFFFFFE0]  }
0x12b: {  	[tilespmem:s22+$0xFFFFFF80] =	vst v4;
	v4 =	vmul.f32 v6, v10;
	v6 =	vld [tilespmem:s22+$0xFFFFFFF0]  }
0x12c: {  	[tilespmem:s22+$0xFFFFFF90] =	vst v5;
	v5 =	vmul.f32 v12, v10;
	v11 =	vld [tilespmem:s22+$0x0]  }
0x12d: {  	[tilespmem:s22+$0xFFFFFFA0] =	vst v4;
	v4 =	vmul.f32 v7, v10;
	v7 =	vld [tilespmem:s22+$0x10]  }
0x12e: {  	[tilespmem:s22+$0xFFFFFFB0] =	vst v5;
	v5 =	vmul.f32 v8, v10;
	v8 =	vld [tilespmem:s22+$0x20]  }
0x12f: {  	[tilespmem:s22+$0xFFFFFFC0] =	vst v4;
	v9 =	vmul.f32 v9, v10;
	v14 =	vld [tilespmem:s22+$0x30]  }
.Ltmp4:
0x130: {  	s25 =	sadd.s32 $0x1, s24;
	v12 =	vmov s24;
	[tilespmem:s22+$0xFFFFFFD0] =	vst v5;
	v6 =	vmul.f32 v6, v10;
	v4 =	vld [tilespmem:s22+$0x40];
	(pc) =	sbr.rel @p0 .LBB2_7-.Ltmp4, $4  }
0x131: {  	v10 =	vand.u32 $0x7C, v12;
	v12 =	vmov s25;
	s25 =	sadd.s32 $0x2, s24;
	[tilespmem:s22+$0xFFFFFFE0] =	vst v9;
	v9 =	vmul.f32 v11, v3;
	v5 =	vld [tilespmem:s22+$0x50]  }
0x132: {  	v11 =	vor.u32 v2, v10;
	v10 =	vmov s25;
	[tilespmem:s22+$0xFFFFFFF0] =	vst v6;
	v15 =	vmul.f32 v7, v3;
	v6 =	vld [tilespmem:s22+$0x60]  }
0x133: {  	v13 =	vand.u32 $0x7D, v12;
	v12 =	vand.u32 $0x7E, v10;
	[tilespmem:s22+$0x0] =	vst v9;
	v10 =	vmul.f32 v8, v3;
	v8 =	vld [tilespmem:s22+$0x70]  }
0x134: {  	s25 =	sadd.s32 $0x3, s24;
	s24 =	sadd.s32 $0x4, s24;
	v7 =	vbroadcast v11, $0x0;
	v13 =	vor.u32 v2, v13;
	[tilespmem:s22+$0x10] =	vst v15;
	v11 =	vmul.f32 v14, v3;
	v9 =	vld [tilespmem:s22+$0x80]  }
0x135: {  	v15 =	vld [tilespmem:s22+$0x90]  }
0x136: {  	v16 =	vld [tilespmem:s22+$0xA0]  }
0x137: {  	v21 =	vld [tilespmem:s22+$0xB0]  }
0x138: {  	v17 =	vld [tilespmem:s22+$0xC0]  }
0x139: {  	[tilespmem:s22+$0x20] =	vst v10;
	v4 =	vmul.f32 v4, v3;
	v22 =	vld [tilespmem:s22+$0xD0]  }
0x13a: {  	v23 =	vld [tilespmem:s22+$0xE0];
	[tilespmem:s22+$0x30] =	vst v11;
	v5 =	vmul.f32 v5, v3  }
0x13b: {  	s24 =	sadd.s32 $0x200, s22;
	v25 =	vld.idx.msk [tilespmem:v7+s31+$0x0], $0xffff;
	[tilespmem:s22+$0x40] =	vst v4;
	v24 =	vmul.f32 v6, v3  }
0x13c: {  	v30 =	vld [tilespmem:s24+$0xF0];
	[tilespmem:s22+$0x50] =	vst v5;
	v3 =	vmul.f32 v8, v3  }
0x13d: {  	v31 =	vld [tilespmem:s24+$0xFFFFFF00];
	[tilespmem:s22+$0x60] =	vst v24;
	v27 =	vmul.f32 v9, v1  }
0x13e: {  	v14 =	vmov s25;
	v33 =	vld [tilespmem:s24+$0xFFFFFF10];
	[tilespmem:s22+$0x70] =	vst v3;
	v3 =	vmul.f32 v15, v1  }
0x13f: {  	v14 =	vand.u32 $0x7F, v14;
	v34 =	vld [tilespmem:s24+$0xFFFFFF20];
	v29 =	vmul.f32 v16, v1;
	[tilespmem:s22+$0x80] =	vst v27  }
0x140: {  	v12 =	vor.u32 v2, v12;
	v35 =	vld [tilespmem:s24+$0xFFFFFF30];
	v2 =	vor.u32 v2, v14;
	[tilespmem:s22+$0x90] =	vst v3;
	v3 =	vmul.f32 v21, v1  }
0x141: {  	v36 =	vld [tilespmem:s24+$0xFFFFFF50];
	v2 =	vbroadcast v2, $0x0;
	v32 =	vmul.f32 v17, v1;
	[tilespmem:s22+$0xA0] =	vst v29  }
0x142: {  	v13 =	vbroadcast v13, $0x0;
	v38 =	vld [tilespmem:s24+$0xFFFFFF60];
	[tilespmem:s23+$0xB0] =	vst v3;
	v3 =	vmul.f32 v22, v1  }
0x143: {  	v39 =	vld [tilespmem:s24+$0xFFFFFF70];
	[tilespmem:s23+$0xC0] =	vst v32;
	v1 =	vmul.f32 v23, v1  }
0x144: {  	v37 =	vmul.f32 v33, v25;
	[tilespmem:s23+$0xD0] =	vst v3;
	v3 =	vld [tilespmem:s24+$0xFFFFFF40]  }
0x145: {  	v40 =	vld [tilespmem:s24+$0xFFFFFF80];
	[tilespmem:s23+$0xE0] =	vst v1;
	v1 =	vmul.f32 v31, v25  }
0x146: {  	v42 =	vld [tilespmem:s24+$0xFFFFFFA0];
	v4 =	vmul.f32 v35, v25;
	[tilespmem:s24+$0xFFFFFF10] =	vst v37  }
0x147: {  	v2 =	vld.idx.msk [tilespmem:v2+s31+$0x0], $0xffff;
	[tilespmem:s24+$0xFFFFFF00] =	vst v1;
	v1 =	vmul.f32 v34, v25  }
0x148: {  	v26 =	vld.idx.msk [tilespmem:v13+s31+$0x0], $0xffff;
	v41 =	vmul.f32 v36, v25;
	[tilespmem:s24+$0xFFFFFF30] =	vst v4  }
0x149: {  	[tilespmem:s24+$0xFFFFFF20] =	vst v1;
	v1 =	vmul.f32 v3, v25;
	v3 =	vld [tilespmem:s24+$0xFFFFFF90]  }
0x14a: {  	v12 =	vbroadcast v12, $0x0;
	v43 =	vld [tilespmem:s24+$0xFFFFFFB0];
	v44 =	vmul.f32 v39, v25;
	[tilespmem:s24+$0xFFFFFF50] =	vst v41  }
0x14b: {  	v45 =	vld [tilespmem:s24+$0xFFFFFFC0];
	[tilespmem:s24+$0xFFFFFF40] =	vst v1;
	v1 =	vmul.f32 v38, v25  }
0x14c: {  	v46 =	vld [tilespmem:s24+$0xFFFFFFD0];
	[tilespmem:s24+$0xFFFFFF70] =	vst v44;
	v8 =	vmul.f32 v30, v2  }
0x14d: {  	v47 =	vld [tilespmem:s24+$0xFFFFFFE0];
	[tilespmem:s24+$0xFFFFFF60] =	vst v1;
	v1 =	vmul.f32 v40, v26  }
0x14e: {  	v48 =	vld [tilespmem:s24+$0xFFFFFFF0];
	[tilespmem:s24+$0xF0] =	vst v8;
	v3 =	vmul.f32 v3, v26  }
0x14f: {  	v49 =	vld [tilespmem:s24+$0x0];
	[tilespmem:s24+$0xFFFFFF80] =	vst v1;
	v1 =	vmul.f32 v42, v26  }
0x150: {  	v28 =	vld.idx.msk [tilespmem:v12+s31+$0x0], $0xffff;
	[tilespmem:s24+$0xFFFFFF90] =	vst v3;
	v3 =	vmul.f32 v43, v26  }
0x151: {  	v50 =	vld [tilespmem:s24+$0x10];
	[tilespmem:s24+$0xFFFFFFA0] =	vst v1;
	v1 =	vmul.f32 v45, v26  }
0x152: {  	v51 =	vld [tilespmem:s24+$0x20];
	[tilespmem:s24+$0xFFFFFFB0] =	vst v3;
	v3 =	vmul.f32 v46, v26  }
0x153: {  	v52 =	vld [tilespmem:s24+$0x30];
	[tilespmem:s24+$0xFFFFFFC0] =	vst v1;
	v1 =	vmul.f32 v47, v26  }
0x154: {  	v53 =	vld [tilespmem:s24+$0x40];
	[tilespmem:s24+$0xFFFFFFD0] =	vst v3;
	v3 =	vmul.f32 v48, v26  }
0x155: {  	v54 =	vld [tilespmem:s24+$0x50];
	[tilespmem:s24+$0xFFFFFFE0] =	vst v1;
	v1 =	vmul.f32 v49, v28  }
0x156: {  	v55 =	vld [tilespmem:s24+$0x60];
	[tilespmem:s24+$0xFFFFFFF0] =	vst v3;
	v3 =	vmul.f32 v50, v28  }
0x157: {  	v56 =	vld [tilespmem:s24+$0x70];
	[tilespmem:s24+$0x0] =	vst v1;
	v1 =	vmul.f32 v51, v28  }
0x158: {  	v57 =	vld [tilespmem:s24+$0x80];
	[tilespmem:s24+$0x10] =	vst v3;
	v3 =	vmul.f32 v52, v28  }
0x159: {  	v58 =	vld [tilespmem:s24+$0x90];
	[tilespmem:s24+$0x20] =	vst v1;
	v1 =	vmul.f32 v53, v28  }
0x15a: {  	v59 =	vld [tilespmem:s24+$0xA0];
	[tilespmem:s24+$0x30] =	vst v3;
	v3 =	vmul.f32 v54, v28  }
0x15b: {  	v60 =	vld [tilespmem:s24+$0xB0];
	[tilespmem:s24+$0x40] =	vst v1;
	v1 =	vmul.f32 v55, v28  }
0x15c: {  	v61 =	vld [tilespmem:s24+$0xC0];
	[tilespmem:s24+$0x50] =	vst v3;
	v3 =	vmul.f32 v56, v28  }
0x15d: {  	v62 =	vld [tilespmem:s24+$0xD0];
	[tilespmem:s24+$0x60] =	vst v1;
	v1 =	vmul.f32 v57, v2  }
0x15e: {  	v63 =	vld [tilespmem:s24+$0xE0];
	[tilespmem:s24+$0x70] =	vst v3;
	v3 =	vmul.f32 v58, v2  }
0x15f: {  	[tilespmem:s24+$0x80] =	vst v1;
	v1 =	vmul.f32 v59, v2  }
0x160: {  	[tilespmem:s24+$0x90] =	vst v3;
	v3 =	vmul.f32 v60, v2  }
0x161: {  	[tilespmem:s24+$0xA0] =	vst v1;
	v1 =	vmul.f32 v61, v2  }
0x162: {  	[tilespmem:s24+$0xB0] =	vst v3;
	v3 =	vmul.f32 v62, v2  }
0x163: {  	[tilespmem:s24+$0xC0] =	vst v1;
	v1 =	vmul.f32 v63, v2  }
0x164: {  	s21 =	sand.u32 $0x3FFFFF80, s21;
	p0 =	seq.s32 s19, $0x7;
	[tilespmem:s24+$0xD0] =	vst v3  }
.Ltmp5:
0x165: {  	s21 =	sadd.s32 $0x1000, s21;
	[tilespmem:s24+$0xE0] =	vst v1;
	(pc) =	sbr.rel @p0 .LBB2_10-.Ltmp5, $4  }
0x166: {  	[spmem:s1] =	stream.indirect.scatter.add.f32 [tilespmem:s10], [sflag:$0x4], $0x80, s21, s9, $0xb8;
	[tilespmem:$0x1F000] =	vst v63  }
0x167: {  	_ =	swait.ge [sflag:s15], $0x4000  }
0x168: {  	[sflag:s15] =	ssyncset.done $0x0  }
0x169: {  	[sflag:s15] =	ssyncadd.s32 $0xFFFFC000  }
0x16a: {  	s21 =	sadd.s32 $0x100, s20  }
0x16b: {  	[tilespmem:s28], [sflag:$0x1] =	stream.indirect.gather [hbm4b:s4+s7], $0x80, s21, s7, $0xb8;
	[tilespmem:$0x1F000] =	vst v63  }
0x16c: {  	s23 =	sadd.s32 $0x140, s20  }
0x16d: {  	[tilespmem:s8], [sflag:$0x1] =	stream.indirect.gather [hbm4b:s4+s7], $0x80, s23, s7, $0xb8;
	[tilespmem:$0x1F000] =	vst v63  }
0x16e: {  	_ =	swait.ge [sflag:s16], $0x4000  }
.Ltmp6:
0x16f: {  	[sflag:s16] =	ssyncset.done $0x0;
	(pc) =	sbr.rel .LBB2_4-.Ltmp6, $4  }
0x170: {  	s24 =	sadd.s32 $0x180, s20;
	[sflag:s16] =	ssyncadd.s32 $0xFFFFC000  }
0x171: {  	[tilespmem:s10], [sflag:$0x2] =	stream.indirect.gather [hbm4b:s4+s7], $0x80, s24, s7, $0xb8;
	[tilespmem:$0x1F000] =	vst v63  }
0x172: {  	s25 =	sadd.s32 $0x1C0, s20;
	s19 =	sadd.s32 $0x1, s19  }
0x173: {  	[tilespmem:s12], [sflag:$0x2] =	stream.indirect.gather [hbm4b:s4+s7], $0x80, s25, s7, $0xb8;
	[tilespmem:$0x1F000] =	vst v63  }
.LBB2_10:
0x174: {  	_ =	swait.ge [sflag:s16], $0x4000  }
0x175: {  	[sflag:s16] =	ssyncset.done $0x0  }
0x176: {  	[sflag:s16] =	ssyncadd.s32 $0xFFFFC000  }
0x177: {  	_ =	swait.ge [sflag:s17], $0x800  }
0x178: {  	[sflag:s17] =	ssyncset.done $0x0  }
0x179: {  	[sflag:s17] =	ssyncadd.s32 $0xFFFFF800  }
0x17a: {  	_ =	swait.ge [sflag:s17], $0x800  }
0x17b: {  	[sflag:s17] =	ssyncset.done $0x0  }
0x17c: {  	[sflag:s17] =	ssyncadd.s32 $0xFFFFF800  }
0x17d: {  	_ =	swait.ge [sflag:s17], $0x800  }
0x17e: {  	[sflag:s17] =	ssyncset.done $0x0  }
0x17f: {  	s18 =	simm.s32 $0x0;
	s19 =	rddreg [dreg:$0xc];
	[sflag:s17] =	ssyncadd.s32 $0xFFFFF800  }
0x180: {  	[tilespmem:s18], [sflag:$0x5] =	stream.linear.gather [hbm4b:s19+s18], $0x800, $0x38;
	[tilespmem:$0x1F000] =	vst v63  }
0x181: {  	s21 =	rddreg [dreg:$0xd]  }
0x182: {  	[tilespmem:s30], [sflag:$0x5] =	stream.linear.gather [hbm4b:s21+s18], $0x800, $0x38;
	[tilespmem:$0x1F000] =	vst v63  }
0x183: {  	s22 =	rddreg [dreg:$0xe]  }
0x184: {  	[tilespmem:s31], [sflag:$0x5] =	stream.linear.gather [hbm4b:s22+s18], $0x800, $0x38;
	[tilespmem:$0x1F000] =	vst v63  }
0x185: {  	_ = 	snop  }
0x186: {  	[tilespmem:s28], [sflag:$0x1] =	stream.indirect.gather [hbm4b:s4+s7], $0x80, s2, s7, $0xb8;
	[tilespmem:$0x1F000] =	vst v63  }
0x187: {  	s23 =	simm.s32 $0x840  }
0x188: {  	[tilespmem:s8], [sflag:$0x1] =	stream.indirect.gather [hbm4b:s4+s7], $0x80, s23, s7, $0xb8;
	[tilespmem:$0x1F000] =	vst v63  }
0x189: {  	s24 =	simm.s32 $0x880  }
0x18a: {  	[tilespmem:s10], [sflag:$0x2] =	stream.indirect.gather [hbm4b:s4+s7], $0x80, s24, s7, $0xb8;
	[tilespmem:$0x1F000] =	vst v63  }
0x18b: {  	s25 =	simm.s32 $0x8C0;
	s19 =	simm.s32 $0x0  }
0x18c: {  	[tilespmem:s12], [sflag:$0x2] =	stream.indirect.gather [hbm4b:s4+s7], $0x80, s25, s7, $0xb8;
	[tilespmem:$0x1F000] =	vst v63  }
.LBB2_11:
0x18d: {  	s20 =	sshll.u32 s19, $0x8;
	v1 =	vmov s18;
	s21 =	simm.s32 $0x3  }
0x18e: {  	_ =	swait.ge [sflag:s13], $0x2000;
	v2 =	vmov s20;
	v1 =	vand.u32 $0x7C, v1;
	v3 =	vmov s21  }
0x18f: {  	[sflag:s13] =	ssyncset.done $0x0;
	v1 =	vor.u32 v2, v1;
	v3 =	vand.u32 $0x7F, v3  }
0x190: {  	[sflag:s13] =	ssyncadd.s32 $0xFFFFE000;
	v1 =	vbroadcast v1, $0x0;
	v3 =	vor.u32 v2, v3  }
0x191: {  	_ =	swait.ge [sflag:s13], $0x2000;
	v3 =	vbroadcast v3, $0x0  }
0x192: {  	[sflag:s13] =	ssyncset.done $0x0  }
0x193: {  	s21 =	simm.s32 $0x3100;
	[sflag:s13] =	ssyncadd.s32 $0xFFFFE000  }
0x194: {  	v6 =	vld [tilespmem:s21+$0xFFFFFF00]  }
0x195: {  	s25 =	simm.s32 $0x1;
	v7 =	vld [tilespmem:s21+$0xFFFFFF10]  }
0x196: {  	v5 =	vmov s25;
	v4 =	vld.idx.msk [tilespmem:v1+s6+$0x0], $0xffff  }
0x197: {  	v1 =	vld.idx.msk [tilespmem:v3+s6+$0x0], $0xffff;
	v3 =	vand.u32 $0x7D, v5  }
0x198: {  	v8 =	vld [tilespmem:s21+$0xFFFFFF20];
	v3 =	vor.u32 v2, v3  }
0x199: {  	v9 =	vld [tilespmem:s21+$0xFFFFFF30];
	v3 =	vbroadcast v3, $0x0  }
0x19a: {  	v5 =	vld [tilespmem:s21+$0xF0]  }
0x19b: {  	v10 =	vld [tilespmem:s21+$0xFFFFFF40]  }
0x19c: {  	v11 =	vld [tilespmem:s21+$0xFFFFFF50];
	v6 =	vmul.f32 v6, v4  }
0x19d: {  	v12 =	vld [tilespmem:s21+$0xFFFFFF60]  }
0x19e: {  	s22 =	simm.s32 $0x2;
	v7 =	vmul.f32 v7, v4;
	[tilespmem:s21+$0xFFFFFF00] =	vst v6;
	v6 =	vld [tilespmem:s21+$0xFFFFFF70]  }
0x19f: {  	v13 =	vmov s22;
	v5 =	vmul.f32 v5, v1;
	v14 =	vld.idx.msk [tilespmem:v3+s6+$0x0], $0xffff  }
0x1a0: {  	[tilespmem:s21+$0xFFFFFF10] =	vst v7;
	v7 =	vmul.f32 v9, v4;
	v3 =	vand.u32 $0x7E, v13;
	v13 =	vld [tilespmem:s21+$0xFFFFFF80]  }
0x1a1: {  	v9 =	vld [tilespmem:s21+$0xFFFFFFA0];
	[tilespmem:s21+$0xF0] =	vst v5;
	v5 =	vmul.f32 v8, v4;
	v3 =	vor.u32 v2, v3  }
0x1a2: {  	v8 =	vld [tilespmem:s21+$0xFFFFFF90];
	[tilespmem:s21+$0xFFFFFF30] =	vst v7;
	v7 =	vmul.f32 v11, v4;
	v3 =	vbroadcast v3, $0x0  }
0x1a3: {  	v11 =	vld [tilespmem:s21+$0xFFFFFFC0];
	[tilespmem:s21+$0xFFFFFF20] =	vst v5;
	v5 =	vmul.f32 v10, v4  }
0x1a4: {  	v12 =	vmul.f32 v12, v4;
	v10 =	vld [tilespmem:s21+$0xFFFFFFB0];
	[tilespmem:s21+$0xFFFFFF50] =	vst v7;
	v4 =	vmul.f32 v6, v4  }
0x1a5: {  	v7 =	vld [tilespmem:s21+$0xFFFFFFE0];
	[tilespmem:s21+$0xFFFFFF40] =	vst v5;
	v5 =	vmul.f32 v13, v14  }
0x1a6: {  	v13 =	vld [tilespmem:s21+$0xFFFFFFD0];
	[tilespmem:s21+$0xFFFFFF70] =	vst v4  }
0x1a7: {  	v4 =	vmul.f32 v9, v14;
	[tilespmem:s21+$0xFFFFFF80] =	vst v5;
	v5 =	vmul.f32 v8, v14;
	v8 =	vld [tilespmem:s21+$0x0]  }
0x1a8: {  	[tilespmem:s21+$0xFFFFFF60] =	vst v12;
	v3 =	vld.idx.msk [tilespmem:v3+s6+$0x0], $0xffff  }
0x1a9: {  	v6 =	vld [tilespmem:s21+$0xFFFFFFF0];
	[tilespmem:s21+$0xFFFFFFA0] =	vst v4;
	v4 =	vmul.f32 v11, v14  }
0x1aa: {  	v9 =	vld [tilespmem:s21+$0x10];
	[tilespmem:s21+$0xFFFFFF90] =	vst v5;
	v5 =	vmul.f32 v10, v14  }
0x1ab: {  	s23 =	simm.s32 $0x4;
	v7 =	vmul.f32 v7, v14;
	v10 =	vld [tilespmem:s21+$0x20];
	[tilespmem:s21+$0xFFFFFFC0] =	vst v4  }
0x1ac: {  	v12 =	vmov s23;
	v11 =	vld [tilespmem:s21+$0x30];
	[tilespmem:s21+$0xFFFFFFB0] =	vst v5;
	v5 =	vmul.f32 v13, v14  }
0x1ad: {  	v12 =	vand.u32 $0x7C, v12;
	v4 =	vld [tilespmem:s21+$0x40];
	[tilespmem:s21+$0xFFFFFFE0] =	vst v7;
	v8 =	vmul.f32 v8, v3  }
0x1ae: {  	s24 =	simm.s32 $0x5;
	s25 =	simm.s32 $0x6;
	v7 =	vor.u32 v2, v12;
	v13 =	vmul.f32 v6, v14;
	[tilespmem:s21+$0xFFFFFFD0] =	vst v5;
	v5 =	vld [tilespmem:s21+$0x50]  }
0x1af: {  	v14 =	vmov s24;
	v6 =	vld [tilespmem:s21+$0x60];
	v9 =	vmul.f32 v9, v3;
	[tilespmem:s21+$0x0] =	vst v8;
	v8 =	vmov s25  }
0x1b0: {  	s20 =	sshll.u32 s19, $0x1;
	[tilespmem:s21+$0xFFFFFFF0] =	vst v13;
	v13 =	vand.u32 $0x7D, v14;
	v10 =	vmul.f32 v10, v3;
	v12 =	vand.u32 $0x7E, v8;
	v8 =	vld [tilespmem:s21+$0x70]  }
0x1b1: {  	s22 =	simm.s32 $0x3100;
	s23 =	simm.s32 $0x8;
	v7 =	vbroadcast v7, $0x0;
	s24 =	simm.s32 $0x7;
	v11 =	vmul.f32 v11, v3;
	v13 =	vor.u32 v2, v13;
	[tilespmem:s21+$0x10] =	vst v9;
	v9 =	vld [tilespmem:s21+$0x80]  }
.LBB2_12:
0x1b2: {  	p0 =	slt.u32 s23, $0x7C;
	v12 =	vor.u32 v2, v12;
	v14 =	vmov s24;
	[tilespmem:s21+$0x20] =	vst v10;
	v4 =	vmul.f32 v4, v3;
	v10 =	vld [tilespmem:s21+$0x90]  }
0x1b3: {  	v13 =	vbroadcast v13, $0x0;
	v14 =	vand.u32 $0x7F, v14;
	[tilespmem:s21+$0x30] =	vst v11;
	v5 =	vmul.f32 v5, v3;
	v11 =	vld [tilespmem:s21+$0xA0]  }
0x1b4: {  	v12 =	vbroadcast v12, $0x0;
	v14 =	vor.u32 v2, v14;
	[tilespmem:s21+$0x40] =	vst v4;
	v4 =	vmul.f32 v6, v3;
	v6 =	vld [tilespmem:s21+$0xB0]  }
0x1b5: {  	v14 =	vbroadcast v14, $0x0;
	[tilespmem:s21+$0x50] =	vst v5;
	v3 =	vmul.f32 v8, v3;
	v5 =	vld [tilespmem:s21+$0xC0]  }
0x1b6: {  	[tilespmem:s21+$0x60] =	vst v4;
	v4 =	vmul.f32 v9, v1;
	v8 =	vld [tilespmem:s21+$0xD0]  }
0x1b7: {  	[tilespmem:s21+$0x70] =	vst v3;
	v3 =	vmul.f32 v10, v1;
	v9 =	vld [tilespmem:s21+$0xE0]  }
0x1b8: {  	v7 =	vld.idx.msk [tilespmem:v7+s6+$0x0], $0xffff;
	[tilespmem:s21+$0x80] =	vst v4;
	v4 =	vmul.f32 v11, v1  }
0x1b9: {  	v10 =	vld.idx.msk [tilespmem:v13+s6+$0x0], $0xffff;
	[tilespmem:s21+$0x90] =	vst v3;
	v6 =	vmul.f32 v6, v1  }
0x1ba: {  	v3 =	vld.idx.msk [tilespmem:v12+s6+$0x0], $0xffff;
	[tilespmem:s21+$0xA0] =	vst v4;
	v4 =	vmul.f32 v5, v1  }
0x1bb: {  	s21 =	sadd.s32 $0x200, s21;
	v5 =	vld.idx.msk [tilespmem:v14+s6+$0x0], $0xffff;
	[tilespmem:s22+$0xB0] =	vst v6;
	v6 =	vmul.f32 v8, v1  }
0x1bc: {  	v8 =	vld [tilespmem:s21+$0xF0];
	[tilespmem:s22+$0xC0] =	vst v4;
	v1 =	vmul.f32 v9, v1  }
0x1bd: {  	v4 =	vld [tilespmem:s21+$0xFFFFFF00];
	[tilespmem:s22+$0xD0] =	vst v6  }
0x1be: {  	v6 =	vld [tilespmem:s21+$0xFFFFFF10];
	[tilespmem:s22+$0xE0] =	vst v1;
	s22 =	smov.u32 s21  }
0x1bf: {  	v9 =	vld [tilespmem:s21+$0xFFFFFF20]  }
0x1c0: {  	v11 =	vld [tilespmem:s21+$0xFFFFFF30]  }
0x1c1: {  	v1 =	vmov v5;
	v12 =	vld [tilespmem:s21+$0xFFFFFF40];
	v8 =	vmul.f32 v8, v5  }
0x1c2: {  	v4 =	vmul.f32 v4, v7;
	v5 =	vld [tilespmem:s21+$0xFFFFFF50]  }
0x1c3: {  	v6 =	vmul.f32 v6, v7;
	v13 =	vld [tilespmem:s21+$0xFFFFFF60];
	[tilespmem:s21+$0xF0] =	vst v8  }
0x1c4: {  	[tilespmem:s21+$0xFFFFFF00] =	vst v4;
	v4 =	vmul.f32 v9, v7;
	v8 =	vld [tilespmem:s21+$0xFFFFFF70]  }
0x1c5: {  	[tilespmem:s21+$0xFFFFFF10] =	vst v6;
	v6 =	vmul.f32 v11, v7;
	v9 =	vld [tilespmem:s21+$0xFFFFFF80]  }
0x1c6: {  	[tilespmem:s21+$0xFFFFFF20] =	vst v4;
	v4 =	vmul.f32 v12, v7;
	v11 =	vld [tilespmem:s21+$0xFFFFFF90]  }
0x1c7: {  	[tilespmem:s21+$0xFFFFFF30] =	vst v6;
	v5 =	vmul.f32 v5, v7;
	v6 =	vld [tilespmem:s21+$0xFFFFFFA0]  }
0x1c8: {  	[tilespmem:s21+$0xFFFFFF40] =	vst v4;
	v4 =	vmul.f32 v13, v7;
	v12 =	vld [tilespmem:s21+$0xFFFFFFB0]  }
0x1c9: {  	[tilespmem:s21+$0xFFFFFF50] =	vst v5;
	v5 =	vmul.f32 v8, v7;
	v7 =	vld [tilespmem:s21+$0xFFFFFFC0]  }
0x1ca: {  	[tilespmem:s21+$0xFFFFFF60] =	vst v4;
	v4 =	vmul.f32 v9, v10;
	v8 =	vld [tilespmem:s21+$0xFFFFFFD0]  }
0x1cb: {  	[tilespmem:s21+$0xFFFFFF70] =	vst v5;
	v5 =	vmul.f32 v11, v10;
	v9 =	vld [tilespmem:s21+$0xFFFFFFE0]  }
0x1cc: {  	[tilespmem:s21+$0xFFFFFF80] =	vst v4;
	v4 =	vmul.f32 v6, v10;
	v6 =	vld [tilespmem:s21+$0xFFFFFFF0]  }
0x1cd: {  	[tilespmem:s21+$0xFFFFFF90] =	vst v5;
	v5 =	vmul.f32 v12, v10;
	v11 =	vld [tilespmem:s21+$0x0]  }
0x1ce: {  	[tilespmem:s21+$0xFFFFFFA0] =	vst v4;
	v4 =	vmul.f32 v7, v10;
	v7 =	vld [tilespmem:s21+$0x10]  }
0x1cf: {  	[tilespmem:s21+$0xFFFFFFB0] =	vst v5;
	v5 =	vmul.f32 v8, v10;
	v8 =	vld [tilespmem:s21+$0x20]  }
0x1d0: {  	[tilespmem:s21+$0xFFFFFFC0] =	vst v4;
	v9 =	vmul.f32 v9, v10;
	v14 =	vld [tilespmem:s21+$0x30]  }
.Ltmp7:
0x1d1: {  	s24 =	sadd.s32 $0x1, s23;
	v12 =	vmov s23;
	[tilespmem:s21+$0xFFFFFFD0] =	vst v5;
	v6 =	vmul.f32 v6, v10;
	v4 =	vld [tilespmem:s21+$0x40];
	(pc) =	sbr.rel @p0 .LBB2_12-.Ltmp7, $4  }
0x1d2: {  	v10 =	vand.u32 $0x7C, v12;
	v12 =	vmov s24;
	s24 =	sadd.s32 $0x2, s23;
	[tilespmem:s21+$0xFFFFFFE0] =	vst v9;
	v9 =	vmul.f32 v11, v3;
	v5 =	vld [tilespmem:s21+$0x50]  }
0x1d3: {  	v11 =	vor.u32 v2, v10;
	v10 =	vmov s24;
	[tilespmem:s21+$0xFFFFFFF0] =	vst v6;
	v15 =	vmul.f32 v7, v3;
	v6 =	vld [tilespmem:s21+$0x60]  }
0x1d4: {  	v13 =	vand.u32 $0x7D, v12;
	v12 =	vand.u32 $0x7E, v10;
	[tilespmem:s21+$0x0] =	vst v9;
	v10 =	vmul.f32 v8, v3;
	v8 =	vld [tilespmem:s21+$0x70]  }
0x1d5: {  	s24 =	sadd.s32 $0x3, s23;
	s23 =	sadd.s32 $0x4, s23;
	v7 =	vbroadcast v11, $0x0;
	v13 =	vor.u32 v2, v13;
	[tilespmem:s21+$0x10] =	vst v15;
	v11 =	vmul.f32 v14, v3;
	v9 =	vld [tilespmem:s21+$0x80]  }
0x1d6: {  	v15 =	vld [tilespmem:s21+$0x90]  }
0x1d7: {  	v16 =	vld [tilespmem:s21+$0xA0]  }
0x1d8: {  	v14 =	vmov s24;
	v12 =	vor.u32 v2, v12;
	v17 =	vld [tilespmem:s21+$0xC0]  }
0x1d9: {  	v13 =	vbroadcast v13, $0x0;
	[tilespmem:s21+$0x20] =	vst v10;
	v4 =	vmul.f32 v4, v3;
	v10 =	vld [tilespmem:s21+$0xD0];
	v14 =	vand.u32 $0x7F, v14  }
0x1da: {  	v12 =	vbroadcast v12, $0x0;
	[tilespmem:s21+$0x30] =	vst v11;
	v5 =	vmul.f32 v5, v3;
	v11 =	vld [tilespmem:s21+$0xE0];
	v2 =	vor.u32 v2, v14  }
0x1db: {  	v14 =	vld [tilespmem:s21+$0xB0];
	[tilespmem:s21+$0x40] =	vst v4;
	v4 =	vmul.f32 v6, v3;
	v2 =	vbroadcast v2, $0x0  }
0x1dc: {  	s23 =	sadd.s32 $0x200, s21;
	v6 =	vld.idx.msk [tilespmem:v7+s6+$0x0], $0xffff;
	[tilespmem:s21+$0x50] =	vst v5;
	v3 =	vmul.f32 v8, v3  }
0x1dd: {  	v8 =	vld [tilespmem:s23+$0xF0];
	[tilespmem:s21+$0x60] =	vst v4;
	v4 =	vmul.f32 v9, v1  }
0x1de: {  	v9 =	vld [tilespmem:s23+$0xFFFFFF00];
	[tilespmem:s21+$0x70] =	vst v3;
	v3 =	vmul.f32 v15, v1  }
0x1df: {  	v5 =	vld.idx.msk [tilespmem:v13+s6+$0x0], $0xffff;
	[tilespmem:s21+$0x80] =	vst v4;
	v4 =	vmul.f32 v16, v1  }
0x1e0: {  	v7 =	vld.idx.msk [tilespmem:v12+s6+$0x0], $0xffff;
	[tilespmem:s21+$0x90] =	vst v3;
	v3 =	vmul.f32 v14, v1  }
0x1e1: {  	[tilespmem:s21+$0xA0] =	vst v4;
	v4 =	vmul.f32 v17, v1;
	v2 =	vld.idx.msk [tilespmem:v2+s6+$0x0], $0xffff  }
0x1e2: {  	v12 =	vld [tilespmem:s23+$0xFFFFFF10];
	[tilespmem:s22+$0xB0] =	vst v3;
	v3 =	vmul.f32 v10, v1  }
0x1e3: {  	v10 =	vld [tilespmem:s23+$0xFFFFFF20];
	v1 =	vmul.f32 v11, v1;
	[tilespmem:s22+$0xC0] =	vst v4  }
0x1e4: {  	v4 =	vld [tilespmem:s23+$0xFFFFFF30];
	[tilespmem:s22+$0xD0] =	vst v3  }
0x1e5: {  	v3 =	vld [tilespmem:s23+$0xFFFFFF40];
	[tilespmem:s22+$0xE0] =	vst v1;
	v1 =	vmul.f32 v9, v6  }
0x1e6: {  	v9 =	vld [tilespmem:s23+$0xFFFFFF50];
	v8 =	vmul.f32 v8, v2  }
0x1e7: {  	v11 =	vmul.f32 v12, v6;
	v12 =	vld [tilespmem:s23+$0xFFFFFF60];
	[tilespmem:s23+$0xFFFFFF00] =	vst v1  }
0x1e8: {  	v1 =	vmul.f32 v10, v6;
	[tilespmem:s23+$0xF0] =	vst v8;
	v8 =	vld [tilespmem:s23+$0xFFFFFF70]  }
0x1e9: {  	[tilespmem:s23+$0xFFFFFF10] =	vst v11;
	v10 =	vld [tilespmem:s23+$0xFFFFFF80];
	v4 =	vmul.f32 v4, v6  }
0x1ea: {  	[tilespmem:s23+$0xFFFFFF20] =	vst v1;
	v1 =	vmul.f32 v3, v6;
	v3 =	vld [tilespmem:s23+$0xFFFFFF90]  }
0x1eb: {  	[tilespmem:s23+$0xFFFFFF30] =	vst v4;
	v4 =	vmul.f32 v9, v6;
	v9 =	vld [tilespmem:s23+$0xFFFFFFA0]  }
0x1ec: {  	v11 =	vld [tilespmem:s23+$0xFFFFFFB0];
	[tilespmem:s23+$0xFFFFFF40] =	vst v1;
	v1 =	vmul.f32 v12, v6  }
0x1ed: {  	[tilespmem:s23+$0xFFFFFF50] =	vst v4;
	v4 =	vmul.f32 v8, v6;
	v6 =	vld [tilespmem:s23+$0xFFFFFFC0]  }
0x1ee: {  	[tilespmem:s23+$0xFFFFFF60] =	vst v1;
	v1 =	vmul.f32 v10, v5;
	v8 =	vld [tilespmem:s23+$0xFFFFFFD0]  }
0x1ef: {  	v3 =	vmul.f32 v3, v5;
	[tilespmem:s23+$0xFFFFFF70] =	vst v4;
	v4 =	vld [tilespmem:s23+$0xFFFFFFE0]  }
0x1f0: {  	[tilespmem:s23+$0xFFFFFF80] =	vst v1;
	v1 =	vmul.f32 v9, v5;
	v9 =	vld [tilespmem:s23+$0xFFFFFFF0]  }
0x1f1: {  	v10 =	vld [tilespmem:s23+$0x0];
	[tilespmem:s23+$0xFFFFFF90] =	vst v3;
	v3 =	vmul.f32 v11, v5  }
0x1f2: {  	[tilespmem:s23+$0xFFFFFFA0] =	vst v1;
	v1 =	vmul.f32 v6, v5;
	v6 =	vld [tilespmem:s23+$0x10]  }
0x1f3: {  	[tilespmem:s23+$0xFFFFFFB0] =	vst v3;
	v3 =	vmul.f32 v8, v5;
	v8 =	vld [tilespmem:s23+$0x20]  }
0x1f4: {  	[tilespmem:s23+$0xFFFFFFC0] =	vst v1;
	v1 =	vmul.f32 v4, v5;
	v4 =	vld [tilespmem:s23+$0x30]  }
0x1f5: {  	[tilespmem:s23+$0xFFFFFFD0] =	vst v3;
	v3 =	vmul.f32 v9, v5;
	v5 =	vld [tilespmem:s23+$0x40]  }
0x1f6: {  	v9 =	vld [tilespmem:s23+$0x50];
	[tilespmem:s23+$0xFFFFFFE0] =	vst v1;
	v1 =	vmul.f32 v10, v7  }
0x1f7: {  	[tilespmem:s23+$0xFFFFFFF0] =	vst v3;
	v3 =	vmul.f32 v6, v7;
	v6 =	vld [tilespmem:s23+$0x60]  }
0x1f8: {  	[tilespmem:s23+$0x0] =	vst v1;
	v1 =	vmul.f32 v8, v7;
	v8 =	vld [tilespmem:s23+$0x70]  }
0x1f9: {  	[tilespmem:s23+$0x10] =	vst v3;
	v3 =	vmul.f32 v4, v7;
	v4 =	vld [tilespmem:s23+$0x80]  }
0x1fa: {  	[tilespmem:s23+$0x20] =	vst v1;
	v1 =	vmul.f32 v5, v7;
	v5 =	vld [tilespmem:s23+$0x90]  }
0x1fb: {  	[tilespmem:s23+$0x30] =	vst v3;
	v3 =	vmul.f32 v9, v7;
	v9 =	vld [tilespmem:s23+$0xA0]  }
0x1fc: {  	[tilespmem:s23+$0x40] =	vst v1;
	v1 =	vmul.f32 v6, v7;
	v6 =	vld [tilespmem:s23+$0xB0]  }
0x1fd: {  	[tilespmem:s23+$0x50] =	vst v3;
	v3 =	vmul.f32 v8, v7;
	v7 =	vld [tilespmem:s23+$0xC0]  }
0x1fe: {  	[tilespmem:s23+$0x60] =	vst v1;
	v1 =	vmul.f32 v4, v2;
	v4 =	vld [tilespmem:s23+$0xD0]  }
0x1ff: {  	[tilespmem:s23+$0x70] =	vst v3;
	v3 =	vmul.f32 v5, v2;
	v5 =	vld [tilespmem:s23+$0xE0]  }
0x200: {  	[tilespmem:s23+$0x80] =	vst v1;
	v1 =	vmul.f32 v9, v2  }
0x201: {  	[tilespmem:s23+$0x90] =	vst v3;
	v3 =	vmul.f32 v6, v2  }
0x202: {  	[tilespmem:s23+$0xA0] =	vst v1;
	v1 =	vmul.f32 v7, v2  }
0x203: {  	[tilespmem:s23+$0xB0] =	vst v3;
	v3 =	vmul.f32 v4, v2  }
0x204: {  	s24 =	sor.u32 $0x1, s20;
	s25 =	simm.s32 $0x0;
	s22 =	sshll.u32 s19, $0xA;
	[tilespmem:s23+$0xC0] =	vst v1;
	v1 =	vmul.f32 v5, v2  }
0x205: {  	s21 =	sshll.u32 s24, $0x7;
	s20 =	sshrl.u32 s22, $0x2;
	[tilespmem:s23+$0xD0] =	vst v3;
	v3 =	vmov s25  }
0x206: {  	s24 =	sadd.s32 $0x1800, s20;
	v2 =	vmov s21;
	[tilespmem:s23+$0xE0] =	vst v1;
	v1 =	vand.u32 $0x7C, v3  }
0x207: {  	[spmem:s1] =	stream.indirect.scatter.add.f32 [tilespmem:s28], [sflag:$0x3], $0x80, s24, s9, $0xb8;
	v1 =	vor.u32 v2, v1;
	[tilespmem:$0x1F000] =	vst v63  }
0x208: {  	s25 =	simm.s32 $0x3;
	_ =	swait.ge [sflag:s14], $0x2000;
	v1 =	vbroadcast v1, $0x0  }
0x209: {  	v3 =	vmov s25;
	[sflag:s14] =	ssyncset.done $0x0  }
0x20a: {  	v3 =	vand.u32 $0x7F, v3;
	[sflag:s14] =	ssyncadd.s32 $0xFFFFE000  }
0x20b: {  	v3 =	vor.u32 v2, v3;
	_ =	swait.ge [sflag:s14], $0x2000  }
0x20c: {  	v3 =	vbroadcast v3, $0x0;
	[sflag:s14] =	ssyncset.done $0x0  }
0x20d: {  	[sflag:s14] =	ssyncadd.s32 $0xFFFFE000  }
0x20e: {  	s22 =	simm.s32 $0x7100;
	v4 =	vld.idx.msk [tilespmem:v1+s6+$0x0], $0xffff  }
0x20f: {  	v6 =	vld [tilespmem:s22+$0xFFFFFF00]  }
0x210: {  	s25 =	simm.s32 $0x1;
	v7 =	vld [tilespmem:s22+$0xFFFFFF10]  }
0x211: {  	v5 =	vmov s25;
	v8 =	vld [tilespmem:s22+$0xFFFFFF20]  }
0x212: {  	v1 =	vld.idx.msk [tilespmem:v3+s6+$0x0], $0xffff;
	v3 =	vand.u32 $0x7D, v5  }
0x213: {  	v9 =	vld [tilespmem:s22+$0xFFFFFF30];
	v3 =	vor.u32 v2, v3  }
0x214: {  	v12 =	vld [tilespmem:s22+$0xFFFFFF60];
	v3 =	vbroadcast v3, $0x0  }
0x215: {  	v5 =	vld [tilespmem:s22+$0xF0]  }
0x216: {  	v10 =	vld [tilespmem:s22+$0xFFFFFF40];
	v6 =	vmul.f32 v6, v4  }
0x217: {  	v11 =	vld [tilespmem:s22+$0xFFFFFF50];
	v7 =	vmul.f32 v7, v4  }
0x218: {  	[tilespmem:s22+$0xFFFFFF00] =	vst v6;
	v6 =	vld [tilespmem:s22+$0xFFFFFF70]  }
0x219: {  	s24 =	simm.s32 $0x2;
	v12 =	vmul.f32 v12, v4;
	[tilespmem:s22+$0xFFFFFF10] =	vst v7;
	v7 =	vmul.f32 v9, v4;
	v9 =	vld [tilespmem:s22+$0xFFFFFFA0]  }
0x21a: {  	v13 =	vmov s24;
	v5 =	vmul.f32 v5, v1;
	v14 =	vld.idx.msk [tilespmem:v3+s6+$0x0], $0xffff  }
0x21b: {  	[tilespmem:s22+$0xFFFFFF60] =	vst v12;
	v3 =	vand.u32 $0x7E, v13;
	v13 =	vld [tilespmem:s22+$0xFFFFFF80]  }
0x21c: {  	[tilespmem:s22+$0xF0] =	vst v5;
	v5 =	vmul.f32 v8, v4;
	v8 =	vld [tilespmem:s22+$0xFFFFFF90];
	v3 =	vor.u32 v2, v3  }
0x21d: {  	[tilespmem:s22+$0xFFFFFF30] =	vst v7;
	v7 =	vmul.f32 v11, v4;
	v11 =	vld [tilespmem:s22+$0xFFFFFFC0];
	v3 =	vbroadcast v3, $0x0  }
0x21e: {  	[tilespmem:s22+$0xFFFFFF20] =	vst v5;
	v5 =	vmul.f32 v10, v4;
	v10 =	vld [tilespmem:s22+$0xFFFFFFB0]  }
0x21f: {  	[tilespmem:s22+$0xFFFFFF50] =	vst v7;
	v7 =	vld [tilespmem:s22+$0xFFFFFFE0];
	v4 =	vmul.f32 v6, v4  }
0x220: {  	[tilespmem:s22+$0xFFFFFF40] =	vst v5;
	v6 =	vld [tilespmem:s22+$0xFFFFFFF0];
	v5 =	vmul.f32 v13, v14  }
0x221: {  	v13 =	vld [tilespmem:s22+$0xFFFFFFD0];
	[tilespmem:s22+$0xFFFFFF70] =	vst v4;
	v4 =	vmul.f32 v9, v14  }
0x222: {  	[tilespmem:s22+$0xFFFFFF80] =	vst v5;
	v5 =	vmul.f32 v8, v14;
	v8 =	vld [tilespmem:s22+$0x0]  }
0x223: {  	[tilespmem:s22+$0xFFFFFFA0] =	vst v4;
	v4 =	vmul.f32 v11, v14;
	v3 =	vld.idx.msk [tilespmem:v3+s6+$0x0], $0xffff  }
0x224: {  	v9 =	vld [tilespmem:s22+$0x10];
	[tilespmem:s22+$0xFFFFFF90] =	vst v5;
	v5 =	vmul.f32 v10, v14  }
0x225: {  	s25 =	simm.s32 $0x4;
	v7 =	vmul.f32 v7, v14;
	v10 =	vld [tilespmem:s22+$0x20];
	[tilespmem:s22+$0xFFFFFFC0] =	vst v4  }
0x226: {  	v12 =	vmov s25;
	v11 =	vld [tilespmem:s22+$0x30];
	[tilespmem:s22+$0xFFFFFFB0] =	vst v5;
	v5 =	vmul.f32 v13, v14  }
0x227: {  	v12 =	vand.u32 $0x7C, v12;
	v4 =	vld [tilespmem:s22+$0x40];
	[tilespmem:s22+$0xFFFFFFE0] =	vst v7;
	v13 =	vmul.f32 v6, v14  }
0x228: {  	s24 =	simm.s32 $0x5;
	s25 =	simm.s32 $0x6;
	v7 =	vor.u32 v2, v12;
	[tilespmem:s22+$0xFFFFFFD0] =	vst v5;
	v8 =	vmul.f32 v8, v3;
	v5 =	vld [tilespmem:s22+$0x50]  }
0x229: {  	v12 =	vmov s25;
	v14 =	vmov s24;
	v6 =	vld [tilespmem:s22+$0x60];
	v9 =	vmul.f32 v9, v3;
	[tilespmem:s22+$0xFFFFFFF0] =	vst v13  }
0x22a: {  	v12 =	vand.u32 $0x7E, v12;
	v13 =	vand.u32 $0x7D, v14;
	v10 =	vmul.f32 v10, v3;
	[tilespmem:s22+$0x0] =	vst v8;
	v8 =	vld [tilespmem:s22+$0x70]  }
0x22b: {  	s23 =	simm.s32 $0x7100;
	s25 =	simm.s32 $0x7;
	v7 =	vbroadcast v7, $0x0;
	s24 =	simm.s32 $0x8;
	v11 =	vmul.f32 v11, v3;
	v13 =	vor.u32 v2, v13;
	[tilespmem:s22+$0x10] =	vst v9;
	v9 =	vld [tilespmem:s22+$0x80]  }
.LBB2_14:
0x22c: {  	p0 =	slt.u32 s24, $0x7C;
	v12 =	vor.u32 v2, v12;
	v14 =	vmov s25;
	[tilespmem:s22+$0x20] =	vst v10;
	v4 =	vmul.f32 v4, v3;
	v10 =	vld [tilespmem:s22+$0x90]  }
0x22d: {  	v13 =	vbroadcast v13, $0x0;
	v14 =	vand.u32 $0x7F, v14;
	[tilespmem:s22+$0x30] =	vst v11;
	v5 =	vmul.f32 v5, v3;
	v11 =	vld [tilespmem:s22+$0xA0]  }
0x22e: {  	v12 =	vbroadcast v12, $0x0;
	v14 =	vor.u32 v2, v14;
	[tilespmem:s22+$0x40] =	vst v4;
	v4 =	vmul.f32 v6, v3;
	v6 =	vld [tilespmem:s22+$0xB0]  }
0x22f: {  	v14 =	vbroadcast v14, $0x0;
	[tilespmem:s22+$0x50] =	vst v5;
	v3 =	vmul.f32 v8, v3;
	v5 =	vld [tilespmem:s22+$0xC0]  }
0x230: {  	[tilespmem:s22+$0x60] =	vst v4;
	v4 =	vmul.f32 v9, v1;
	v8 =	vld [tilespmem:s22+$0xD0]  }
0x231: {  	[tilespmem:s22+$0x70] =	vst v3;
	v3 =	vmul.f32 v10, v1;
	v9 =	vld [tilespmem:s22+$0xE0]  }
0x232: {  	v7 =	vld.idx.msk [tilespmem:v7+s6+$0x0], $0xffff;
	[tilespmem:s22+$0x80] =	vst v4;
	v4 =	vmul.f32 v11, v1  }
0x233: {  	v10 =	vld.idx.msk [tilespmem:v13+s6+$0x0], $0xffff;
	[tilespmem:s22+$0x90] =	vst v3;
	v6 =	vmul.f32 v6, v1  }
0x234: {  	v3 =	vld.idx.msk [tilespmem:v12+s6+$0x0], $0xffff;
	[tilespmem:s22+$0xA0] =	vst v4;
	v4 =	vmul.f32 v5, v1  }
0x235: {  	s22 =	sadd.s32 $0x200, s22;
	v5 =	vld.idx.msk [tilespmem:v14+s6+$0x0], $0xffff;
	[tilespmem:s23+$0xB0] =	vst v6;
	v6 =	vmul.f32 v8, v1  }
0x236: {  	v8 =	vld [tilespmem:s22+$0xF0];
	[tilespmem:s23+$0xC0] =	vst v4;
	v1 =	vmul.f32 v9, v1  }
0x237: {  	v4 =	vld [tilespmem:s22+$0xFFFFFF00];
	[tilespmem:s23+$0xD0] =	vst v6  }
0x238: {  	v6 =	vld [tilespmem:s22+$0xFFFFFF10];
	[tilespmem:s23+$0xE0] =	vst v1;
	s23 =	smov.u32 s22  }
0x239: {  	v9 =	vld [tilespmem:s22+$0xFFFFFF20]  }
0x23a: {  	v11 =	vld [tilespmem:s22+$0xFFFFFF30]  }
0x23b: {  	v1 =	vmov v5;
	v12 =	vld [tilespmem:s22+$0xFFFFFF40];
	v8 =	vmul.f32 v8, v5  }
0x23c: {  	v4 =	vmul.f32 v4, v7;
	v5 =	vld [tilespmem:s22+$0xFFFFFF50]  }
0x23d: {  	v6 =	vmul.f32 v6, v7;
	v13 =	vld [tilespmem:s22+$0xFFFFFF60];
	[tilespmem:s22+$0xF0] =	vst v8  }
0x23e: {  	[tilespmem:s22+$0xFFFFFF00] =	vst v4;
	v4 =	vmul.f32 v9, v7;
	v8 =	vld [tilespmem:s22+$0xFFFFFF70]  }
0x23f: {  	[tilespmem:s22+$0xFFFFFF10] =	vst v6;
	v6 =	vmul.f32 v11, v7;
	v9 =	vld [tilespmem:s22+$0xFFFFFF80]  }
0x240: {  	[tilespmem:s22+$0xFFFFFF20] =	vst v4;
	v4 =	vmul.f32 v12, v7;
	v11 =	vld [tilespmem:s22+$0xFFFFFF90]  }
0x241: {  	[tilespmem:s22+$0xFFFFFF30] =	vst v6;
	v5 =	vmul.f32 v5, v7;
	v6 =	vld [tilespmem:s22+$0xFFFFFFA0]  }
0x242: {  	[tilespmem:s22+$0xFFFFFF40] =	vst v4;
	v4 =	vmul.f32 v13, v7;
	v12 =	vld [tilespmem:s22+$0xFFFFFFB0]  }
0x243: {  	[tilespmem:s22+$0xFFFFFF50] =	vst v5;
	v5 =	vmul.f32 v8, v7;
	v7 =	vld [tilespmem:s22+$0xFFFFFFC0]  }
0x244: {  	[tilespmem:s22+$0xFFFFFF60] =	vst v4;
	v4 =	vmul.f32 v9, v10;
	v8 =	vld [tilespmem:s22+$0xFFFFFFD0]  }
0x245: {  	[tilespmem:s22+$0xFFFFFF70] =	vst v5;
	v5 =	vmul.f32 v11, v10;
	v9 =	vld [tilespmem:s22+$0xFFFFFFE0]  }
0x246: {  	[tilespmem:s22+$0xFFFFFF80] =	vst v4;
	v4 =	vmul.f32 v6, v10;
	v6 =	vld [tilespmem:s22+$0xFFFFFFF0]  }
0x247: {  	[tilespmem:s22+$0xFFFFFF90] =	vst v5;
	v5 =	vmul.f32 v12, v10;
	v11 =	vld [tilespmem:s22+$0x0]  }
0x248: {  	[tilespmem:s22+$0xFFFFFFA0] =	vst v4;
	v4 =	vmul.f32 v7, v10;
	v7 =	vld [tilespmem:s22+$0x10]  }
0x249: {  	[tilespmem:s22+$0xFFFFFFB0] =	vst v5;
	v5 =	vmul.f32 v8, v10;
	v8 =	vld [tilespmem:s22+$0x20]  }
0x24a: {  	[tilespmem:s22+$0xFFFFFFC0] =	vst v4;
	v9 =	vmul.f32 v9, v10;
	v14 =	vld [tilespmem:s22+$0x30]  }
.Ltmp8:
0x24b: {  	s25 =	sadd.s32 $0x1, s24;
	v12 =	vmov s24;
	[tilespmem:s22+$0xFFFFFFD0] =	vst v5;
	v6 =	vmul.f32 v6, v10;
	v4 =	vld [tilespmem:s22+$0x40];
	(pc) =	sbr.rel @p0 .LBB2_14-.Ltmp8, $4  }
0x24c: {  	v10 =	vand.u32 $0x7C, v12;
	v12 =	vmov s25;
	s25 =	sadd.s32 $0x2, s24;
	[tilespmem:s22+$0xFFFFFFE0] =	vst v9;
	v9 =	vmul.f32 v11, v3;
	v5 =	vld [tilespmem:s22+$0x50]  }
0x24d: {  	v11 =	vor.u32 v2, v10;
	v10 =	vmov s25;
	[tilespmem:s22+$0xFFFFFFF0] =	vst v6;
	v15 =	vmul.f32 v7, v3;
	v6 =	vld [tilespmem:s22+$0x60]  }
0x24e: {  	v13 =	vand.u32 $0x7D, v12;
	v12 =	vand.u32 $0x7E, v10;
	[tilespmem:s22+$0x0] =	vst v9;
	v10 =	vmul.f32 v8, v3;
	v8 =	vld [tilespmem:s22+$0x70]  }
0x24f: {  	s25 =	sadd.s32 $0x3, s24;
	s24 =	sadd.s32 $0x4, s24;
	v7 =	vbroadcast v11, $0x0;
	v13 =	vor.u32 v2, v13;
	[tilespmem:s22+$0x10] =	vst v15;
	v11 =	vmul.f32 v14, v3;
	v9 =	vld [tilespmem:s22+$0x80]  }
0x250: {  	v15 =	vld [tilespmem:s22+$0x90]  }
0x251: {  	v16 =	vld [tilespmem:s22+$0xA0]  }
0x252: {  	v21 =	vld [tilespmem:s22+$0xB0]  }
0x253: {  	v17 =	vld [tilespmem:s22+$0xC0]  }
0x254: {  	[tilespmem:s22+$0x20] =	vst v10;
	v4 =	vmul.f32 v4, v3;
	v22 =	vld [tilespmem:s22+$0xD0]  }
0x255: {  	v23 =	vld [tilespmem:s22+$0xE0];
	[tilespmem:s22+$0x30] =	vst v11;
	v5 =	vmul.f32 v5, v3  }
0x256: {  	s24 =	sadd.s32 $0x200, s22;
	v25 =	vld.idx.msk [tilespmem:v7+s6+$0x0], $0xffff;
	[tilespmem:s22+$0x40] =	vst v4;
	v24 =	vmul.f32 v6, v3  }
0x257: {  	v30 =	vld [tilespmem:s24+$0xF0];
	[tilespmem:s22+$0x50] =	vst v5;
	v3 =	vmul.f32 v8, v3  }
0x258: {  	v31 =	vld [tilespmem:s24+$0xFFFFFF00];
	[tilespmem:s22+$0x60] =	vst v24;
	v27 =	vmul.f32 v9, v1  }
0x259: {  	v14 =	vmov s25;
	v33 =	vld [tilespmem:s24+$0xFFFFFF10];
	[tilespmem:s22+$0x70] =	vst v3;
	v3 =	vmul.f32 v15, v1  }
0x25a: {  	v14 =	vand.u32 $0x7F, v14;
	v34 =	vld [tilespmem:s24+$0xFFFFFF20];
	v29 =	vmul.f32 v16, v1;
	[tilespmem:s22+$0x80] =	vst v27  }
0x25b: {  	v12 =	vor.u32 v2, v12;
	v35 =	vld [tilespmem:s24+$0xFFFFFF30];
	v2 =	vor.u32 v2, v14;
	[tilespmem:s22+$0x90] =	vst v3;
	v3 =	vmul.f32 v21, v1  }
0x25c: {  	v36 =	vld [tilespmem:s24+$0xFFFFFF50];
	v2 =	vbroadcast v2, $0x0;
	v32 =	vmul.f32 v17, v1;
	[tilespmem:s22+$0xA0] =	vst v29  }
0x25d: {  	v13 =	vbroadcast v13, $0x0;
	v38 =	vld [tilespmem:s24+$0xFFFFFF60];
	[tilespmem:s23+$0xB0] =	vst v3;
	v3 =	vmul.f32 v22, v1  }
0x25e: {  	v39 =	vld [tilespmem:s24+$0xFFFFFF70];
	[tilespmem:s23+$0xC0] =	vst v32;
	v1 =	vmul.f32 v23, v1  }
0x25f: {  	v37 =	vmul.f32 v33, v25;
	[tilespmem:s23+$0xD0] =	vst v3;
	v3 =	vld [tilespmem:s24+$0xFFFFFF40]  }
0x260: {  	v40 =	vld [tilespmem:s24+$0xFFFFFF80];
	[tilespmem:s23+$0xE0] =	vst v1;
	v1 =	vmul.f32 v31, v25  }
0x261: {  	v42 =	vld [tilespmem:s24+$0xFFFFFFA0];
	v4 =	vmul.f32 v35, v25;
	[tilespmem:s24+$0xFFFFFF10] =	vst v37  }
0x262: {  	v2 =	vld.idx.msk [tilespmem:v2+s6+$0x0], $0xffff;
	[tilespmem:s24+$0xFFFFFF00] =	vst v1;
	v1 =	vmul.f32 v34, v25  }
0x263: {  	v26 =	vld.idx.msk [tilespmem:v13+s6+$0x0], $0xffff;
	v41 =	vmul.f32 v36, v25;
	[tilespmem:s24+$0xFFFFFF30] =	vst v4  }
0x264: {  	[tilespmem:s24+$0xFFFFFF20] =	vst v1;
	v1 =	vmul.f32 v3, v25;
	v3 =	vld [tilespmem:s24+$0xFFFFFF90]  }
0x265: {  	v12 =	vbroadcast v12, $0x0;
	v43 =	vld [tilespmem:s24+$0xFFFFFFB0];
	v44 =	vmul.f32 v39, v25;
	[tilespmem:s24+$0xFFFFFF50] =	vst v41  }
0x266: {  	v45 =	vld [tilespmem:s24+$0xFFFFFFC0];
	[tilespmem:s24+$0xFFFFFF40] =	vst v1;
	v1 =	vmul.f32 v38, v25  }
0x267: {  	v46 =	vld [tilespmem:s24+$0xFFFFFFD0];
	[tilespmem:s24+$0xFFFFFF70] =	vst v44;
	v8 =	vmul.f32 v30, v2  }
0x268: {  	v47 =	vld [tilespmem:s24+$0xFFFFFFE0];
	[tilespmem:s24+$0xFFFFFF60] =	vst v1;
	v1 =	vmul.f32 v40, v26  }
0x269: {  	v48 =	vld [tilespmem:s24+$0xFFFFFFF0];
	[tilespmem:s24+$0xF0] =	vst v8;
	v3 =	vmul.f32 v3, v26  }
0x26a: {  	v49 =	vld [tilespmem:s24+$0x0];
	[tilespmem:s24+$0xFFFFFF80] =	vst v1;
	v1 =	vmul.f32 v42, v26  }
0x26b: {  	v28 =	vld.idx.msk [tilespmem:v12+s6+$0x0], $0xffff;
	[tilespmem:s24+$0xFFFFFF90] =	vst v3;
	v3 =	vmul.f32 v43, v26  }
0x26c: {  	v50 =	vld [tilespmem:s24+$0x10];
	[tilespmem:s24+$0xFFFFFFA0] =	vst v1;
	v1 =	vmul.f32 v45, v26  }
0x26d: {  	v51 =	vld [tilespmem:s24+$0x20];
	[tilespmem:s24+$0xFFFFFFB0] =	vst v3;
	v3 =	vmul.f32 v46, v26  }
0x26e: {  	v52 =	vld [tilespmem:s24+$0x30];
	[tilespmem:s24+$0xFFFFFFC0] =	vst v1;
	v1 =	vmul.f32 v47, v26  }
0x26f: {  	v53 =	vld [tilespmem:s24+$0x40];
	[tilespmem:s24+$0xFFFFFFD0] =	vst v3;
	v3 =	vmul.f32 v48, v26  }
0x270: {  	v54 =	vld [tilespmem:s24+$0x50];
	[tilespmem:s24+$0xFFFFFFE0] =	vst v1;
	v1 =	vmul.f32 v49, v28  }
0x271: {  	v55 =	vld [tilespmem:s24+$0x60];
	[tilespmem:s24+$0xFFFFFFF0] =	vst v3;
	v3 =	vmul.f32 v50, v28  }
0x272: {  	v56 =	vld [tilespmem:s24+$0x70];
	[tilespmem:s24+$0x0] =	vst v1;
	v1 =	vmul.f32 v51, v28  }
0x273: {  	v57 =	vld [tilespmem:s24+$0x80];
	[tilespmem:s24+$0x10] =	vst v3;
	v3 =	vmul.f32 v52, v28  }
0x274: {  	v58 =	vld [tilespmem:s24+$0x90];
	[tilespmem:s24+$0x20] =	vst v1;
	v1 =	vmul.f32 v53, v28  }
0x275: {  	v59 =	vld [tilespmem:s24+$0xA0];
	[tilespmem:s24+$0x30] =	vst v3;
	v3 =	vmul.f32 v54, v28  }
0x276: {  	v60 =	vld [tilespmem:s24+$0xB0];
	[tilespmem:s24+$0x40] =	vst v1;
	v1 =	vmul.f32 v55, v28  }
0x277: {  	v61 =	vld [tilespmem:s24+$0xC0];
	[tilespmem:s24+$0x50] =	vst v3;
	v3 =	vmul.f32 v56, v28  }
0x278: {  	v62 =	vld [tilespmem:s24+$0xD0];
	[tilespmem:s24+$0x60] =	vst v1;
	v1 =	vmul.f32 v57, v2  }
0x279: {  	v63 =	vld [tilespmem:s24+$0xE0];
	[tilespmem:s24+$0x70] =	vst v3;
	v3 =	vmul.f32 v58, v2  }
0x27a: {  	[tilespmem:s24+$0x80] =	vst v1;
	v1 =	vmul.f32 v59, v2  }
0x27b: {  	[tilespmem:s24+$0x90] =	vst v3;
	v3 =	vmul.f32 v60, v2  }
0x27c: {  	[tilespmem:s24+$0xA0] =	vst v1;
	v1 =	vmul.f32 v61, v2  }
0x27d: {  	[tilespmem:s24+$0xB0] =	vst v3;
	v3 =	vmul.f32 v62, v2  }
0x27e: {  	[tilespmem:s24+$0xC0] =	vst v1;
	v1 =	vmul.f32 v63, v2  }
0x27f: {  	s21 =	sand.u32 $0x3FFFFF80, s21;
	p0 =	seq.s32 s19, $0x7;
	[tilespmem:s24+$0xD0] =	vst v3  }
.Ltmp9:
0x280: {  	s21 =	sadd.s32 $0x1800, s21;
	[tilespmem:s24+$0xE0] =	vst v1;
	(pc) =	sbr.rel @p0 .LBB2_17-.Ltmp9, $4  }
0x281: {  	[spmem:s1] =	stream.indirect.scatter.add.f32 [tilespmem:s10], [sflag:$0x4], $0x80, s21, s9, $0xb8;
	[tilespmem:$0x1F000] =	vst v63  }
0x282: {  	_ =	swait.ge [sflag:s15], $0x4000  }
0x283: {  	[sflag:s15] =	ssyncset.done $0x0  }
0x284: {  	[sflag:s15] =	ssyncadd.s32 $0xFFFFC000  }
0x285: {  	s21 =	sadd.s32 $0x900, s20  }
0x286: {  	[tilespmem:s28], [sflag:$0x1] =	stream.indirect.gather [hbm4b:s4+s7], $0x80, s21, s7, $0xb8;
	[tilespmem:$0x1F000] =	vst v63  }
0x287: {  	s23 =	sadd.s32 $0x940, s20  }
0x288: {  	[tilespmem:s8], [sflag:$0x1] =	stream.indirect.gather [hbm4b:s4+s7], $0x80, s23, s7, $0xb8;
	[tilespmem:$0x1F000] =	vst v63  }
0x289: {  	_ =	swait.ge [sflag:s16], $0x4000  }
.Ltmp10:
0x28a: {  	[sflag:s16] =	ssyncset.done $0x0;
	(pc) =	sbr.rel .LBB2_11-.Ltmp10, $4  }
0x28b: {  	s24 =	sadd.s32 $0x980, s20;
	[sflag:s16] =	ssyncadd.s32 $0xFFFFC000  }
0x28c: {  	[tilespmem:s10], [sflag:$0x2] =	stream.indirect.gather [hbm4b:s4+s7], $0x80, s24, s7, $0xb8;
	[tilespmem:$0x1F000] =	vst v63  }
0x28d: {  	s25 =	sadd.s32 $0x9C0, s20;
	s19 =	sadd.s32 $0x1, s19  }
0x28e: {  	[tilespmem:s12], [sflag:$0x2] =	stream.indirect.gather [hbm4b:s4+s7], $0x80, s25, s7, $0xb8;
	[tilespmem:$0x1F000] =	vst v63  }
.LBB2_17:
0x28f: {  	_ =	swait.ge [sflag:s16], $0x4000  }
0x290: {  	[sflag:s16] =	ssyncset.done $0x0  }
0x291: {  	[sflag:s16] =	ssyncadd.s32 $0xFFFFC000  }
0x292: {  	_ =	swait.ge [sflag:s0], $0x800  }
0x293: {  	[sflag:s0] =	ssyncset.done $0x0  }
0x294: {  	[sflag:s0] =	ssyncadd.s32 $0xFFFFF800  }
0x295: {  	_ =	swait.ge [sflag:s0], $0x800  }
0x296: {  	[sflag:s0] =	ssyncset.done $0x0  }
0x297: {  	[sflag:s0] =	ssyncadd.s32 $0xFFFFF800  }
0x298: {  	_ =	swait.ge [sflag:s0], $0x800  }
0x299: {  	[sflag:s0] =	ssyncset.done $0x0  }
0x29a: {  	s18 =	simm.s32 $0x0;
	s19 =	rddreg [dreg:$0xf];
	[sflag:s0] =	ssyncadd.s32 $0xFFFFF800  }
0x29b: {  	[tilespmem:s2], [sflag:$0x6] =	stream.linear.gather [hbm4b:s19+s18], $0x800, $0x38;
	[tilespmem:$0x1F000] =	vst v63  }
0x29c: {  	s20 =	simm.s32 $0x1800;
	s24 =	rddreg [dreg:$0x10]  }
0x29d: {  	[tilespmem:s20], [sflag:$0x6] =	stream.linear.gather [hbm4b:s24+s18], $0x800, $0x38;
	[tilespmem:$0x1F000] =	vst v63  }
0x29e: {  	s25 =	rddreg [dreg:$0x11]  }
0x29f: {  	[tilespmem:s6], [sflag:$0x6] =	stream.linear.gather [hbm4b:s25+s18], $0x800, $0x38;
	[tilespmem:$0x1F000] =	vst v63  }
0x2a0: {  	_ = 	snop  }
0x2a1: {  	[tilespmem:s28], [sflag:$0x1] =	stream.indirect.gather [hbm4b:s4+s7], $0x80, s18, s7, $0xb8;
	[tilespmem:$0x1F000] =	vst v63  }
0x2a2: {  	_ = 	snop  }
0x2a3: {  	[tilespmem:s8], [sflag:$0x1] =	stream.indirect.gather [hbm4b:s4+s7], $0x80, s7, s7, $0xb8;
	[tilespmem:$0x1F000] =	vst v63  }
0x2a4: {  	_ = 	snop  }
0x2a5: {  	[tilespmem:s10], [sflag:$0x2] =	stream.indirect.gather [hbm4b:s4+s7], $0x80, s9, s7, $0xb8;
	[tilespmem:$0x1F000] =	vst v63  }
0x2a6: {  	s19 =	simm.s32 $0x0  }
0x2a7: {  	[tilespmem:s12], [sflag:$0x2] =	stream.indirect.gather [hbm4b:s4+s7], $0x80, s11, s7, $0xb8;
	[tilespmem:$0x1F000] =	vst v63  }
.LBB2_18:
0x2a8: {  	s20 =	sshll.u32 s19, $0x8;
	v1 =	vmov s18;
	s21 =	simm.s32 $0x3  }
0x2a9: {  	_ =	swait.ge [sflag:s13], $0x2000;
	v2 =	vmov s20;
	v1 =	vand.u32 $0x7C, v1;
	v3 =	vmov s21  }
0x2aa: {  	[sflag:s13] =	ssyncset.done $0x0;
	v1 =	vor.u32 v2, v1;
	v3 =	vand.u32 $0x7F, v3  }
0x2ab: {  	[sflag:s13] =	ssyncadd.s32 $0xFFFFE000;
	v1 =	vbroadcast v1, $0x0;
	v3 =	vor.u32 v2, v3  }
0x2ac: {  	_ =	swait.ge [sflag:s13], $0x2000;
	v3 =	vbroadcast v3, $0x0  }
0x2ad: {  	[sflag:s13] =	ssyncset.done $0x0  }
0x2ae: {  	s21 =	simm.s32 $0x3100;
	[sflag:s13] =	ssyncadd.s32 $0xFFFFE000  }
0x2af: {  	v6 =	vld [tilespmem:s21+$0xFFFFFF00]  }
0x2b0: {  	s25 =	simm.s32 $0x1;
	v7 =	vld [tilespmem:s21+$0xFFFFFF10]  }
0x2b1: {  	v5 =	vmov s25;
	v4 =	vld.idx.msk [tilespmem:v1+s31+$0x0], $0xffff  }
0x2b2: {  	v1 =	vld.idx.msk [tilespmem:v3+s31+$0x0], $0xffff;
	v3 =	vand.u32 $0x7D, v5  }
0x2b3: {  	v8 =	vld [tilespmem:s21+$0xFFFFFF20];
	v3 =	vor.u32 v2, v3  }
0x2b4: {  	v9 =	vld [tilespmem:s21+$0xFFFFFF30];
	v3 =	vbroadcast v3, $0x0  }
0x2b5: {  	v5 =	vld [tilespmem:s21+$0xF0]  }
0x2b6: {  	v10 =	vld [tilespmem:s21+$0xFFFFFF40]  }
0x2b7: {  	v11 =	vld [tilespmem:s21+$0xFFFFFF50];
	v6 =	vmul.f32 v6, v4  }
0x2b8: {  	v12 =	vld [tilespmem:s21+$0xFFFFFF60]  }
0x2b9: {  	s22 =	simm.s32 $0x2;
	v7 =	vmul.f32 v7, v4;
	[tilespmem:s21+$0xFFFFFF00] =	vst v6;
	v6 =	vld [tilespmem:s21+$0xFFFFFF70]  }
0x2ba: {  	v13 =	vmov s22;
	v5 =	vmul.f32 v5, v1;
	v14 =	vld.idx.msk [tilespmem:v3+s31+$0x0], $0xffff  }
0x2bb: {  	[tilespmem:s21+$0xFFFFFF10] =	vst v7;
	v7 =	vmul.f32 v9, v4;
	v3 =	vand.u32 $0x7E, v13;
	v13 =	vld [tilespmem:s21+$0xFFFFFF80]  }
0x2bc: {  	v9 =	vld [tilespmem:s21+$0xFFFFFFA0];
	[tilespmem:s21+$0xF0] =	vst v5;
	v5 =	vmul.f32 v8, v4;
	v3 =	vor.u32 v2, v3  }
0x2bd: {  	v8 =	vld [tilespmem:s21+$0xFFFFFF90];
	[tilespmem:s21+$0xFFFFFF30] =	vst v7;
	v7 =	vmul.f32 v11, v4;
	v3 =	vbroadcast v3, $0x0  }
0x2be: {  	v11 =	vld [tilespmem:s21+$0xFFFFFFC0];
	[tilespmem:s21+$0xFFFFFF20] =	vst v5;
	v5 =	vmul.f32 v10, v4  }
0x2bf: {  	v12 =	vmul.f32 v12, v4;
	v10 =	vld [tilespmem:s21+$0xFFFFFFB0];
	[tilespmem:s21+$0xFFFFFF50] =	vst v7;
	v4 =	vmul.f32 v6, v4  }
0x2c0: {  	v7 =	vld [tilespmem:s21+$0xFFFFFFE0];
	[tilespmem:s21+$0xFFFFFF40] =	vst v5;
	v5 =	vmul.f32 v13, v14  }
0x2c1: {  	v13 =	vld [tilespmem:s21+$0xFFFFFFD0];
	[tilespmem:s21+$0xFFFFFF70] =	vst v4  }
0x2c2: {  	v4 =	vmul.f32 v9, v14;
	[tilespmem:s21+$0xFFFFFF80] =	vst v5;
	v5 =	vmul.f32 v8, v14;
	v8 =	vld [tilespmem:s21+$0x0]  }
0x2c3: {  	[tilespmem:s21+$0xFFFFFF60] =	vst v12;
	v3 =	vld.idx.msk [tilespmem:v3+s31+$0x0], $0xffff  }
0x2c4: {  	v6 =	vld [tilespmem:s21+$0xFFFFFFF0];
	[tilespmem:s21+$0xFFFFFFA0] =	vst v4;
	v4 =	vmul.f32 v11, v14  }
0x2c5: {  	v9 =	vld [tilespmem:s21+$0x10];
	[tilespmem:s21+$0xFFFFFF90] =	vst v5;
	v5 =	vmul.f32 v10, v14  }
0x2c6: {  	s23 =	simm.s32 $0x4;
	v7 =	vmul.f32 v7, v14;
	v10 =	vld [tilespmem:s21+$0x20];
	[tilespmem:s21+$0xFFFFFFC0] =	vst v4  }
0x2c7: {  	v12 =	vmov s23;
	v11 =	vld [tilespmem:s21+$0x30];
	[tilespmem:s21+$0xFFFFFFB0] =	vst v5;
	v5 =	vmul.f32 v13, v14  }
0x2c8: {  	v12 =	vand.u32 $0x7C, v12;
	v4 =	vld [tilespmem:s21+$0x40];
	[tilespmem:s21+$0xFFFFFFE0] =	vst v7;
	v8 =	vmul.f32 v8, v3  }
0x2c9: {  	s24 =	simm.s32 $0x5;
	s25 =	simm.s32 $0x6;
	v7 =	vor.u32 v2, v12;
	v13 =	vmul.f32 v6, v14;
	[tilespmem:s21+$0xFFFFFFD0] =	vst v5;
	v5 =	vld [tilespmem:s21+$0x50]  }
0x2ca: {  	v14 =	vmov s24;
	v6 =	vld [tilespmem:s21+$0x60];
	v9 =	vmul.f32 v9, v3;
	[tilespmem:s21+$0x0] =	vst v8;
	v8 =	vmov s25  }
0x2cb: {  	s20 =	sshll.u32 s19, $0x1;
	[tilespmem:s21+$0xFFFFFFF0] =	vst v13;
	v13 =	vand.u32 $0x7D, v14;
	v10 =	vmul.f32 v10, v3;
	v12 =	vand.u32 $0x7E, v8;
	v8 =	vld [tilespmem:s21+$0x70]  }
0x2cc: {  	s22 =	simm.s32 $0x3100;
	s23 =	simm.s32 $0x8;
	v7 =	vbroadcast v7, $0x0;
	s24 =	simm.s32 $0x7;
	v11 =	vmul.f32 v11, v3;
	v13 =	vor.u32 v2, v13;
	[tilespmem:s21+$0x10] =	vst v9;
	v9 =	vld [tilespmem:s21+$0x80]  }
.LBB2_19:
0x2cd: {  	p0 =	slt.u32 s23, $0x7C;
	v12 =	vor.u32 v2, v12;
	v14 =	vmov s24;
	[tilespmem:s21+$0x20] =	vst v10;
	v4 =	vmul.f32 v4, v3;
	v10 =	vld [tilespmem:s21+$0x90]  }
0x2ce: {  	v13 =	vbroadcast v13, $0x0;
	v14 =	vand.u32 $0x7F, v14;
	[tilespmem:s21+$0x30] =	vst v11;
	v5 =	vmul.f32 v5, v3;
	v11 =	vld [tilespmem:s21+$0xA0]  }
0x2cf: {  	v12 =	vbroadcast v12, $0x0;
	v14 =	vor.u32 v2, v14;
	[tilespmem:s21+$0x40] =	vst v4;
	v4 =	vmul.f32 v6, v3;
	v6 =	vld [tilespmem:s21+$0xB0]  }
0x2d0: {  	v14 =	vbroadcast v14, $0x0;
	[tilespmem:s21+$0x50] =	vst v5;
	v3 =	vmul.f32 v8, v3;
	v5 =	vld [tilespmem:s21+$0xC0]  }
0x2d1: {  	[tilespmem:s21+$0x60] =	vst v4;
	v4 =	vmul.f32 v9, v1;
	v8 =	vld [tilespmem:s21+$0xD0]  }
0x2d2: {  	[tilespmem:s21+$0x70] =	vst v3;
	v3 =	vmul.f32 v10, v1;
	v9 =	vld [tilespmem:s21+$0xE0]  }
0x2d3: {  	v7 =	vld.idx.msk [tilespmem:v7+s31+$0x0], $0xffff;
	[tilespmem:s21+$0x80] =	vst v4;
	v4 =	vmul.f32 v11, v1  }
0x2d4: {  	v10 =	vld.idx.msk [tilespmem:v13+s31+$0x0], $0xffff;
	[tilespmem:s21+$0x90] =	vst v3;
	v6 =	vmul.f32 v6, v1  }
0x2d5: {  	v3 =	vld.idx.msk [tilespmem:v12+s31+$0x0], $0xffff;
	[tilespmem:s21+$0xA0] =	vst v4;
	v4 =	vmul.f32 v5, v1  }
0x2d6: {  	s21 =	sadd.s32 $0x200, s21;
	v5 =	vld.idx.msk [tilespmem:v14+s31+$0x0], $0xffff;
	[tilespmem:s22+$0xB0] =	vst v6;
	v6 =	vmul.f32 v8, v1  }
0x2d7: {  	v8 =	vld [tilespmem:s21+$0xF0];
	[tilespmem:s22+$0xC0] =	vst v4;
	v1 =	vmul.f32 v9, v1  }
0x2d8: {  	v4 =	vld [tilespmem:s21+$0xFFFFFF00];
	[tilespmem:s22+$0xD0] =	vst v6  }
0x2d9: {  	v6 =	vld [tilespmem:s21+$0xFFFFFF10];
	[tilespmem:s22+$0xE0] =	vst v1;
	s22 =	smov.u32 s21  }
0x2da: {  	v9 =	vld [tilespmem:s21+$0xFFFFFF20]  }
0x2db: {  	v11 =	vld [tilespmem:s21+$0xFFFFFF30]  }
0x2dc: {  	v1 =	vmov v5;
	v12 =	vld [tilespmem:s21+$0xFFFFFF40];
	v8 =	vmul.f32 v8, v5  }
0x2dd: {  	v4 =	vmul.f32 v4, v7;
	v5 =	vld [tilespmem:s21+$0xFFFFFF50]  }
0x2de: {  	v6 =	vmul.f32 v6, v7;
	v13 =	vld [tilespmem:s21+$0xFFFFFF60];
	[tilespmem:s21+$0xF0] =	vst v8  }
0x2df: {  	[tilespmem:s21+$0xFFFFFF00] =	vst v4;
	v4 =	vmul.f32 v9, v7;
	v8 =	vld [tilespmem:s21+$0xFFFFFF70]  }
0x2e0: {  	[tilespmem:s21+$0xFFFFFF10] =	vst v6;
	v6 =	vmul.f32 v11, v7;
	v9 =	vld [tilespmem:s21+$0xFFFFFF80]  }
0x2e1: {  	[tilespmem:s21+$0xFFFFFF20] =	vst v4;
	v4 =	vmul.f32 v12, v7;
	v11 =	vld [tilespmem:s21+$0xFFFFFF90]  }
0x2e2: {  	[tilespmem:s21+$0xFFFFFF30] =	vst v6;
	v5 =	vmul.f32 v5, v7;
	v6 =	vld [tilespmem:s21+$0xFFFFFFA0]  }
0x2e3: {  	[tilespmem:s21+$0xFFFFFF40] =	vst v4;
	v4 =	vmul.f32 v13, v7;
	v12 =	vld [tilespmem:s21+$0xFFFFFFB0]  }
0x2e4: {  	[tilespmem:s21+$0xFFFFFF50] =	vst v5;
	v5 =	vmul.f32 v8, v7;
	v7 =	vld [tilespmem:s21+$0xFFFFFFC0]  }
0x2e5: {  	[tilespmem:s21+$0xFFFFFF60] =	vst v4;
	v4 =	vmul.f32 v9, v10;
	v8 =	vld [tilespmem:s21+$0xFFFFFFD0]  }
0x2e6: {  	[tilespmem:s21+$0xFFFFFF70] =	vst v5;
	v5 =	vmul.f32 v11, v10;
	v9 =	vld [tilespmem:s21+$0xFFFFFFE0]  }
0x2e7: {  	[tilespmem:s21+$0xFFFFFF80] =	vst v4;
	v4 =	vmul.f32 v6, v10;
	v6 =	vld [tilespmem:s21+$0xFFFFFFF0]  }
0x2e8: {  	[tilespmem:s21+$0xFFFFFF90] =	vst v5;
	v5 =	vmul.f32 v12, v10;
	v11 =	vld [tilespmem:s21+$0x0]  }
0x2e9: {  	[tilespmem:s21+$0xFFFFFFA0] =	vst v4;
	v4 =	vmul.f32 v7, v10;
	v7 =	vld [tilespmem:s21+$0x10]  }
0x2ea: {  	[tilespmem:s21+$0xFFFFFFB0] =	vst v5;
	v5 =	vmul.f32 v8, v10;
	v8 =	vld [tilespmem:s21+$0x20]  }
0x2eb: {  	[tilespmem:s21+$0xFFFFFFC0] =	vst v4;
	v9 =	vmul.f32 v9, v10;
	v14 =	vld [tilespmem:s21+$0x30]  }
.Ltmp11:
0x2ec: {  	s24 =	sadd.s32 $0x1, s23;
	v12 =	vmov s23;
	[tilespmem:s21+$0xFFFFFFD0] =	vst v5;
	v6 =	vmul.f32 v6, v10;
	v4 =	vld [tilespmem:s21+$0x40];
	(pc) =	sbr.rel @p0 .LBB2_19-.Ltmp11, $4  }
0x2ed: {  	v10 =	vand.u32 $0x7C, v12;
	v12 =	vmov s24;
	s24 =	sadd.s32 $0x2, s23;
	[tilespmem:s21+$0xFFFFFFE0] =	vst v9;
	v9 =	vmul.f32 v11, v3;
	v5 =	vld [tilespmem:s21+$0x50]  }
0x2ee: {  	v11 =	vor.u32 v2, v10;
	v10 =	vmov s24;
	[tilespmem:s21+$0xFFFFFFF0] =	vst v6;
	v15 =	vmul.f32 v7, v3;
	v6 =	vld [tilespmem:s21+$0x60]  }
0x2ef: {  	v13 =	vand.u32 $0x7D, v12;
	v12 =	vand.u32 $0x7E, v10;
	[tilespmem:s21+$0x0] =	vst v9;
	v10 =	vmul.f32 v8, v3;
	v8 =	vld [tilespmem:s21+$0x70]  }
0x2f0: {  	s24 =	sadd.s32 $0x3, s23;
	s23 =	sadd.s32 $0x4, s23;
	v7 =	vbroadcast v11, $0x0;
	v13 =	vor.u32 v2, v13;
	[tilespmem:s21+$0x10] =	vst v15;
	v11 =	vmul.f32 v14, v3;
	v9 =	vld [tilespmem:s21+$0x80]  }
0x2f1: {  	v15 =	vld [tilespmem:s21+$0x90]  }
0x2f2: {  	v16 =	vld [tilespmem:s21+$0xA0]  }
0x2f3: {  	v14 =	vmov s24;
	v12 =	vor.u32 v2, v12;
	v17 =	vld [tilespmem:s21+$0xC0]  }
0x2f4: {  	v13 =	vbroadcast v13, $0x0;
	[tilespmem:s21+$0x20] =	vst v10;
	v4 =	vmul.f32 v4, v3;
	v10 =	vld [tilespmem:s21+$0xD0];
	v14 =	vand.u32 $0x7F, v14  }
0x2f5: {  	v12 =	vbroadcast v12, $0x0;
	[tilespmem:s21+$0x30] =	vst v11;
	v5 =	vmul.f32 v5, v3;
	v11 =	vld [tilespmem:s21+$0xE0];
	v2 =	vor.u32 v2, v14  }
0x2f6: {  	v14 =	vld [tilespmem:s21+$0xB0];
	[tilespmem:s21+$0x40] =	vst v4;
	v4 =	vmul.f32 v6, v3;
	v2 =	vbroadcast v2, $0x0  }
0x2f7: {  	s23 =	sadd.s32 $0x200, s21;
	v6 =	vld.idx.msk [tilespmem:v7+s31+$0x0], $0xffff;
	[tilespmem:s21+$0x50] =	vst v5;
	v3 =	vmul.f32 v8, v3  }
0x2f8: {  	v8 =	vld [tilespmem:s23+$0xF0];
	[tilespmem:s21+$0x60] =	vst v4;
	v4 =	vmul.f32 v9, v1  }
0x2f9: {  	v9 =	vld [tilespmem:s23+$0xFFFFFF00];
	[tilespmem:s21+$0x70] =	vst v3;
	v3 =	vmul.f32 v15, v1  }
0x2fa: {  	v5 =	vld.idx.msk [tilespmem:v13+s31+$0x0], $0xffff;
	[tilespmem:s21+$0x80] =	vst v4;
	v4 =	vmul.f32 v16, v1  }
0x2fb: {  	v7 =	vld.idx.msk [tilespmem:v12+s31+$0x0], $0xffff;
	[tilespmem:s21+$0x90] =	vst v3;
	v3 =	vmul.f32 v14, v1  }
0x2fc: {  	[tilespmem:s21+$0xA0] =	vst v4;
	v4 =	vmul.f32 v17, v1;
	v2 =	vld.idx.msk [tilespmem:v2+s31+$0x0], $0xffff  }
0x2fd: {  	v12 =	vld [tilespmem:s23+$0xFFFFFF10];
	[tilespmem:s22+$0xB0] =	vst v3;
	v3 =	vmul.f32 v10, v1  }
0x2fe: {  	v10 =	vld [tilespmem:s23+$0xFFFFFF20];
	v1 =	vmul.f32 v11, v1;
	[tilespmem:s22+$0xC0] =	vst v4  }
0x2ff: {  	v4 =	vld [tilespmem:s23+$0xFFFFFF30];
	[tilespmem:s22+$0xD0] =	vst v3  }
0x300: {  	v3 =	vld [tilespmem:s23+$0xFFFFFF40];
	[tilespmem:s22+$0xE0] =	vst v1;
	v1 =	vmul.f32 v9, v6  }
0x301: {  	v9 =	vld [tilespmem:s23+$0xFFFFFF50];
	v8 =	vmul.f32 v8, v2  }
0x302: {  	v11 =	vmul.f32 v12, v6;
	v12 =	vld [tilespmem:s23+$0xFFFFFF60];
	[tilespmem:s23+$0xFFFFFF00] =	vst v1  }
0x303: {  	v1 =	vmul.f32 v10, v6;
	[tilespmem:s23+$0xF0] =	vst v8;
	v8 =	vld [tilespmem:s23+$0xFFFFFF70]  }
0x304: {  	[tilespmem:s23+$0xFFFFFF10] =	vst v11;
	v10 =	vld [tilespmem:s23+$0xFFFFFF80];
	v4 =	vmul.f32 v4, v6  }
0x305: {  	[tilespmem:s23+$0xFFFFFF20] =	vst v1;
	v1 =	vmul.f32 v3, v6;
	v3 =	vld [tilespmem:s23+$0xFFFFFF90]  }
0x306: {  	[tilespmem:s23+$0xFFFFFF30] =	vst v4;
	v4 =	vmul.f32 v9, v6;
	v9 =	vld [tilespmem:s23+$0xFFFFFFA0]  }
0x307: {  	v11 =	vld [tilespmem:s23+$0xFFFFFFB0];
	[tilespmem:s23+$0xFFFFFF40] =	vst v1;
	v1 =	vmul.f32 v12, v6  }
0x308: {  	[tilespmem:s23+$0xFFFFFF50] =	vst v4;
	v4 =	vmul.f32 v8, v6;
	v6 =	vld [tilespmem:s23+$0xFFFFFFC0]  }
0x309: {  	[tilespmem:s23+$0xFFFFFF60] =	vst v1;
	v1 =	vmul.f32 v10, v5;
	v8 =	vld [tilespmem:s23+$0xFFFFFFD0]  }
0x30a: {  	v3 =	vmul.f32 v3, v5;
	[tilespmem:s23+$0xFFFFFF70] =	vst v4;
	v4 =	vld [tilespmem:s23+$0xFFFFFFE0]  }
0x30b: {  	[tilespmem:s23+$0xFFFFFF80] =	vst v1;
	v1 =	vmul.f32 v9, v5;
	v9 =	vld [tilespmem:s23+$0xFFFFFFF0]  }
0x30c: {  	v10 =	vld [tilespmem:s23+$0x0];
	[tilespmem:s23+$0xFFFFFF90] =	vst v3;
	v3 =	vmul.f32 v11, v5  }
0x30d: {  	[tilespmem:s23+$0xFFFFFFA0] =	vst v1;
	v1 =	vmul.f32 v6, v5;
	v6 =	vld [tilespmem:s23+$0x10]  }
0x30e: {  	[tilespmem:s23+$0xFFFFFFB0] =	vst v3;
	v3 =	vmul.f32 v8, v5;
	v8 =	vld [tilespmem:s23+$0x20]  }
0x30f: {  	[tilespmem:s23+$0xFFFFFFC0] =	vst v1;
	v1 =	vmul.f32 v4, v5;
	v4 =	vld [tilespmem:s23+$0x30]  }
0x310: {  	[tilespmem:s23+$0xFFFFFFD0] =	vst v3;
	v3 =	vmul.f32 v9, v5;
	v5 =	vld [tilespmem:s23+$0x40]  }
0x311: {  	v9 =	vld [tilespmem:s23+$0x50];
	[tilespmem:s23+$0xFFFFFFE0] =	vst v1;
	v1 =	vmul.f32 v10, v7  }
0x312: {  	[tilespmem:s23+$0xFFFFFFF0] =	vst v3;
	v3 =	vmul.f32 v6, v7;
	v6 =	vld [tilespmem:s23+$0x60]  }
0x313: {  	[tilespmem:s23+$0x0] =	vst v1;
	v1 =	vmul.f32 v8, v7;
	v8 =	vld [tilespmem:s23+$0x70]  }
0x314: {  	[tilespmem:s23+$0x10] =	vst v3;
	v3 =	vmul.f32 v4, v7;
	v4 =	vld [tilespmem:s23+$0x80]  }
0x315: {  	[tilespmem:s23+$0x20] =	vst v1;
	v1 =	vmul.f32 v5, v7;
	v5 =	vld [tilespmem:s23+$0x90]  }
0x316: {  	[tilespmem:s23+$0x30] =	vst v3;
	v3 =	vmul.f32 v9, v7;
	v9 =	vld [tilespmem:s23+$0xA0]  }
0x317: {  	[tilespmem:s23+$0x40] =	vst v1;
	v1 =	vmul.f32 v6, v7;
	v6 =	vld [tilespmem:s23+$0xB0]  }
0x318: {  	[tilespmem:s23+$0x50] =	vst v3;
	v3 =	vmul.f32 v8, v7;
	v7 =	vld [tilespmem:s23+$0xC0]  }
0x319: {  	[tilespmem:s23+$0x60] =	vst v1;
	v1 =	vmul.f32 v4, v2;
	v4 =	vld [tilespmem:s23+$0xD0]  }
0x31a: {  	[tilespmem:s23+$0x70] =	vst v3;
	v3 =	vmul.f32 v5, v2;
	v5 =	vld [tilespmem:s23+$0xE0]  }
0x31b: {  	[tilespmem:s23+$0x80] =	vst v1;
	v1 =	vmul.f32 v9, v2  }
0x31c: {  	[tilespmem:s23+$0x90] =	vst v3;
	v3 =	vmul.f32 v6, v2  }
0x31d: {  	[tilespmem:s23+$0xA0] =	vst v1;
	v1 =	vmul.f32 v7, v2  }
0x31e: {  	[tilespmem:s23+$0xB0] =	vst v3;
	v3 =	vmul.f32 v4, v2  }
0x31f: {  	s24 =	sor.u32 $0x1, s20;
	s25 =	simm.s32 $0x0;
	s22 =	sshll.u32 s19, $0xA;
	[tilespmem:s23+$0xC0] =	vst v1;
	v1 =	vmul.f32 v5, v2  }
0x320: {  	s21 =	sshll.u32 s24, $0x7;
	s20 =	sshrl.u32 s22, $0x2;
	[tilespmem:s23+$0xD0] =	vst v3;
	v3 =	vmov s25  }
0x321: {  	s24 =	sadd.s32 $0x1000, s20;
	v2 =	vmov s21;
	[tilespmem:s23+$0xE0] =	vst v1;
	v1 =	vand.u32 $0x7C, v3  }
0x322: {  	[spmem:s1] =	stream.indirect.scatter.add.f32 [tilespmem:s28], [sflag:$0x3], $0x80, s24, s9, $0xb8;
	v1 =	vor.u32 v2, v1;
	[tilespmem:$0x1F000] =	vst v63  }
0x323: {  	s25 =	simm.s32 $0x3;
	_ =	swait.ge [sflag:s14], $0x2000;
	v1 =	vbroadcast v1, $0x0  }
0x324: {  	v3 =	vmov s25;
	[sflag:s14] =	ssyncset.done $0x0  }
0x325: {  	v3 =	vand.u32 $0x7F, v3;
	[sflag:s14] =	ssyncadd.s32 $0xFFFFE000  }
0x326: {  	v3 =	vor.u32 v2, v3;
	_ =	swait.ge [sflag:s14], $0x2000  }
0x327: {  	v3 =	vbroadcast v3, $0x0;
	[sflag:s14] =	ssyncset.done $0x0  }
0x328: {  	[sflag:s14] =	ssyncadd.s32 $0xFFFFE000  }
0x329: {  	s22 =	simm.s32 $0x7100;
	v4 =	vld.idx.msk [tilespmem:v1+s31+$0x0], $0xffff  }
0x32a: {  	v6 =	vld [tilespmem:s22+$0xFFFFFF00]  }
0x32b: {  	s25 =	simm.s32 $0x1;
	v7 =	vld [tilespmem:s22+$0xFFFFFF10]  }
0x32c: {  	v5 =	vmov s25;
	v8 =	vld [tilespmem:s22+$0xFFFFFF20]  }
0x32d: {  	v1 =	vld.idx.msk [tilespmem:v3+s31+$0x0], $0xffff;
	v3 =	vand.u32 $0x7D, v5  }
0x32e: {  	v9 =	vld [tilespmem:s22+$0xFFFFFF30];
	v3 =	vor.u32 v2, v3  }
0x32f: {  	v12 =	vld [tilespmem:s22+$0xFFFFFF60];
	v3 =	vbroadcast v3, $0x0  }
0x330: {  	v5 =	vld [tilespmem:s22+$0xF0]  }
0x331: {  	v10 =	vld [tilespmem:s22+$0xFFFFFF40];
	v6 =	vmul.f32 v6, v4  }
0x332: {  	v11 =	vld [tilespmem:s22+$0xFFFFFF50];
	v7 =	vmul.f32 v7, v4  }
0x333: {  	[tilespmem:s22+$0xFFFFFF00] =	vst v6;
	v6 =	vld [tilespmem:s22+$0xFFFFFF70]  }
0x334: {  	s24 =	simm.s32 $0x2;
	v12 =	vmul.f32 v12, v4;
	[tilespmem:s22+$0xFFFFFF10] =	vst v7;
	v7 =	vmul.f32 v9, v4;
	v9 =	vld [tilespmem:s22+$0xFFFFFFA0]  }
0x335: {  	v13 =	vmov s24;
	v5 =	vmul.f32 v5, v1;
	v14 =	vld.idx.msk [tilespmem:v3+s31+$0x0], $0xffff  }
0x336: {  	[tilespmem:s22+$0xFFFFFF60] =	vst v12;
	v3 =	vand.u32 $0x7E, v13;
	v13 =	vld [tilespmem:s22+$0xFFFFFF80]  }
0x337: {  	[tilespmem:s22+$0xF0] =	vst v5;
	v5 =	vmul.f32 v8, v4;
	v8 =	vld [tilespmem:s22+$0xFFFFFF90];
	v3 =	vor.u32 v2, v3  }
0x338: {  	[tilespmem:s22+$0xFFFFFF30] =	vst v7;
	v7 =	vmul.f32 v11, v4;
	v11 =	vld [tilespmem:s22+$0xFFFFFFC0];
	v3 =	vbroadcast v3, $0x0  }
0x339: {  	[tilespmem:s22+$0xFFFFFF20] =	vst v5;
	v5 =	vmul.f32 v10, v4;
	v10 =	vld [tilespmem:s22+$0xFFFFFFB0]  }
0x33a: {  	[tilespmem:s22+$0xFFFFFF50] =	vst v7;
	v7 =	vld [tilespmem:s22+$0xFFFFFFE0];
	v4 =	vmul.f32 v6, v4  }
0x33b: {  	[tilespmem:s22+$0xFFFFFF40] =	vst v5;
	v6 =	vld [tilespmem:s22+$0xFFFFFFF0];
	v5 =	vmul.f32 v13, v14  }
0x33c: {  	v13 =	vld [tilespmem:s22+$0xFFFFFFD0];
	[tilespmem:s22+$0xFFFFFF70] =	vst v4;
	v4 =	vmul.f32 v9, v14  }
0x33d: {  	[tilespmem:s22+$0xFFFFFF80] =	vst v5;
	v5 =	vmul.f32 v8, v14;
	v8 =	vld [tilespmem:s22+$0x0]  }
0x33e: {  	[tilespmem:s22+$0xFFFFFFA0] =	vst v4;
	v4 =	vmul.f32 v11, v14;
	v3 =	vld.idx.msk [tilespmem:v3+s31+$0x0], $0xffff  }
0x33f: {  	v9 =	vld [tilespmem:s22+$0x10];
	[tilespmem:s22+$0xFFFFFF90] =	vst v5;
	v5 =	vmul.f32 v10, v14  }
0x340: {  	s25 =	simm.s32 $0x4;
	v7 =	vmul.f32 v7, v14;
	v10 =	vld [tilespmem:s22+$0x20];
	[tilespmem:s22+$0xFFFFFFC0] =	vst v4  }
0x341: {  	v12 =	vmov s25;
	v11 =	vld [tilespmem:s22+$0x30];
	[tilespmem:s22+$0xFFFFFFB0] =	vst v5;
	v5 =	vmul.f32 v13, v14  }
0x342: {  	v12 =	vand.u32 $0x7C, v12;
	v4 =	vld [tilespmem:s22+$0x40];
	[tilespmem:s22+$0xFFFFFFE0] =	vst v7;
	v13 =	vmul.f32 v6, v14  }
0x343: {  	s24 =	simm.s32 $0x5;
	s25 =	simm.s32 $0x6;
	v7 =	vor.u32 v2, v12;
	[tilespmem:s22+$0xFFFFFFD0] =	vst v5;
	v8 =	vmul.f32 v8, v3;
	v5 =	vld [tilespmem:s22+$0x50]  }
0x344: {  	v12 =	vmov s25;
	v14 =	vmov s24;
	v6 =	vld [tilespmem:s22+$0x60];
	v9 =	vmul.f32 v9, v3;
	[tilespmem:s22+$0xFFFFFFF0] =	vst v13  }
0x345: {  	v12 =	vand.u32 $0x7E, v12;
	v13 =	vand.u32 $0x7D, v14;
	v10 =	vmul.f32 v10, v3;
	[tilespmem:s22+$0x0] =	vst v8;
	v8 =	vld [tilespmem:s22+$0x70]  }
0x346: {  	s23 =	simm.s32 $0x7100;
	s25 =	simm.s32 $0x7;
	v7 =	vbroadcast v7, $0x0;
	s24 =	simm.s32 $0x8;
	v11 =	vmul.f32 v11, v3;
	v13 =	vor.u32 v2, v13;
	[tilespmem:s22+$0x10] =	vst v9;
	v9 =	vld [tilespmem:s22+$0x80]  }
.LBB2_21:
0x347: {  	p0 =	slt.u32 s24, $0x7C;
	v12 =	vor.u32 v2, v12;
	v14 =	vmov s25;
	[tilespmem:s22+$0x20] =	vst v10;
	v4 =	vmul.f32 v4, v3;
	v10 =	vld [tilespmem:s22+$0x90]  }
0x348: {  	v13 =	vbroadcast v13, $0x0;
	v14 =	vand.u32 $0x7F, v14;
	[tilespmem:s22+$0x30] =	vst v11;
	v5 =	vmul.f32 v5, v3;
	v11 =	vld [tilespmem:s22+$0xA0]  }
0x349: {  	v12 =	vbroadcast v12, $0x0;
	v14 =	vor.u32 v2, v14;
	[tilespmem:s22+$0x40] =	vst v4;
	v4 =	vmul.f32 v6, v3;
	v6 =	vld [tilespmem:s22+$0xB0]  }
0x34a: {  	v14 =	vbroadcast v14, $0x0;
	[tilespmem:s22+$0x50] =	vst v5;
	v3 =	vmul.f32 v8, v3;
	v5 =	vld [tilespmem:s22+$0xC0]  }
0x34b: {  	[tilespmem:s22+$0x60] =	vst v4;
	v4 =	vmul.f32 v9, v1;
	v8 =	vld [tilespmem:s22+$0xD0]  }
0x34c: {  	[tilespmem:s22+$0x70] =	vst v3;
	v3 =	vmul.f32 v10, v1;
	v9 =	vld [tilespmem:s22+$0xE0]  }
0x34d: {  	v7 =	vld.idx.msk [tilespmem:v7+s31+$0x0], $0xffff;
	[tilespmem:s22+$0x80] =	vst v4;
	v4 =	vmul.f32 v11, v1  }
0x34e: {  	v10 =	vld.idx.msk [tilespmem:v13+s31+$0x0], $0xffff;
	[tilespmem:s22+$0x90] =	vst v3;
	v6 =	vmul.f32 v6, v1  }
0x34f: {  	v3 =	vld.idx.msk [tilespmem:v12+s31+$0x0], $0xffff;
	[tilespmem:s22+$0xA0] =	vst v4;
	v4 =	vmul.f32 v5, v1  }
0x350: {  	s22 =	sadd.s32 $0x200, s22;
	v5 =	vld.idx.msk [tilespmem:v14+s31+$0x0], $0xffff;
	[tilespmem:s23+$0xB0] =	vst v6;
	v6 =	vmul.f32 v8, v1  }
0x351: {  	v8 =	vld [tilespmem:s22+$0xF0];
	[tilespmem:s23+$0xC0] =	vst v4;
	v1 =	vmul.f32 v9, v1  }
0x352: {  	v4 =	vld [tilespmem:s22+$0xFFFFFF00];
	[tilespmem:s23+$0xD0] =	vst v6  }
0x353: {  	v6 =	vld [tilespmem:s22+$0xFFFFFF10];
	[tilespmem:s23+$0xE0] =	vst v1;
	s23 =	smov.u32 s22  }
0x354: {  	v9 =	vld [tilespmem:s22+$0xFFFFFF20]  }
0x355: {  	v11 =	vld [tilespmem:s22+$0xFFFFFF30]  }
0x356: {  	v1 =	vmov v5;
	v12 =	vld [tilespmem:s22+$0xFFFFFF40];
	v8 =	vmul.f32 v8, v5  }
0x357: {  	v4 =	vmul.f32 v4, v7;
	v5 =	vld [tilespmem:s22+$0xFFFFFF50]  }
0x358: {  	v6 =	vmul.f32 v6, v7;
	v13 =	vld [tilespmem:s22+$0xFFFFFF60];
	[tilespmem:s22+$0xF0] =	vst v8  }
0x359: {  	[tilespmem:s22+$0xFFFFFF00] =	vst v4;
	v4 =	vmul.f32 v9, v7;
	v8 =	vld [tilespmem:s22+$0xFFFFFF70]  }
0x35a: {  	[tilespmem:s22+$0xFFFFFF10] =	vst v6;
	v6 =	vmul.f32 v11, v7;
	v9 =	vld [tilespmem:s22+$0xFFFFFF80]  }
0x35b: {  	[tilespmem:s22+$0xFFFFFF20] =	vst v4;
	v4 =	vmul.f32 v12, v7;
	v11 =	vld [tilespmem:s22+$0xFFFFFF90]  }
0x35c: {  	[tilespmem:s22+$0xFFFFFF30] =	vst v6;
	v5 =	vmul.f32 v5, v7;
	v6 =	vld [tilespmem:s22+$0xFFFFFFA0]  }
0x35d: {  	[tilespmem:s22+$0xFFFFFF40] =	vst v4;
	v4 =	vmul.f32 v13, v7;
	v12 =	vld [tilespmem:s22+$0xFFFFFFB0]  }
0x35e: {  	[tilespmem:s22+$0xFFFFFF50] =	vst v5;
	v5 =	vmul.f32 v8, v7;
	v7 =	vld [tilespmem:s22+$0xFFFFFFC0]  }
0x35f: {  	[tilespmem:s22+$0xFFFFFF60] =	vst v4;
	v4 =	vmul.f32 v9, v10;
	v8 =	vld [tilespmem:s22+$0xFFFFFFD0]  }
0x360: {  	[tilespmem:s22+$0xFFFFFF70] =	vst v5;
	v5 =	vmul.f32 v11, v10;
	v9 =	vld [tilespmem:s22+$0xFFFFFFE0]  }
0x361: {  	[tilespmem:s22+$0xFFFFFF80] =	vst v4;
	v4 =	vmul.f32 v6, v10;
	v6 =	vld [tilespmem:s22+$0xFFFFFFF0]  }
0x362: {  	[tilespmem:s22+$0xFFFFFF90] =	vst v5;
	v5 =	vmul.f32 v12, v10;
	v11 =	vld [tilespmem:s22+$0x0]  }
0x363: {  	[tilespmem:s22+$0xFFFFFFA0] =	vst v4;
	v4 =	vmul.f32 v7, v10;
	v7 =	vld [tilespmem:s22+$0x10]  }
0x364: {  	[tilespmem:s22+$0xFFFFFFB0] =	vst v5;
	v5 =	vmul.f32 v8, v10;
	v8 =	vld [tilespmem:s22+$0x20]  }
0x365: {  	[tilespmem:s22+$0xFFFFFFC0] =	vst v4;
	v9 =	vmul.f32 v9, v10;
	v14 =	vld [tilespmem:s22+$0x30]  }
.Ltmp12:
0x366: {  	s25 =	sadd.s32 $0x1, s24;
	v12 =	vmov s24;
	[tilespmem:s22+$0xFFFFFFD0] =	vst v5;
	v6 =	vmul.f32 v6, v10;
	v4 =	vld [tilespmem:s22+$0x40];
	(pc) =	sbr.rel @p0 .LBB2_21-.Ltmp12, $4  }
0x367: {  	v10 =	vand.u32 $0x7C, v12;
	v12 =	vmov s25;
	s25 =	sadd.s32 $0x2, s24;
	[tilespmem:s22+$0xFFFFFFE0] =	vst v9;
	v9 =	vmul.f32 v11, v3;
	v5 =	vld [tilespmem:s22+$0x50]  }
0x368: {  	v11 =	vor.u32 v2, v10;
	v10 =	vmov s25;
	[tilespmem:s22+$0xFFFFFFF0] =	vst v6;
	v15 =	vmul.f32 v7, v3;
	v6 =	vld [tilespmem:s22+$0x60]  }
0x369: {  	v13 =	vand.u32 $0x7D, v12;
	v12 =	vand.u32 $0x7E, v10;
	[tilespmem:s22+$0x0] =	vst v9;
	v10 =	vmul.f32 v8, v3;
	v8 =	vld [tilespmem:s22+$0x70]  }
0x36a: {  	s25 =	sadd.s32 $0x3, s24;
	s24 =	sadd.s32 $0x4, s24;
	v7 =	vbroadcast v11, $0x0;
	v13 =	vor.u32 v2, v13;
	[tilespmem:s22+$0x10] =	vst v15;
	v11 =	vmul.f32 v14, v3;
	v9 =	vld [tilespmem:s22+$0x80]  }
0x36b: {  	v15 =	vld [tilespmem:s22+$0x90]  }
0x36c: {  	v16 =	vld [tilespmem:s22+$0xA0]  }
0x36d: {  	v21 =	vld [tilespmem:s22+$0xB0]  }
0x36e: {  	v17 =	vld [tilespmem:s22+$0xC0]  }
0x36f: {  	[tilespmem:s22+$0x20] =	vst v10;
	v4 =	vmul.f32 v4, v3;
	v22 =	vld [tilespmem:s22+$0xD0]  }
0x370: {  	v23 =	vld [tilespmem:s22+$0xE0];
	[tilespmem:s22+$0x30] =	vst v11;
	v5 =	vmul.f32 v5, v3  }
0x371: {  	s24 =	sadd.s32 $0x200, s22;
	v25 =	vld.idx.msk [tilespmem:v7+s31+$0x0], $0xffff;
	[tilespmem:s22+$0x40] =	vst v4;
	v24 =	vmul.f32 v6, v3  }
0x372: {  	v30 =	vld [tilespmem:s24+$0xF0];
	[tilespmem:s22+$0x50] =	vst v5;
	v3 =	vmul.f32 v8, v3  }
0x373: {  	v31 =	vld [tilespmem:s24+$0xFFFFFF00];
	[tilespmem:s22+$0x60] =	vst v24;
	v27 =	vmul.f32 v9, v1  }
0x374: {  	v14 =	vmov s25;
	v33 =	vld [tilespmem:s24+$0xFFFFFF10];
	[tilespmem:s22+$0x70] =	vst v3;
	v3 =	vmul.f32 v15, v1  }
0x375: {  	v14 =	vand.u32 $0x7F, v14;
	v34 =	vld [tilespmem:s24+$0xFFFFFF20];
	v29 =	vmul.f32 v16, v1;
	[tilespmem:s22+$0x80] =	vst v27  }
0x376: {  	v12 =	vor.u32 v2, v12;
	v35 =	vld [tilespmem:s24+$0xFFFFFF30];
	v2 =	vor.u32 v2, v14;
	[tilespmem:s22+$0x90] =	vst v3;
	v3 =	vmul.f32 v21, v1  }
0x377: {  	v36 =	vld [tilespmem:s24+$0xFFFFFF50];
	v2 =	vbroadcast v2, $0x0;
	v32 =	vmul.f32 v17, v1;
	[tilespmem:s22+$0xA0] =	vst v29  }
0x378: {  	v13 =	vbroadcast v13, $0x0;
	v38 =	vld [tilespmem:s24+$0xFFFFFF60];
	[tilespmem:s23+$0xB0] =	vst v3;
	v3 =	vmul.f32 v22, v1  }
0x379: {  	v39 =	vld [tilespmem:s24+$0xFFFFFF70];
	[tilespmem:s23+$0xC0] =	vst v32;
	v1 =	vmul.f32 v23, v1  }
0x37a: {  	v37 =	vmul.f32 v33, v25;
	[tilespmem:s23+$0xD0] =	vst v3;
	v3 =	vld [tilespmem:s24+$0xFFFFFF40]  }
0x37b: {  	v40 =	vld [tilespmem:s24+$0xFFFFFF80];
	[tilespmem:s23+$0xE0] =	vst v1;
	v1 =	vmul.f32 v31, v25  }
0x37c: {  	v42 =	vld [tilespmem:s24+$0xFFFFFFA0];
	v4 =	vmul.f32 v35, v25;
	[tilespmem:s24+$0xFFFFFF10] =	vst v37  }
0x37d: {  	v2 =	vld.idx.msk [tilespmem:v2+s31+$0x0], $0xffff;
	[tilespmem:s24+$0xFFFFFF00] =	vst v1;
	v1 =	vmul.f32 v34, v25  }
0x37e: {  	v26 =	vld.idx.msk [tilespmem:v13+s31+$0x0], $0xffff;
	v41 =	vmul.f32 v36, v25;
	[tilespmem:s24+$0xFFFFFF30] =	vst v4  }
0x37f: {  	[tilespmem:s24+$0xFFFFFF20] =	vst v1;
	v1 =	vmul.f32 v3, v25;
	v3 =	vld [tilespmem:s24+$0xFFFFFF90]  }
0x380: {  	v12 =	vbroadcast v12, $0x0;
	v43 =	vld [tilespmem:s24+$0xFFFFFFB0];
	v44 =	vmul.f32 v39, v25;
	[tilespmem:s24+$0xFFFFFF50] =	vst v41  }
0x381: {  	v45 =	vld [tilespmem:s24+$0xFFFFFFC0];
	[tilespmem:s24+$0xFFFFFF40] =	vst v1;
	v1 =	vmul.f32 v38, v25  }
0x382: {  	v46 =	vld [tilespmem:s24+$0xFFFFFFD0];
	[tilespmem:s24+$0xFFFFFF70] =	vst v44;
	v8 =	vmul.f32 v30, v2  }
0x383: {  	v47 =	vld [tilespmem:s24+$0xFFFFFFE0];
	[tilespmem:s24+$0xFFFFFF60] =	vst v1;
	v1 =	vmul.f32 v40, v26  }
0x384: {  	v48 =	vld [tilespmem:s24+$0xFFFFFFF0];
	[tilespmem:s24+$0xF0] =	vst v8;
	v3 =	vmul.f32 v3, v26  }
0x385: {  	v49 =	vld [tilespmem:s24+$0x0];
	[tilespmem:s24+$0xFFFFFF80] =	vst v1;
	v1 =	vmul.f32 v42, v26  }
0x386: {  	v28 =	vld.idx.msk [tilespmem:v12+s31+$0x0], $0xffff;
	[tilespmem:s24+$0xFFFFFF90] =	vst v3;
	v3 =	vmul.f32 v43, v26  }
0x387: {  	v50 =	vld [tilespmem:s24+$0x10];
	[tilespmem:s24+$0xFFFFFFA0] =	vst v1;
	v1 =	vmul.f32 v45, v26  }
0x388: {  	v51 =	vld [tilespmem:s24+$0x20];
	[tilespmem:s24+$0xFFFFFFB0] =	vst v3;
	v3 =	vmul.f32 v46, v26  }
0x389: {  	v52 =	vld [tilespmem:s24+$0x30];
	[tilespmem:s24+$0xFFFFFFC0] =	vst v1;
	v1 =	vmul.f32 v47, v26  }
0x38a: {  	v53 =	vld [tilespmem:s24+$0x40];
	[tilespmem:s24+$0xFFFFFFD0] =	vst v3;
	v3 =	vmul.f32 v48, v26  }
0x38b: {  	v54 =	vld [tilespmem:s24+$0x50];
	[tilespmem:s24+$0xFFFFFFE0] =	vst v1;
	v1 =	vmul.f32 v49, v28  }
0x38c: {  	v55 =	vld [tilespmem:s24+$0x60];
	[tilespmem:s24+$0xFFFFFFF0] =	vst v3;
	v3 =	vmul.f32 v50, v28  }
0x38d: {  	v56 =	vld [tilespmem:s24+$0x70];
	[tilespmem:s24+$0x0] =	vst v1;
	v1 =	vmul.f32 v51, v28  }
0x38e: {  	v57 =	vld [tilespmem:s24+$0x80];
	[tilespmem:s24+$0x10] =	vst v3;
	v3 =	vmul.f32 v52, v28  }
0x38f: {  	v58 =	vld [tilespmem:s24+$0x90];
	[tilespmem:s24+$0x20] =	vst v1;
	v1 =	vmul.f32 v53, v28  }
0x390: {  	v59 =	vld [tilespmem:s24+$0xA0];
	[tilespmem:s24+$0x30] =	vst v3;
	v3 =	vmul.f32 v54, v28  }
0x391: {  	v60 =	vld [tilespmem:s24+$0xB0];
	[tilespmem:s24+$0x40] =	vst v1;
	v1 =	vmul.f32 v55, v28  }
0x392: {  	v61 =	vld [tilespmem:s24+$0xC0];
	[tilespmem:s24+$0x50] =	vst v3;
	v3 =	vmul.f32 v56, v28  }
0x393: {  	v62 =	vld [tilespmem:s24+$0xD0];
	[tilespmem:s24+$0x60] =	vst v1;
	v1 =	vmul.f32 v57, v2  }
0x394: {  	v63 =	vld [tilespmem:s24+$0xE0];
	[tilespmem:s24+$0x70] =	vst v3;
	v3 =	vmul.f32 v58, v2  }
0x395: {  	[tilespmem:s24+$0x80] =	vst v1;
	v1 =	vmul.f32 v59, v2  }
0x396: {  	[tilespmem:s24+$0x90] =	vst v3;
	v3 =	vmul.f32 v60, v2  }
0x397: {  	[tilespmem:s24+$0xA0] =	vst v1;
	v1 =	vmul.f32 v61, v2  }
0x398: {  	[tilespmem:s24+$0xB0] =	vst v3;
	v3 =	vmul.f32 v62, v2  }
0x399: {  	[tilespmem:s24+$0xC0] =	vst v1;
	v1 =	vmul.f32 v63, v2  }
0x39a: {  	s21 =	sand.u32 $0x3FFFFF80, s21;
	p0 =	seq.s32 s19, $0x7;
	[tilespmem:s24+$0xD0] =	vst v3  }
.Ltmp13:
0x39b: {  	s21 =	sadd.s32 $0x1000, s21;
	[tilespmem:s24+$0xE0] =	vst v1;
	(pc) =	sbr.rel @p0 .LBB2_24-.Ltmp13, $4  }
0x39c: {  	[spmem:s1] =	stream.indirect.scatter.add.f32 [tilespmem:s10], [sflag:$0x4], $0x80, s21, s9, $0xb8;
	[tilespmem:$0x1F000] =	vst v63  }
0x39d: {  	_ =	swait.ge [sflag:s15], $0x4000  }
0x39e: {  	[sflag:s15] =	ssyncset.done $0x0  }
0x39f: {  	[sflag:s15] =	ssyncadd.s32 $0xFFFFC000  }
0x3a0: {  	s21 =	sadd.s32 $0x100, s20  }
0x3a1: {  	[tilespmem:s28], [sflag:$0x1] =	stream.indirect.gather [hbm4b:s4+s7], $0x80, s21, s7, $0xb8;
	[tilespmem:$0x1F000] =	vst v63  }
0x3a2: {  	s23 =	sadd.s32 $0x140, s20  }
0x3a3: {  	[tilespmem:s8], [sflag:$0x1] =	stream.indirect.gather [hbm4b:s4+s7], $0x80, s23, s7, $0xb8;
	[tilespmem:$0x1F000] =	vst v63  }
0x3a4: {  	_ =	swait.ge [sflag:s16], $0x4000  }
.Ltmp14:
0x3a5: {  	[sflag:s16] =	ssyncset.done $0x0;
	(pc) =	sbr.rel .LBB2_18-.Ltmp14, $4  }
0x3a6: {  	s24 =	sadd.s32 $0x180, s20;
	[sflag:s16] =	ssyncadd.s32 $0xFFFFC000  }
0x3a7: {  	[tilespmem:s10], [sflag:$0x2] =	stream.indirect.gather [hbm4b:s4+s7], $0x80, s24, s7, $0xb8;
	[tilespmem:$0x1F000] =	vst v63  }
0x3a8: {  	s25 =	sadd.s32 $0x1C0, s20;
	s19 =	sadd.s32 $0x1, s19  }
0x3a9: {  	[tilespmem:s12], [sflag:$0x2] =	stream.indirect.gather [hbm4b:s4+s7], $0x80, s25, s7, $0xb8;
	[tilespmem:$0x1F000] =	vst v63  }
.LBB2_24:
0x3aa: {  	_ =	swait.ge [sflag:s16], $0x4000  }
0x3ab: {  	[sflag:s16] =	ssyncset.done $0x0  }
0x3ac: {  	[sflag:s16] =	ssyncadd.s32 $0xFFFFC000  }
0x3ad: {  	_ =	swait.ge [sflag:s17], $0x800  }
0x3ae: {  	[sflag:s17] =	ssyncset.done $0x0  }
0x3af: {  	[sflag:s17] =	ssyncadd.s32 $0xFFFFF800  }
0x3b0: {  	_ =	swait.ge [sflag:s17], $0x800  }
0x3b1: {  	[sflag:s17] =	ssyncset.done $0x0  }
0x3b2: {  	[sflag:s17] =	ssyncadd.s32 $0xFFFFF800  }
0x3b3: {  	_ =	swait.ge [sflag:s17], $0x800  }
0x3b4: {  	[sflag:s17] =	ssyncset.done $0x0  }
0x3b5: {  	s18 =	simm.s32 $0x0;
	s19 =	rddreg [dreg:$0x12];
	[sflag:s17] =	ssyncadd.s32 $0xFFFFF800  }
0x3b6: {  	[tilespmem:s18], [sflag:$0x5] =	stream.linear.gather [hbm4b:s19+s18], $0x800, $0x38;
	[tilespmem:$0x1F000] =	vst v63  }
0x3b7: {  	s21 =	rddreg [dreg:$0x13]  }
0x3b8: {  	[tilespmem:s30], [sflag:$0x5] =	stream.linear.gather [hbm4b:s21+s18], $0x800, $0x38;
	[tilespmem:$0x1F000] =	vst v63  }
0x3b9: {  	s22 =	rddreg [dreg:$0x14]  }
0x3ba: {  	[tilespmem:s31], [sflag:$0x5] =	stream.linear.gather [hbm4b:s22+s18], $0x800, $0x38;
	[tilespmem:$0x1F000] =	vst v63  }
0x3bb: {  	_ = 	snop  }
0x3bc: {  	[tilespmem:s28], [sflag:$0x1] =	stream.indirect.gather [hbm4b:s4+s7], $0x80, s2, s7, $0xb8;
	[tilespmem:$0x1F000] =	vst v63  }
0x3bd: {  	s23 =	simm.s32 $0x840  }
0x3be: {  	[tilespmem:s8], [sflag:$0x1] =	stream.indirect.gather [hbm4b:s4+s7], $0x80, s23, s7, $0xb8;
	[tilespmem:$0x1F000] =	vst v63  }
0x3bf: {  	s24 =	simm.s32 $0x880  }
0x3c0: {  	[tilespmem:s10], [sflag:$0x2] =	stream.indirect.gather [hbm4b:s4+s7], $0x80, s24, s7, $0xb8;
	[tilespmem:$0x1F000] =	vst v63  }
0x3c1: {  	s25 =	simm.s32 $0x8C0;
	s19 =	simm.s32 $0x0  }
0x3c2: {  	[tilespmem:s12], [sflag:$0x2] =	stream.indirect.gather [hbm4b:s4+s7], $0x80, s25, s7, $0xb8;
	[tilespmem:$0x1F000] =	vst v63  }
.LBB2_25:
0x3c3: {  	s20 =	sshll.u32 s19, $0x8;
	v1 =	vmov s18;
	s21 =	simm.s32 $0x3  }
0x3c4: {  	_ =	swait.ge [sflag:s13], $0x2000;
	v2 =	vmov s20;
	v1 =	vand.u32 $0x7C, v1;
	v3 =	vmov s21  }
0x3c5: {  	[sflag:s13] =	ssyncset.done $0x0;
	v1 =	vor.u32 v2, v1;
	v3 =	vand.u32 $0x7F, v3  }
0x3c6: {  	[sflag:s13] =	ssyncadd.s32 $0xFFFFE000;
	v1 =	vbroadcast v1, $0x0;
	v3 =	vor.u32 v2, v3  }
0x3c7: {  	_ =	swait.ge [sflag:s13], $0x2000;
	v3 =	vbroadcast v3, $0x0  }
0x3c8: {  	[sflag:s13] =	ssyncset.done $0x0  }
0x3c9: {  	s21 =	simm.s32 $0x3100;
	[sflag:s13] =	ssyncadd.s32 $0xFFFFE000  }
0x3ca: {  	v6 =	vld [tilespmem:s21+$0xFFFFFF00]  }
0x3cb: {  	s25 =	simm.s32 $0x1;
	v7 =	vld [tilespmem:s21+$0xFFFFFF10]  }
0x3cc: {  	v5 =	vmov s25;
	v4 =	vld.idx.msk [tilespmem:v1+s6+$0x0], $0xffff  }
0x3cd: {  	v1 =	vld.idx.msk [tilespmem:v3+s6+$0x0], $0xffff;
	v3 =	vand.u32 $0x7D, v5  }
0x3ce: {  	v8 =	vld [tilespmem:s21+$0xFFFFFF20];
	v3 =	vor.u32 v2, v3  }
0x3cf: {  	v9 =	vld [tilespmem:s21+$0xFFFFFF30];
	v3 =	vbroadcast v3, $0x0  }
0x3d0: {  	v5 =	vld [tilespmem:s21+$0xF0]  }
0x3d1: {  	v10 =	vld [tilespmem:s21+$0xFFFFFF40]  }
0x3d2: {  	v11 =	vld [tilespmem:s21+$0xFFFFFF50];
	v6 =	vmul.f32 v6, v4  }
0x3d3: {  	v12 =	vld [tilespmem:s21+$0xFFFFFF60]  }
0x3d4: {  	s22 =	simm.s32 $0x2;
	v7 =	vmul.f32 v7, v4;
	[tilespmem:s21+$0xFFFFFF00] =	vst v6;
	v6 =	vld [tilespmem:s21+$0xFFFFFF70]  }
0x3d5: {  	v13 =	vmov s22;
	v5 =	vmul.f32 v5, v1;
	v14 =	vld.idx.msk [tilespmem:v3+s6+$0x0], $0xffff  }
0x3d6: {  	[tilespmem:s21+$0xFFFFFF10] =	vst v7;
	v7 =	vmul.f32 v9, v4;
	v3 =	vand.u32 $0x7E, v13;
	v13 =	vld [tilespmem:s21+$0xFFFFFF80]  }
0x3d7: {  	v9 =	vld [tilespmem:s21+$0xFFFFFFA0];
	[tilespmem:s21+$0xF0] =	vst v5;
	v5 =	vmul.f32 v8, v4;
	v3 =	vor.u32 v2, v3  }
0x3d8: {  	v8 =	vld [tilespmem:s21+$0xFFFFFF90];
	[tilespmem:s21+$0xFFFFFF30] =	vst v7;
	v7 =	vmul.f32 v11, v4;
	v3 =	vbroadcast v3, $0x0  }
0x3d9: {  	v11 =	vld [tilespmem:s21+$0xFFFFFFC0];
	[tilespmem:s21+$0xFFFFFF20] =	vst v5;
	v5 =	vmul.f32 v10, v4  }
0x3da: {  	v12 =	vmul.f32 v12, v4;
	v10 =	vld [tilespmem:s21+$0xFFFFFFB0];
	[tilespmem:s21+$0xFFFFFF50] =	vst v7;
	v4 =	vmul.f32 v6, v4  }
0x3db: {  	v7 =	vld [tilespmem:s21+$0xFFFFFFE0];
	[tilespmem:s21+$0xFFFFFF40] =	vst v5;
	v5 =	vmul.f32 v13, v14  }
0x3dc: {  	v13 =	vld [tilespmem:s21+$0xFFFFFFD0];
	[tilespmem:s21+$0xFFFFFF70] =	vst v4  }
0x3dd: {  	v4 =	vmul.f32 v9, v14;
	[tilespmem:s21+$0xFFFFFF80] =	vst v5;
	v5 =	vmul.f32 v8, v14;
	v8 =	vld [tilespmem:s21+$0x0]  }
0x3de: {  	[tilespmem:s21+$0xFFFFFF60] =	vst v12;
	v3 =	vld.idx.msk [tilespmem:v3+s6+$0x0], $0xffff  }
0x3df: {  	v6 =	vld [tilespmem:s21+$0xFFFFFFF0];
	[tilespmem:s21+$0xFFFFFFA0] =	vst v4;
	v4 =	vmul.f32 v11, v14  }
0x3e0: {  	v9 =	vld [tilespmem:s21+$0x10];
	[tilespmem:s21+$0xFFFFFF90] =	vst v5;
	v5 =	vmul.f32 v10, v14  }
0x3e1: {  	s23 =	simm.s32 $0x4;
	v7 =	vmul.f32 v7, v14;
	v10 =	vld [tilespmem:s21+$0x20];
	[tilespmem:s21+$0xFFFFFFC0] =	vst v4  }
0x3e2: {  	v12 =	vmov s23;
	v11 =	vld [tilespmem:s21+$0x30];
	[tilespmem:s21+$0xFFFFFFB0] =	vst v5;
	v5 =	vmul.f32 v13, v14  }
0x3e3: {  	v12 =	vand.u32 $0x7C, v12;
	v4 =	vld [tilespmem:s21+$0x40];
	[tilespmem:s21+$0xFFFFFFE0] =	vst v7;
	v8 =	vmul.f32 v8, v3  }
0x3e4: {  	s24 =	simm.s32 $0x5;
	s25 =	simm.s32 $0x6;
	v7 =	vor.u32 v2, v12;
	v13 =	vmul.f32 v6, v14;
	[tilespmem:s21+$0xFFFFFFD0] =	vst v5;
	v5 =	vld [tilespmem:s21+$0x50]  }
0x3e5: {  	v14 =	vmov s24;
	v6 =	vld [tilespmem:s21+$0x60];
	v9 =	vmul.f32 v9, v3;
	[tilespmem:s21+$0x0] =	vst v8;
	v8 =	vmov s25  }
0x3e6: {  	s20 =	sshll.u32 s19, $0x1;
	[tilespmem:s21+$0xFFFFFFF0] =	vst v13;
	v13 =	vand.u32 $0x7D, v14;
	v10 =	vmul.f32 v10, v3;
	v12 =	vand.u32 $0x7E, v8;
	v8 =	vld [tilespmem:s21+$0x70]  }
0x3e7: {  	s22 =	simm.s32 $0x3100;
	s23 =	simm.s32 $0x8;
	v7 =	vbroadcast v7, $0x0;
	s24 =	simm.s32 $0x7;
	v11 =	vmul.f32 v11, v3;
	v13 =	vor.u32 v2, v13;
	[tilespmem:s21+$0x10] =	vst v9;
	v9 =	vld [tilespmem:s21+$0x80]  }
.LBB2_26:
0x3e8: {  	p0 =	slt.u32 s23, $0x7C;
	v12 =	vor.u32 v2, v12;
	v14 =	vmov s24;
	[tilespmem:s21+$0x20] =	vst v10;
	v4 =	vmul.f32 v4, v3;
	v10 =	vld [tilespmem:s21+$0x90]  }
0x3e9: {  	v13 =	vbroadcast v13, $0x0;
	v14 =	vand.u32 $0x7F, v14;
	[tilespmem:s21+$0x30] =	vst v11;
	v5 =	vmul.f32 v5, v3;
	v11 =	vld [tilespmem:s21+$0xA0]  }
0x3ea: {  	v12 =	vbroadcast v12, $0x0;
	v14 =	vor.u32 v2, v14;
	[tilespmem:s21+$0x40] =	vst v4;
	v4 =	vmul.f32 v6, v3;
	v6 =	vld [tilespmem:s21+$0xB0]  }
0x3eb: {  	v14 =	vbroadcast v14, $0x0;
	[tilespmem:s21+$0x50] =	vst v5;
	v3 =	vmul.f32 v8, v3;
	v5 =	vld [tilespmem:s21+$0xC0]  }
0x3ec: {  	[tilespmem:s21+$0x60] =	vst v4;
	v4 =	vmul.f32 v9, v1;
	v8 =	vld [tilespmem:s21+$0xD0]  }
0x3ed: {  	[tilespmem:s21+$0x70] =	vst v3;
	v3 =	vmul.f32 v10, v1;
	v9 =	vld [tilespmem:s21+$0xE0]  }
0x3ee: {  	v7 =	vld.idx.msk [tilespmem:v7+s6+$0x0], $0xffff;
	[tilespmem:s21+$0x80] =	vst v4;
	v4 =	vmul.f32 v11, v1  }
0x3ef: {  	v10 =	vld.idx.msk [tilespmem:v13+s6+$0x0], $0xffff;
	[tilespmem:s21+$0x90] =	vst v3;
	v6 =	vmul.f32 v6, v1  }
0x3f0: {  	v3 =	vld.idx.msk [tilespmem:v12+s6+$0x0], $0xffff;
	[tilespmem:s21+$0xA0] =	vst v4;
	v4 =	vmul.f32 v5, v1  }
0x3f1: {  	s21 =	sadd.s32 $0x200, s21;
	v5 =	vld.idx.msk [tilespmem:v14+s6+$0x0], $0xffff;
	[tilespmem:s22+$0xB0] =	vst v6;
	v6 =	vmul.f32 v8, v1  }
0x3f2: {  	v8 =	vld [tilespmem:s21+$0xF0];
	[tilespmem:s22+$0xC0] =	vst v4;
	v1 =	vmul.f32 v9, v1  }
0x3f3: {  	v4 =	vld [tilespmem:s21+$0xFFFFFF00];
	[tilespmem:s22+$0xD0] =	vst v6  }
0x3f4: {  	v6 =	vld [tilespmem:s21+$0xFFFFFF10];
	[tilespmem:s22+$0xE0] =	vst v1;
	s22 =	smov.u32 s21  }
0x3f5: {  	v9 =	vld [tilespmem:s21+$0xFFFFFF20]  }
0x3f6: {  	v11 =	vld [tilespmem:s21+$0xFFFFFF30]  }
0x3f7: {  	v1 =	vmov v5;
	v12 =	vld [tilespmem:s21+$0xFFFFFF40];
	v8 =	vmul.f32 v8, v5  }
0x3f8: {  	v4 =	vmul.f32 v4, v7;
	v5 =	vld [tilespmem:s21+$0xFFFFFF50]  }
0x3f9: {  	v6 =	vmul.f32 v6, v7;
	v13 =	vld [tilespmem:s21+$0xFFFFFF60];
	[tilespmem:s21+$0xF0] =	vst v8  }
0x3fa: {  	[tilespmem:s21+$0xFFFFFF00] =	vst v4;
	v4 =	vmul.f32 v9, v7;
	v8 =	vld [tilespmem:s21+$0xFFFFFF70]  }
0x3fb: {  	[tilespmem:s21+$0xFFFFFF10] =	vst v6;
	v6 =	vmul.f32 v11, v7;
	v9 =	vld [tilespmem:s21+$0xFFFFFF80]  }
0x3fc: {  	[tilespmem:s21+$0xFFFFFF20] =	vst v4;
	v4 =	vmul.f32 v12, v7;
	v11 =	vld [tilespmem:s21+$0xFFFFFF90]  }
0x3fd: {  	[tilespmem:s21+$0xFFFFFF30] =	vst v6;
	v5 =	vmul.f32 v5, v7;
	v6 =	vld [tilespmem:s21+$0xFFFFFFA0]  }
0x3fe: {  	[tilespmem:s21+$0xFFFFFF40] =	vst v4;
	v4 =	vmul.f32 v13, v7;
	v12 =	vld [tilespmem:s21+$0xFFFFFFB0]  }
0x3ff: {  	[tilespmem:s21+$0xFFFFFF50] =	vst v5;
	v5 =	vmul.f32 v8, v7;
	v7 =	vld [tilespmem:s21+$0xFFFFFFC0]  }
0x400: {  	[tilespmem:s21+$0xFFFFFF60] =	vst v4;
	v4 =	vmul.f32 v9, v10;
	v8 =	vld [tilespmem:s21+$0xFFFFFFD0]  }
0x401: {  	[tilespmem:s21+$0xFFFFFF70] =	vst v5;
	v5 =	vmul.f32 v11, v10;
	v9 =	vld [tilespmem:s21+$0xFFFFFFE0]  }
0x402: {  	[tilespmem:s21+$0xFFFFFF80] =	vst v4;
	v4 =	vmul.f32 v6, v10;
	v6 =	vld [tilespmem:s21+$0xFFFFFFF0]  }
0x403: {  	[tilespmem:s21+$0xFFFFFF90] =	vst v5;
	v5 =	vmul.f32 v12, v10;
	v11 =	vld [tilespmem:s21+$0x0]  }
0x404: {  	[tilespmem:s21+$0xFFFFFFA0] =	vst v4;
	v4 =	vmul.f32 v7, v10;
	v7 =	vld [tilespmem:s21+$0x10]  }
0x405: {  	[tilespmem:s21+$0xFFFFFFB0] =	vst v5;
	v5 =	vmul.f32 v8, v10;
	v8 =	vld [tilespmem:s21+$0x20]  }
0x406: {  	[tilespmem:s21+$0xFFFFFFC0] =	vst v4;
	v9 =	vmul.f32 v9, v10;
	v14 =	vld [tilespmem:s21+$0x30]  }
.Ltmp15:
0x407: {  	s24 =	sadd.s32 $0x1, s23;
	v12 =	vmov s23;
	[tilespmem:s21+$0xFFFFFFD0] =	vst v5;
	v6 =	vmul.f32 v6, v10;
	v4 =	vld [tilespmem:s21+$0x40];
	(pc) =	sbr.rel @p0 .LBB2_26-.Ltmp15, $4  }
0x408: {  	v10 =	vand.u32 $0x7C, v12;
	v12 =	vmov s24;
	s24 =	sadd.s32 $0x2, s23;
	[tilespmem:s21+$0xFFFFFFE0] =	vst v9;
	v9 =	vmul.f32 v11, v3;
	v5 =	vld [tilespmem:s21+$0x50]  }
0x409: {  	v11 =	vor.u32 v2, v10;
	v10 =	vmov s24;
	[tilespmem:s21+$0xFFFFFFF0] =	vst v6;
	v15 =	vmul.f32 v7, v3;
	v6 =	vld [tilespmem:s21+$0x60]  }
0x40a: {  	v13 =	vand.u32 $0x7D, v12;
	v12 =	vand.u32 $0x7E, v10;
	[tilespmem:s21+$0x0] =	vst v9;
	v10 =	vmul.f32 v8, v3;
	v8 =	vld [tilespmem:s21+$0x70]  }
0x40b: {  	s24 =	sadd.s32 $0x3, s23;
	s23 =	sadd.s32 $0x4, s23;
	v7 =	vbroadcast v11, $0x0;
	v13 =	vor.u32 v2, v13;
	[tilespmem:s21+$0x10] =	vst v15;
	v11 =	vmul.f32 v14, v3;
	v9 =	vld [tilespmem:s21+$0x80]  }
0x40c: {  	v15 =	vld [tilespmem:s21+$0x90]  }
0x40d: {  	v16 =	vld [tilespmem:s21+$0xA0]  }
0x40e: {  	v14 =	vmov s24;
	v12 =	vor.u32 v2, v12;
	v17 =	vld [tilespmem:s21+$0xC0]  }
0x40f: {  	v13 =	vbroadcast v13, $0x0;
	[tilespmem:s21+$0x20] =	vst v10;
	v4 =	vmul.f32 v4, v3;
	v10 =	vld [tilespmem:s21+$0xD0];
	v14 =	vand.u32 $0x7F, v14  }
0x410: {  	v12 =	vbroadcast v12, $0x0;
	[tilespmem:s21+$0x30] =	vst v11;
	v5 =	vmul.f32 v5, v3;
	v11 =	vld [tilespmem:s21+$0xE0];
	v2 =	vor.u32 v2, v14  }
0x411: {  	v14 =	vld [tilespmem:s21+$0xB0];
	[tilespmem:s21+$0x40] =	vst v4;
	v4 =	vmul.f32 v6, v3;
	v2 =	vbroadcast v2, $0x0  }
0x412: {  	s23 =	sadd.s32 $0x200, s21;
	v6 =	vld.idx.msk [tilespmem:v7+s6+$0x0], $0xffff;
	[tilespmem:s21+$0x50] =	vst v5;
	v3 =	vmul.f32 v8, v3  }
0x413: {  	v8 =	vld [tilespmem:s23+$0xF0];
	[tilespmem:s21+$0x60] =	vst v4;
	v4 =	vmul.f32 v9, v1  }
0x414: {  	v9 =	vld [tilespmem:s23+$0xFFFFFF00];
	[tilespmem:s21+$0x70] =	vst v3;
	v3 =	vmul.f32 v15, v1  }
0x415: {  	v5 =	vld.idx.msk [tilespmem:v13+s6+$0x0], $0xffff;
	[tilespmem:s21+$0x80] =	vst v4;
	v4 =	vmul.f32 v16, v1  }
0x416: {  	v7 =	vld.idx.msk [tilespmem:v12+s6+$0x0], $0xffff;
	[tilespmem:s21+$0x90] =	vst v3;
	v3 =	vmul.f32 v14, v1  }
0x417: {  	[tilespmem:s21+$0xA0] =	vst v4;
	v4 =	vmul.f32 v17, v1;
	v2 =	vld.idx.msk [tilespmem:v2+s6+$0x0], $0xffff  }
0x418: {  	v12 =	vld [tilespmem:s23+$0xFFFFFF10];
	[tilespmem:s22+$0xB0] =	vst v3;
	v3 =	vmul.f32 v10, v1  }
0x419: {  	v10 =	vld [tilespmem:s23+$0xFFFFFF20];
	v1 =	vmul.f32 v11, v1;
	[tilespmem:s22+$0xC0] =	vst v4  }
0x41a: {  	v4 =	vld [tilespmem:s23+$0xFFFFFF30];
	[tilespmem:s22+$0xD0] =	vst v3  }
0x41b: {  	v3 =	vld [tilespmem:s23+$0xFFFFFF40];
	[tilespmem:s22+$0xE0] =	vst v1;
	v1 =	vmul.f32 v9, v6  }
0x41c: {  	v9 =	vld [tilespmem:s23+$0xFFFFFF50];
	v8 =	vmul.f32 v8, v2  }
0x41d: {  	v11 =	vmul.f32 v12, v6;
	v12 =	vld [tilespmem:s23+$0xFFFFFF60];
	[tilespmem:s23+$0xFFFFFF00] =	vst v1  }
0x41e: {  	v1 =	vmul.f32 v10, v6;
	[tilespmem:s23+$0xF0] =	vst v8;
	v8 =	vld [tilespmem:s23+$0xFFFFFF70]  }
0x41f: {  	[tilespmem:s23+$0xFFFFFF10] =	vst v11;
	v10 =	vld [tilespmem:s23+$0xFFFFFF80];
	v4 =	vmul.f32 v4, v6  }
0x420: {  	[tilespmem:s23+$0xFFFFFF20] =	vst v1;
	v1 =	vmul.f32 v3, v6;
	v3 =	vld [tilespmem:s23+$0xFFFFFF90]  }
0x421: {  	[tilespmem:s23+$0xFFFFFF30] =	vst v4;
	v4 =	vmul.f32 v9, v6;
	v9 =	vld [tilespmem:s23+$0xFFFFFFA0]  }
0x422: {  	v11 =	vld [tilespmem:s23+$0xFFFFFFB0];
	[tilespmem:s23+$0xFFFFFF40] =	vst v1;
	v1 =	vmul.f32 v12, v6  }
0x423: {  	[tilespmem:s23+$0xFFFFFF50] =	vst v4;
	v4 =	vmul.f32 v8, v6;
	v6 =	vld [tilespmem:s23+$0xFFFFFFC0]  }
0x424: {  	[tilespmem:s23+$0xFFFFFF60] =	vst v1;
	v1 =	vmul.f32 v10, v5;
	v8 =	vld [tilespmem:s23+$0xFFFFFFD0]  }
0x425: {  	v3 =	vmul.f32 v3, v5;
	[tilespmem:s23+$0xFFFFFF70] =	vst v4;
	v4 =	vld [tilespmem:s23+$0xFFFFFFE0]  }
0x426: {  	[tilespmem:s23+$0xFFFFFF80] =	vst v1;
	v1 =	vmul.f32 v9, v5;
	v9 =	vld [tilespmem:s23+$0xFFFFFFF0]  }
0x427: {  	v10 =	vld [tilespmem:s23+$0x0];
	[tilespmem:s23+$0xFFFFFF90] =	vst v3;
	v3 =	vmul.f32 v11, v5  }
0x428: {  	[tilespmem:s23+$0xFFFFFFA0] =	vst v1;
	v1 =	vmul.f32 v6, v5;
	v6 =	vld [tilespmem:s23+$0x10]  }
0x429: {  	[tilespmem:s23+$0xFFFFFFB0] =	vst v3;
	v3 =	vmul.f32 v8, v5;
	v8 =	vld [tilespmem:s23+$0x20]  }
0x42a: {  	[tilespmem:s23+$0xFFFFFFC0] =	vst v1;
	v1 =	vmul.f32 v4, v5;
	v4 =	vld [tilespmem:s23+$0x30]  }
0x42b: {  	[tilespmem:s23+$0xFFFFFFD0] =	vst v3;
	v3 =	vmul.f32 v9, v5;
	v5 =	vld [tilespmem:s23+$0x40]  }
0x42c: {  	v9 =	vld [tilespmem:s23+$0x50];
	[tilespmem:s23+$0xFFFFFFE0] =	vst v1;
	v1 =	vmul.f32 v10, v7  }
0x42d: {  	[tilespmem:s23+$0xFFFFFFF0] =	vst v3;
	v3 =	vmul.f32 v6, v7;
	v6 =	vld [tilespmem:s23+$0x60]  }
0x42e: {  	[tilespmem:s23+$0x0] =	vst v1;
	v1 =	vmul.f32 v8, v7;
	v8 =	vld [tilespmem:s23+$0x70]  }
0x42f: {  	[tilespmem:s23+$0x10] =	vst v3;
	v3 =	vmul.f32 v4, v7;
	v4 =	vld [tilespmem:s23+$0x80]  }
0x430: {  	[tilespmem:s23+$0x20] =	vst v1;
	v1 =	vmul.f32 v5, v7;
	v5 =	vld [tilespmem:s23+$0x90]  }
0x431: {  	[tilespmem:s23+$0x30] =	vst v3;
	v3 =	vmul.f32 v9, v7;
	v9 =	vld [tilespmem:s23+$0xA0]  }
0x432: {  	[tilespmem:s23+$0x40] =	vst v1;
	v1 =	vmul.f32 v6, v7;
	v6 =	vld [tilespmem:s23+$0xB0]  }
0x433: {  	[tilespmem:s23+$0x50] =	vst v3;
	v3 =	vmul.f32 v8, v7;
	v7 =	vld [tilespmem:s23+$0xC0]  }
0x434: {  	[tilespmem:s23+$0x60] =	vst v1;
	v1 =	vmul.f32 v4, v2;
	v4 =	vld [tilespmem:s23+$0xD0]  }
0x435: {  	[tilespmem:s23+$0x70] =	vst v3;
	v3 =	vmul.f32 v5, v2;
	v5 =	vld [tilespmem:s23+$0xE0]  }
0x436: {  	[tilespmem:s23+$0x80] =	vst v1;
	v1 =	vmul.f32 v9, v2  }
0x437: {  	[tilespmem:s23+$0x90] =	vst v3;
	v3 =	vmul.f32 v6, v2  }
0x438: {  	[tilespmem:s23+$0xA0] =	vst v1;
	v1 =	vmul.f32 v7, v2  }
0x439: {  	[tilespmem:s23+$0xB0] =	vst v3;
	v3 =	vmul.f32 v4, v2  }
0x43a: {  	s24 =	sor.u32 $0x1, s20;
	s25 =	simm.s32 $0x0;
	s22 =	sshll.u32 s19, $0xA;
	[tilespmem:s23+$0xC0] =	vst v1;
	v1 =	vmul.f32 v5, v2  }
0x43b: {  	s21 =	sshll.u32 s24, $0x7;
	s20 =	sshrl.u32 s22, $0x2;
	[tilespmem:s23+$0xD0] =	vst v3;
	v3 =	vmov s25  }
0x43c: {  	s24 =	sadd.s32 $0x1800, s20;
	v2 =	vmov s21;
	[tilespmem:s23+$0xE0] =	vst v1;
	v1 =	vand.u32 $0x7C, v3  }
0x43d: {  	[spmem:s1] =	stream.indirect.scatter.add.f32 [tilespmem:s28], [sflag:$0x3], $0x80, s24, s9, $0xb8;
	v1 =	vor.u32 v2, v1;
	[tilespmem:$0x1F000] =	vst v63  }
0x43e: {  	s25 =	simm.s32 $0x3;
	_ =	swait.ge [sflag:s14], $0x2000;
	v1 =	vbroadcast v1, $0x0  }
0x43f: {  	v3 =	vmov s25;
	[sflag:s14] =	ssyncset.done $0x0  }
0x440: {  	v3 =	vand.u32 $0x7F, v3;
	[sflag:s14] =	ssyncadd.s32 $0xFFFFE000  }
0x441: {  	v3 =	vor.u32 v2, v3;
	_ =	swait.ge [sflag:s14], $0x2000  }
0x442: {  	v3 =	vbroadcast v3, $0x0;
	[sflag:s14] =	ssyncset.done $0x0  }
0x443: {  	[sflag:s14] =	ssyncadd.s32 $0xFFFFE000  }
0x444: {  	s22 =	simm.s32 $0x7100;
	v4 =	vld.idx.msk [tilespmem:v1+s6+$0x0], $0xffff  }
0x445: {  	v6 =	vld [tilespmem:s22+$0xFFFFFF00]  }
0x446: {  	s25 =	simm.s32 $0x1;
	v7 =	vld [tilespmem:s22+$0xFFFFFF10]  }
0x447: {  	v5 =	vmov s25;
	v8 =	vld [tilespmem:s22+$0xFFFFFF20]  }
0x448: {  	v1 =	vld.idx.msk [tilespmem:v3+s6+$0x0], $0xffff;
	v3 =	vand.u32 $0x7D, v5  }
0x449: {  	v9 =	vld [tilespmem:s22+$0xFFFFFF30];
	v3 =	vor.u32 v2, v3  }
0x44a: {  	v12 =	vld [tilespmem:s22+$0xFFFFFF60];
	v3 =	vbroadcast v3, $0x0  }
0x44b: {  	v5 =	vld [tilespmem:s22+$0xF0]  }
0x44c: {  	v10 =	vld [tilespmem:s22+$0xFFFFFF40];
	v6 =	vmul.f32 v6, v4  }
0x44d: {  	v11 =	vld [tilespmem:s22+$0xFFFFFF50];
	v7 =	vmul.f32 v7, v4  }
0x44e: {  	[tilespmem:s22+$0xFFFFFF00] =	vst v6;
	v6 =	vld [tilespmem:s22+$0xFFFFFF70]  }
0x44f: {  	s24 =	simm.s32 $0x2;
	v12 =	vmul.f32 v12, v4;
	[tilespmem:s22+$0xFFFFFF10] =	vst v7;
	v7 =	vmul.f32 v9, v4;
	v9 =	vld [tilespmem:s22+$0xFFFFFFA0]  }
0x450: {  	v13 =	vmov s24;
	v5 =	vmul.f32 v5, v1;
	v14 =	vld.idx.msk [tilespmem:v3+s6+$0x0], $0xffff  }
0x451: {  	[tilespmem:s22+$0xFFFFFF60] =	vst v12;
	v3 =	vand.u32 $0x7E, v13;
	v13 =	vld [tilespmem:s22+$0xFFFFFF80]  }
0x452: {  	[tilespmem:s22+$0xF0] =	vst v5;
	v5 =	vmul.f32 v8, v4;
	v8 =	vld [tilespmem:s22+$0xFFFFFF90];
	v3 =	vor.u32 v2, v3  }
0x453: {  	[tilespmem:s22+$0xFFFFFF30] =	vst v7;
	v7 =	vmul.f32 v11, v4;
	v11 =	vld [tilespmem:s22+$0xFFFFFFC0];
	v3 =	vbroadcast v3, $0x0  }
0x454: {  	[tilespmem:s22+$0xFFFFFF20] =	vst v5;
	v5 =	vmul.f32 v10, v4;
	v10 =	vld [tilespmem:s22+$0xFFFFFFB0]  }
0x455: {  	[tilespmem:s22+$0xFFFFFF50] =	vst v7;
	v7 =	vld [tilespmem:s22+$0xFFFFFFE0];
	v4 =	vmul.f32 v6, v4  }
0x456: {  	[tilespmem:s22+$0xFFFFFF40] =	vst v5;
	v6 =	vld [tilespmem:s22+$0xFFFFFFF0];
	v5 =	vmul.f32 v13, v14  }
0x457: {  	v13 =	vld [tilespmem:s22+$0xFFFFFFD0];
	[tilespmem:s22+$0xFFFFFF70] =	vst v4;
	v4 =	vmul.f32 v9, v14  }
0x458: {  	[tilespmem:s22+$0xFFFFFF80] =	vst v5;
	v5 =	vmul.f32 v8, v14;
	v8 =	vld [tilespmem:s22+$0x0]  }
0x459: {  	[tilespmem:s22+$0xFFFFFFA0] =	vst v4;
	v4 =	vmul.f32 v11, v14;
	v3 =	vld.idx.msk [tilespmem:v3+s6+$0x0], $0xffff  }
0x45a: {  	v9 =	vld [tilespmem:s22+$0x10];
	[tilespmem:s22+$0xFFFFFF90] =	vst v5;
	v5 =	vmul.f32 v10, v14  }
0x45b: {  	s25 =	simm.s32 $0x4;
	v7 =	vmul.f32 v7, v14;
	v10 =	vld [tilespmem:s22+$0x20];
	[tilespmem:s22+$0xFFFFFFC0] =	vst v4  }
0x45c: {  	v12 =	vmov s25;
	v11 =	vld [tilespmem:s22+$0x30];
	[tilespmem:s22+$0xFFFFFFB0] =	vst v5;
	v5 =	vmul.f32 v13, v14  }
0x45d: {  	v12 =	vand.u32 $0x7C, v12;
	v4 =	vld [tilespmem:s22+$0x40];
	[tilespmem:s22+$0xFFFFFFE0] =	vst v7;
	v13 =	vmul.f32 v6, v14  }
0x45e: {  	s24 =	simm.s32 $0x5;
	s25 =	simm.s32 $0x6;
	v7 =	vor.u32 v2, v12;
	[tilespmem:s22+$0xFFFFFFD0] =	vst v5;
	v8 =	vmul.f32 v8, v3;
	v5 =	vld [tilespmem:s22+$0x50]  }
0x45f: {  	v12 =	vmov s25;
	v14 =	vmov s24;
	v6 =	vld [tilespmem:s22+$0x60];
	v9 =	vmul.f32 v9, v3;
	[tilespmem:s22+$0xFFFFFFF0] =	vst v13  }
0x460: {  	v12 =	vand.u32 $0x7E, v12;
	v13 =	vand.u32 $0x7D, v14;
	v10 =	vmul.f32 v10, v3;
	[tilespmem:s22+$0x0] =	vst v8;
	v8 =	vld [tilespmem:s22+$0x70]  }
0x461: {  	s23 =	simm.s32 $0x7100;
	s25 =	simm.s32 $0x7;
	v7 =	vbroadcast v7, $0x0;
	s24 =	simm.s32 $0x8;
	v11 =	vmul.f32 v11, v3;
	v13 =	vor.u32 v2, v13;
	[tilespmem:s22+$0x10] =	vst v9;
	v9 =	vld [tilespmem:s22+$0x80]  }
.LBB2_28:
0x462: {  	p0 =	slt.u32 s24, $0x7C;
	v12 =	vor.u32 v2, v12;
	v14 =	vmov s25;
	[tilespmem:s22+$0x20] =	vst v10;
	v4 =	vmul.f32 v4, v3;
	v10 =	vld [tilespmem:s22+$0x90]  }
0x463: {  	v13 =	vbroadcast v13, $0x0;
	v14 =	vand.u32 $0x7F, v14;
	[tilespmem:s22+$0x30] =	vst v11;
	v5 =	vmul.f32 v5, v3;
	v11 =	vld [tilespmem:s22+$0xA0]  }
0x464: {  	v12 =	vbroadcast v12, $0x0;
	v14 =	vor.u32 v2, v14;
	[tilespmem:s22+$0x40] =	vst v4;
	v4 =	vmul.f32 v6, v3;
	v6 =	vld [tilespmem:s22+$0xB0]  }
0x465: {  	v14 =	vbroadcast v14, $0x0;
	[tilespmem:s22+$0x50] =	vst v5;
	v3 =	vmul.f32 v8, v3;
	v5 =	vld [tilespmem:s22+$0xC0]  }
0x466: {  	[tilespmem:s22+$0x60] =	vst v4;
	v4 =	vmul.f32 v9, v1;
	v8 =	vld [tilespmem:s22+$0xD0]  }
0x467: {  	[tilespmem:s22+$0x70] =	vst v3;
	v3 =	vmul.f32 v10, v1;
	v9 =	vld [tilespmem:s22+$0xE0]  }
0x468: {  	v7 =	vld.idx.msk [tilespmem:v7+s6+$0x0], $0xffff;
	[tilespmem:s22+$0x80] =	vst v4;
	v4 =	vmul.f32 v11, v1  }
0x469: {  	v10 =	vld.idx.msk [tilespmem:v13+s6+$0x0], $0xffff;
	[tilespmem:s22+$0x90] =	vst v3;
	v6 =	vmul.f32 v6, v1  }
0x46a: {  	v3 =	vld.idx.msk [tilespmem:v12+s6+$0x0], $0xffff;
	[tilespmem:s22+$0xA0] =	vst v4;
	v4 =	vmul.f32 v5, v1  }
0x46b: {  	s22 =	sadd.s32 $0x200, s22;
	v5 =	vld.idx.msk [tilespmem:v14+s6+$0x0], $0xffff;
	[tilespmem:s23+$0xB0] =	vst v6;
	v6 =	vmul.f32 v8, v1  }
0x46c: {  	v8 =	vld [tilespmem:s22+$0xF0];
	[tilespmem:s23+$0xC0] =	vst v4;
	v1 =	vmul.f32 v9, v1  }
0x46d: {  	v4 =	vld [tilespmem:s22+$0xFFFFFF00];
	[tilespmem:s23+$0xD0] =	vst v6  }
0x46e: {  	v6 =	vld [tilespmem:s22+$0xFFFFFF10];
	[tilespmem:s23+$0xE0] =	vst v1;
	s23 =	smov.u32 s22  }
0x46f: {  	v9 =	vld [tilespmem:s22+$0xFFFFFF20]  }
0x470: {  	v11 =	vld [tilespmem:s22+$0xFFFFFF30]  }
0x471: {  	v1 =	vmov v5;
	v12 =	vld [tilespmem:s22+$0xFFFFFF40];
	v8 =	vmul.f32 v8, v5  }
0x472: {  	v4 =	vmul.f32 v4, v7;
	v5 =	vld [tilespmem:s22+$0xFFFFFF50]  }
0x473: {  	v6 =	vmul.f32 v6, v7;
	v13 =	vld [tilespmem:s22+$0xFFFFFF60];
	[tilespmem:s22+$0xF0] =	vst v8  }
0x474: {  	[tilespmem:s22+$0xFFFFFF00] =	vst v4;
	v4 =	vmul.f32 v9, v7;
	v8 =	vld [tilespmem:s22+$0xFFFFFF70]  }
0x475: {  	[tilespmem:s22+$0xFFFFFF10] =	vst v6;
	v6 =	vmul.f32 v11, v7;
	v9 =	vld [tilespmem:s22+$0xFFFFFF80]  }
0x476: {  	[tilespmem:s22+$0xFFFFFF20] =	vst v4;
	v4 =	vmul.f32 v12, v7;
	v11 =	vld [tilespmem:s22+$0xFFFFFF90]  }
0x477: {  	[tilespmem:s22+$0xFFFFFF30] =	vst v6;
	v5 =	vmul.f32 v5, v7;
	v6 =	vld [tilespmem:s22+$0xFFFFFFA0]  }
0x478: {  	[tilespmem:s22+$0xFFFFFF40] =	vst v4;
	v4 =	vmul.f32 v13, v7;
	v12 =	vld [tilespmem:s22+$0xFFFFFFB0]  }
0x479: {  	[tilespmem:s22+$0xFFFFFF50] =	vst v5;
	v5 =	vmul.f32 v8, v7;
	v7 =	vld [tilespmem:s22+$0xFFFFFFC0]  }
0x47a: {  	[tilespmem:s22+$0xFFFFFF60] =	vst v4;
	v4 =	vmul.f32 v9, v10;
	v8 =	vld [tilespmem:s22+$0xFFFFFFD0]  }
0x47b: {  	[tilespmem:s22+$0xFFFFFF70] =	vst v5;
	v5 =	vmul.f32 v11, v10;
	v9 =	vld [tilespmem:s22+$0xFFFFFFE0]  }
0x47c: {  	[tilespmem:s22+$0xFFFFFF80] =	vst v4;
	v4 =	vmul.f32 v6, v10;
	v6 =	vld [tilespmem:s22+$0xFFFFFFF0]  }
0x47d: {  	[tilespmem:s22+$0xFFFFFF90] =	vst v5;
	v5 =	vmul.f32 v12, v10;
	v11 =	vld [tilespmem:s22+$0x0]  }
0x47e: {  	[tilespmem:s22+$0xFFFFFFA0] =	vst v4;
	v4 =	vmul.f32 v7, v10;
	v7 =	vld [tilespmem:s22+$0x10]  }
0x47f: {  	[tilespmem:s22+$0xFFFFFFB0] =	vst v5;
	v5 =	vmul.f32 v8, v10;
	v8 =	vld [tilespmem:s22+$0x20]  }
0x480: {  	[tilespmem:s22+$0xFFFFFFC0] =	vst v4;
	v9 =	vmul.f32 v9, v10;
	v14 =	vld [tilespmem:s22+$0x30]  }
.Ltmp16:
0x481: {  	s25 =	sadd.s32 $0x1, s24;
	v12 =	vmov s24;
	[tilespmem:s22+$0xFFFFFFD0] =	vst v5;
	v6 =	vmul.f32 v6, v10;
	v4 =	vld [tilespmem:s22+$0x40];
	(pc) =	sbr.rel @p0 .LBB2_28-.Ltmp16, $4  }
0x482: {  	v10 =	vand.u32 $0x7C, v12;
	v12 =	vmov s25;
	s25 =	sadd.s32 $0x2, s24;
	[tilespmem:s22+$0xFFFFFFE0] =	vst v9;
	v9 =	vmul.f32 v11, v3;
	v5 =	vld [tilespmem:s22+$0x50]  }
0x483: {  	v11 =	vor.u32 v2, v10;
	v10 =	vmov s25;
	[tilespmem:s22+$0xFFFFFFF0] =	vst v6;
	v15 =	vmul.f32 v7, v3;
	v6 =	vld [tilespmem:s22+$0x60]  }
0x484: {  	v13 =	vand.u32 $0x7D, v12;
	v12 =	vand.u32 $0x7E, v10;
	[tilespmem:s22+$0x0] =	vst v9;
	v10 =	vmul.f32 v8, v3;
	v8 =	vld [tilespmem:s22+$0x70]  }
0x485: {  	s25 =	sadd.s32 $0x3, s24;
	s24 =	sadd.s32 $0x4, s24;
	v7 =	vbroadcast v11, $0x0;
	v13 =	vor.u32 v2, v13;
	[tilespmem:s22+$0x10] =	vst v15;
	v11 =	vmul.f32 v14, v3;
	v9 =	vld [tilespmem:s22+$0x80]  }
0x486: {  	v15 =	vld [tilespmem:s22+$0x90]  }
0x487: {  	v16 =	vld [tilespmem:s22+$0xA0]  }
0x488: {  	v21 =	vld [tilespmem:s22+$0xB0]  }
0x489: {  	v17 =	vld [tilespmem:s22+$0xC0]  }
0x48a: {  	[tilespmem:s22+$0x20] =	vst v10;
	v4 =	vmul.f32 v4, v3;
	v22 =	vld [tilespmem:s22+$0xD0]  }
0x48b: {  	v23 =	vld [tilespmem:s22+$0xE0];
	[tilespmem:s22+$0x30] =	vst v11;
	v5 =	vmul.f32 v5, v3  }
0x48c: {  	s24 =	sadd.s32 $0x200, s22;
	v25 =	vld.idx.msk [tilespmem:v7+s6+$0x0], $0xffff;
	[tilespmem:s22+$0x40] =	vst v4;
	v24 =	vmul.f32 v6, v3  }
0x48d: {  	v30 =	vld [tilespmem:s24+$0xF0];
	[tilespmem:s22+$0x50] =	vst v5;
	v3 =	vmul.f32 v8, v3  }
0x48e: {  	v31 =	vld [tilespmem:s24+$0xFFFFFF00];
	[tilespmem:s22+$0x60] =	vst v24;
	v27 =	vmul.f32 v9, v1  }
0x48f: {  	v14 =	vmov s25;
	v33 =	vld [tilespmem:s24+$0xFFFFFF10];
	[tilespmem:s22+$0x70] =	vst v3;
	v3 =	vmul.f32 v15, v1  }
0x490: {  	v14 =	vand.u32 $0x7F, v14;
	v34 =	vld [tilespmem:s24+$0xFFFFFF20];
	v29 =	vmul.f32 v16, v1;
	[tilespmem:s22+$0x80] =	vst v27  }
0x491: {  	v12 =	vor.u32 v2, v12;
	v35 =	vld [tilespmem:s24+$0xFFFFFF30];
	v2 =	vor.u32 v2, v14;
	[tilespmem:s22+$0x90] =	vst v3;
	v3 =	vmul.f32 v21, v1  }
0x492: {  	v36 =	vld [tilespmem:s24+$0xFFFFFF50];
	v2 =	vbroadcast v2, $0x0;
	v32 =	vmul.f32 v17, v1;
	[tilespmem:s22+$0xA0] =	vst v29  }
0x493: {  	v13 =	vbroadcast v13, $0x0;
	v38 =	vld [tilespmem:s24+$0xFFFFFF60];
	[tilespmem:s23+$0xB0] =	vst v3;
	v3 =	vmul.f32 v22, v1  }
0x494: {  	v39 =	vld [tilespmem:s24+$0xFFFFFF70];
	[tilespmem:s23+$0xC0] =	vst v32;
	v1 =	vmul.f32 v23, v1  }
0x495: {  	v37 =	vmul.f32 v33, v25;
	[tilespmem:s23+$0xD0] =	vst v3;
	v3 =	vld [tilespmem:s24+$0xFFFFFF40]  }
0x496: {  	v40 =	vld [tilespmem:s24+$0xFFFFFF80];
	[tilespmem:s23+$0xE0] =	vst v1;
	v1 =	vmul.f32 v31, v25  }
0x497: {  	v42 =	vld [tilespmem:s24+$0xFFFFFFA0];
	v4 =	vmul.f32 v35, v25;
	[tilespmem:s24+$0xFFFFFF10] =	vst v37  }
0x498: {  	v2 =	vld.idx.msk [tilespmem:v2+s6+$0x0], $0xffff;
	[tilespmem:s24+$0xFFFFFF00] =	vst v1;
	v1 =	vmul.f32 v34, v25  }
0x499: {  	v26 =	vld.idx.msk [tilespmem:v13+s6+$0x0], $0xffff;
	v41 =	vmul.f32 v36, v25;
	[tilespmem:s24+$0xFFFFFF30] =	vst v4  }
0x49a: {  	[tilespmem:s24+$0xFFFFFF20] =	vst v1;
	v1 =	vmul.f32 v3, v25;
	v3 =	vld [tilespmem:s24+$0xFFFFFF90]  }
0x49b: {  	v12 =	vbroadcast v12, $0x0;
	v43 =	vld [tilespmem:s24+$0xFFFFFFB0];
	v44 =	vmul.f32 v39, v25;
	[tilespmem:s24+$0xFFFFFF50] =	vst v41  }
0x49c: {  	v45 =	vld [tilespmem:s24+$0xFFFFFFC0];
	[tilespmem:s24+$0xFFFFFF40] =	vst v1;
	v1 =	vmul.f32 v38, v25  }
0x49d: {  	v46 =	vld [tilespmem:s24+$0xFFFFFFD0];
	[tilespmem:s24+$0xFFFFFF70] =	vst v44;
	v8 =	vmul.f32 v30, v2  }
0x49e: {  	v47 =	vld [tilespmem:s24+$0xFFFFFFE0];
	[tilespmem:s24+$0xFFFFFF60] =	vst v1;
	v1 =	vmul.f32 v40, v26  }
0x49f: {  	v48 =	vld [tilespmem:s24+$0xFFFFFFF0];
	[tilespmem:s24+$0xF0] =	vst v8;
	v3 =	vmul.f32 v3, v26  }
0x4a0: {  	v49 =	vld [tilespmem:s24+$0x0];
	[tilespmem:s24+$0xFFFFFF80] =	vst v1;
	v1 =	vmul.f32 v42, v26  }
0x4a1: {  	v28 =	vld.idx.msk [tilespmem:v12+s6+$0x0], $0xffff;
	[tilespmem:s24+$0xFFFFFF90] =	vst v3;
	v3 =	vmul.f32 v43, v26  }
0x4a2: {  	v50 =	vld [tilespmem:s24+$0x10];
	[tilespmem:s24+$0xFFFFFFA0] =	vst v1;
	v1 =	vmul.f32 v45, v26  }
0x4a3: {  	v51 =	vld [tilespmem:s24+$0x20];
	[tilespmem:s24+$0xFFFFFFB0] =	vst v3;
	v3 =	vmul.f32 v46, v26  }
0x4a4: {  	v52 =	vld [tilespmem:s24+$0x30];
	[tilespmem:s24+$0xFFFFFFC0] =	vst v1;
	v1 =	vmul.f32 v47, v26  }
0x4a5: {  	v53 =	vld [tilespmem:s24+$0x40];
	[tilespmem:s24+$0xFFFFFFD0] =	vst v3;
	v3 =	vmul.f32 v48, v26  }
0x4a6: {  	v54 =	vld [tilespmem:s24+$0x50];
	[tilespmem:s24+$0xFFFFFFE0] =	vst v1;
	v1 =	vmul.f32 v49, v28  }
0x4a7: {  	v55 =	vld [tilespmem:s24+$0x60];
	[tilespmem:s24+$0xFFFFFFF0] =	vst v3;
	v3 =	vmul.f32 v50, v28  }
0x4a8: {  	v56 =	vld [tilespmem:s24+$0x70];
	[tilespmem:s24+$0x0] =	vst v1;
	v1 =	vmul.f32 v51, v28  }
0x4a9: {  	v57 =	vld [tilespmem:s24+$0x80];
	[tilespmem:s24+$0x10] =	vst v3;
	v3 =	vmul.f32 v52, v28  }
0x4aa: {  	v58 =	vld [tilespmem:s24+$0x90];
	[tilespmem:s24+$0x20] =	vst v1;
	v1 =	vmul.f32 v53, v28  }
0x4ab: {  	v59 =	vld [tilespmem:s24+$0xA0];
	[tilespmem:s24+$0x30] =	vst v3;
	v3 =	vmul.f32 v54, v28  }
0x4ac: {  	v60 =	vld [tilespmem:s24+$0xB0];
	[tilespmem:s24+$0x40] =	vst v1;
	v1 =	vmul.f32 v55, v28  }
0x4ad: {  	v61 =	vld [tilespmem:s24+$0xC0];
	[tilespmem:s24+$0x50] =	vst v3;
	v3 =	vmul.f32 v56, v28  }
0x4ae: {  	v62 =	vld [tilespmem:s24+$0xD0];
	[tilespmem:s24+$0x60] =	vst v1;
	v1 =	vmul.f32 v57, v2  }
0x4af: {  	v63 =	vld [tilespmem:s24+$0xE0];
	[tilespmem:s24+$0x70] =	vst v3;
	v3 =	vmul.f32 v58, v2  }
0x4b0: {  	[tilespmem:s24+$0x80] =	vst v1;
	v1 =	vmul.f32 v59, v2  }
0x4b1: {  	[tilespmem:s24+$0x90] =	vst v3;
	v3 =	vmul.f32 v60, v2  }
0x4b2: {  	[tilespmem:s24+$0xA0] =	vst v1;
	v1 =	vmul.f32 v61, v2  }
0x4b3: {  	[tilespmem:s24+$0xB0] =	vst v3;
	v3 =	vmul.f32 v62, v2  }
0x4b4: {  	[tilespmem:s24+$0xC0] =	vst v1;
	v1 =	vmul.f32 v63, v2  }
0x4b5: {  	s21 =	sand.u32 $0x3FFFFF80, s21;
	p0 =	seq.s32 s19, $0x7;
	[tilespmem:s24+$0xD0] =	vst v3  }
.Ltmp17:
0x4b6: {  	s21 =	sadd.s32 $0x1800, s21;
	[tilespmem:s24+$0xE0] =	vst v1;
	(pc) =	sbr.rel @p0 .LBB2_31-.Ltmp17, $4  }
0x4b7: {  	[spmem:s1] =	stream.indirect.scatter.add.f32 [tilespmem:s10], [sflag:$0x4], $0x80, s21, s9, $0xb8;
	[tilespmem:$0x1F000] =	vst v63  }
0x4b8: {  	_ =	swait.ge [sflag:s15], $0x4000  }
0x4b9: {  	[sflag:s15] =	ssyncset.done $0x0  }
0x4ba: {  	[sflag:s15] =	ssyncadd.s32 $0xFFFFC000  }
0x4bb: {  	s21 =	sadd.s32 $0x900, s20  }
0x4bc: {  	[tilespmem:s28], [sflag:$0x1] =	stream.indirect.gather [hbm4b:s4+s7], $0x80, s21, s7, $0xb8;
	[tilespmem:$0x1F000] =	vst v63  }
0x4bd: {  	s23 =	sadd.s32 $0x940, s20  }
0x4be: {  	[tilespmem:s8], [sflag:$0x1] =	stream.indirect.gather [hbm4b:s4+s7], $0x80, s23, s7, $0xb8;
	[tilespmem:$0x1F000] =	vst v63  }
0x4bf: {  	_ =	swait.ge [sflag:s16], $0x4000  }
.Ltmp18:
0x4c0: {  	[sflag:s16] =	ssyncset.done $0x0;
	(pc) =	sbr.rel .LBB2_25-.Ltmp18, $4  }
0x4c1: {  	s24 =	sadd.s32 $0x980, s20;
	[sflag:s16] =	ssyncadd.s32 $0xFFFFC000  }
0x4c2: {  	[tilespmem:s10], [sflag:$0x2] =	stream.indirect.gather [hbm4b:s4+s7], $0x80, s24, s7, $0xb8;
	[tilespmem:$0x1F000] =	vst v63  }
0x4c3: {  	s25 =	sadd.s32 $0x9C0, s20;
	s19 =	sadd.s32 $0x1, s19  }
0x4c4: {  	[tilespmem:s12], [sflag:$0x2] =	stream.indirect.gather [hbm4b:s4+s7], $0x80, s25, s7, $0xb8;
	[tilespmem:$0x1F000] =	vst v63  }
.LBB2_31:
0x4c5: {  	_ =	swait.ge [sflag:s16], $0x4000  }
0x4c6: {  	[sflag:s16] =	ssyncset.done $0x0  }
0x4c7: {  	[sflag:s16] =	ssyncadd.s32 $0xFFFFC000  }
0x4c8: {  	_ =	swait.ge [sflag:s0], $0x800  }
0x4c9: {  	[sflag:s0] =	ssyncset.done $0x0  }
0x4ca: {  	[sflag:s0] =	ssyncadd.s32 $0xFFFFF800  }
0x4cb: {  	_ =	swait.ge [sflag:s0], $0x800  }
0x4cc: {  	[sflag:s0] =	ssyncset.done $0x0  }
0x4cd: {  	[sflag:s0] =	ssyncadd.s32 $0xFFFFF800  }
0x4ce: {  	_ =	swait.ge [sflag:s0], $0x800  }
0x4cf: {  	[sflag:s0] =	ssyncset.done $0x0  }
0x4d0: {  	s18 =	simm.s32 $0x0;
	[sflag:s0] =	ssyncadd.s32 $0xFFFFF800  }
0x4d1: {  	[tilespmem:s28], [sflag:$0x1] =	stream.indirect.gather [hbm4b:s4+s7], $0x80, s18, s7, $0xb8;
	[tilespmem:$0x1F000] =	vst v63  }
0x4d2: {  	_ = 	snop  }
0x4d3: {  	[tilespmem:s8], [sflag:$0x1] =	stream.indirect.gather [hbm4b:s4+s7], $0x80, s7, s7, $0xb8;
	[tilespmem:$0x1F000] =	vst v63  }
0x4d4: {  	_ = 	snop  }
0x4d5: {  	[tilespmem:s10], [sflag:$0x2] =	stream.indirect.gather [hbm4b:s4+s7], $0x80, s9, s7, $0xb8;
	[tilespmem:$0x1F000] =	vst v63  }
0x4d6: {  	s19 =	simm.s32 $0x0  }
0x4d7: {  	[tilespmem:s12], [sflag:$0x2] =	stream.indirect.gather [hbm4b:s4+s7], $0x80, s11, s7, $0xb8;
	[tilespmem:$0x1F000] =	vst v63  }
.LBB2_32:
0x4d8: {  	s20 =	sshll.u32 s19, $0x8;
	v1 =	vmov s18;
	s21 =	simm.s32 $0x3  }
0x4d9: {  	_ =	swait.ge [sflag:s13], $0x2000;
	v2 =	vmov s20;
	v1 =	vand.u32 $0x7C, v1;
	v3 =	vmov s21  }
0x4da: {  	[sflag:s13] =	ssyncset.done $0x0;
	v1 =	vor.u32 v2, v1;
	v3 =	vand.u32 $0x7F, v3  }
0x4db: {  	[sflag:s13] =	ssyncadd.s32 $0xFFFFE000;
	v1 =	vbroadcast v1, $0x0;
	v3 =	vor.u32 v2, v3  }
0x4dc: {  	_ =	swait.ge [sflag:s13], $0x2000;
	v3 =	vbroadcast v3, $0x0  }
0x4dd: {  	[sflag:s13] =	ssyncset.done $0x0  }
0x4de: {  	s21 =	simm.s32 $0x3100;
	[sflag:s13] =	ssyncadd.s32 $0xFFFFE000  }
0x4df: {  	v6 =	vld [tilespmem:s21+$0xFFFFFF00]  }
0x4e0: {  	s25 =	simm.s32 $0x1;
	v7 =	vld [tilespmem:s21+$0xFFFFFF10]  }
0x4e1: {  	v5 =	vmov s25;
	v4 =	vld.idx.msk [tilespmem:v1+s31+$0x0], $0xffff  }
0x4e2: {  	v1 =	vld.idx.msk [tilespmem:v3+s31+$0x0], $0xffff;
	v3 =	vand.u32 $0x7D, v5  }
0x4e3: {  	v8 =	vld [tilespmem:s21+$0xFFFFFF20];
	v3 =	vor.u32 v2, v3  }
0x4e4: {  	v9 =	vld [tilespmem:s21+$0xFFFFFF30];
	v3 =	vbroadcast v3, $0x0  }
0x4e5: {  	v5 =	vld [tilespmem:s21+$0xF0]  }
0x4e6: {  	v10 =	vld [tilespmem:s21+$0xFFFFFF40]  }
0x4e7: {  	v11 =	vld [tilespmem:s21+$0xFFFFFF50];
	v6 =	vmul.f32 v6, v4  }
0x4e8: {  	v12 =	vld [tilespmem:s21+$0xFFFFFF60]  }
0x4e9: {  	s22 =	simm.s32 $0x2;
	v7 =	vmul.f32 v7, v4;
	[tilespmem:s21+$0xFFFFFF00] =	vst v6;
	v6 =	vld [tilespmem:s21+$0xFFFFFF70]  }
0x4ea: {  	v13 =	vmov s22;
	v5 =	vmul.f32 v5, v1;
	v14 =	vld.idx.msk [tilespmem:v3+s31+$0x0], $0xffff  }
0x4eb: {  	[tilespmem:s21+$0xFFFFFF10] =	vst v7;
	v7 =	vmul.f32 v9, v4;
	v3 =	vand.u32 $0x7E, v13;
	v13 =	vld [tilespmem:s21+$0xFFFFFF80]  }
0x4ec: {  	v9 =	vld [tilespmem:s21+$0xFFFFFFA0];
	[tilespmem:s21+$0xF0] =	vst v5;
	v5 =	vmul.f32 v8, v4;
	v3 =	vor.u32 v2, v3  }
0x4ed: {  	v8 =	vld [tilespmem:s21+$0xFFFFFF90];
	[tilespmem:s21+$0xFFFFFF30] =	vst v7;
	v7 =	vmul.f32 v11, v4;
	v3 =	vbroadcast v3, $0x0  }
0x4ee: {  	v11 =	vld [tilespmem:s21+$0xFFFFFFC0];
	[tilespmem:s21+$0xFFFFFF20] =	vst v5;
	v5 =	vmul.f32 v10, v4  }
0x4ef: {  	v12 =	vmul.f32 v12, v4;
	v10 =	vld [tilespmem:s21+$0xFFFFFFB0];
	[tilespmem:s21+$0xFFFFFF50] =	vst v7;
	v4 =	vmul.f32 v6, v4  }
0x4f0: {  	v7 =	vld [tilespmem:s21+$0xFFFFFFE0];
	[tilespmem:s21+$0xFFFFFF40] =	vst v5;
	v5 =	vmul.f32 v13, v14  }
0x4f1: {  	v13 =	vld [tilespmem:s21+$0xFFFFFFD0];
	[tilespmem:s21+$0xFFFFFF70] =	vst v4  }
0x4f2: {  	v4 =	vmul.f32 v9, v14;
	[tilespmem:s21+$0xFFFFFF80] =	vst v5;
	v5 =	vmul.f32 v8, v14;
	v8 =	vld [tilespmem:s21+$0x0]  }
0x4f3: {  	[tilespmem:s21+$0xFFFFFF60] =	vst v12;
	v3 =	vld.idx.msk [tilespmem:v3+s31+$0x0], $0xffff  }
0x4f4: {  	v6 =	vld [tilespmem:s21+$0xFFFFFFF0];
	[tilespmem:s21+$0xFFFFFFA0] =	vst v4;
	v4 =	vmul.f32 v11, v14  }
0x4f5: {  	v9 =	vld [tilespmem:s21+$0x10];
	[tilespmem:s21+$0xFFFFFF90] =	vst v5;
	v5 =	vmul.f32 v10, v14  }
0x4f6: {  	s23 =	simm.s32 $0x4;
	v7 =	vmul.f32 v7, v14;
	v10 =	vld [tilespmem:s21+$0x20];
	[tilespmem:s21+$0xFFFFFFC0] =	vst v4  }
0x4f7: {  	v12 =	vmov s23;
	v11 =	vld [tilespmem:s21+$0x30];
	[tilespmem:s21+$0xFFFFFFB0] =	vst v5;
	v5 =	vmul.f32 v13, v14  }
0x4f8: {  	v12 =	vand.u32 $0x7C, v12;
	v4 =	vld [tilespmem:s21+$0x40];
	[tilespmem:s21+$0xFFFFFFE0] =	vst v7;
	v8 =	vmul.f32 v8, v3  }
0x4f9: {  	s24 =	simm.s32 $0x5;
	s25 =	simm.s32 $0x6;
	v7 =	vor.u32 v2, v12;
	v13 =	vmul.f32 v6, v14;
	[tilespmem:s21+$0xFFFFFFD0] =	vst v5;
	v5 =	vld [tilespmem:s21+$0x50]  }
0x4fa: {  	v14 =	vmov s24;
	v6 =	vld [tilespmem:s21+$0x60];
	v9 =	vmul.f32 v9, v3;
	[tilespmem:s21+$0x0] =	vst v8;
	v8 =	vmov s25  }
0x4fb: {  	s20 =	sshll.u32 s19, $0x1;
	[tilespmem:s21+$0xFFFFFFF0] =	vst v13;
	v13 =	vand.u32 $0x7D, v14;
	v10 =	vmul.f32 v10, v3;
	v12 =	vand.u32 $0x7E, v8;
	v8 =	vld [tilespmem:s21+$0x70]  }
0x4fc: {  	s22 =	simm.s32 $0x3100;
	s23 =	simm.s32 $0x8;
	v7 =	vbroadcast v7, $0x0;
	s24 =	simm.s32 $0x7;
	v11 =	vmul.f32 v11, v3;
	v13 =	vor.u32 v2, v13;
	[tilespmem:s21+$0x10] =	vst v9;
	v9 =	vld [tilespmem:s21+$0x80]  }
.LBB2_33:
0x4fd: {  	p0 =	slt.u32 s23, $0x7C;
	v12 =	vor.u32 v2, v12;
	v14 =	vmov s24;
	[tilespmem:s21+$0x20] =	vst v10;
	v4 =	vmul.f32 v4, v3;
	v10 =	vld [tilespmem:s21+$0x90]  }
0x4fe: {  	v13 =	vbroadcast v13, $0x0;
	v14 =	vand.u32 $0x7F, v14;
	[tilespmem:s21+$0x30] =	vst v11;
	v5 =	vmul.f32 v5, v3;
	v11 =	vld [tilespmem:s21+$0xA0]  }
0x4ff: {  	v12 =	vbroadcast v12, $0x0;
	v14 =	vor.u32 v2, v14;
	[tilespmem:s21+$0x40] =	vst v4;
	v4 =	vmul.f32 v6, v3;
	v6 =	vld [tilespmem:s21+$0xB0]  }
0x500: {  	v14 =	vbroadcast v14, $0x0;
	[tilespmem:s21+$0x50] =	vst v5;
	v3 =	vmul.f32 v8, v3;
	v5 =	vld [tilespmem:s21+$0xC0]  }
0x501: {  	[tilespmem:s21+$0x60] =	vst v4;
	v4 =	vmul.f32 v9, v1;
	v8 =	vld [tilespmem:s21+$0xD0]  }
0x502: {  	[tilespmem:s21+$0x70] =	vst v3;
	v3 =	vmul.f32 v10, v1;
	v9 =	vld [tilespmem:s21+$0xE0]  }
0x503: {  	v7 =	vld.idx.msk [tilespmem:v7+s31+$0x0], $0xffff;
	[tilespmem:s21+$0x80] =	vst v4;
	v4 =	vmul.f32 v11, v1  }
0x504: {  	v10 =	vld.idx.msk [tilespmem:v13+s31+$0x0], $0xffff;
	[tilespmem:s21+$0x90] =	vst v3;
	v6 =	vmul.f32 v6, v1  }
0x505: {  	v3 =	vld.idx.msk [tilespmem:v12+s31+$0x0], $0xffff;
	[tilespmem:s21+$0xA0] =	vst v4;
	v4 =	vmul.f32 v5, v1  }
0x506: {  	s21 =	sadd.s32 $0x200, s21;
	v5 =	vld.idx.msk [tilespmem:v14+s31+$0x0], $0xffff;
	[tilespmem:s22+$0xB0] =	vst v6;
	v6 =	vmul.f32 v8, v1  }
0x507: {  	v8 =	vld [tilespmem:s21+$0xF0];
	[tilespmem:s22+$0xC0] =	vst v4;
	v1 =	vmul.f32 v9, v1  }
0x508: {  	v4 =	vld [tilespmem:s21+$0xFFFFFF00];
	[tilespmem:s22+$0xD0] =	vst v6  }
0x509: {  	v6 =	vld [tilespmem:s21+$0xFFFFFF10];
	[tilespmem:s22+$0xE0] =	vst v1;
	s22 =	smov.u32 s21  }
0x50a: {  	v9 =	vld [tilespmem:s21+$0xFFFFFF20]  }
0x50b: {  	v11 =	vld [tilespmem:s21+$0xFFFFFF30]  }
0x50c: {  	v1 =	vmov v5;
	v12 =	vld [tilespmem:s21+$0xFFFFFF40];
	v8 =	vmul.f32 v8, v5  }
0x50d: {  	v4 =	vmul.f32 v4, v7;
	v5 =	vld [tilespmem:s21+$0xFFFFFF50]  }
0x50e: {  	v6 =	vmul.f32 v6, v7;
	v13 =	vld [tilespmem:s21+$0xFFFFFF60];
	[tilespmem:s21+$0xF0] =	vst v8  }
0x50f: {  	[tilespmem:s21+$0xFFFFFF00] =	vst v4;
	v4 =	vmul.f32 v9, v7;
	v8 =	vld [tilespmem:s21+$0xFFFFFF70]  }
0x510: {  	[tilespmem:s21+$0xFFFFFF10] =	vst v6;
	v6 =	vmul.f32 v11, v7;
	v9 =	vld [tilespmem:s21+$0xFFFFFF80]  }
0x511: {  	[tilespmem:s21+$0xFFFFFF20] =	vst v4;
	v4 =	vmul.f32 v12, v7;
	v11 =	vld [tilespmem:s21+$0xFFFFFF90]  }
0x512: {  	[tilespmem:s21+$0xFFFFFF30] =	vst v6;
	v5 =	vmul.f32 v5, v7;
	v6 =	vld [tilespmem:s21+$0xFFFFFFA0]  }
0x513: {  	[tilespmem:s21+$0xFFFFFF40] =	vst v4;
	v4 =	vmul.f32 v13, v7;
	v12 =	vld [tilespmem:s21+$0xFFFFFFB0]  }
0x514: {  	[tilespmem:s21+$0xFFFFFF50] =	vst v5;
	v5 =	vmul.f32 v8, v7;
	v7 =	vld [tilespmem:s21+$0xFFFFFFC0]  }
0x515: {  	[tilespmem:s21+$0xFFFFFF60] =	vst v4;
	v4 =	vmul.f32 v9, v10;
	v8 =	vld [tilespmem:s21+$0xFFFFFFD0]  }
0x516: {  	[tilespmem:s21+$0xFFFFFF70] =	vst v5;
	v5 =	vmul.f32 v11, v10;
	v9 =	vld [tilespmem:s21+$0xFFFFFFE0]  }
0x517: {  	[tilespmem:s21+$0xFFFFFF80] =	vst v4;
	v4 =	vmul.f32 v6, v10;
	v6 =	vld [tilespmem:s21+$0xFFFFFFF0]  }
0x518: {  	[tilespmem:s21+$0xFFFFFF90] =	vst v5;
	v5 =	vmul.f32 v12, v10;
	v11 =	vld [tilespmem:s21+$0x0]  }
0x519: {  	[tilespmem:s21+$0xFFFFFFA0] =	vst v4;
	v4 =	vmul.f32 v7, v10;
	v7 =	vld [tilespmem:s21+$0x10]  }
0x51a: {  	[tilespmem:s21+$0xFFFFFFB0] =	vst v5;
	v5 =	vmul.f32 v8, v10;
	v8 =	vld [tilespmem:s21+$0x20]  }
0x51b: {  	[tilespmem:s21+$0xFFFFFFC0] =	vst v4;
	v9 =	vmul.f32 v9, v10;
	v14 =	vld [tilespmem:s21+$0x30]  }
.Ltmp19:
0x51c: {  	s24 =	sadd.s32 $0x1, s23;
	v12 =	vmov s23;
	[tilespmem:s21+$0xFFFFFFD0] =	vst v5;
	v6 =	vmul.f32 v6, v10;
	v4 =	vld [tilespmem:s21+$0x40];
	(pc) =	sbr.rel @p0 .LBB2_33-.Ltmp19, $4  }
0x51d: {  	v10 =	vand.u32 $0x7C, v12;
	v12 =	vmov s24;
	s24 =	sadd.s32 $0x2, s23;
	[tilespmem:s21+$0xFFFFFFE0] =	vst v9;
	v9 =	vmul.f32 v11, v3;
	v5 =	vld [tilespmem:s21+$0x50]  }
0x51e: {  	v11 =	vor.u32 v2, v10;
	v10 =	vmov s24;
	[tilespmem:s21+$0xFFFFFFF0] =	vst v6;
	v15 =	vmul.f32 v7, v3;
	v6 =	vld [tilespmem:s21+$0x60]  }
0x51f: {  	v13 =	vand.u32 $0x7D, v12;
	v12 =	vand.u32 $0x7E, v10;
	[tilespmem:s21+$0x0] =	vst v9;
	v10 =	vmul.f32 v8, v3;
	v8 =	vld [tilespmem:s21+$0x70]  }
0x520: {  	s24 =	sadd.s32 $0x3, s23;
	s23 =	sadd.s32 $0x4, s23;
	v7 =	vbroadcast v11, $0x0;
	v13 =	vor.u32 v2, v13;
	[tilespmem:s21+$0x10] =	vst v15;
	v11 =	vmul.f32 v14, v3;
	v9 =	vld [tilespmem:s21+$0x80]  }
0x521: {  	v15 =	vld [tilespmem:s21+$0x90]  }
0x522: {  	v16 =	vld [tilespmem:s21+$0xA0]  }
0x523: {  	v14 =	vmov s24;
	v12 =	vor.u32 v2, v12;
	v17 =	vld [tilespmem:s21+$0xC0]  }
0x524: {  	v13 =	vbroadcast v13, $0x0;
	[tilespmem:s21+$0x20] =	vst v10;
	v4 =	vmul.f32 v4, v3;
	v10 =	vld [tilespmem:s21+$0xD0];
	v14 =	vand.u32 $0x7F, v14  }
0x525: {  	v12 =	vbroadcast v12, $0x0;
	[tilespmem:s21+$0x30] =	vst v11;
	v5 =	vmul.f32 v5, v3;
	v11 =	vld [tilespmem:s21+$0xE0];
	v2 =	vor.u32 v2, v14  }
0x526: {  	v14 =	vld [tilespmem:s21+$0xB0];
	[tilespmem:s21+$0x40] =	vst v4;
	v4 =	vmul.f32 v6, v3;
	v2 =	vbroadcast v2, $0x0  }
0x527: {  	s23 =	sadd.s32 $0x200, s21;
	v6 =	vld.idx.msk [tilespmem:v7+s31+$0x0], $0xffff;
	[tilespmem:s21+$0x50] =	vst v5;
	v3 =	vmul.f32 v8, v3  }
0x528: {  	v8 =	vld [tilespmem:s23+$0xF0];
	[tilespmem:s21+$0x60] =	vst v4;
	v4 =	vmul.f32 v9, v1  }
0x529: {  	v9 =	vld [tilespmem:s23+$0xFFFFFF00];
	[tilespmem:s21+$0x70] =	vst v3;
	v3 =	vmul.f32 v15, v1  }
0x52a: {  	v5 =	vld.idx.msk [tilespmem:v13+s31+$0x0], $0xffff;
	[tilespmem:s21+$0x80] =	vst v4;
	v4 =	vmul.f32 v16, v1  }
0x52b: {  	v7 =	vld.idx.msk [tilespmem:v12+s31+$0x0], $0xffff;
	[tilespmem:s21+$0x90] =	vst v3;
	v3 =	vmul.f32 v14, v1  }
0x52c: {  	[tilespmem:s21+$0xA0] =	vst v4;
	v4 =	vmul.f32 v17, v1;
	v2 =	vld.idx.msk [tilespmem:v2+s31+$0x0], $0xffff  }
0x52d: {  	v12 =	vld [tilespmem:s23+$0xFFFFFF10];
	[tilespmem:s22+$0xB0] =	vst v3;
	v3 =	vmul.f32 v10, v1  }
0x52e: {  	v10 =	vld [tilespmem:s23+$0xFFFFFF20];
	v1 =	vmul.f32 v11, v1;
	[tilespmem:s22+$0xC0] =	vst v4  }
0x52f: {  	v4 =	vld [tilespmem:s23+$0xFFFFFF30];
	[tilespmem:s22+$0xD0] =	vst v3  }
0x530: {  	v3 =	vld [tilespmem:s23+$0xFFFFFF40];
	[tilespmem:s22+$0xE0] =	vst v1;
	v1 =	vmul.f32 v9, v6  }
0x531: {  	v9 =	vld [tilespmem:s23+$0xFFFFFF50];
	v8 =	vmul.f32 v8, v2  }
0x532: {  	v11 =	vmul.f32 v12, v6;
	v12 =	vld [tilespmem:s23+$0xFFFFFF60];
	[tilespmem:s23+$0xFFFFFF00] =	vst v1  }
0x533: {  	v1 =	vmul.f32 v10, v6;
	[tilespmem:s23+$0xF0] =	vst v8;
	v8 =	vld [tilespmem:s23+$0xFFFFFF70]  }
0x534: {  	[tilespmem:s23+$0xFFFFFF10] =	vst v11;
	v10 =	vld [tilespmem:s23+$0xFFFFFF80];
	v4 =	vmul.f32 v4, v6  }
0x535: {  	[tilespmem:s23+$0xFFFFFF20] =	vst v1;
	v1 =	vmul.f32 v3, v6;
	v3 =	vld [tilespmem:s23+$0xFFFFFF90]  }
0x536: {  	[tilespmem:s23+$0xFFFFFF30] =	vst v4;
	v4 =	vmul.f32 v9, v6;
	v9 =	vld [tilespmem:s23+$0xFFFFFFA0]  }
0x537: {  	v11 =	vld [tilespmem:s23+$0xFFFFFFB0];
	[tilespmem:s23+$0xFFFFFF40] =	vst v1;
	v1 =	vmul.f32 v12, v6  }
0x538: {  	[tilespmem:s23+$0xFFFFFF50] =	vst v4;
	v4 =	vmul.f32 v8, v6;
	v6 =	vld [tilespmem:s23+$0xFFFFFFC0]  }
0x539: {  	[tilespmem:s23+$0xFFFFFF60] =	vst v1;
	v1 =	vmul.f32 v10, v5;
	v8 =	vld [tilespmem:s23+$0xFFFFFFD0]  }
0x53a: {  	v3 =	vmul.f32 v3, v5;
	[tilespmem:s23+$0xFFFFFF70] =	vst v4;
	v4 =	vld [tilespmem:s23+$0xFFFFFFE0]  }
0x53b: {  	[tilespmem:s23+$0xFFFFFF80] =	vst v1;
	v1 =	vmul.f32 v9, v5;
	v9 =	vld [tilespmem:s23+$0xFFFFFFF0]  }
0x53c: {  	v10 =	vld [tilespmem:s23+$0x0];
	[tilespmem:s23+$0xFFFFFF90] =	vst v3;
	v3 =	vmul.f32 v11, v5  }
0x53d: {  	[tilespmem:s23+$0xFFFFFFA0] =	vst v1;
	v1 =	vmul.f32 v6, v5;
	v6 =	vld [tilespmem:s23+$0x10]  }
0x53e: {  	[tilespmem:s23+$0xFFFFFFB0] =	vst v3;
	v3 =	vmul.f32 v8, v5;
	v8 =	vld [tilespmem:s23+$0x20]  }
0x53f: {  	[tilespmem:s23+$0xFFFFFFC0] =	vst v1;
	v1 =	vmul.f32 v4, v5;
	v4 =	vld [tilespmem:s23+$0x30]  }
0x540: {  	[tilespmem:s23+$0xFFFFFFD0] =	vst v3;
	v3 =	vmul.f32 v9, v5;
	v5 =	vld [tilespmem:s23+$0x40]  }
0x541: {  	v9 =	vld [tilespmem:s23+$0x50];
	[tilespmem:s23+$0xFFFFFFE0] =	vst v1;
	v1 =	vmul.f32 v10, v7  }
0x542: {  	[tilespmem:s23+$0xFFFFFFF0] =	vst v3;
	v3 =	vmul.f32 v6, v7;
	v6 =	vld [tilespmem:s23+$0x60]  }
0x543: {  	[tilespmem:s23+$0x0] =	vst v1;
	v1 =	vmul.f32 v8, v7;
	v8 =	vld [tilespmem:s23+$0x70]  }
0x544: {  	[tilespmem:s23+$0x10] =	vst v3;
	v3 =	vmul.f32 v4, v7;
	v4 =	vld [tilespmem:s23+$0x80]  }
0x545: {  	[tilespmem:s23+$0x20] =	vst v1;
	v1 =	vmul.f32 v5, v7;
	v5 =	vld [tilespmem:s23+$0x90]  }
0x546: {  	[tilespmem:s23+$0x30] =	vst v3;
	v3 =	vmul.f32 v9, v7;
	v9 =	vld [tilespmem:s23+$0xA0]  }
0x547: {  	[tilespmem:s23+$0x40] =	vst v1;
	v1 =	vmul.f32 v6, v7;
	v6 =	vld [tilespmem:s23+$0xB0]  }
0x548: {  	[tilespmem:s23+$0x50] =	vst v3;
	v3 =	vmul.f32 v8, v7;
	v7 =	vld [tilespmem:s23+$0xC0]  }
0x549: {  	[tilespmem:s23+$0x60] =	vst v1;
	v1 =	vmul.f32 v4, v2;
	v4 =	vld [tilespmem:s23+$0xD0]  }
0x54a: {  	[tilespmem:s23+$0x70] =	vst v3;
	v3 =	vmul.f32 v5, v2;
	v5 =	vld [tilespmem:s23+$0xE0]  }
0x54b: {  	[tilespmem:s23+$0x80] =	vst v1;
	v1 =	vmul.f32 v9, v2  }
0x54c: {  	[tilespmem:s23+$0x90] =	vst v3;
	v3 =	vmul.f32 v6, v2  }
0x54d: {  	[tilespmem:s23+$0xA0] =	vst v1;
	v1 =	vmul.f32 v7, v2  }
0x54e: {  	[tilespmem:s23+$0xB0] =	vst v3;
	v3 =	vmul.f32 v4, v2  }
0x54f: {  	s24 =	sor.u32 $0x1, s20;
	s25 =	simm.s32 $0x0;
	s22 =	sshll.u32 s19, $0xA;
	[tilespmem:s23+$0xC0] =	vst v1;
	v1 =	vmul.f32 v5, v2  }
0x550: {  	s21 =	sshll.u32 s24, $0x7;
	s20 =	sshrl.u32 s22, $0x2;
	[tilespmem:s23+$0xD0] =	vst v3;
	v3 =	vmov s25  }
0x551: {  	s24 =	sadd.s32 $0x1000, s20;
	v2 =	vmov s21;
	[tilespmem:s23+$0xE0] =	vst v1;
	v1 =	vand.u32 $0x7C, v3  }
0x552: {  	[spmem:s1] =	stream.indirect.scatter.add.f32 [tilespmem:s28], [sflag:$0x3], $0x80, s24, s9, $0xb8;
	v1 =	vor.u32 v2, v1;
	[tilespmem:$0x1F000] =	vst v63  }
0x553: {  	s25 =	simm.s32 $0x3;
	_ =	swait.ge [sflag:s14], $0x2000;
	v1 =	vbroadcast v1, $0x0  }
0x554: {  	v3 =	vmov s25;
	[sflag:s14] =	ssyncset.done $0x0  }
0x555: {  	v3 =	vand.u32 $0x7F, v3;
	[sflag:s14] =	ssyncadd.s32 $0xFFFFE000  }
0x556: {  	v3 =	vor.u32 v2, v3;
	_ =	swait.ge [sflag:s14], $0x2000  }
0x557: {  	v3 =	vbroadcast v3, $0x0;
	[sflag:s14] =	ssyncset.done $0x0  }
0x558: {  	[sflag:s14] =	ssyncadd.s32 $0xFFFFE000  }
0x559: {  	s22 =	simm.s32 $0x7100;
	v4 =	vld.idx.msk [tilespmem:v1+s31+$0x0], $0xffff  }
0x55a: {  	v6 =	vld [tilespmem:s22+$0xFFFFFF00]  }
0x55b: {  	s25 =	simm.s32 $0x1;
	v7 =	vld [tilespmem:s22+$0xFFFFFF10]  }
0x55c: {  	v5 =	vmov s25;
	v8 =	vld [tilespmem:s22+$0xFFFFFF20]  }
0x55d: {  	v1 =	vld.idx.msk [tilespmem:v3+s31+$0x0], $0xffff;
	v3 =	vand.u32 $0x7D, v5  }
0x55e: {  	v9 =	vld [tilespmem:s22+$0xFFFFFF30];
	v3 =	vor.u32 v2, v3  }
0x55f: {  	v12 =	vld [tilespmem:s22+$0xFFFFFF60];
	v3 =	vbroadcast v3, $0x0  }
0x560: {  	v5 =	vld [tilespmem:s22+$0xF0]  }
0x561: {  	v10 =	vld [tilespmem:s22+$0xFFFFFF40];
	v6 =	vmul.f32 v6, v4  }
0x562: {  	v11 =	vld [tilespmem:s22+$0xFFFFFF50];
	v7 =	vmul.f32 v7, v4  }
0x563: {  	[tilespmem:s22+$0xFFFFFF00] =	vst v6;
	v6 =	vld [tilespmem:s22+$0xFFFFFF70]  }
0x564: {  	s24 =	simm.s32 $0x2;
	v12 =	vmul.f32 v12, v4;
	[tilespmem:s22+$0xFFFFFF10] =	vst v7;
	v7 =	vmul.f32 v9, v4;
	v9 =	vld [tilespmem:s22+$0xFFFFFFA0]  }
0x565: {  	v13 =	vmov s24;
	v5 =	vmul.f32 v5, v1;
	v14 =	vld.idx.msk [tilespmem:v3+s31+$0x0], $0xffff  }
0x566: {  	[tilespmem:s22+$0xFFFFFF60] =	vst v12;
	v3 =	vand.u32 $0x7E, v13;
	v13 =	vld [tilespmem:s22+$0xFFFFFF80]  }
0x567: {  	[tilespmem:s22+$0xF0] =	vst v5;
	v5 =	vmul.f32 v8, v4;
	v8 =	vld [tilespmem:s22+$0xFFFFFF90];
	v3 =	vor.u32 v2, v3  }
0x568: {  	[tilespmem:s22+$0xFFFFFF30] =	vst v7;
	v7 =	vmul.f32 v11, v4;
	v11 =	vld [tilespmem:s22+$0xFFFFFFC0];
	v3 =	vbroadcast v3, $0x0  }
0x569: {  	[tilespmem:s22+$0xFFFFFF20] =	vst v5;
	v5 =	vmul.f32 v10, v4;
	v10 =	vld [tilespmem:s22+$0xFFFFFFB0]  }
0x56a: {  	[tilespmem:s22+$0xFFFFFF50] =	vst v7;
	v7 =	vld [tilespmem:s22+$0xFFFFFFE0];
	v4 =	vmul.f32 v6, v4  }
0x56b: {  	[tilespmem:s22+$0xFFFFFF40] =	vst v5;
	v6 =	vld [tilespmem:s22+$0xFFFFFFF0];
	v5 =	vmul.f32 v13, v14  }
0x56c: {  	v13 =	vld [tilespmem:s22+$0xFFFFFFD0];
	[tilespmem:s22+$0xFFFFFF70] =	vst v4;
	v4 =	vmul.f32 v9, v14  }
0x56d: {  	[tilespmem:s22+$0xFFFFFF80] =	vst v5;
	v5 =	vmul.f32 v8, v14;
	v8 =	vld [tilespmem:s22+$0x0]  }
0x56e: {  	[tilespmem:s22+$0xFFFFFFA0] =	vst v4;
	v4 =	vmul.f32 v11, v14;
	v3 =	vld.idx.msk [tilespmem:v3+s31+$0x0], $0xffff  }
0x56f: {  	v9 =	vld [tilespmem:s22+$0x10];
	[tilespmem:s22+$0xFFFFFF90] =	vst v5;
	v5 =	vmul.f32 v10, v14  }
0x570: {  	s25 =	simm.s32 $0x4;
	v7 =	vmul.f32 v7, v14;
	v10 =	vld [tilespmem:s22+$0x20];
	[tilespmem:s22+$0xFFFFFFC0] =	vst v4  }
0x571: {  	v12 =	vmov s25;
	v11 =	vld [tilespmem:s22+$0x30];
	[tilespmem:s22+$0xFFFFFFB0] =	vst v5;
	v5 =	vmul.f32 v13, v14  }
0x572: {  	v12 =	vand.u32 $0x7C, v12;
	v4 =	vld [tilespmem:s22+$0x40];
	[tilespmem:s22+$0xFFFFFFE0] =	vst v7;
	v13 =	vmul.f32 v6, v14  }
0x573: {  	s24 =	simm.s32 $0x5;
	s25 =	simm.s32 $0x6;
	v7 =	vor.u32 v2, v12;
	[tilespmem:s22+$0xFFFFFFD0] =	vst v5;
	v8 =	vmul.f32 v8, v3;
	v5 =	vld [tilespmem:s22+$0x50]  }
0x574: {  	v12 =	vmov s25;
	v14 =	vmov s24;
	v6 =	vld [tilespmem:s22+$0x60];
	v9 =	vmul.f32 v9, v3;
	[tilespmem:s22+$0xFFFFFFF0] =	vst v13  }
0x575: {  	v12 =	vand.u32 $0x7E, v12;
	v13 =	vand.u32 $0x7D, v14;
	v10 =	vmul.f32 v10, v3;
	[tilespmem:s22+$0x0] =	vst v8;
	v8 =	vld [tilespmem:s22+$0x70]  }
0x576: {  	s23 =	simm.s32 $0x7100;
	s25 =	simm.s32 $0x7;
	v7 =	vbroadcast v7, $0x0;
	s24 =	simm.s32 $0x8;
	v11 =	vmul.f32 v11, v3;
	v13 =	vor.u32 v2, v13;
	[tilespmem:s22+$0x10] =	vst v9;
	v9 =	vld [tilespmem:s22+$0x80]  }
.LBB2_35:
0x577: {  	p0 =	slt.u32 s24, $0x7C;
	v12 =	vor.u32 v2, v12;
	v14 =	vmov s25;
	[tilespmem:s22+$0x20] =	vst v10;
	v4 =	vmul.f32 v4, v3;
	v10 =	vld [tilespmem:s22+$0x90]  }
0x578: {  	v13 =	vbroadcast v13, $0x0;
	v14 =	vand.u32 $0x7F, v14;
	[tilespmem:s22+$0x30] =	vst v11;
	v5 =	vmul.f32 v5, v3;
	v11 =	vld [tilespmem:s22+$0xA0]  }
0x579: {  	v12 =	vbroadcast v12, $0x0;
	v14 =	vor.u32 v2, v14;
	[tilespmem:s22+$0x40] =	vst v4;
	v4 =	vmul.f32 v6, v3;
	v6 =	vld [tilespmem:s22+$0xB0]  }
0x57a: {  	v14 =	vbroadcast v14, $0x0;
	[tilespmem:s22+$0x50] =	vst v5;
	v3 =	vmul.f32 v8, v3;
	v5 =	vld [tilespmem:s22+$0xC0]  }
0x57b: {  	[tilespmem:s22+$0x60] =	vst v4;
	v4 =	vmul.f32 v9, v1;
	v8 =	vld [tilespmem:s22+$0xD0]  }
0x57c: {  	[tilespmem:s22+$0x70] =	vst v3;
	v3 =	vmul.f32 v10, v1;
	v9 =	vld [tilespmem:s22+$0xE0]  }
0x57d: {  	v7 =	vld.idx.msk [tilespmem:v7+s31+$0x0], $0xffff;
	[tilespmem:s22+$0x80] =	vst v4;
	v4 =	vmul.f32 v11, v1  }
0x57e: {  	v10 =	vld.idx.msk [tilespmem:v13+s31+$0x0], $0xffff;
	[tilespmem:s22+$0x90] =	vst v3;
	v6 =	vmul.f32 v6, v1  }
0x57f: {  	v3 =	vld.idx.msk [tilespmem:v12+s31+$0x0], $0xffff;
	[tilespmem:s22+$0xA0] =	vst v4;
	v4 =	vmul.f32 v5, v1  }
0x580: {  	s22 =	sadd.s32 $0x200, s22;
	v5 =	vld.idx.msk [tilespmem:v14+s31+$0x0], $0xffff;
	[tilespmem:s23+$0xB0] =	vst v6;
	v6 =	vmul.f32 v8, v1  }
0x581: {  	v8 =	vld [tilespmem:s22+$0xF0];
	[tilespmem:s23+$0xC0] =	vst v4;
	v1 =	vmul.f32 v9, v1  }
0x582: {  	v4 =	vld [tilespmem:s22+$0xFFFFFF00];
	[tilespmem:s23+$0xD0] =	vst v6  }
0x583: {  	v6 =	vld [tilespmem:s22+$0xFFFFFF10];
	[tilespmem:s23+$0xE0] =	vst v1;
	s23 =	smov.u32 s22  }
0x584: {  	v9 =	vld [tilespmem:s22+$0xFFFFFF20]  }
0x585: {  	v11 =	vld [tilespmem:s22+$0xFFFFFF30]  }
0x586: {  	v1 =	vmov v5;
	v12 =	vld [tilespmem:s22+$0xFFFFFF40];
	v8 =	vmul.f32 v8, v5  }
0x587: {  	v4 =	vmul.f32 v4, v7;
	v5 =	vld [tilespmem:s22+$0xFFFFFF50]  }
0x588: {  	v6 =	vmul.f32 v6, v7;
	v13 =	vld [tilespmem:s22+$0xFFFFFF60];
	[tilespmem:s22+$0xF0] =	vst v8  }
0x589: {  	[tilespmem:s22+$0xFFFFFF00] =	vst v4;
	v4 =	vmul.f32 v9, v7;
	v8 =	vld [tilespmem:s22+$0xFFFFFF70]  }
0x58a: {  	[tilespmem:s22+$0xFFFFFF10] =	vst v6;
	v6 =	vmul.f32 v11, v7;
	v9 =	vld [tilespmem:s22+$0xFFFFFF80]  }
0x58b: {  	[tilespmem:s22+$0xFFFFFF20] =	vst v4;
	v4 =	vmul.f32 v12, v7;
	v11 =	vld [tilespmem:s22+$0xFFFFFF90]  }
0x58c: {  	[tilespmem:s22+$0xFFFFFF30] =	vst v6;
	v5 =	vmul.f32 v5, v7;
	v6 =	vld [tilespmem:s22+$0xFFFFFFA0]  }
0x58d: {  	[tilespmem:s22+$0xFFFFFF40] =	vst v4;
	v4 =	vmul.f32 v13, v7;
	v12 =	vld [tilespmem:s22+$0xFFFFFFB0]  }
0x58e: {  	[tilespmem:s22+$0xFFFFFF50] =	vst v5;
	v5 =	vmul.f32 v8, v7;
	v7 =	vld [tilespmem:s22+$0xFFFFFFC0]  }
0x58f: {  	[tilespmem:s22+$0xFFFFFF60] =	vst v4;
	v4 =	vmul.f32 v9, v10;
	v8 =	vld [tilespmem:s22+$0xFFFFFFD0]  }
0x590: {  	[tilespmem:s22+$0xFFFFFF70] =	vst v5;
	v5 =	vmul.f32 v11, v10;
	v9 =	vld [tilespmem:s22+$0xFFFFFFE0]  }
0x591: {  	[tilespmem:s22+$0xFFFFFF80] =	vst v4;
	v4 =	vmul.f32 v6, v10;
	v6 =	vld [tilespmem:s22+$0xFFFFFFF0]  }
0x592: {  	[tilespmem:s22+$0xFFFFFF90] =	vst v5;
	v5 =	vmul.f32 v12, v10;
	v11 =	vld [tilespmem:s22+$0x0]  }
0x593: {  	[tilespmem:s22+$0xFFFFFFA0] =	vst v4;
	v4 =	vmul.f32 v7, v10;
	v7 =	vld [tilespmem:s22+$0x10]  }
0x594: {  	[tilespmem:s22+$0xFFFFFFB0] =	vst v5;
	v5 =	vmul.f32 v8, v10;
	v8 =	vld [tilespmem:s22+$0x20]  }
0x595: {  	[tilespmem:s22+$0xFFFFFFC0] =	vst v4;
	v9 =	vmul.f32 v9, v10;
	v14 =	vld [tilespmem:s22+$0x30]  }
.Ltmp20:
0x596: {  	s25 =	sadd.s32 $0x1, s24;
	v12 =	vmov s24;
	[tilespmem:s22+$0xFFFFFFD0] =	vst v5;
	v6 =	vmul.f32 v6, v10;
	v4 =	vld [tilespmem:s22+$0x40];
	(pc) =	sbr.rel @p0 .LBB2_35-.Ltmp20, $4  }
0x597: {  	v10 =	vand.u32 $0x7C, v12;
	v12 =	vmov s25;
	s25 =	sadd.s32 $0x2, s24;
	[tilespmem:s22+$0xFFFFFFE0] =	vst v9;
	v9 =	vmul.f32 v11, v3;
	v5 =	vld [tilespmem:s22+$0x50]  }
0x598: {  	v11 =	vor.u32 v2, v10;
	v10 =	vmov s25;
	[tilespmem:s22+$0xFFFFFFF0] =	vst v6;
	v15 =	vmul.f32 v7, v3;
	v6 =	vld [tilespmem:s22+$0x60]  }
0x599: {  	v13 =	vand.u32 $0x7D, v12;
	v12 =	vand.u32 $0x7E, v10;
	[tilespmem:s22+$0x0] =	vst v9;
	v10 =	vmul.f32 v8, v3;
	v8 =	vld [tilespmem:s22+$0x70]  }
0x59a: {  	s25 =	sadd.s32 $0x3, s24;
	s24 =	sadd.s32 $0x4, s24;
	v7 =	vbroadcast v11, $0x0;
	v13 =	vor.u32 v2, v13;
	[tilespmem:s22+$0x10] =	vst v15;
	v11 =	vmul.f32 v14, v3;
	v9 =	vld [tilespmem:s22+$0x80]  }
0x59b: {  	v15 =	vld [tilespmem:s22+$0x90]  }
0x59c: {  	v16 =	vld [tilespmem:s22+$0xA0]  }
0x59d: {  	v21 =	vld [tilespmem:s22+$0xB0]  }
0x59e: {  	v17 =	vld [tilespmem:s22+$0xC0]  }
0x59f: {  	[tilespmem:s22+$0x20] =	vst v10;
	v4 =	vmul.f32 v4, v3;
	v22 =	vld [tilespmem:s22+$0xD0]  }
0x5a0: {  	v23 =	vld [tilespmem:s22+$0xE0];
	[tilespmem:s22+$0x30] =	vst v11;
	v5 =	vmul.f32 v5, v3  }
0x5a1: {  	s24 =	sadd.s32 $0x200, s22;
	v25 =	vld.idx.msk [tilespmem:v7+s31+$0x0], $0xffff;
	[tilespmem:s22+$0x40] =	vst v4;
	v24 =	vmul.f32 v6, v3  }
0x5a2: {  	v30 =	vld [tilespmem:s24+$0xF0];
	[tilespmem:s22+$0x50] =	vst v5;
	v3 =	vmul.f32 v8, v3  }
0x5a3: {  	v31 =	vld [tilespmem:s24+$0xFFFFFF00];
	[tilespmem:s22+$0x60] =	vst v24;
	v27 =	vmul.f32 v9, v1  }
0x5a4: {  	v14 =	vmov s25;
	v33 =	vld [tilespmem:s24+$0xFFFFFF10];
	[tilespmem:s22+$0x70] =	vst v3;
	v3 =	vmul.f32 v15, v1  }
0x5a5: {  	v14 =	vand.u32 $0x7F, v14;
	v34 =	vld [tilespmem:s24+$0xFFFFFF20];
	v29 =	vmul.f32 v16, v1;
	[tilespmem:s22+$0x80] =	vst v27  }
0x5a6: {  	v12 =	vor.u32 v2, v12;
	v35 =	vld [tilespmem:s24+$0xFFFFFF30];
	v2 =	vor.u32 v2, v14;
	[tilespmem:s22+$0x90] =	vst v3;
	v3 =	vmul.f32 v21, v1  }
0x5a7: {  	v36 =	vld [tilespmem:s24+$0xFFFFFF50];
	v2 =	vbroadcast v2, $0x0;
	v32 =	vmul.f32 v17, v1;
	[tilespmem:s22+$0xA0] =	vst v29  }
0x5a8: {  	v13 =	vbroadcast v13, $0x0;
	v38 =	vld [tilespmem:s24+$0xFFFFFF60];
	[tilespmem:s23+$0xB0] =	vst v3;
	v3 =	vmul.f32 v22, v1  }
0x5a9: {  	v39 =	vld [tilespmem:s24+$0xFFFFFF70];
	[tilespmem:s23+$0xC0] =	vst v32;
	v1 =	vmul.f32 v23, v1  }
0x5aa: {  	v37 =	vmul.f32 v33, v25;
	[tilespmem:s23+$0xD0] =	vst v3;
	v3 =	vld [tilespmem:s24+$0xFFFFFF40]  }
0x5ab: {  	v40 =	vld [tilespmem:s24+$0xFFFFFF80];
	[tilespmem:s23+$0xE0] =	vst v1;
	v1 =	vmul.f32 v31, v25  }
0x5ac: {  	v42 =	vld [tilespmem:s24+$0xFFFFFFA0];
	v4 =	vmul.f32 v35, v25;
	[tilespmem:s24+$0xFFFFFF10] =	vst v37  }
0x5ad: {  	v2 =	vld.idx.msk [tilespmem:v2+s31+$0x0], $0xffff;
	[tilespmem:s24+$0xFFFFFF00] =	vst v1;
	v1 =	vmul.f32 v34, v25  }
0x5ae: {  	v26 =	vld.idx.msk [tilespmem:v13+s31+$0x0], $0xffff;
	v41 =	vmul.f32 v36, v25;
	[tilespmem:s24+$0xFFFFFF30] =	vst v4  }
0x5af: {  	[tilespmem:s24+$0xFFFFFF20] =	vst v1;
	v1 =	vmul.f32 v3, v25;
	v3 =	vld [tilespmem:s24+$0xFFFFFF90]  }
0x5b0: {  	v12 =	vbroadcast v12, $0x0;
	v43 =	vld [tilespmem:s24+$0xFFFFFFB0];
	v44 =	vmul.f32 v39, v25;
	[tilespmem:s24+$0xFFFFFF50] =	vst v41  }
0x5b1: {  	v45 =	vld [tilespmem:s24+$0xFFFFFFC0];
	[tilespmem:s24+$0xFFFFFF40] =	vst v1;
	v1 =	vmul.f32 v38, v25  }
0x5b2: {  	v46 =	vld [tilespmem:s24+$0xFFFFFFD0];
	[tilespmem:s24+$0xFFFFFF70] =	vst v44;
	v8 =	vmul.f32 v30, v2  }
0x5b3: {  	v47 =	vld [tilespmem:s24+$0xFFFFFFE0];
	[tilespmem:s24+$0xFFFFFF60] =	vst v1;
	v1 =	vmul.f32 v40, v26  }
0x5b4: {  	v48 =	vld [tilespmem:s24+$0xFFFFFFF0];
	[tilespmem:s24+$0xF0] =	vst v8;
	v3 =	vmul.f32 v3, v26  }
0x5b5: {  	v49 =	vld [tilespmem:s24+$0x0];
	[tilespmem:s24+$0xFFFFFF80] =	vst v1;
	v1 =	vmul.f32 v42, v26  }
0x5b6: {  	v28 =	vld.idx.msk [tilespmem:v12+s31+$0x0], $0xffff;
	[tilespmem:s24+$0xFFFFFF90] =	vst v3;
	v3 =	vmul.f32 v43, v26  }
0x5b7: {  	v50 =	vld [tilespmem:s24+$0x10];
	[tilespmem:s24+$0xFFFFFFA0] =	vst v1;
	v1 =	vmul.f32 v45, v26  }
0x5b8: {  	v51 =	vld [tilespmem:s24+$0x20];
	[tilespmem:s24+$0xFFFFFFB0] =	vst v3;
	v3 =	vmul.f32 v46, v26  }
0x5b9: {  	v52 =	vld [tilespmem:s24+$0x30];
	[tilespmem:s24+$0xFFFFFFC0] =	vst v1;
	v1 =	vmul.f32 v47, v26  }
0x5ba: {  	v53 =	vld [tilespmem:s24+$0x40];
	[tilespmem:s24+$0xFFFFFFD0] =	vst v3;
	v3 =	vmul.f32 v48, v26  }
0x5bb: {  	v54 =	vld [tilespmem:s24+$0x50];
	[tilespmem:s24+$0xFFFFFFE0] =	vst v1;
	v1 =	vmul.f32 v49, v28  }
0x5bc: {  	v55 =	vld [tilespmem:s24+$0x60];
	[tilespmem:s24+$0xFFFFFFF0] =	vst v3;
	v3 =	vmul.f32 v50, v28  }
0x5bd: {  	v56 =	vld [tilespmem:s24+$0x70];
	[tilespmem:s24+$0x0] =	vst v1;
	v1 =	vmul.f32 v51, v28  }
0x5be: {  	v57 =	vld [tilespmem:s24+$0x80];
	[tilespmem:s24+$0x10] =	vst v3;
	v3 =	vmul.f32 v52, v28  }
0x5bf: {  	v58 =	vld [tilespmem:s24+$0x90];
	[tilespmem:s24+$0x20] =	vst v1;
	v1 =	vmul.f32 v53, v28  }
0x5c0: {  	v59 =	vld [tilespmem:s24+$0xA0];
	[tilespmem:s24+$0x30] =	vst v3;
	v3 =	vmul.f32 v54, v28  }
0x5c1: {  	v60 =	vld [tilespmem:s24+$0xB0];
	[tilespmem:s24+$0x40] =	vst v1;
	v1 =	vmul.f32 v55, v28  }
0x5c2: {  	v61 =	vld [tilespmem:s24+$0xC0];
	[tilespmem:s24+$0x50] =	vst v3;
	v3 =	vmul.f32 v56, v28  }
0x5c3: {  	v62 =	vld [tilespmem:s24+$0xD0];
	[tilespmem:s24+$0x60] =	vst v1;
	v1 =	vmul.f32 v57, v2  }
0x5c4: {  	v63 =	vld [tilespmem:s24+$0xE0];
	[tilespmem:s24+$0x70] =	vst v3;
	v3 =	vmul.f32 v58, v2  }
0x5c5: {  	[tilespmem:s24+$0x80] =	vst v1;
	v1 =	vmul.f32 v59, v2  }
0x5c6: {  	[tilespmem:s24+$0x90] =	vst v3;
	v3 =	vmul.f32 v60, v2  }
0x5c7: {  	[tilespmem:s24+$0xA0] =	vst v1;
	v1 =	vmul.f32 v61, v2  }
0x5c8: {  	[tilespmem:s24+$0xB0] =	vst v3;
	v3 =	vmul.f32 v62, v2  }
0x5c9: {  	[tilespmem:s24+$0xC0] =	vst v1;
	v1 =	vmul.f32 v63, v2  }
0x5ca: {  	s21 =	sand.u32 $0x3FFFFF80, s21;
	p0 =	seq.s32 s19, $0x7;
	[tilespmem:s24+$0xD0] =	vst v3  }
.Ltmp21:
0x5cb: {  	s21 =	sadd.s32 $0x1000, s21;
	[tilespmem:s24+$0xE0] =	vst v1;
	(pc) =	sbr.rel @p0 .LBB2_38-.Ltmp21, $4  }
0x5cc: {  	[spmem:s1] =	stream.indirect.scatter.add.f32 [tilespmem:s10], [sflag:$0x4], $0x80, s21, s9, $0xb8;
	[tilespmem:$0x1F000] =	vst v63  }
0x5cd: {  	_ =	swait.ge [sflag:s15], $0x4000  }
0x5ce: {  	[sflag:s15] =	ssyncset.done $0x0  }
0x5cf: {  	[sflag:s15] =	ssyncadd.s32 $0xFFFFC000  }
0x5d0: {  	s21 =	sadd.s32 $0x100, s20  }
0x5d1: {  	[tilespmem:s28], [sflag:$0x1] =	stream.indirect.gather [hbm4b:s4+s7], $0x80, s21, s7, $0xb8;
	[tilespmem:$0x1F000] =	vst v63  }
0x5d2: {  	s23 =	sadd.s32 $0x140, s20  }
0x5d3: {  	[tilespmem:s8], [sflag:$0x1] =	stream.indirect.gather [hbm4b:s4+s7], $0x80, s23, s7, $0xb8;
	[tilespmem:$0x1F000] =	vst v63  }
0x5d4: {  	_ =	swait.ge [sflag:s16], $0x4000  }
.Ltmp22:
0x5d5: {  	[sflag:s16] =	ssyncset.done $0x0;
	(pc) =	sbr.rel .LBB2_32-.Ltmp22, $4  }
0x5d6: {  	s24 =	sadd.s32 $0x180, s20;
	[sflag:s16] =	ssyncadd.s32 $0xFFFFC000  }
0x5d7: {  	[tilespmem:s10], [sflag:$0x2] =	stream.indirect.gather [hbm4b:s4+s7], $0x80, s24, s7, $0xb8;
	[tilespmem:$0x1F000] =	vst v63  }
0x5d8: {  	s25 =	sadd.s32 $0x1C0, s20;
	s19 =	sadd.s32 $0x1, s19  }
0x5d9: {  	[tilespmem:s12], [sflag:$0x2] =	stream.indirect.gather [hbm4b:s4+s7], $0x80, s25, s7, $0xb8;
	[tilespmem:$0x1F000] =	vst v63  }
.LBB2_39:
0x5da: {  	_ =	sfence.sel $0x180000  }
0x5db: {  	[bflag:$0x0] =	sbarrier.arrive $0xFFFF  }
0x5dc: {  	_ =	strace $0x90000047  }
0x5dd: {  	s0 =	stileid.u32;
	[bflag:$0x2] =	sbarrier.arrive $0xFFFF  }
0x5de: {  	p0 =	sne.s32 s0, $0x0;
	s0 =	rddreg [dreg:$0x3]  }
0x5df: {  	s0 =	sadd.s32 @!p0 $0x100000, s0  }
0x5e0: {  	[sflag:s0] =	ssyncadd.tile.s32 @!p0 $0x1;
	_ =	shalt  }
.Lfunc_end2:
_tile_overlayer_lowered:
.L_overlay_start_2:
0x5e1: {  	(tag) =	ssettag $0x2  }
0x5e2: {  	s0 =	rddreg [dreg:$0x0];
	s2 =	stileid.u32  }
0x5e3: {  	s1 =	rddreg [dreg:$0x1];
	p0 =	sne.s32 s2, $0x0  }
0x5e4: {  	s3 =	rddreg [dreg:$0x2];
	[bflag:$0x3] =	sbarrier.arrive $0xFFFF;
	s2 =	simm.s32 @!p0 $0x1C07  }
0x5e5: {  	[timem:s3], [sflag:s2] =	dma.local @!p0 [hbm:s0], s1  }
0x5e6: {  	s0 =	simm.s32 @!p0 $0x7  }
0x5e7: {  	_ =	swait.ge @!p0 [sflag:s0], s1  }
0x5e8: {  	s1 =	ssub.s32 @!p0 $0x0, s1;
	[sflag:s0] =	ssyncset.done @!p0 $0x0  }
0x5e9: {  	[sflag:s0] =	ssyncadd.s32 @!p0 s1  }
0x5ea: {  	[bflag:$0x3] =	sbarrier.arrive $0xFFFF  }
0x5eb: {  	_ =	shalt  }

</sc_bundles>
